<compile_context>
chip_gen: v7x
topology: tpu7x:2x2x1
jax: 0.10.2.dev20260603
libtpu: 0.0.44.dev20260713+nightly
codegen_flags: <defaults>
</compile_context>

<pallas_src>
import functools

import jax
import jax.numpy as jnp
from jax import lax
from jax.experimental import pallas as pl
from jax.experimental.pallas import tpu as pltpu
from jax.experimental.pallas import tpu_sc as plsc

_B, _L, _D = 4096, 200, 64
_DP = 128
_BW = 128
_NG = 4
_NT = 2


def _build():
    info = plsc.get_sparse_core_info()
    nc, ns = info.num_cores, info.num_subcores
    mesh = plsc.VectorSubcoreMesh(core_axis_name="c", subcore_axis_name="s")

    @functools.partial(
        pl.kernel,
        mesh=mesh,
        compiler_params=pltpu.CompilerParams(needs_layout_passes=False),
        out_type=jax.ShapeDtypeStruct((_L, _D, _B), jnp.float32),
        scratch_types=[
            pltpu.VMEM((_L, _BW), jnp.int32),
            pltpu.VMEM((_NG, _BW, _DP), jnp.float32),
            pltpu.VMEM((_NT, _D, _BW), jnp.float32),
            pltpu.VMEM((_L * _D,), jnp.float32),
            pltpu.SemaphoreType.DMA,
            pltpu.SemaphoreType.DMA,
        ],
    )
    def k(idx_hbm, tok_hbm, pos_hbm, out_hbm, idx_v, g_v, t_v, pos_v,
          sem_g, sem_o):
        wid = lax.axis_index("s") * nc + lax.axis_index("c")
        col0 = wid * _BW
        pltpu.sync_copy(pos_hbm, pos_v)
        pltpu.sync_copy(idx_hbm.at[wid], idx_v)

        def issue_gather(l, g):
            pltpu.async_copy(tok_hbm.at[idx_v.at[l]], g_v.at[g], sem_g)

        def wait_gather(g):
            pltpu.make_async_copy(
                tok_hbm.at[pl.ds(0, _BW)], g_v.at[g], sem_g).wait()

        def wait_out(t):
            for dh in range(8):
                pltpu.make_async_copy(
                    t_v.at[t, pl.ds(8 * dh, 8)],
                    out_hbm.at[0, pl.ds(0, 8), pl.ds(0, _BW)], sem_o).wait()

        for l0 in range(_NG - 1):
            issue_gather(l0, l0)

        lane = lax.iota(jnp.int32, 16)
        b_c = [lane + 16 * s for s in range(8)]

        def outer(t, carry):
            for u in range(_NG):
                l = t * _NG + u
                g = u
                tb = u % _NT
                wait_gather(g)

                @pl.when(l + (_NG - 1) < _L)
                def _():
                    issue_gather(l + (_NG - 1), (g + _NG - 1) % _NG)

                @pl.when(l >= _NT)
                def _():
                    wait_out(tb)

                @plsc.parallel_loop(0, _D, unroll=4)
                def col(to):
                    pos_s = plsc.load_gather(
                        pos_v, [jnp.zeros((16,), jnp.int32) + (l * _D + to)])
                    t_idx = jnp.zeros((16,), jnp.int32) + to
                    for s in range(8):
                        v = plsc.load_gather(g_v.at[g], [b_c[s], t_idx])
                        t_v[tb, to, pl.ds(s * 16, 16)] = v + pos_s
                for dh in range(8):
                    pltpu.async_copy(
                        t_v.at[tb, pl.ds(8 * dh, 8)],
                        out_hbm.at[l, pl.ds(8 * dh, 8), pl.ds(col0, _BW)],
                        sem_o)
            return carry

        lax.fori_loop(0, _L // _NG, outer, 0)
        wait_out(0)
        wait_out(1)

    return k


def kernel(inputs, token_table, pos_table):
    idx_w = inputs.astype(jnp.int32).reshape(32, _BW, _L).transpose(0, 2, 1)
    tok_pad = jnp.pad(token_table, ((0, 0), (0, _DP - _D)))
    out_t = _build()(idx_w, tok_pad, pos_table.reshape(-1))
    return out_t.transpose(2, 0, 1)

# --- scband reference (transcript-rebuilt; emitter-appended) ---
"""Pipeline reference for scband-sequence-embedding-16621523435557 (READ-ONLY COPY).

The authoritative reference and input builder live on the scoring server;
editing this copy changes nothing except your own understanding.
"""

import jax, jax.numpy as jnp
import numpy as np

VOCAB = 100000
SEQ_LEN = 200
EMBED_DIM = 64
BATCH = 4096

def setup_inputs(seed: int = 0) -> dict:
    key = jax.random.key(seed)
    k1, k2, k3 = jax.random.split(key, 3)
    inputs = jax.random.randint(k1, (BATCH, SEQ_LEN), 0, VOCAB, dtype=jnp.int64 if jax.config.jax_enable_x64 else jnp.int32)
    # Learned parameters: token embedding table and learnable positional embedding table
    token_table = jax.random.normal(k2, (VOCAB, EMBED_DIM), dtype=jnp.float32) * 0.05
    pos_table = jax.random.normal(k3, (SEQ_LEN, EMBED_DIM), dtype=jnp.float32) * 0.05
    return {"inputs": inputs, "token_table": token_table, "pos_table": pos_table}

def reference(inputs, token_table, pos_table):
    # SequenceEmbedding.call: token embedding lookup + positional embedding lookup
    length = inputs.shape[-1]
    positions = jnp.arange(0, length, 1)
    embedded_tokens = jnp.take(token_table, inputs, axis=0)            # [B, L, D]
    embedded_positions = jnp.take(pos_table, positions, axis=0)        # [L, D]
    return embedded_tokens + embedded_positions[None, :, :]

if __name__ == "__main__":
    import jax
    _d = setup_inputs()
    print(jax.jit(kernel)(*tuple(_d.values())))

</pallas_src>

<mosaic_0001>
#map = affine_map<(d0, d1) -> (0, 0, 0)>
#map1 = affine_map<(d0, d1) -> (0, 0)>
#map2 = affine_map<(d0, d1) -> (0)>
module attributes {stable_mosaic.version = 14 : i64} {
  func.func @k(%arg0: i32, %arg1: i32, %arg2: memref<32x200x128xi32, #tpu.memory_space<hbm>>, %arg3: memref<100000x128xf32, #tpu.memory_space<hbm>>, %arg4: memref<12800xf32, #tpu.memory_space<hbm>>, %arg5: memref<200x64x4096xf32, #tpu.memory_space<hbm>>, %arg6: memref<200x128xi32, #tpu.memory_space<vmem>>, %arg7: memref<4x128x128xf32, #tpu.memory_space<vmem>>, %arg8: memref<2x64x128xf32, #tpu.memory_space<vmem>>, %arg9: memref<12800xf32, #tpu.memory_space<vmem>>, %arg10: memref<!tpu.dma_semaphore, #tpu.memory_space<semaphore_mem>>, %arg11: memref<!tpu.dma_semaphore, #tpu.memory_space<semaphore_mem>>) attributes {dimension_semantics = [#tpu.dimension_semantics<core_parallel>, #tpu.dimension_semantics<subcore_parallel>], iteration_bounds = array<i64: 2, 16>, scalar_prefetch = 0 : i64, scratch_operands = 6 : i64, tpu.core_type = #tpu.core_type<sc_vector_subcore>, window_params = [{transform_indices = #map}, {transform_indices = #map1}, {transform_indices = #map2}, {transform_indices = #map}]} {
    %mul3A = arith.constant 2 : i32
    %mul3A_0 = arith.muli %arg1, %mul3A : i32
    %add3A = arith.addi %mul3A_0, %arg0 : i32
    %mul3A_1 = arith.constant 128 : i32
    %mul3A_2 = arith.muli %add3A, %mul3A_1 : i32
    "tpu.region"() ({
      %run_scoped3A = tpu.sem_alloc : memref<!tpu.dma_semaphore, #tpu.memory_space<semaphore_mem>>
      tpu.enqueue_dma source(%arg4 : memref<12800xf32, #tpu.memory_space<hbm>>) target(%arg9 : memref<12800xf32, #tpu.memory_space<vmem>>) target_semaphore(%run_scoped3A : memref<!tpu.dma_semaphore, #tpu.memory_space<semaphore_mem>>)
      tpu.wait_dma2 semaphore(%run_scoped3A : memref<!tpu.dma_semaphore, #tpu.memory_space<semaphore_mem>>) src(%arg4 : memref<12800xf32, #tpu.memory_space<hbm>>) dst(%arg9 : memref<12800xf32, #tpu.memory_space<vmem>>)
      tpu.yield
    }) : () -> ()
    "tpu.region"() ({
      %run_scoped3A = tpu.sem_alloc : memref<!tpu.dma_semaphore, #tpu.memory_space<semaphore_mem>>
      %dma_start3A_354 = arith.constant 0 : i32
      %dma_start3A_355 = arith.constant 0 : i32
      %dma_start3A_356 = tpu.memref_slice %arg2[%add3A, %dma_start3A_354, %dma_start3A_355] : memref<32x200x128xi32, #tpu.memory_space<hbm>> -> memref<1x200x128xi32, #tpu.memory_space<hbm>>
      %dma_start3A_357 = tpu.memref_squeeze %dma_start3A_356 : memref<1x200x128xi32, #tpu.memory_space<hbm>> -> memref<200x128xi32, #tpu.memory_space<hbm>>
      %dma_start3A_358 = arith.constant 0 : i32
      %dma_start3A_359 = arith.constant 0 : i32
      %dma_start3A_360 = tpu.memref_slice %arg2[%add3A, %dma_start3A_358, %dma_start3A_359] : memref<32x200x128xi32, #tpu.memory_space<hbm>> -> memref<1x200x128xi32, #tpu.memory_space<hbm>>
      %dma_start3A_361 = tpu.memref_squeeze %dma_start3A_360 : memref<1x200x128xi32, #tpu.memory_space<hbm>> -> memref<200x128xi32, #tpu.memory_space<hbm>>
      tpu.enqueue_dma source(%dma_start3A_361 : memref<200x128xi32, #tpu.memory_space<hbm>>) target(%arg6 : memref<200x128xi32, #tpu.memory_space<vmem>>) target_semaphore(%run_scoped3A : memref<!tpu.dma_semaphore, #tpu.memory_space<semaphore_mem>>)
      %dma_wait3A_362 = arith.constant 0 : i32
      %dma_wait3A_363 = arith.constant 0 : i32
      %dma_wait3A_364 = tpu.memref_slice %arg2[%add3A, %dma_wait3A_362, %dma_wait3A_363] : memref<32x200x128xi32, #tpu.memory_space<hbm>> -> memref<1x200x128xi32, #tpu.memory_space<hbm>>
      %dma_wait3A_365 = tpu.memref_squeeze %dma_wait3A_364 : memref<1x200x128xi32, #tpu.memory_space<hbm>> -> memref<200x128xi32, #tpu.memory_space<hbm>>
      %dma_wait3A_366 = arith.constant 0 : i32
      %dma_wait3A_367 = arith.constant 0 : i32
      %dma_wait3A_368 = tpu.memref_slice %arg2[%add3A, %dma_wait3A_366, %dma_wait3A_367] : memref<32x200x128xi32, #tpu.memory_space<hbm>> -> memref<1x200x128xi32, #tpu.memory_space<hbm>>
      %dma_wait3A_369 = tpu.memref_squeeze %dma_wait3A_368 : memref<1x200x128xi32, #tpu.memory_space<hbm>> -> memref<200x128xi32, #tpu.memory_space<hbm>>
      tpu.wait_dma2 semaphore(%run_scoped3A : memref<!tpu.dma_semaphore, #tpu.memory_space<semaphore_mem>>) src(%dma_wait3A_369 : memref<200x128xi32, #tpu.memory_space<hbm>>) dst(%arg6 : memref<200x128xi32, #tpu.memory_space<vmem>>)
      tpu.yield
    }) : () -> ()
    %dma_start3A = arith.constant 0 : i32
    %dma_start3A_3 = arith.constant 0 : i32
    %dma_start3A_4 = arith.constant 0 : i32
    %dma_start3A_5 = arith.constant 0 : i32
    %dma_start3A_6 = tpu.memref_slice %arg7[%dma_start3A_3, %dma_start3A_4, %dma_start3A_5] : memref<4x128x128xf32, #tpu.memory_space<vmem>> -> memref<1x128x128xf32, #tpu.memory_space<vmem>>
    %dma_start3A_7 = tpu.memref_squeeze %dma_start3A_6 : memref<1x128x128xf32, #tpu.memory_space<vmem>> -> memref<128x128xf32, #tpu.memory_space<vmem>>
    %dma_start3A_8 = arith.constant 0 : i32
    %dma_start3A_9 = tpu.memref_slice %arg6[%dma_start3A, %dma_start3A_8] : memref<200x128xi32, #tpu.memory_space<vmem>> -> memref<1x128xi32, #tpu.memory_space<vmem>>
    %dma_start3A_10 = tpu.memref_squeeze %dma_start3A_9 : memref<1x128xi32, #tpu.memory_space<vmem>> -> memref<128xi32, #tpu.memory_space<vmem>>
    %dma_start3A_11 = arith.constant 0 : i32
    %dma_start3A_12 = arith.constant 0 : i32
    %dma_start3A_13 = tpu.memref_slice %arg3[%dma_start3A_11, %dma_start3A_12] : memref<100000x128xf32, #tpu.memory_space<hbm>> -> memref<100000x128xf32, #tpu.memory_space<hbm>>
    tpu.enqueue_indirect_dma source(%dma_start3A_13 : memref<100000x128xf32, #tpu.memory_space<hbm>>) target(%dma_start3A_7 : memref<128x128xf32, #tpu.memory_space<vmem>>) offsets(%dma_start3A_10 : memref<128xi32, #tpu.memory_space<vmem>>) semaphore(%arg10 : memref<!tpu.dma_semaphore, #tpu.memory_space<semaphore_mem>>)
    %dma_start3A_14 = arith.constant 1 : i32
    %dma_start3A_15 = arith.constant 1 : i32
    %dma_start3A_16 = arith.constant 0 : i32
    %dma_start3A_17 = arith.constant 0 : i32
    %dma_start3A_18 = tpu.memref_slice %arg7[%dma_start3A_15, %dma_start3A_16, %dma_start3A_17] : memref<4x128x128xf32, #tpu.memory_space<vmem>> -> memref<1x128x128xf32, #tpu.memory_space<vmem>>
    %dma_start3A_19 = tpu.memref_squeeze %dma_start3A_18 : memref<1x128x128xf32, #tpu.memory_space<vmem>> -> memref<128x128xf32, #tpu.memory_space<vmem>>
    %dma_start3A_20 = arith.constant 0 : i32
    %dma_start3A_21 = tpu.memref_slice %arg6[%dma_start3A_14, %dma_start3A_20] : memref<200x128xi32, #tpu.memory_space<vmem>> -> memref<1x128xi32, #tpu.memory_space<vmem>>
    %dma_start3A_22 = tpu.memref_squeeze %dma_start3A_21 : memref<1x128xi32, #tpu.memory_space<vmem>> -> memref<128xi32, #tpu.memory_space<vmem>>
    %dma_start3A_23 = arith.constant 0 : i32
    %dma_start3A_24 = arith.constant 0 : i32
    %dma_start3A_25 = tpu.memref_slice %arg3[%dma_start3A_23, %dma_start3A_24] : memref<100000x128xf32, #tpu.memory_space<hbm>> -> memref<100000x128xf32, #tpu.memory_space<hbm>>
    tpu.enqueue_indirect_dma source(%dma_start3A_25 : memref<100000x128xf32, #tpu.memory_space<hbm>>) target(%dma_start3A_19 : memref<128x128xf32, #tpu.memory_space<vmem>>) offsets(%dma_start3A_22 : memref<128xi32, #tpu.memory_space<vmem>>) semaphore(%arg10 : memref<!tpu.dma_semaphore, #tpu.memory_space<semaphore_mem>>)
    %dma_start3A_26 = arith.constant 2 : i32
    %dma_start3A_27 = arith.constant 2 : i32
    %dma_start3A_28 = arith.constant 0 : i32
    %dma_start3A_29 = arith.constant 0 : i32
    %dma_start3A_30 = tpu.memref_slice %arg7[%dma_start3A_27, %dma_start3A_28, %dma_start3A_29] : memref<4x128x128xf32, #tpu.memory_space<vmem>> -> memref<1x128x128xf32, #tpu.memory_space<vmem>>
    %dma_start3A_31 = tpu.memref_squeeze %dma_start3A_30 : memref<1x128x128xf32, #tpu.memory_space<vmem>> -> memref<128x128xf32, #tpu.memory_space<vmem>>
    %dma_start3A_32 = arith.constant 0 : i32
    %dma_start3A_33 = tpu.memref_slice %arg6[%dma_start3A_26, %dma_start3A_32] : memref<200x128xi32, #tpu.memory_space<vmem>> -> memref<1x128xi32, #tpu.memory_space<vmem>>
    %dma_start3A_34 = tpu.memref_squeeze %dma_start3A_33 : memref<1x128xi32, #tpu.memory_space<vmem>> -> memref<128xi32, #tpu.memory_space<vmem>>
    %dma_start3A_35 = arith.constant 0 : i32
    %dma_start3A_36 = arith.constant 0 : i32
    %dma_start3A_37 = tpu.memref_slice %arg3[%dma_start3A_35, %dma_start3A_36] : memref<100000x128xf32, #tpu.memory_space<hbm>> -> memref<100000x128xf32, #tpu.memory_space<hbm>>
    tpu.enqueue_indirect_dma source(%dma_start3A_37 : memref<100000x128xf32, #tpu.memory_space<hbm>>) target(%dma_start3A_31 : memref<128x128xf32, #tpu.memory_space<vmem>>) offsets(%dma_start3A_34 : memref<128xi32, #tpu.memory_space<vmem>>) semaphore(%arg10 : memref<!tpu.dma_semaphore, #tpu.memory_space<semaphore_mem>>)
    %iota3A = tpu.iota {dimensions = array<i32: 0>} : vector<16xi32>
    %add3A_38 = arith.constant 0 : i32
    %add3A_39 = vector.broadcast %add3A_38 : i32 to vector<16xi32>
    %add3A_40 = arith.addi %iota3A, %add3A_39 : vector<16xi32>
    %add3A_41 = arith.constant 16 : i32
    %add3A_42 = vector.broadcast %add3A_41 : i32 to vector<16xi32>
    %add3A_43 = arith.addi %iota3A, %add3A_42 : vector<16xi32>
    %add3A_44 = arith.constant 32 : i32
    %add3A_45 = vector.broadcast %add3A_44 : i32 to vector<16xi32>
    %add3A_46 = arith.addi %iota3A, %add3A_45 : vector<16xi32>
    %add3A_47 = arith.constant 48 : i32
    %add3A_48 = vector.broadcast %add3A_47 : i32 to vector<16xi32>
    %add3A_49 = arith.addi %iota3A, %add3A_48 : vector<16xi32>
    %add3A_50 = arith.constant 64 : i32
    %add3A_51 = vector.broadcast %add3A_50 : i32 to vector<16xi32>
    %add3A_52 = arith.addi %iota3A, %add3A_51 : vector<16xi32>
    %add3A_53 = arith.constant 80 : i32
    %add3A_54 = vector.broadcast %add3A_53 : i32 to vector<16xi32>
    %add3A_55 = arith.addi %iota3A, %add3A_54 : vector<16xi32>
    %add3A_56 = arith.constant 96 : i32
    %add3A_57 = vector.broadcast %add3A_56 : i32 to vector<16xi32>
    %add3A_58 = arith.addi %iota3A, %add3A_57 : vector<16xi32>
    %add3A_59 = arith.constant 112 : i32
    %add3A_60 = vector.broadcast %add3A_59 : i32 to vector<16xi32>
    %add3A_61 = arith.addi %iota3A, %add3A_60 : vector<16xi32>
    %scan3A = arith.constant 0 : i32
    %scan3A_62 = arith.constant 0 : i32
    %scan3A_63 = arith.constant 50 : i32
    %scan3A_64 = arith.addi %scan3A_62, %scan3A_63 : i32
    %scan3A_65 = arith.constant 1 : i32
    scf.for %scan3A_354 = %scan3A_62 to %scan3A_64 step %scan3A_65  : i32 {
      %mul3A_355 = arith.constant 4 : i32
      %mul3A_356 = arith.muli %scan3A_354, %mul3A_355 : i32
      %add3A_357 = arith.constant 0 : i32
      %add3A_358 = arith.addi %mul3A_356, %add3A_357 : i32
      %dma_wait3A_359 = arith.constant 0 : i32
      %dma_wait3A_360 = arith.constant 0 : i32
      %dma_wait3A_361 = arith.constant 0 : i32
      %dma_wait3A_362 = tpu.memref_slice %arg7[%dma_wait3A_359, %dma_wait3A_360, %dma_wait3A_361] : memref<4x128x128xf32, #tpu.memory_space<vmem>> -> memref<1x128x128xf32, #tpu.memory_space<vmem>>
      %dma_wait3A_363 = tpu.memref_squeeze %dma_wait3A_362 : memref<1x128x128xf32, #tpu.memory_space<vmem>> -> memref<128x128xf32, #tpu.memory_space<vmem>>
      %dma_wait3A_364 = arith.constant 0 : i32
      %dma_wait3A_365 = arith.constant 0 : i32
      %dma_wait3A_366 = tpu.memref_slice %arg3[%dma_wait3A_364, %dma_wait3A_365] : memref<100000x128xf32, #tpu.memory_space<hbm>> -> memref<128x128xf32, #tpu.memory_space<hbm>>
      %dma_wait3A_367 = arith.constant 0 : i32
      %dma_wait3A_368 = arith.constant 0 : i32
      %dma_wait3A_369 = tpu.memref_slice %arg7[%dma_wait3A_359, %dma_wait3A_367, %dma_wait3A_368] : memref<4x128x128xf32, #tpu.memory_space<vmem>> -> memref<1x128x128xf32, #tpu.memory_space<vmem>>
      %dma_wait3A_370 = tpu.memref_squeeze %dma_wait3A_369 : memref<1x128x128xf32, #tpu.memory_space<vmem>> -> memref<128x128xf32, #tpu.memory_space<vmem>>
      %dma_wait3A_371 = arith.constant 0 : i32
      %dma_wait3A_372 = arith.constant 0 : i32
      %dma_wait3A_373 = tpu.memref_slice %arg3[%dma_wait3A_371, %dma_wait3A_372] : memref<100000x128xf32, #tpu.memory_space<hbm>> -> memref<128x128xf32, #tpu.memory_space<hbm>>
      tpu.wait_dma2 semaphore(%arg10 : memref<!tpu.dma_semaphore, #tpu.memory_space<semaphore_mem>>) src(%dma_wait3A_373 : memref<128x128xf32, #tpu.memory_space<hbm>>) dst(%dma_wait3A_370 : memref<128x128xf32, #tpu.memory_space<vmem>>)
      %add3A_374 = arith.constant 3 : i32
      %add3A_375 = arith.addi %add3A_358, %add3A_374 : i32
      %lt3A = arith.constant 200 : i32
      %lt3A_376 = arith.cmpi slt, %add3A_375, %lt3A : i32
      %convert_element_type3A = arith.extui %lt3A_376 : i1 to i32
      %cond3A = arith.constant 0 : i32
      %cond3A_377 = arith.cmpi ne, %convert_element_type3A, %cond3A : i32
      scf.if %cond3A_377 {
        %add3A_966 = arith.constant 3 : i32
        %add3A_967 = arith.addi %add3A_358, %add3A_966 : i32
        %dma_start3A_968 = arith.constant 3 : i32
        %dma_start3A_969 = arith.constant 0 : i32
        %dma_start3A_970 = arith.constant 0 : i32
        %dma_start3A_971 = tpu.memref_slice %arg7[%dma_start3A_968, %dma_start3A_969, %dma_start3A_970] : memref<4x128x128xf32, #tpu.memory_space<vmem>> -> memref<1x128x128xf32, #tpu.memory_space<vmem>>
        %dma_start3A_972 = tpu.memref_squeeze %dma_start3A_971 : memref<1x128x128xf32, #tpu.memory_space<vmem>> -> memref<128x128xf32, #tpu.memory_space<vmem>>
        %dma_start3A_973 = arith.constant 0 : i32
        %dma_start3A_974 = tpu.memref_slice %arg6[%add3A_967, %dma_start3A_973] : memref<200x128xi32, #tpu.memory_space<vmem>> -> memref<1x128xi32, #tpu.memory_space<vmem>>
        %dma_start3A_975 = tpu.memref_squeeze %dma_start3A_974 : memref<1x128xi32, #tpu.memory_space<vmem>> -> memref<128xi32, #tpu.memory_space<vmem>>
        %dma_start3A_976 = arith.constant 0 : i32
        %dma_start3A_977 = arith.constant 0 : i32
        %dma_start3A_978 = tpu.memref_slice %arg3[%dma_start3A_976, %dma_start3A_977] : memref<100000x128xf32, #tpu.memory_space<hbm>> -> memref<100000x128xf32, #tpu.memory_space<hbm>>
        tpu.enqueue_indirect_dma source(%dma_start3A_978 : memref<100000x128xf32, #tpu.memory_space<hbm>>) target(%dma_start3A_972 : memref<128x128xf32, #tpu.memory_space<vmem>>) offsets(%dma_start3A_975 : memref<128xi32, #tpu.memory_space<vmem>>) semaphore(%arg10 : memref<!tpu.dma_semaphore, #tpu.memory_space<semaphore_mem>>)
      } else {
      }
      %ge3A = arith.constant 2 : i32
      %ge3A_378 = arith.cmpi sge, %add3A_358, %ge3A : i32
      %convert_element_type3A_379 = arith.extui %ge3A_378 : i1 to i32
      %cond3A_380 = arith.constant 0 : i32
      %cond3A_381 = arith.cmpi ne, %convert_element_type3A_379, %cond3A_380 : i32
      scf.if %cond3A_381 {
        %dma_wait3A_966 = arith.constant 0 : i32
        %dma_wait3A_967 = arith.constant 0 : i32
        %dma_wait3A_968 = arith.constant 0 : i32
        %dma_wait3A_969 = arith.constant 0 : i32
        %dma_wait3A_970 = tpu.memref_slice %arg8[%dma_wait3A_966, %dma_wait3A_968, %dma_wait3A_969] : memref<2x64x128xf32, #tpu.memory_space<vmem>> -> memref<1x8x128xf32, #tpu.memory_space<vmem>>
        %dma_wait3A_971 = tpu.memref_squeeze %dma_wait3A_970 : memref<1x8x128xf32, #tpu.memory_space<vmem>> -> memref<8x128xf32, #tpu.memory_space<vmem>>
        %dma_wait3A_972 = arith.constant 0 : i32
        %dma_wait3A_973 = arith.constant 0 : i32
        %dma_wait3A_974 = tpu.memref_slice %arg5[%dma_wait3A_967, %dma_wait3A_972, %dma_wait3A_973] : memref<200x64x4096xf32, #tpu.memory_space<hbm>> -> memref<1x8x128xf32, #tpu.memory_space<hbm>>
        %dma_wait3A_975 = tpu.memref_squeeze %dma_wait3A_974 : memref<1x8x128xf32, #tpu.memory_space<hbm>> -> memref<8x128xf32, #tpu.memory_space<hbm>>
        %dma_wait3A_976 = arith.constant 0 : i32
        %dma_wait3A_977 = arith.constant 0 : i32
        %dma_wait3A_978 = tpu.memref_slice %arg5[%dma_wait3A_967, %dma_wait3A_976, %dma_wait3A_977] : memref<200x64x4096xf32, #tpu.memory_space<hbm>> -> memref<1x8x128xf32, #tpu.memory_space<hbm>>
        %dma_wait3A_979 = tpu.memref_squeeze %dma_wait3A_978 : memref<1x8x128xf32, #tpu.memory_space<hbm>> -> memref<8x128xf32, #tpu.memory_space<hbm>>
        %dma_wait3A_980 = arith.constant 0 : i32
        %dma_wait3A_981 = arith.constant 0 : i32
        %dma_wait3A_982 = tpu.memref_slice %arg8[%dma_wait3A_966, %dma_wait3A_980, %dma_wait3A_981] : memref<2x64x128xf32, #tpu.memory_space<vmem>> -> memref<1x8x128xf32, #tpu.memory_space<vmem>>
        %dma_wait3A_983 = tpu.memref_squeeze %dma_wait3A_982 : memref<1x8x128xf32, #tpu.memory_space<vmem>> -> memref<8x128xf32, #tpu.memory_space<vmem>>
        tpu.wait_dma2 semaphore(%arg11 : memref<!tpu.dma_semaphore, #tpu.memory_space<semaphore_mem>>) src(%dma_wait3A_983 : memref<8x128xf32, #tpu.memory_space<vmem>>) dst(%dma_wait3A_979 : memref<8x128xf32, #tpu.memory_space<hbm>>)
        %dma_wait3A_984 = arith.constant 0 : i32
        %dma_wait3A_985 = arith.constant 0 : i32
        %dma_wait3A_986 = arith.constant 8 : i32
        %dma_wait3A_987 = arith.constant 0 : i32
        %dma_wait3A_988 = tpu.memref_slice %arg8[%dma_wait3A_984, %dma_wait3A_986, %dma_wait3A_987] : memref<2x64x128xf32, #tpu.memory_space<vmem>> -> memref<1x8x128xf32, #tpu.memory_space<vmem>>
        %dma_wait3A_989 = tpu.memref_squeeze %dma_wait3A_988 : memref<1x8x128xf32, #tpu.memory_space<vmem>> -> memref<8x128xf32, #tpu.memory_space<vmem>>
        %dma_wait3A_990 = arith.constant 0 : i32
        %dma_wait3A_991 = arith.constant 0 : i32
        %dma_wait3A_992 = tpu.memref_slice %arg5[%dma_wait3A_985, %dma_wait3A_990, %dma_wait3A_991] : memref<200x64x4096xf32, #tpu.memory_space<hbm>> -> memref<1x8x128xf32, #tpu.memory_space<hbm>>
        %dma_wait3A_993 = tpu.memref_squeeze %dma_wait3A_992 : memref<1x8x128xf32, #tpu.memory_space<hbm>> -> memref<8x128xf32, #tpu.memory_space<hbm>>
        %dma_wait3A_994 = arith.constant 0 : i32
        %dma_wait3A_995 = arith.constant 0 : i32
        %dma_wait3A_996 = tpu.memref_slice %arg5[%dma_wait3A_985, %dma_wait3A_994, %dma_wait3A_995] : memref<200x64x4096xf32, #tpu.memory_space<hbm>> -> memref<1x8x128xf32, #tpu.memory_space<hbm>>
        %dma_wait3A_997 = tpu.memref_squeeze %dma_wait3A_996 : memref<1x8x128xf32, #tpu.memory_space<hbm>> -> memref<8x128xf32, #tpu.memory_space<hbm>>
        %dma_wait3A_998 = arith.constant 8 : i32
        %dma_wait3A_999 = arith.constant 0 : i32
        %dma_wait3A_1000 = tpu.memref_slice %arg8[%dma_wait3A_984, %dma_wait3A_998, %dma_wait3A_999] : memref<2x64x128xf32, #tpu.memory_space<vmem>> -> memref<1x8x128xf32, #tpu.memory_space<vmem>>
        %dma_wait3A_1001 = tpu.memref_squeeze %dma_wait3A_1000 : memref<1x8x128xf32, #tpu.memory_space<vmem>> -> memref<8x128xf32, #tpu.memory_space<vmem>>
        tpu.wait_dma2 semaphore(%arg11 : memref<!tpu.dma_semaphore, #tpu.memory_space<semaphore_mem>>) src(%dma_wait3A_1001 : memref<8x128xf32, #tpu.memory_space<vmem>>) dst(%dma_wait3A_997 : memref<8x128xf32, #tpu.memory_space<hbm>>)
        %dma_wait3A_1002 = arith.constant 0 : i32
        %dma_wait3A_1003 = arith.constant 0 : i32
        %dma_wait3A_1004 = arith.constant 16 : i32
        %dma_wait3A_1005 = arith.constant 0 : i32
        %dma_wait3A_1006 = tpu.memref_slice %arg8[%dma_wait3A_1002, %dma_wait3A_1004, %dma_wait3A_1005] : memref<2x64x128xf32, #tpu.memory_space<vmem>> -> memref<1x8x128xf32, #tpu.memory_space<vmem>>
        %dma_wait3A_1007 = tpu.memref_squeeze %dma_wait3A_1006 : memref<1x8x128xf32, #tpu.memory_space<vmem>> -> memref<8x128xf32, #tpu.memory_space<vmem>>
        %dma_wait3A_1008 = arith.constant 0 : i32
        %dma_wait3A_1009 = arith.constant 0 : i32
        %dma_wait3A_1010 = tpu.memref_slice %arg5[%dma_wait3A_1003, %dma_wait3A_1008, %dma_wait3A_1009] : memref<200x64x4096xf32, #tpu.memory_space<hbm>> -> memref<1x8x128xf32, #tpu.memory_space<hbm>>
        %dma_wait3A_1011 = tpu.memref_squeeze %dma_wait3A_1010 : memref<1x8x128xf32, #tpu.memory_space<hbm>> -> memref<8x128xf32, #tpu.memory_space<hbm>>
        %dma_wait3A_1012 = arith.constant 0 : i32
        %dma_wait3A_1013 = arith.constant 0 : i32
        %dma_wait3A_1014 = tpu.memref_slice %arg5[%dma_wait3A_1003, %dma_wait3A_1012, %dma_wait3A_1013] : memref<200x64x4096xf32, #tpu.memory_space<hbm>> -> memref<1x8x128xf32, #tpu.memory_space<hbm>>
        %dma_wait3A_1015 = tpu.memref_squeeze %dma_wait3A_1014 : memref<1x8x128xf32, #tpu.memory_space<hbm>> -> memref<8x128xf32, #tpu.memory_space<hbm>>
        %dma_wait3A_1016 = arith.constant 16 : i32
        %dma_wait3A_1017 = arith.constant 0 : i32
        %dma_wait3A_1018 = tpu.memref_slice %arg8[%dma_wait3A_1002, %dma_wait3A_1016, %dma_wait3A_1017] : memref<2x64x128xf32, #tpu.memory_space<vmem>> -> memref<1x8x128xf32, #tpu.memory_space<vmem>>
        %dma_wait3A_1019 = tpu.memref_squeeze %dma_wait3A_1018 : memref<1x8x128xf32, #tpu.memory_space<vmem>> -> memref<8x128xf32, #tpu.memory_space<vmem>>
        tpu.wait_dma2 semaphore(%arg11 : memref<!tpu.dma_semaphore, #tpu.memory_space<semaphore_mem>>) src(%dma_wait3A_1019 : memref<8x128xf32, #tpu.memory_space<vmem>>) dst(%dma_wait3A_1015 : memref<8x128xf32, #tpu.memory_space<hbm>>)
        %dma_wait3A_1020 = arith.constant 0 : i32
        %dma_wait3A_1021 = arith.constant 0 : i32
        %dma_wait3A_1022 = arith.constant 24 : i32
        %dma_wait3A_1023 = arith.constant 0 : i32
        %dma_wait3A_1024 = tpu.memref_slice %arg8[%dma_wait3A_1020, %dma_wait3A_1022, %dma_wait3A_1023] : memref<2x64x128xf32, #tpu.memory_space<vmem>> -> memref<1x8x128xf32, #tpu.memory_space<vmem>>
        %dma_wait3A_1025 = tpu.memref_squeeze %dma_wait3A_1024 : memref<1x8x128xf32, #tpu.memory_space<vmem>> -> memref<8x128xf32, #tpu.memory_space<vmem>>
        %dma_wait3A_1026 = arith.constant 0 : i32
        %dma_wait3A_1027 = arith.constant 0 : i32
        %dma_wait3A_1028 = tpu.memref_slice %arg5[%dma_wait3A_1021, %dma_wait3A_1026, %dma_wait3A_1027] : memref<200x64x4096xf32, #tpu.memory_space<hbm>> -> memref<1x8x128xf32, #tpu.memory_space<hbm>>
        %dma_wait3A_1029 = tpu.memref_squeeze %dma_wait3A_1028 : memref<1x8x128xf32, #tpu.memory_space<hbm>> -> memref<8x128xf32, #tpu.memory_space<hbm>>
        %dma_wait3A_1030 = arith.constant 0 : i32
        %dma_wait3A_1031 = arith.constant 0 : i32
        %dma_wait3A_1032 = tpu.memref_slice %arg5[%dma_wait3A_1021, %dma_wait3A_1030, %dma_wait3A_1031] : memref<200x64x4096xf32, #tpu.memory_space<hbm>> -> memref<1x8x128xf32, #tpu.memory_space<hbm>>
        %dma_wait3A_1033 = tpu.memref_squeeze %dma_wait3A_1032 : memref<1x8x128xf32, #tpu.memory_space<hbm>> -> memref<8x128xf32, #tpu.memory_space<hbm>>
        %dma_wait3A_1034 = arith.constant 24 : i32
        %dma_wait3A_1035 = arith.constant 0 : i32
        %dma_wait3A_1036 = tpu.memref_slice %arg8[%dma_wait3A_1020, %dma_wait3A_1034, %dma_wait3A_1035] : memref<2x64x128xf32, #tpu.memory_space<vmem>> -> memref<1x8x128xf32, #tpu.memory_space<vmem>>
        %dma_wait3A_1037 = tpu.memref_squeeze %dma_wait3A_1036 : memref<1x8x128xf32, #tpu.memory_space<vmem>> -> memref<8x128xf32, #tpu.memory_space<vmem>>
        tpu.wait_dma2 semaphore(%arg11 : memref<!tpu.dma_semaphore, #tpu.memory_space<semaphore_mem>>) src(%dma_wait3A_1037 : memref<8x128xf32, #tpu.memory_space<vmem>>) dst(%dma_wait3A_1033 : memref<8x128xf32, #tpu.memory_space<hbm>>)
        %dma_wait3A_1038 = arith.constant 0 : i32
        %dma_wait3A_1039 = arith.constant 0 : i32
        %dma_wait3A_1040 = arith.constant 32 : i32
        %dma_wait3A_1041 = arith.constant 0 : i32
        %dma_wait3A_1042 = tpu.memref_slice %arg8[%dma_wait3A_1038, %dma_wait3A_1040, %dma_wait3A_1041] : memref<2x64x128xf32, #tpu.memory_space<vmem>> -> memref<1x8x128xf32, #tpu.memory_space<vmem>>
        %dma_wait3A_1043 = tpu.memref_squeeze %dma_wait3A_1042 : memref<1x8x128xf32, #tpu.memory_space<vmem>> -> memref<8x128xf32, #tpu.memory_space<vmem>>
        %dma_wait3A_1044 = arith.constant 0 : i32
        %dma_wait3A_1045 = arith.constant 0 : i32
        %dma_wait3A_1046 = tpu.memref_slice %arg5[%dma_wait3A_1039, %dma_wait3A_1044, %dma_wait3A_1045] : memref<200x64x4096xf32, #tpu.memory_space<hbm>> -> memref<1x8x128xf32, #tpu.memory_space<hbm>>
        %dma_wait3A_1047 = tpu.memref_squeeze %dma_wait3A_1046 : memref<1x8x128xf32, #tpu.memory_space<hbm>> -> memref<8x128xf32, #tpu.memory_space<hbm>>
        %dma_wait3A_1048 = arith.constant 0 : i32
        %dma_wait3A_1049 = arith.constant 0 : i32
        %dma_wait3A_1050 = tpu.memref_slice %arg5[%dma_wait3A_1039, %dma_wait3A_1048, %dma_wait3A_1049] : memref<200x64x4096xf32, #tpu.memory_space<hbm>> -> memref<1x8x128xf32, #tpu.memory_space<hbm>>
        %dma_wait3A_1051 = tpu.memref_squeeze %dma_wait3A_1050 : memref<1x8x128xf32, #tpu.memory_space<hbm>> -> memref<8x128xf32, #tpu.memory_space<hbm>>
        %dma_wait3A_1052 = arith.constant 32 : i32
        %dma_wait3A_1053 = arith.constant 0 : i32
        %dma_wait3A_1054 = tpu.memref_slice %arg8[%dma_wait3A_1038, %dma_wait3A_1052, %dma_wait3A_1053] : memref<2x64x128xf32, #tpu.memory_space<vmem>> -> memref<1x8x128xf32, #tpu.memory_space<vmem>>
        %dma_wait3A_1055 = tpu.memref_squeeze %dma_wait3A_1054 : memref<1x8x128xf32, #tpu.memory_space<vmem>> -> memref<8x128xf32, #tpu.memory_space<vmem>>
        tpu.wait_dma2 semaphore(%arg11 : memref<!tpu.dma_semaphore, #tpu.memory_space<semaphore_mem>>) src(%dma_wait3A_1055 : memref<8x128xf32, #tpu.memory_space<vmem>>) dst(%dma_wait3A_1051 : memref<8x128xf32, #tpu.memory_space<hbm>>)
        %dma_wait3A_1056 = arith.constant 0 : i32
        %dma_wait3A_1057 = arith.constant 0 : i32
        %dma_wait3A_1058 = arith.constant 40 : i32
        %dma_wait3A_1059 = arith.constant 0 : i32
        %dma_wait3A_1060 = tpu.memref_slice %arg8[%dma_wait3A_1056, %dma_wait3A_1058, %dma_wait3A_1059] : memref<2x64x128xf32, #tpu.memory_space<vmem>> -> memref<1x8x128xf32, #tpu.memory_space<vmem>>
        %dma_wait3A_1061 = tpu.memref_squeeze %dma_wait3A_1060 : memref<1x8x128xf32, #tpu.memory_space<vmem>> -> memref<8x128xf32, #tpu.memory_space<vmem>>
        %dma_wait3A_1062 = arith.constant 0 : i32
        %dma_wait3A_1063 = arith.constant 0 : i32
        %dma_wait3A_1064 = tpu.memref_slice %arg5[%dma_wait3A_1057, %dma_wait3A_1062, %dma_wait3A_1063] : memref<200x64x4096xf32, #tpu.memory_space<hbm>> -> memref<1x8x128xf32, #tpu.memory_space<hbm>>
        %dma_wait3A_1065 = tpu.memref_squeeze %dma_wait3A_1064 : memref<1x8x128xf32, #tpu.memory_space<hbm>> -> memref<8x128xf32, #tpu.memory_space<hbm>>
        %dma_wait3A_1066 = arith.constant 0 : i32
        %dma_wait3A_1067 = arith.constant 0 : i32
        %dma_wait3A_1068 = tpu.memref_slice %arg5[%dma_wait3A_1057, %dma_wait3A_1066, %dma_wait3A_1067] : memref<200x64x4096xf32, #tpu.memory_space<hbm>> -> memref<1x8x128xf32, #tpu.memory_space<hbm>>
        %dma_wait3A_1069 = tpu.memref_squeeze %dma_wait3A_1068 : memref<1x8x128xf32, #tpu.memory_space<hbm>> -> memref<8x128xf32, #tpu.memory_space<hbm>>
        %dma_wait3A_1070 = arith.constant 40 : i32
        %dma_wait3A_1071 = arith.constant 0 : i32
        %dma_wait3A_1072 = tpu.memref_slice %arg8[%dma_wait3A_1056, %dma_wait3A_1070, %dma_wait3A_1071] : memref<2x64x128xf32, #tpu.memory_space<vmem>> -> memref<1x8x128xf32, #tpu.memory_space<vmem>>
        %dma_wait3A_1073 = tpu.memref_squeeze %dma_wait3A_1072 : memref<1x8x128xf32, #tpu.memory_space<vmem>> -> memref<8x128xf32, #tpu.memory_space<vmem>>
        tpu.wait_dma2 semaphore(%arg11 : memref<!tpu.dma_semaphore, #tpu.memory_space<semaphore_mem>>) src(%dma_wait3A_1073 : memref<8x128xf32, #tpu.memory_space<vmem>>) dst(%dma_wait3A_1069 : memref<8x128xf32, #tpu.memory_space<hbm>>)
        %dma_wait3A_1074 = arith.constant 0 : i32
        %dma_wait3A_1075 = arith.constant 0 : i32
        %dma_wait3A_1076 = arith.constant 48 : i32
        %dma_wait3A_1077 = arith.constant 0 : i32
        %dma_wait3A_1078 = tpu.memref_slice %arg8[%dma_wait3A_1074, %dma_wait3A_1076, %dma_wait3A_1077] : memref<2x64x128xf32, #tpu.memory_space<vmem>> -> memref<1x8x128xf32, #tpu.memory_space<vmem>>
        %dma_wait3A_1079 = tpu.memref_squeeze %dma_wait3A_1078 : memref<1x8x128xf32, #tpu.memory_space<vmem>> -> memref<8x128xf32, #tpu.memory_space<vmem>>
        %dma_wait3A_1080 = arith.constant 0 : i32
        %dma_wait3A_1081 = arith.constant 0 : i32
        %dma_wait3A_1082 = tpu.memref_slice %arg5[%dma_wait3A_1075, %dma_wait3A_1080, %dma_wait3A_1081] : memref<200x64x4096xf32, #tpu.memory_space<hbm>> -> memref<1x8x128xf32, #tpu.memory_space<hbm>>
        %dma_wait3A_1083 = tpu.memref_squeeze %dma_wait3A_1082 : memref<1x8x128xf32, #tpu.memory_space<hbm>> -> memref<8x128xf32, #tpu.memory_space<hbm>>
        %dma_wait3A_1084 = arith.constant 0 : i32
        %dma_wait3A_1085 = arith.constant 0 : i32
        %dma_wait3A_1086 = tpu.memref_slice %arg5[%dma_wait3A_1075, %dma_wait3A_1084, %dma_wait3A_1085] : memref<200x64x4096xf32, #tpu.memory_space<hbm>> -> memref<1x8x128xf32, #tpu.memory_space<hbm>>
        %dma_wait3A_1087 = tpu.memref_squeeze %dma_wait3A_1086 : memref<1x8x128xf32, #tpu.memory_space<hbm>> -> memref<8x128xf32, #tpu.memory_space<hbm>>
        %dma_wait3A_1088 = arith.constant 48 : i32
        %dma_wait3A_1089 = arith.constant 0 : i32
        %dma_wait3A_1090 = tpu.memref_slice %arg8[%dma_wait3A_1074, %dma_wait3A_1088, %dma_wait3A_1089] : memref<2x64x128xf32, #tpu.memory_space<vmem>> -> memref<1x8x128xf32, #tpu.memory_space<vmem>>
        %dma_wait3A_1091 = tpu.memref_squeeze %dma_wait3A_1090 : memref<1x8x128xf32, #tpu.memory_space<vmem>> -> memref<8x128xf32, #tpu.memory_space<vmem>>
        tpu.wait_dma2 semaphore(%arg11 : memref<!tpu.dma_semaphore, #tpu.memory_space<semaphore_mem>>) src(%dma_wait3A_1091 : memref<8x128xf32, #tpu.memory_space<vmem>>) dst(%dma_wait3A_1087 : memref<8x128xf32, #tpu.memory_space<hbm>>)
        %dma_wait3A_1092 = arith.constant 0 : i32
        %dma_wait3A_1093 = arith.constant 0 : i32
        %dma_wait3A_1094 = arith.constant 56 : i32
        %dma_wait3A_1095 = arith.constant 0 : i32
        %dma_wait3A_1096 = tpu.memref_slice %arg8[%dma_wait3A_1092, %dma_wait3A_1094, %dma_wait3A_1095] : memref<2x64x128xf32, #tpu.memory_space<vmem>> -> memref<1x8x128xf32, #tpu.memory_space<vmem>>
        %dma_wait3A_1097 = tpu.memref_squeeze %dma_wait3A_1096 : memref<1x8x128xf32, #tpu.memory_space<vmem>> -> memref<8x128xf32, #tpu.memory_space<vmem>>
        %dma_wait3A_1098 = arith.constant 0 : i32
        %dma_wait3A_1099 = arith.constant 0 : i32
        %dma_wait3A_1100 = tpu.memref_slice %arg5[%dma_wait3A_1093, %dma_wait3A_1098, %dma_wait3A_1099] : memref<200x64x4096xf32, #tpu.memory_space<hbm>> -> memref<1x8x128xf32, #tpu.memory_space<hbm>>
        %dma_wait3A_1101 = tpu.memref_squeeze %dma_wait3A_1100 : memref<1x8x128xf32, #tpu.memory_space<hbm>> -> memref<8x128xf32, #tpu.memory_space<hbm>>
        %dma_wait3A_1102 = arith.constant 0 : i32
        %dma_wait3A_1103 = arith.constant 0 : i32
        %dma_wait3A_1104 = tpu.memref_slice %arg5[%dma_wait3A_1093, %dma_wait3A_1102, %dma_wait3A_1103] : memref<200x64x4096xf32, #tpu.memory_space<hbm>> -> memref<1x8x128xf32, #tpu.memory_space<hbm>>
        %dma_wait3A_1105 = tpu.memref_squeeze %dma_wait3A_1104 : memref<1x8x128xf32, #tpu.memory_space<hbm>> -> memref<8x128xf32, #tpu.memory_space<hbm>>
        %dma_wait3A_1106 = arith.constant 56 : i32
        %dma_wait3A_1107 = arith.constant 0 : i32
        %dma_wait3A_1108 = tpu.memref_slice %arg8[%dma_wait3A_1092, %dma_wait3A_1106, %dma_wait3A_1107] : memref<2x64x128xf32, #tpu.memory_space<vmem>> -> memref<1x8x128xf32, #tpu.memory_space<vmem>>
        %dma_wait3A_1109 = tpu.memref_squeeze %dma_wait3A_1108 : memref<1x8x128xf32, #tpu.memory_space<vmem>> -> memref<8x128xf32, #tpu.memory_space<vmem>>
        tpu.wait_dma2 semaphore(%arg11 : memref<!tpu.dma_semaphore, #tpu.memory_space<semaphore_mem>>) src(%dma_wait3A_1109 : memref<8x128xf32, #tpu.memory_space<vmem>>) dst(%dma_wait3A_1105 : memref<8x128xf32, #tpu.memory_space<hbm>>)
      } else {
      }
      %parallel_loop3A = arith.constant 0 : i32
      %parallel_loop3A_382 = arith.constant 64 : i32
      %parallel_loop3A_383 = arith.constant 1 : i32
      scf.for %parallel_loop3A_966 = %parallel_loop3A to %parallel_loop3A_382 step %parallel_loop3A_383  : i32 {
        %parallel_loop3A_967 = arith.constant 0 : i32
        %parallel_loop3A_968 = vector.broadcast %parallel_loop3A_967 : i32 to vector<16xi32>
        %parallel_loop3A_969 = arith.constant 64 : i32
        %parallel_loop3A_970 = arith.muli %add3A_358, %parallel_loop3A_969 : i32
        %parallel_loop3A_971 = arith.addi %parallel_loop3A_970, %parallel_loop3A_966 : i32
        %parallel_loop3A_972 = vector.broadcast %parallel_loop3A_971 : i32 to vector<16xi32>
        %parallel_loop3A_973 = arith.addi %parallel_loop3A_968, %parallel_loop3A_972 : vector<16xi32>
        %parallel_loop3A_974 = tpu.vector_load_idx %arg9[%parallel_loop3A_973] : memref<12800xf32, #tpu.memory_space<vmem>>[vector<16xi32>], vector<16xf32>,
        %parallel_loop3A_975 = arith.constant 0 : i32
        %parallel_loop3A_976 = vector.broadcast %parallel_loop3A_975 : i32 to vector<16xi32>
        %parallel_loop3A_977 = vector.broadcast %parallel_loop3A_966 : i32 to vector<16xi32>
        %parallel_loop3A_978 = arith.addi %parallel_loop3A_976, %parallel_loop3A_977 : vector<16xi32>
        %parallel_loop3A_979 = arith.constant 0 : i32
        %parallel_loop3A_980 = arith.constant 0 : i32
        %parallel_loop3A_981 = arith.constant 0 : i32
        %parallel_loop3A_982 = tpu.memref_slice %arg7[%parallel_loop3A_979, %parallel_loop3A_980, %parallel_loop3A_981] : memref<4x128x128xf32, #tpu.memory_space<vmem>> -> memref<1x128x128xf32, #tpu.memory_space<vmem>>
        %parallel_loop3A_983 = tpu.memref_squeeze %parallel_loop3A_982 : memref<1x128x128xf32, #tpu.memory_space<vmem>> -> memref<128x128xf32, #tpu.memory_space<vmem>>
        %parallel_loop3A_984 = tpu.vector_load_idx %parallel_loop3A_983[%add3A_40, %parallel_loop3A_978] : memref<128x128xf32, #tpu.memory_space<vmem>>[vector<16xi32>, vector<16xi32>], vector<16xf32>,
        %parallel_loop3A_985 = arith.addf %parallel_loop3A_984, %parallel_loop3A_974 : vector<16xf32>
        %parallel_loop3A_986 = arith.constant 0 : i32
        %parallel_loop3A_987 = arith.index_cast %parallel_loop3A_986 : i32 to index
        %parallel_loop3A_988 = arith.index_cast %parallel_loop3A_966 : i32 to index
        %parallel_loop3A_989 = arith.constant 0 : index
        %parallel_loop3A_990 = tpu.vector_load %arg8[%parallel_loop3A_987, %parallel_loop3A_988, %parallel_loop3A_989] {strides = array<i32>} : memref<2x64x128xf32, #tpu.memory_space<vmem>>, vector<16xf32>,
        tpu.vector_store %arg8[%parallel_loop3A_987, %parallel_loop3A_988, %parallel_loop3A_989], %parallel_loop3A_985 {strides = array<i32>} : memref<2x64x128xf32, #tpu.memory_space<vmem>>, vector<16xf32>,
        %parallel_loop3A_991 = arith.constant 0 : i32
        %parallel_loop3A_992 = arith.constant 0 : i32
        %parallel_loop3A_993 = arith.constant 0 : i32
        %parallel_loop3A_994 = tpu.memref_slice %arg7[%parallel_loop3A_991, %parallel_loop3A_992, %parallel_loop3A_993] : memref<4x128x128xf32, #tpu.memory_space<vmem>> -> memref<1x128x128xf32, #tpu.memory_space<vmem>>
        %parallel_loop3A_995 = tpu.memref_squeeze %parallel_loop3A_994 : memref<1x128x128xf32, #tpu.memory_space<vmem>> -> memref<128x128xf32, #tpu.memory_space<vmem>>
        %parallel_loop3A_996 = tpu.vector_load_idx %parallel_loop3A_995[%add3A_43, %parallel_loop3A_978] : memref<128x128xf32, #tpu.memory_space<vmem>>[vector<16xi32>, vector<16xi32>], vector<16xf32>,
        %parallel_loop3A_997 = arith.addf %parallel_loop3A_996, %parallel_loop3A_974 : vector<16xf32>
        %parallel_loop3A_998 = arith.constant 0 : i32
        %parallel_loop3A_999 = arith.index_cast %parallel_loop3A_998 : i32 to index
        %parallel_loop3A_1000 = arith.index_cast %parallel_loop3A_966 : i32 to index
        %parallel_loop3A_1001 = arith.constant 16 : index
        %parallel_loop3A_1002 = tpu.vector_load %arg8[%parallel_loop3A_999, %parallel_loop3A_1000, %parallel_loop3A_1001] {strides = array<i32>} : memref<2x64x128xf32, #tpu.memory_space<vmem>>, vector<16xf32>,
        tpu.vector_store %arg8[%parallel_loop3A_999, %parallel_loop3A_1000, %parallel_loop3A_1001], %parallel_loop3A_997 {strides = array<i32>} : memref<2x64x128xf32, #tpu.memory_space<vmem>>, vector<16xf32>,
        %parallel_loop3A_1003 = arith.constant 0 : i32
        %parallel_loop3A_1004 = arith.constant 0 : i32
        %parallel_loop3A_1005 = arith.constant 0 : i32
        %parallel_loop3A_1006 = tpu.memref_slice %arg7[%parallel_loop3A_1003, %parallel_loop3A_1004, %parallel_loop3A_1005] : memref<4x128x128xf32, #tpu.memory_space<vmem>> -> memref<1x128x128xf32, #tpu.memory_space<vmem>>
        %parallel_loop3A_1007 = tpu.memref_squeeze %parallel_loop3A_1006 : memref<1x128x128xf32, #tpu.memory_space<vmem>> -> memref<128x128xf32, #tpu.memory_space<vmem>>
        %parallel_loop3A_1008 = tpu.vector_load_idx %parallel_loop3A_1007[%add3A_46, %parallel_loop3A_978] : memref<128x128xf32, #tpu.memory_space<vmem>>[vector<16xi32>, vector<16xi32>], vector<16xf32>,
        %parallel_loop3A_1009 = arith.addf %parallel_loop3A_1008, %parallel_loop3A_974 : vector<16xf32>
        %parallel_loop3A_1010 = arith.constant 0 : i32
        %parallel_loop3A_1011 = arith.index_cast %parallel_loop3A_1010 : i32 to index
        %parallel_loop3A_1012 = arith.index_cast %parallel_loop3A_966 : i32 to index
        %parallel_loop3A_1013 = arith.constant 32 : index
        %parallel_loop3A_1014 = tpu.vector_load %arg8[%parallel_loop3A_1011, %parallel_loop3A_1012, %parallel_loop3A_1013] {strides = array<i32>} : memref<2x64x128xf32, #tpu.memory_space<vmem>>, vector<16xf32>,
        tpu.vector_store %arg8[%parallel_loop3A_1011, %parallel_loop3A_1012, %parallel_loop3A_1013], %parallel_loop3A_1009 {strides = array<i32>} : memref<2x64x128xf32, #tpu.memory_space<vmem>>, vector<16xf32>,
        %parallel_loop3A_1015 = arith.constant 0 : i32
        %parallel_loop3A_1016 = arith.constant 0 : i32
        %parallel_loop3A_1017 = arith.constant 0 : i32
        %parallel_loop3A_1018 = tpu.memref_slice %arg7[%parallel_loop3A_1015, %parallel_loop3A_1016, %parallel_loop3A_1017] : memref<4x128x128xf32, #tpu.memory_space<vmem>> -> memref<1x128x128xf32, #tpu.memory_space<vmem>>
        %parallel_loop3A_1019 = tpu.memref_squeeze %parallel_loop3A_1018 : memref<1x128x128xf32, #tpu.memory_space<vmem>> -> memref<128x128xf32, #tpu.memory_space<vmem>>
        %parallel_loop3A_1020 = tpu.vector_load_idx %parallel_loop3A_1019[%add3A_49, %parallel_loop3A_978] : memref<128x128xf32, #tpu.memory_space<vmem>>[vector<16xi32>, vector<16xi32>], vector<16xf32>,
        %parallel_loop3A_1021 = arith.addf %parallel_loop3A_1020, %parallel_loop3A_974 : vector<16xf32>
        %parallel_loop3A_1022 = arith.constant 0 : i32
        %parallel_loop3A_1023 = arith.index_cast %parallel_loop3A_1022 : i32 to index
        %parallel_loop3A_1024 = arith.index_cast %parallel_loop3A_966 : i32 to index
        %parallel_loop3A_1025 = arith.constant 48 : index
        %parallel_loop3A_1026 = tpu.vector_load %arg8[%parallel_loop3A_1023, %parallel_loop3A_1024, %parallel_loop3A_1025] {strides = array<i32>} : memref<2x64x128xf32, #tpu.memory_space<vmem>>, vector<16xf32>,
        tpu.vector_store %arg8[%parallel_loop3A_1023, %parallel_loop3A_1024, %parallel_loop3A_1025], %parallel_loop3A_1021 {strides = array<i32>} : memref<2x64x128xf32, #tpu.memory_space<vmem>>, vector<16xf32>,
        %parallel_loop3A_1027 = arith.constant 0 : i32
        %parallel_loop3A_1028 = arith.constant 0 : i32
        %parallel_loop3A_1029 = arith.constant 0 : i32
        %parallel_loop3A_1030 = tpu.memref_slice %arg7[%parallel_loop3A_1027, %parallel_loop3A_1028, %parallel_loop3A_1029] : memref<4x128x128xf32, #tpu.memory_space<vmem>> -> memref<1x128x128xf32, #tpu.memory_space<vmem>>
        %parallel_loop3A_1031 = tpu.memref_squeeze %parallel_loop3A_1030 : memref<1x128x128xf32, #tpu.memory_space<vmem>> -> memref<128x128xf32, #tpu.memory_space<vmem>>
        %parallel_loop3A_1032 = tpu.vector_load_idx %parallel_loop3A_1031[%add3A_52, %parallel_loop3A_978] : memref<128x128xf32, #tpu.memory_space<vmem>>[vector<16xi32>, vector<16xi32>], vector<16xf32>,
        %parallel_loop3A_1033 = arith.addf %parallel_loop3A_1032, %parallel_loop3A_974 : vector<16xf32>
        %parallel_loop3A_1034 = arith.constant 0 : i32
        %parallel_loop3A_1035 = arith.index_cast %parallel_loop3A_1034 : i32 to index
        %parallel_loop3A_1036 = arith.index_cast %parallel_loop3A_966 : i32 to index
        %parallel_loop3A_1037 = arith.constant 64 : index
        %parallel_loop3A_1038 = tpu.vector_load %arg8[%parallel_loop3A_1035, %parallel_loop3A_1036, %parallel_loop3A_1037] {strides = array<i32>} : memref<2x64x128xf32, #tpu.memory_space<vmem>>, vector<16xf32>,
        tpu.vector_store %arg8[%parallel_loop3A_1035, %parallel_loop3A_1036, %parallel_loop3A_1037], %parallel_loop3A_1033 {strides = array<i32>} : memref<2x64x128xf32, #tpu.memory_space<vmem>>, vector<16xf32>,
        %parallel_loop3A_1039 = arith.constant 0 : i32
        %parallel_loop3A_1040 = arith.constant 0 : i32
        %parallel_loop3A_1041 = arith.constant 0 : i32
        %parallel_loop3A_1042 = tpu.memref_slice %arg7[%parallel_loop3A_1039, %parallel_loop3A_1040, %parallel_loop3A_1041] : memref<4x128x128xf32, #tpu.memory_space<vmem>> -> memref<1x128x128xf32, #tpu.memory_space<vmem>>
        %parallel_loop3A_1043 = tpu.memref_squeeze %parallel_loop3A_1042 : memref<1x128x128xf32, #tpu.memory_space<vmem>> -> memref<128x128xf32, #tpu.memory_space<vmem>>
        %parallel_loop3A_1044 = tpu.vector_load_idx %parallel_loop3A_1043[%add3A_55, %parallel_loop3A_978] : memref<128x128xf32, #tpu.memory_space<vmem>>[vector<16xi32>, vector<16xi32>], vector<16xf32>,
        %parallel_loop3A_1045 = arith.addf %parallel_loop3A_1044, %parallel_loop3A_974 : vector<16xf32>
        %parallel_loop3A_1046 = arith.constant 0 : i32
        %parallel_loop3A_1047 = arith.index_cast %parallel_loop3A_1046 : i32 to index
        %parallel_loop3A_1048 = arith.index_cast %parallel_loop3A_966 : i32 to index
        %parallel_loop3A_1049 = arith.constant 80 : index
        %parallel_loop3A_1050 = tpu.vector_load %arg8[%parallel_loop3A_1047, %parallel_loop3A_1048, %parallel_loop3A_1049] {strides = array<i32>} : memref<2x64x128xf32, #tpu.memory_space<vmem>>, vector<16xf32>,
        tpu.vector_store %arg8[%parallel_loop3A_1047, %parallel_loop3A_1048, %parallel_loop3A_1049], %parallel_loop3A_1045 {strides = array<i32>} : memref<2x64x128xf32, #tpu.memory_space<vmem>>, vector<16xf32>,
        %parallel_loop3A_1051 = arith.constant 0 : i32
        %parallel_loop3A_1052 = arith.constant 0 : i32
        %parallel_loop3A_1053 = arith.constant 0 : i32
        %parallel_loop3A_1054 = tpu.memref_slice %arg7[%parallel_loop3A_1051, %parallel_loop3A_1052, %parallel_loop3A_1053] : memref<4x128x128xf32, #tpu.memory_space<vmem>> -> memref<1x128x128xf32, #tpu.memory_space<vmem>>
        %parallel_loop3A_1055 = tpu.memref_squeeze %parallel_loop3A_1054 : memref<1x128x128xf32, #tpu.memory_space<vmem>> -> memref<128x128xf32, #tpu.memory_space<vmem>>
        %parallel_loop3A_1056 = tpu.vector_load_idx %parallel_loop3A_1055[%add3A_58, %parallel_loop3A_978] : memref<128x128xf32, #tpu.memory_space<vmem>>[vector<16xi32>, vector<16xi32>], vector<16xf32>,
        %parallel_loop3A_1057 = arith.addf %parallel_loop3A_1056, %parallel_loop3A_974 : vector<16xf32>
        %parallel_loop3A_1058 = arith.constant 0 : i32
        %parallel_loop3A_1059 = arith.index_cast %parallel_loop3A_1058 : i32 to index
        %parallel_loop3A_1060 = arith.index_cast %parallel_loop3A_966 : i32 to index
        %parallel_loop3A_1061 = arith.constant 96 : index
        %parallel_loop3A_1062 = tpu.vector_load %arg8[%parallel_loop3A_1059, %parallel_loop3A_1060, %parallel_loop3A_1061] {strides = array<i32>} : memref<2x64x128xf32, #tpu.memory_space<vmem>>, vector<16xf32>,
        tpu.vector_store %arg8[%parallel_loop3A_1059, %parallel_loop3A_1060, %parallel_loop3A_1061], %parallel_loop3A_1057 {strides = array<i32>} : memref<2x64x128xf32, #tpu.memory_space<vmem>>, vector<16xf32>,
        %parallel_loop3A_1063 = arith.constant 0 : i32
        %parallel_loop3A_1064 = arith.constant 0 : i32
        %parallel_loop3A_1065 = arith.constant 0 : i32
        %parallel_loop3A_1066 = tpu.memref_slice %arg7[%parallel_loop3A_1063, %parallel_loop3A_1064, %parallel_loop3A_1065] : memref<4x128x128xf32, #tpu.memory_space<vmem>> -> memref<1x128x128xf32, #tpu.memory_space<vmem>>
        %parallel_loop3A_1067 = tpu.memref_squeeze %parallel_loop3A_1066 : memref<1x128x128xf32, #tpu.memory_space<vmem>> -> memref<128x128xf32, #tpu.memory_space<vmem>>
        %parallel_loop3A_1068 = tpu.vector_load_idx %parallel_loop3A_1067[%add3A_61, %parallel_loop3A_978] : memref<128x128xf32, #tpu.memory_space<vmem>>[vector<16xi32>, vector<16xi32>], vector<16xf32>,
        %parallel_loop3A_1069 = arith.addf %parallel_loop3A_1068, %parallel_loop3A_974 : vector<16xf32>
        %parallel_loop3A_1070 = arith.constant 0 : i32
        %parallel_loop3A_1071 = arith.index_cast %parallel_loop3A_1070 : i32 to index
        %parallel_loop3A_1072 = arith.index_cast %parallel_loop3A_966 : i32 to index
        %parallel_loop3A_1073 = arith.constant 112 : index
        %parallel_loop3A_1074 = tpu.vector_load %arg8[%parallel_loop3A_1071, %parallel_loop3A_1072, %parallel_loop3A_1073] {strides = array<i32>} : memref<2x64x128xf32, #tpu.memory_space<vmem>>, vector<16xf32>,
        tpu.vector_store %arg8[%parallel_loop3A_1071, %parallel_loop3A_1072, %parallel_loop3A_1073], %parallel_loop3A_1069 {strides = array<i32>} : memref<2x64x128xf32, #tpu.memory_space<vmem>>, vector<16xf32>,
      } {sc.loop_unroll_factor = 4 : i64, sc.parallel_access}
      %dma_start3A_384 = arith.constant 0 : i32
      %dma_start3A_385 = arith.constant 0 : i32
      %dma_start3A_386 = arith.constant 0 : i32
      %dma_start3A_387 = tpu.memref_slice %arg8[%dma_start3A_384, %dma_start3A_385, %dma_start3A_386] : memref<2x64x128xf32, #tpu.memory_space<vmem>> -> memref<1x8x128xf32, #tpu.memory_space<vmem>>
      %dma_start3A_388 = tpu.memref_squeeze %dma_start3A_387 : memref<1x8x128xf32, #tpu.memory_space<vmem>> -> memref<8x128xf32, #tpu.memory_space<vmem>>
      %dma_start3A_389 = arith.constant 0 : i32
      %dma_start3A_390 = tpu.memref_slice %arg5[%add3A_358, %dma_start3A_389, %mul3A_2] : memref<200x64x4096xf32, #tpu.memory_space<hbm>> -> memref<1x8x128xf32, #tpu.memory_space<hbm>>
      %dma_start3A_391 = tpu.memref_squeeze %dma_start3A_390 : memref<1x8x128xf32, #tpu.memory_space<hbm>> -> memref<8x128xf32, #tpu.memory_space<hbm>>
      %dma_start3A_392 = arith.constant 0 : i32
      %dma_start3A_393 = tpu.memref_slice %arg5[%add3A_358, %dma_start3A_392, %mul3A_2] : memref<200x64x4096xf32, #tpu.memory_space<hbm>> -> memref<1x8x128xf32, #tpu.memory_space<hbm>>
      %dma_start3A_394 = tpu.memref_squeeze %dma_start3A_393 : memref<1x8x128xf32, #tpu.memory_space<hbm>> -> memref<8x128xf32, #tpu.memory_space<hbm>>
      %dma_start3A_395 = arith.constant 0 : i32
      %dma_start3A_396 = arith.constant 0 : i32
      %dma_start3A_397 = tpu.memref_slice %arg8[%dma_start3A_384, %dma_start3A_395, %dma_start3A_396] : memref<2x64x128xf32, #tpu.memory_space<vmem>> -> memref<1x8x128xf32, #tpu.memory_space<vmem>>
      %dma_start3A_398 = tpu.memref_squeeze %dma_start3A_397 : memref<1x8x128xf32, #tpu.memory_space<vmem>> -> memref<8x128xf32, #tpu.memory_space<vmem>>
      tpu.enqueue_dma source(%dma_start3A_398 : memref<8x128xf32, #tpu.memory_space<vmem>>) target(%dma_start3A_394 : memref<8x128xf32, #tpu.memory_space<hbm>>) target_semaphore(%arg11 : memref<!tpu.dma_semaphore, #tpu.memory_space<semaphore_mem>>)
      %dma_start3A_399 = arith.constant 0 : i32
      %dma_start3A_400 = arith.constant 8 : i32
      %dma_start3A_401 = arith.constant 0 : i32
      %dma_start3A_402 = tpu.memref_slice %arg8[%dma_start3A_399, %dma_start3A_400, %dma_start3A_401] : memref<2x64x128xf32, #tpu.memory_space<vmem>> -> memref<1x8x128xf32, #tpu.memory_space<vmem>>
      %dma_start3A_403 = tpu.memref_squeeze %dma_start3A_402 : memref<1x8x128xf32, #tpu.memory_space<vmem>> -> memref<8x128xf32, #tpu.memory_space<vmem>>
      %dma_start3A_404 = arith.constant 8 : i32
      %dma_start3A_405 = tpu.memref_slice %arg5[%add3A_358, %dma_start3A_404, %mul3A_2] : memref<200x64x4096xf32, #tpu.memory_space<hbm>> -> memref<1x8x128xf32, #tpu.memory_space<hbm>>
      %dma_start3A_406 = tpu.memref_squeeze %dma_start3A_405 : memref<1x8x128xf32, #tpu.memory_space<hbm>> -> memref<8x128xf32, #tpu.memory_space<hbm>>
      %dma_start3A_407 = arith.constant 8 : i32
      %dma_start3A_408 = tpu.memref_slice %arg5[%add3A_358, %dma_start3A_407, %mul3A_2] : memref<200x64x4096xf32, #tpu.memory_space<hbm>> -> memref<1x8x128xf32, #tpu.memory_space<hbm>>
      %dma_start3A_409 = tpu.memref_squeeze %dma_start3A_408 : memref<1x8x128xf32, #tpu.memory_space<hbm>> -> memref<8x128xf32, #tpu.memory_space<hbm>>
      %dma_start3A_410 = arith.constant 8 : i32
      %dma_start3A_411 = arith.constant 0 : i32
      %dma_start3A_412 = tpu.memref_slice %arg8[%dma_start3A_399, %dma_start3A_410, %dma_start3A_411] : memref<2x64x128xf32, #tpu.memory_space<vmem>> -> memref<1x8x128xf32, #tpu.memory_space<vmem>>
      %dma_start3A_413 = tpu.memref_squeeze %dma_start3A_412 : memref<1x8x128xf32, #tpu.memory_space<vmem>> -> memref<8x128xf32, #tpu.memory_space<vmem>>
      tpu.enqueue_dma source(%dma_start3A_413 : memref<8x128xf32, #tpu.memory_space<vmem>>) target(%dma_start3A_409 : memref<8x128xf32, #tpu.memory_space<hbm>>) target_semaphore(%arg11 : memref<!tpu.dma_semaphore, #tpu.memory_space<semaphore_mem>>)
      %dma_start3A_414 = arith.constant 0 : i32
      %dma_start3A_415 = arith.constant 16 : i32
      %dma_start3A_416 = arith.constant 0 : i32
      %dma_start3A_417 = tpu.memref_slice %arg8[%dma_start3A_414, %dma_start3A_415, %dma_start3A_416] : memref<2x64x128xf32, #tpu.memory_space<vmem>> -> memref<1x8x128xf32, #tpu.memory_space<vmem>>
      %dma_start3A_418 = tpu.memref_squeeze %dma_start3A_417 : memref<1x8x128xf32, #tpu.memory_space<vmem>> -> memref<8x128xf32, #tpu.memory_space<vmem>>
      %dma_start3A_419 = arith.constant 16 : i32
      %dma_start3A_420 = tpu.memref_slice %arg5[%add3A_358, %dma_start3A_419, %mul3A_2] : memref<200x64x4096xf32, #tpu.memory_space<hbm>> -> memref<1x8x128xf32, #tpu.memory_space<hbm>>
      %dma_start3A_421 = tpu.memref_squeeze %dma_start3A_420 : memref<1x8x128xf32, #tpu.memory_space<hbm>> -> memref<8x128xf32, #tpu.memory_space<hbm>>
      %dma_start3A_422 = arith.constant 16 : i32
      %dma_start3A_423 = tpu.memref_slice %arg5[%add3A_358, %dma_start3A_422, %mul3A_2] : memref<200x64x4096xf32, #tpu.memory_space<hbm>> -> memref<1x8x128xf32, #tpu.memory_space<hbm>>
      %dma_start3A_424 = tpu.memref_squeeze %dma_start3A_423 : memref<1x8x128xf32, #tpu.memory_space<hbm>> -> memref<8x128xf32, #tpu.memory_space<hbm>>
      %dma_start3A_425 = arith.constant 16 : i32
      %dma_start3A_426 = arith.constant 0 : i32
      %dma_start3A_427 = tpu.memref_slice %arg8[%dma_start3A_414, %dma_start3A_425, %dma_start3A_426] : memref<2x64x128xf32, #tpu.memory_space<vmem>> -> memref<1x8x128xf32, #tpu.memory_space<vmem>>
      %dma_start3A_428 = tpu.memref_squeeze %dma_start3A_427 : memref<1x8x128xf32, #tpu.memory_space<vmem>> -> memref<8x128xf32, #tpu.memory_space<vmem>>
      tpu.enqueue_dma source(%dma_start3A_428 : memref<8x128xf32, #tpu.memory_space<vmem>>) target(%dma_start3A_424 : memref<8x128xf32, #tpu.memory_space<hbm>>) target_semaphore(%arg11 : memref<!tpu.dma_semaphore, #tpu.memory_space<semaphore_mem>>)
      %dma_start3A_429 = arith.constant 0 : i32
      %dma_start3A_430 = arith.constant 24 : i32
      %dma_start3A_431 = arith.constant 0 : i32
      %dma_start3A_432 = tpu.memref_slice %arg8[%dma_start3A_429, %dma_start3A_430, %dma_start3A_431] : memref<2x64x128xf32, #tpu.memory_space<vmem>> -> memref<1x8x128xf32, #tpu.memory_space<vmem>>
      %dma_start3A_433 = tpu.memref_squeeze %dma_start3A_432 : memref<1x8x128xf32, #tpu.memory_space<vmem>> -> memref<8x128xf32, #tpu.memory_space<vmem>>
      %dma_start3A_434 = arith.constant 24 : i32
      %dma_start3A_435 = tpu.memref_slice %arg5[%add3A_358, %dma_start3A_434, %mul3A_2] : memref<200x64x4096xf32, #tpu.memory_space<hbm>> -> memref<1x8x128xf32, #tpu.memory_space<hbm>>
      %dma_start3A_436 = tpu.memref_squeeze %dma_start3A_435 : memref<1x8x128xf32, #tpu.memory_space<hbm>> -> memref<8x128xf32, #tpu.memory_space<hbm>>
      %dma_start3A_437 = arith.constant 24 : i32
      %dma_start3A_438 = tpu.memref_slice %arg5[%add3A_358, %dma_start3A_437, %mul3A_2] : memref<200x64x4096xf32, #tpu.memory_space<hbm>> -> memref<1x8x128xf32, #tpu.memory_space<hbm>>
      %dma_start3A_439 = tpu.memref_squeeze %dma_start3A_438 : memref<1x8x128xf32, #tpu.memory_space<hbm>> -> memref<8x128xf32, #tpu.memory_space<hbm>>
      %dma_start3A_440 = arith.constant 24 : i32
      %dma_start3A_441 = arith.constant 0 : i32
      %dma_start3A_442 = tpu.memref_slice %arg8[%dma_start3A_429, %dma_start3A_440, %dma_start3A_441] : memref<2x64x128xf32, #tpu.memory_space<vmem>> -> memref<1x8x128xf32, #tpu.memory_space<vmem>>
      %dma_start3A_443 = tpu.memref_squeeze %dma_start3A_442 : memref<1x8x128xf32, #tpu.memory_space<vmem>> -> memref<8x128xf32, #tpu.memory_space<vmem>>
      tpu.enqueue_dma source(%dma_start3A_443 : memref<8x128xf32, #tpu.memory_space<vmem>>) target(%dma_start3A_439 : memref<8x128xf32, #tpu.memory_space<hbm>>) target_semaphore(%arg11 : memref<!tpu.dma_semaphore, #tpu.memory_space<semaphore_mem>>)
      %dma_start3A_444 = arith.constant 0 : i32
      %dma_start3A_445 = arith.constant 32 : i32
      %dma_start3A_446 = arith.constant 0 : i32
      %dma_start3A_447 = tpu.memref_slice %arg8[%dma_start3A_444, %dma_start3A_445, %dma_start3A_446] : memref<2x64x128xf32, #tpu.memory_space<vmem>> -> memref<1x8x128xf32, #tpu.memory_space<vmem>>
      %dma_start3A_448 = tpu.memref_squeeze %dma_start3A_447 : memref<1x8x128xf32, #tpu.memory_space<vmem>> -> memref<8x128xf32, #tpu.memory_space<vmem>>
      %dma_start3A_449 = arith.constant 32 : i32
      %dma_start3A_450 = tpu.memref_slice %arg5[%add3A_358, %dma_start3A_449, %mul3A_2] : memref<200x64x4096xf32, #tpu.memory_space<hbm>> -> memref<1x8x128xf32, #tpu.memory_space<hbm>>
      %dma_start3A_451 = tpu.memref_squeeze %dma_start3A_450 : memref<1x8x128xf32, #tpu.memory_space<hbm>> -> memref<8x128xf32, #tpu.memory_space<hbm>>
      %dma_start3A_452 = arith.constant 32 : i32
      %dma_start3A_453 = tpu.memref_slice %arg5[%add3A_358, %dma_start3A_452, %mul3A_2] : memref<200x64x4096xf32, #tpu.memory_space<hbm>> -> memref<1x8x128xf32, #tpu.memory_space<hbm>>
      %dma_start3A_454 = tpu.memref_squeeze %dma_start3A_453 : memref<1x8x128xf32, #tpu.memory_space<hbm>> -> memref<8x128xf32, #tpu.memory_space<hbm>>
      %dma_start3A_455 = arith.constant 32 : i32
      %dma_start3A_456 = arith.constant 0 : i32
      %dma_start3A_457 = tpu.memref_slice %arg8[%dma_start3A_444, %dma_start3A_455, %dma_start3A_456] : memref<2x64x128xf32, #tpu.memory_space<vmem>> -> memref<1x8x128xf32, #tpu.memory_space<vmem>>
      %dma_start3A_458 = tpu.memref_squeeze %dma_start3A_457 : memref<1x8x128xf32, #tpu.memory_space<vmem>> -> memref<8x128xf32, #tpu.memory_space<vmem>>
      tpu.enqueue_dma source(%dma_start3A_458 : memref<8x128xf32, #tpu.memory_space<vmem>>) target(%dma_start3A_454 : memref<8x128xf32, #tpu.memory_space<hbm>>) target_semaphore(%arg11 : memref<!tpu.dma_semaphore, #tpu.memory_space<semaphore_mem>>)
      %dma_start3A_459 = arith.constant 0 : i32
      %dma_start3A_460 = arith.constant 40 : i32
      %dma_start3A_461 = arith.constant 0 : i32
      %dma_start3A_462 = tpu.memref_slice %arg8[%dma_start3A_459, %dma_start3A_460, %dma_start3A_461] : memref<2x64x128xf32, #tpu.memory_space<vmem>> -> memref<1x8x128xf32, #tpu.memory_space<vmem>>
      %dma_start3A_463 = tpu.memref_squeeze %dma_start3A_462 : memref<1x8x128xf32, #tpu.memory_space<vmem>> -> memref<8x128xf32, #tpu.memory_space<vmem>>
      %dma_start3A_464 = arith.constant 40 : i32
      %dma_start3A_465 = tpu.memref_slice %arg5[%add3A_358, %dma_start3A_464, %mul3A_2] : memref<200x64x4096xf32, #tpu.memory_space<hbm>> -> memref<1x8x128xf32, #tpu.memory_space<hbm>>
      %dma_start3A_466 = tpu.memref_squeeze %dma_start3A_465 : memref<1x8x128xf32, #tpu.memory_space<hbm>> -> memref<8x128xf32, #tpu.memory_space<hbm>>
      %dma_start3A_467 = arith.constant 40 : i32
      %dma_start3A_468 = tpu.memref_slice %arg5[%add3A_358, %dma_start3A_467, %mul3A_2] : memref<200x64x4096xf32, #tpu.memory_space<hbm>> -> memref<1x8x128xf32, #tpu.memory_space<hbm>>
      %dma_start3A_469 = tpu.memref_squeeze %dma_start3A_468 : memref<1x8x128xf32, #tpu.memory_space<hbm>> -> memref<8x128xf32, #tpu.memory_space<hbm>>
      %dma_start3A_470 = arith.constant 40 : i32
      %dma_start3A_471 = arith.constant 0 : i32
      %dma_start3A_472 = tpu.memref_slice %arg8[%dma_start3A_459, %dma_start3A_470, %dma_start3A_471] : memref<2x64x128xf32, #tpu.memory_space<vmem>> -> memref<1x8x128xf32, #tpu.memory_space<vmem>>
      %dma_start3A_473 = tpu.memref_squeeze %dma_start3A_472 : memref<1x8x128xf32, #tpu.memory_space<vmem>> -> memref<8x128xf32, #tpu.memory_space<vmem>>
      tpu.enqueue_dma source(%dma_start3A_473 : memref<8x128xf32, #tpu.memory_space<vmem>>) target(%dma_start3A_469 : memref<8x128xf32, #tpu.memory_space<hbm>>) target_semaphore(%arg11 : memref<!tpu.dma_semaphore, #tpu.memory_space<semaphore_mem>>)
      %dma_start3A_474 = arith.constant 0 : i32
      %dma_start3A_475 = arith.constant 48 : i32
      %dma_start3A_476 = arith.constant 0 : i32
      %dma_start3A_477 = tpu.memref_slice %arg8[%dma_start3A_474, %dma_start3A_475, %dma_start3A_476] : memref<2x64x128xf32, #tpu.memory_space<vmem>> -> memref<1x8x128xf32, #tpu.memory_space<vmem>>
      %dma_start3A_478 = tpu.memref_squeeze %dma_start3A_477 : memref<1x8x128xf32, #tpu.memory_space<vmem>> -> memref<8x128xf32, #tpu.memory_space<vmem>>
      %dma_start3A_479 = arith.constant 48 : i32
      %dma_start3A_480 = tpu.memref_slice %arg5[%add3A_358, %dma_start3A_479, %mul3A_2] : memref<200x64x4096xf32, #tpu.memory_space<hbm>> -> memref<1x8x128xf32, #tpu.memory_space<hbm>>
      %dma_start3A_481 = tpu.memref_squeeze %dma_start3A_480 : memref<1x8x128xf32, #tpu.memory_space<hbm>> -> memref<8x128xf32, #tpu.memory_space<hbm>>
      %dma_start3A_482 = arith.constant 48 : i32
      %dma_start3A_483 = tpu.memref_slice %arg5[%add3A_358, %dma_start3A_482, %mul3A_2] : memref<200x64x4096xf32, #tpu.memory_space<hbm>> -> memref<1x8x128xf32, #tpu.memory_space<hbm>>
      %dma_start3A_484 = tpu.memref_squeeze %dma_start3A_483 : memref<1x8x128xf32, #tpu.memory_space<hbm>> -> memref<8x128xf32, #tpu.memory_space<hbm>>
      %dma_start3A_485 = arith.constant 48 : i32
      %dma_start3A_486 = arith.constant 0 : i32
      %dma_start3A_487 = tpu.memref_slice %arg8[%dma_start3A_474, %dma_start3A_485, %dma_start3A_486] : memref<2x64x128xf32, #tpu.memory_space<vmem>> -> memref<1x8x128xf32, #tpu.memory_space<vmem>>
      %dma_start3A_488 = tpu.memref_squeeze %dma_start3A_487 : memref<1x8x128xf32, #tpu.memory_space<vmem>> -> memref<8x128xf32, #tpu.memory_space<vmem>>
      tpu.enqueue_dma source(%dma_start3A_488 : memref<8x128xf32, #tpu.memory_space<vmem>>) target(%dma_start3A_484 : memref<8x128xf32, #tpu.memory_space<hbm>>) target_semaphore(%arg11 : memref<!tpu.dma_semaphore, #tpu.memory_space<semaphore_mem>>)
      %dma_start3A_489 = arith.constant 0 : i32
      %dma_start3A_490 = arith.constant 56 : i32
      %dma_start3A_491 = arith.constant 0 : i32
      %dma_start3A_492 = tpu.memref_slice %arg8[%dma_start3A_489, %dma_start3A_490, %dma_start3A_491] : memref<2x64x128xf32, #tpu.memory_space<vmem>> -> memref<1x8x128xf32, #tpu.memory_space<vmem>>
      %dma_start3A_493 = tpu.memref_squeeze %dma_start3A_492 : memref<1x8x128xf32, #tpu.memory_space<vmem>> -> memref<8x128xf32, #tpu.memory_space<vmem>>
      %dma_start3A_494 = arith.constant 56 : i32
      %dma_start3A_495 = tpu.memref_slice %arg5[%add3A_358, %dma_start3A_494, %mul3A_2] : memref<200x64x4096xf32, #tpu.memory_space<hbm>> -> memref<1x8x128xf32, #tpu.memory_space<hbm>>
      %dma_start3A_496 = tpu.memref_squeeze %dma_start3A_495 : memref<1x8x128xf32, #tpu.memory_space<hbm>> -> memref<8x128xf32, #tpu.memory_space<hbm>>
      %dma_start3A_497 = arith.constant 56 : i32
      %dma_start3A_498 = tpu.memref_slice %arg5[%add3A_358, %dma_start3A_497, %mul3A_2] : memref<200x64x4096xf32, #tpu.memory_space<hbm>> -> memref<1x8x128xf32, #tpu.memory_space<hbm>>
      %dma_start3A_499 = tpu.memref_squeeze %dma_start3A_498 : memref<1x8x128xf32, #tpu.memory_space<hbm>> -> memref<8x128xf32, #tpu.memory_space<hbm>>
      %dma_start3A_500 = arith.constant 56 : i32
      %dma_start3A_501 = arith.constant 0 : i32
      %dma_start3A_502 = tpu.memref_slice %arg8[%dma_start3A_489, %dma_start3A_500, %dma_start3A_501] : memref<2x64x128xf32, #tpu.memory_space<vmem>> -> memref<1x8x128xf32, #tpu.memory_space<vmem>>
      %dma_start3A_503 = tpu.memref_squeeze %dma_start3A_502 : memref<1x8x128xf32, #tpu.memory_space<vmem>> -> memref<8x128xf32, #tpu.memory_space<vmem>>
      tpu.enqueue_dma source(%dma_start3A_503 : memref<8x128xf32, #tpu.memory_space<vmem>>) target(%dma_start3A_499 : memref<8x128xf32, #tpu.memory_space<hbm>>) target_semaphore(%arg11 : memref<!tpu.dma_semaphore, #tpu.memory_space<semaphore_mem>>)
      %mul3A_504 = arith.constant 4 : i32
      %mul3A_505 = arith.muli %scan3A_354, %mul3A_504 : i32
      %add3A_506 = arith.constant 1 : i32
      %add3A_507 = arith.addi %mul3A_505, %add3A_506 : i32
      %dma_wait3A_508 = arith.constant 1 : i32
      %dma_wait3A_509 = arith.constant 0 : i32
      %dma_wait3A_510 = arith.constant 0 : i32
      %dma_wait3A_511 = tpu.memref_slice %arg7[%dma_wait3A_508, %dma_wait3A_509, %dma_wait3A_510] : memref<4x128x128xf32, #tpu.memory_space<vmem>> -> memref<1x128x128xf32, #tpu.memory_space<vmem>>
      %dma_wait3A_512 = tpu.memref_squeeze %dma_wait3A_511 : memref<1x128x128xf32, #tpu.memory_space<vmem>> -> memref<128x128xf32, #tpu.memory_space<vmem>>
      %dma_wait3A_513 = arith.constant 0 : i32
      %dma_wait3A_514 = arith.constant 0 : i32
      %dma_wait3A_515 = tpu.memref_slice %arg3[%dma_wait3A_513, %dma_wait3A_514] : memref<100000x128xf32, #tpu.memory_space<hbm>> -> memref<128x128xf32, #tpu.memory_space<hbm>>
      %dma_wait3A_516 = arith.constant 0 : i32
      %dma_wait3A_517 = arith.constant 0 : i32
      %dma_wait3A_518 = tpu.memref_slice %arg7[%dma_wait3A_508, %dma_wait3A_516, %dma_wait3A_517] : memref<4x128x128xf32, #tpu.memory_space<vmem>> -> memref<1x128x128xf32, #tpu.memory_space<vmem>>
      %dma_wait3A_519 = tpu.memref_squeeze %dma_wait3A_518 : memref<1x128x128xf32, #tpu.memory_space<vmem>> -> memref<128x128xf32, #tpu.memory_space<vmem>>
      %dma_wait3A_520 = arith.constant 0 : i32
      %dma_wait3A_521 = arith.constant 0 : i32
      %dma_wait3A_522 = tpu.memref_slice %arg3[%dma_wait3A_520, %dma_wait3A_521] : memref<100000x128xf32, #tpu.memory_space<hbm>> -> memref<128x128xf32, #tpu.memory_space<hbm>>
      tpu.wait_dma2 semaphore(%arg10 : memref<!tpu.dma_semaphore, #tpu.memory_space<semaphore_mem>>) src(%dma_wait3A_522 : memref<128x128xf32, #tpu.memory_space<hbm>>) dst(%dma_wait3A_519 : memref<128x128xf32, #tpu.memory_space<vmem>>)
      %add3A_523 = arith.constant 3 : i32
      %add3A_524 = arith.addi %add3A_507, %add3A_523 : i32
      %lt3A_525 = arith.constant 200 : i32
      %lt3A_526 = arith.cmpi slt, %add3A_524, %lt3A_525 : i32
      %convert_element_type3A_527 = arith.extui %lt3A_526 : i1 to i32
      %cond3A_528 = arith.constant 0 : i32
      %cond3A_529 = arith.cmpi ne, %convert_element_type3A_527, %cond3A_528 : i32
      scf.if %cond3A_529 {
        %add3A_966 = arith.constant 3 : i32
        %add3A_967 = arith.addi %add3A_507, %add3A_966 : i32
        %dma_start3A_968 = arith.constant 0 : i32
        %dma_start3A_969 = arith.constant 0 : i32
        %dma_start3A_970 = arith.constant 0 : i32
        %dma_start3A_971 = tpu.memref_slice %arg7[%dma_start3A_968, %dma_start3A_969, %dma_start3A_970] : memref<4x128x128xf32, #tpu.memory_space<vmem>> -> memref<1x128x128xf32, #tpu.memory_space<vmem>>
        %dma_start3A_972 = tpu.memref_squeeze %dma_start3A_971 : memref<1x128x128xf32, #tpu.memory_space<vmem>> -> memref<128x128xf32, #tpu.memory_space<vmem>>
        %dma_start3A_973 = arith.constant 0 : i32
        %dma_start3A_974 = tpu.memref_slice %arg6[%add3A_967, %dma_start3A_973] : memref<200x128xi32, #tpu.memory_space<vmem>> -> memref<1x128xi32, #tpu.memory_space<vmem>>
        %dma_start3A_975 = tpu.memref_squeeze %dma_start3A_974 : memref<1x128xi32, #tpu.memory_space<vmem>> -> memref<128xi32, #tpu.memory_space<vmem>>
        %dma_start3A_976 = arith.constant 0 : i32
        %dma_start3A_977 = arith.constant 0 : i32
        %dma_start3A_978 = tpu.memref_slice %arg3[%dma_start3A_976, %dma_start3A_977] : memref<100000x128xf32, #tpu.memory_space<hbm>> -> memref<100000x128xf32, #tpu.memory_space<hbm>>
        tpu.enqueue_indirect_dma source(%dma_start3A_978 : memref<100000x128xf32, #tpu.memory_space<hbm>>) target(%dma_start3A_972 : memref<128x128xf32, #tpu.memory_space<vmem>>) offsets(%dma_start3A_975 : memref<128xi32, #tpu.memory_space<vmem>>) semaphore(%arg10 : memref<!tpu.dma_semaphore, #tpu.memory_space<semaphore_mem>>)
      } else {
      }
      %ge3A_530 = arith.constant 2 : i32
      %ge3A_531 = arith.cmpi sge, %add3A_507, %ge3A_530 : i32
      %convert_element_type3A_532 = arith.extui %ge3A_531 : i1 to i32
      %cond3A_533 = arith.constant 0 : i32
      %cond3A_534 = arith.cmpi ne, %convert_element_type3A_532, %cond3A_533 : i32
      scf.if %cond3A_534 {
        %dma_wait3A_966 = arith.constant 1 : i32
        %dma_wait3A_967 = arith.constant 0 : i32
        %dma_wait3A_968 = arith.constant 0 : i32
        %dma_wait3A_969 = arith.constant 0 : i32
        %dma_wait3A_970 = tpu.memref_slice %arg8[%dma_wait3A_966, %dma_wait3A_968, %dma_wait3A_969] : memref<2x64x128xf32, #tpu.memory_space<vmem>> -> memref<1x8x128xf32, #tpu.memory_space<vmem>>
        %dma_wait3A_971 = tpu.memref_squeeze %dma_wait3A_970 : memref<1x8x128xf32, #tpu.memory_space<vmem>> -> memref<8x128xf32, #tpu.memory_space<vmem>>
        %dma_wait3A_972 = arith.constant 0 : i32
        %dma_wait3A_973 = arith.constant 0 : i32
        %dma_wait3A_974 = tpu.memref_slice %arg5[%dma_wait3A_967, %dma_wait3A_972, %dma_wait3A_973] : memref<200x64x4096xf32, #tpu.memory_space<hbm>> -> memref<1x8x128xf32, #tpu.memory_space<hbm>>
        %dma_wait3A_975 = tpu.memref_squeeze %dma_wait3A_974 : memref<1x8x128xf32, #tpu.memory_space<hbm>> -> memref<8x128xf32, #tpu.memory_space<hbm>>
        %dma_wait3A_976 = arith.constant 0 : i32
        %dma_wait3A_977 = arith.constant 0 : i32
        %dma_wait3A_978 = tpu.memref_slice %arg5[%dma_wait3A_967, %dma_wait3A_976, %dma_wait3A_977] : memref<200x64x4096xf32, #tpu.memory_space<hbm>> -> memref<1x8x128xf32, #tpu.memory_space<hbm>>
        %dma_wait3A_979 = tpu.memref_squeeze %dma_wait3A_978 : memref<1x8x128xf32, #tpu.memory_space<hbm>> -> memref<8x128xf32, #tpu.memory_space<hbm>>
        %dma_wait3A_980 = arith.constant 0 : i32
        %dma_wait3A_981 = arith.constant 0 : i32
        %dma_wait3A_982 = tpu.memref_slice %arg8[%dma_wait3A_966, %dma_wait3A_980, %dma_wait3A_981] : memref<2x64x128xf32, #tpu.memory_space<vmem>> -> memref<1x8x128xf32, #tpu.memory_space<vmem>>
        %dma_wait3A_983 = tpu.memref_squeeze %dma_wait3A_982 : memref<1x8x128xf32, #tpu.memory_space<vmem>> -> memref<8x128xf32, #tpu.memory_space<vmem>>
        tpu.wait_dma2 semaphore(%arg11 : memref<!tpu.dma_semaphore, #tpu.memory_space<semaphore_mem>>) src(%dma_wait3A_983 : memref<8x128xf32, #tpu.memory_space<vmem>>) dst(%dma_wait3A_979 : memref<8x128xf32, #tpu.memory_space<hbm>>)
        %dma_wait3A_984 = arith.constant 1 : i32
        %dma_wait3A_985 = arith.constant 0 : i32
        %dma_wait3A_986 = arith.constant 8 : i32
        %dma_wait3A_987 = arith.constant 0 : i32
        %dma_wait3A_988 = tpu.memref_slice %arg8[%dma_wait3A_984, %dma_wait3A_986, %dma_wait3A_987] : memref<2x64x128xf32, #tpu.memory_space<vmem>> -> memref<1x8x128xf32, #tpu.memory_space<vmem>>
        %dma_wait3A_989 = tpu.memref_squeeze %dma_wait3A_988 : memref<1x8x128xf32, #tpu.memory_space<vmem>> -> memref<8x128xf32, #tpu.memory_space<vmem>>
        %dma_wait3A_990 = arith.constant 0 : i32
        %dma_wait3A_991 = arith.constant 0 : i32
        %dma_wait3A_992 = tpu.memref_slice %arg5[%dma_wait3A_985, %dma_wait3A_990, %dma_wait3A_991] : memref<200x64x4096xf32, #tpu.memory_space<hbm>> -> memref<1x8x128xf32, #tpu.memory_space<hbm>>
        %dma_wait3A_993 = tpu.memref_squeeze %dma_wait3A_992 : memref<1x8x128xf32, #tpu.memory_space<hbm>> -> memref<8x128xf32, #tpu.memory_space<hbm>>
        %dma_wait3A_994 = arith.constant 0 : i32
        %dma_wait3A_995 = arith.constant 0 : i32
        %dma_wait3A_996 = tpu.memref_slice %arg5[%dma_wait3A_985, %dma_wait3A_994, %dma_wait3A_995] : memref<200x64x4096xf32, #tpu.memory_space<hbm>> -> memref<1x8x128xf32, #tpu.memory_space<hbm>>
        %dma_wait3A_997 = tpu.memref_squeeze %dma_wait3A_996 : memref<1x8x128xf32, #tpu.memory_space<hbm>> -> memref<8x128xf32, #tpu.memory_space<hbm>>
        %dma_wait3A_998 = arith.constant 8 : i32
        %dma_wait3A_999 = arith.constant 0 : i32
        %dma_wait3A_1000 = tpu.memref_slice %arg8[%dma_wait3A_984, %dma_wait3A_998, %dma_wait3A_999] : memref<2x64x128xf32, #tpu.memory_space<vmem>> -> memref<1x8x128xf32, #tpu.memory_space<vmem>>
        %dma_wait3A_1001 = tpu.memref_squeeze %dma_wait3A_1000 : memref<1x8x128xf32, #tpu.memory_space<vmem>> -> memref<8x128xf32, #tpu.memory_space<vmem>>
        tpu.wait_dma2 semaphore(%arg11 : memref<!tpu.dma_semaphore, #tpu.memory_space<semaphore_mem>>) src(%dma_wait3A_1001 : memref<8x128xf32, #tpu.memory_space<vmem>>) dst(%dma_wait3A_997 : memref<8x128xf32, #tpu.memory_space<hbm>>)
        %dma_wait3A_1002 = arith.constant 1 : i32
        %dma_wait3A_1003 = arith.constant 0 : i32
        %dma_wait3A_1004 = arith.constant 16 : i32
        %dma_wait3A_1005 = arith.constant 0 : i32
        %dma_wait3A_1006 = tpu.memref_slice %arg8[%dma_wait3A_1002, %dma_wait3A_1004, %dma_wait3A_1005] : memref<2x64x128xf32, #tpu.memory_space<vmem>> -> memref<1x8x128xf32, #tpu.memory_space<vmem>>
        %dma_wait3A_1007 = tpu.memref_squeeze %dma_wait3A_1006 : memref<1x8x128xf32, #tpu.memory_space<vmem>> -> memref<8x128xf32, #tpu.memory_space<vmem>>
        %dma_wait3A_1008 = arith.constant 0 : i32
        %dma_wait3A_1009 = arith.constant 0 : i32
        %dma_wait3A_1010 = tpu.memref_slice %arg5[%dma_wait3A_1003, %dma_wait3A_1008, %dma_wait3A_1009] : memref<200x64x4096xf32, #tpu.memory_space<hbm>> -> memref<1x8x128xf32, #tpu.memory_space<hbm>>
        %dma_wait3A_1011 = tpu.memref_squeeze %dma_wait3A_1010 : memref<1x8x128xf32, #tpu.memory_space<hbm>> -> memref<8x128xf32, #tpu.memory_space<hbm>>
        %dma_wait3A_1012 = arith.constant 0 : i32
        %dma_wait3A_1013 = arith.constant 0 : i32
        %dma_wait3A_1014 = tpu.memref_slice %arg5[%dma_wait3A_1003, %dma_wait3A_1012, %dma_wait3A_1013] : memref<200x64x4096xf32, #tpu.memory_space<hbm>> -> memref<1x8x128xf32, #tpu.memory_space<hbm>>
        %dma_wait3A_1015 = tpu.memref_squeeze %dma_wait3A_1014 : memref<1x8x128xf32, #tpu.memory_space<hbm>> -> memref<8x128xf32, #tpu.memory_space<hbm>>
        %dma_wait3A_1016 = arith.constant 16 : i32
        %dma_wait3A_1017 = arith.constant 0 : i32
        %dma_wait3A_1018 = tpu.memref_slice %arg8[%dma_wait3A_1002, %dma_wait3A_1016, %dma_wait3A_1017] : memref<2x64x128xf32, #tpu.memory_space<vmem>> -> memref<1x8x128xf32, #tpu.memory_space<vmem>>
        %dma_wait3A_1019 = tpu.memref_squeeze %dma_wait3A_1018 : memref<1x8x128xf32, #tpu.memory_space<vmem>> -> memref<8x128xf32, #tpu.memory_space<vmem>>
        tpu.wait_dma2 semaphore(%arg11 : memref<!tpu.dma_semaphore, #tpu.memory_space<semaphore_mem>>) src(%dma_wait3A_1019 : memref<8x128xf32, #tpu.memory_space<vmem>>) dst(%dma_wait3A_1015 : memref<8x128xf32, #tpu.memory_space<hbm>>)
        %dma_wait3A_1020 = arith.constant 1 : i32
        %dma_wait3A_1021 = arith.constant 0 : i32
        %dma_wait3A_1022 = arith.constant 24 : i32
        %dma_wait3A_1023 = arith.constant 0 : i32
        %dma_wait3A_1024 = tpu.memref_slice %arg8[%dma_wait3A_1020, %dma_wait3A_1022, %dma_wait3A_1023] : memref<2x64x128xf32, #tpu.memory_space<vmem>> -> memref<1x8x128xf32, #tpu.memory_space<vmem>>
        %dma_wait3A_1025 = tpu.memref_squeeze %dma_wait3A_1024 : memref<1x8x128xf32, #tpu.memory_space<vmem>> -> memref<8x128xf32, #tpu.memory_space<vmem>>
        %dma_wait3A_1026 = arith.constant 0 : i32
        %dma_wait3A_1027 = arith.constant 0 : i32
        %dma_wait3A_1028 = tpu.memref_slice %arg5[%dma_wait3A_1021, %dma_wait3A_1026, %dma_wait3A_1027] : memref<200x64x4096xf32, #tpu.memory_space<hbm>> -> memref<1x8x128xf32, #tpu.memory_space<hbm>>
        %dma_wait3A_1029 = tpu.memref_squeeze %dma_wait3A_1028 : memref<1x8x128xf32, #tpu.memory_space<hbm>> -> memref<8x128xf32, #tpu.memory_space<hbm>>
        %dma_wait3A_1030 = arith.constant 0 : i32
        %dma_wait3A_1031 = arith.constant 0 : i32
        %dma_wait3A_1032 = tpu.memref_slice %arg5[%dma_wait3A_1021, %dma_wait3A_1030, %dma_wait3A_1031] : memref<200x64x4096xf32, #tpu.memory_space<hbm>> -> memref<1x8x128xf32, #tpu.memory_space<hbm>>
        %dma_wait3A_1033 = tpu.memref_squeeze %dma_wait3A_1032 : memref<1x8x128xf32, #tpu.memory_space<hbm>> -> memref<8x128xf32, #tpu.memory_space<hbm>>
        %dma_wait3A_1034 = arith.constant 24 : i32
        %dma_wait3A_1035 = arith.constant 0 : i32
        %dma_wait3A_1036 = tpu.memref_slice %arg8[%dma_wait3A_1020, %dma_wait3A_1034, %dma_wait3A_1035] : memref<2x64x128xf32, #tpu.memory_space<vmem>> -> memref<1x8x128xf32, #tpu.memory_space<vmem>>
        %dma_wait3A_1037 = tpu.memref_squeeze %dma_wait3A_1036 : memref<1x8x128xf32, #tpu.memory_space<vmem>> -> memref<8x128xf32, #tpu.memory_space<vmem>>
        tpu.wait_dma2 semaphore(%arg11 : memref<!tpu.dma_semaphore, #tpu.memory_space<semaphore_mem>>) src(%dma_wait3A_1037 : memref<8x128xf32, #tpu.memory_space<vmem>>) dst(%dma_wait3A_1033 : memref<8x128xf32, #tpu.memory_space<hbm>>)
        %dma_wait3A_1038 = arith.constant 1 : i32
        %dma_wait3A_1039 = arith.constant 0 : i32
        %dma_wait3A_1040 = arith.constant 32 : i32
        %dma_wait3A_1041 = arith.constant 0 : i32
        %dma_wait3A_1042 = tpu.memref_slice %arg8[%dma_wait3A_1038, %dma_wait3A_1040, %dma_wait3A_1041] : memref<2x64x128xf32, #tpu.memory_space<vmem>> -> memref<1x8x128xf32, #tpu.memory_space<vmem>>
        %dma_wait3A_1043 = tpu.memref_squeeze %dma_wait3A_1042 : memref<1x8x128xf32, #tpu.memory_space<vmem>> -> memref<8x128xf32, #tpu.memory_space<vmem>>
        %dma_wait3A_1044 = arith.constant 0 : i32
        %dma_wait3A_1045 = arith.constant 0 : i32
        %dma_wait3A_1046 = tpu.memref_slice %arg5[%dma_wait3A_1039, %dma_wait3A_1044, %dma_wait3A_1045] : memref<200x64x4096xf32, #tpu.memory_space<hbm>> -> memref<1x8x128xf32, #tpu.memory_space<hbm>>
        %dma_wait3A_1047 = tpu.memref_squeeze %dma_wait3A_1046 : memref<1x8x128xf32, #tpu.memory_space<hbm>> -> memref<8x128xf32, #tpu.memory_space<hbm>>
        %dma_wait3A_1048 = arith.constant 0 : i32
        %dma_wait3A_1049 = arith.constant 0 : i32
        %dma_wait3A_1050 = tpu.memref_slice %arg5[%dma_wait3A_1039, %dma_wait3A_1048, %dma_wait3A_1049] : memref<200x64x4096xf32, #tpu.memory_space<hbm>> -> memref<1x8x128xf32, #tpu.memory_space<hbm>>
        %dma_wait3A_1051 = tpu.memref_squeeze %dma_wait3A_1050 : memref<1x8x128xf32, #tpu.memory_space<hbm>> -> memref<8x128xf32, #tpu.memory_space<hbm>>
        %dma_wait3A_1052 = arith.constant 32 : i32
        %dma_wait3A_1053 = arith.constant 0 : i32
        %dma_wait3A_1054 = tpu.memref_slice %arg8[%dma_wait3A_1038, %dma_wait3A_1052, %dma_wait3A_1053] : memref<2x64x128xf32, #tpu.memory_space<vmem>> -> memref<1x8x128xf32, #tpu.memory_space<vmem>>
        %dma_wait3A_1055 = tpu.memref_squeeze %dma_wait3A_1054 : memref<1x8x128xf32, #tpu.memory_space<vmem>> -> memref<8x128xf32, #tpu.memory_space<vmem>>
        tpu.wait_dma2 semaphore(%arg11 : memref<!tpu.dma_semaphore, #tpu.memory_space<semaphore_mem>>) src(%dma_wait3A_1055 : memref<8x128xf32, #tpu.memory_space<vmem>>) dst(%dma_wait3A_1051 : memref<8x128xf32, #tpu.memory_space<hbm>>)
        %dma_wait3A_1056 = arith.constant 1 : i32
        %dma_wait3A_1057 = arith.constant 0 : i32
        %dma_wait3A_1058 = arith.constant 40 : i32
        %dma_wait3A_1059 = arith.constant 0 : i32
        %dma_wait3A_1060 = tpu.memref_slice %arg8[%dma_wait3A_1056, %dma_wait3A_1058, %dma_wait3A_1059] : memref<2x64x128xf32, #tpu.memory_space<vmem>> -> memref<1x8x128xf32, #tpu.memory_space<vmem>>
        %dma_wait3A_1061 = tpu.memref_squeeze %dma_wait3A_1060 : memref<1x8x128xf32, #tpu.memory_space<vmem>> -> memref<8x128xf32, #tpu.memory_space<vmem>>
        %dma_wait3A_1062 = arith.constant 0 : i32
        %dma_wait3A_1063 = arith.constant 0 : i32
        %dma_wait3A_1064 = tpu.memref_slice %arg5[%dma_wait3A_1057, %dma_wait3A_1062, %dma_wait3A_1063] : memref<200x64x4096xf32, #tpu.memory_space<hbm>> -> memref<1x8x128xf32, #tpu.memory_space<hbm>>
        %dma_wait3A_1065 = tpu.memref_squeeze %dma_wait3A_1064 : memref<1x8x128xf32, #tpu.memory_space<hbm>> -> memref<8x128xf32, #tpu.memory_space<hbm>>
        %dma_wait3A_1066 = arith.constant 0 : i32
        %dma_wait3A_1067 = arith.constant 0 : i32
        %dma_wait3A_1068 = tpu.memref_slice %arg5[%dma_wait3A_1057, %dma_wait3A_1066, %dma_wait3A_1067] : memref<200x64x4096xf32, #tpu.memory_space<hbm>> -> memref<1x8x128xf32, #tpu.memory_space<hbm>>
        %dma_wait3A_1069 = tpu.memref_squeeze %dma_wait3A_1068 : memref<1x8x128xf32, #tpu.memory_space<hbm>> -> memref<8x128xf32, #tpu.memory_space<hbm>>
        %dma_wait3A_1070 = arith.constant 40 : i32
        %dma_wait3A_1071 = arith.constant 0 : i32
        %dma_wait3A_1072 = tpu.memref_slice %arg8[%dma_wait3A_1056, %dma_wait3A_1070, %dma_wait3A_1071] : memref<2x64x128xf32, #tpu.memory_space<vmem>> -> memref<1x8x128xf32, #tpu.memory_space<vmem>>
        %dma_wait3A_1073 = tpu.memref_squeeze %dma_wait3A_1072 : memref<1x8x128xf32, #tpu.memory_space<vmem>> -> memref<8x128xf32, #tpu.memory_space<vmem>>
        tpu.wait_dma2 semaphore(%arg11 : memref<!tpu.dma_semaphore, #tpu.memory_space<semaphore_mem>>) src(%dma_wait3A_1073 : memref<8x128xf32, #tpu.memory_space<vmem>>) dst(%dma_wait3A_1069 : memref<8x128xf32, #tpu.memory_space<hbm>>)
        %dma_wait3A_1074 = arith.constant 1 : i32
        %dma_wait3A_1075 = arith.constant 0 : i32
        %dma_wait3A_1076 = arith.constant 48 : i32
        %dma_wait3A_1077 = arith.constant 0 : i32
        %dma_wait3A_1078 = tpu.memref_slice %arg8[%dma_wait3A_1074, %dma_wait3A_1076, %dma_wait3A_1077] : memref<2x64x128xf32, #tpu.memory_space<vmem>> -> memref<1x8x128xf32, #tpu.memory_space<vmem>>
        %dma_wait3A_1079 = tpu.memref_squeeze %dma_wait3A_1078 : memref<1x8x128xf32, #tpu.memory_space<vmem>> -> memref<8x128xf32, #tpu.memory_space<vmem>>
        %dma_wait3A_1080 = arith.constant 0 : i32
        %dma_wait3A_1081 = arith.constant 0 : i32
        %dma_wait3A_1082 = tpu.memref_slice %arg5[%dma_wait3A_1075, %dma_wait3A_1080, %dma_wait3A_1081] : memref<200x64x4096xf32, #tpu.memory_space<hbm>> -> memref<1x8x128xf32, #tpu.memory_space<hbm>>
        %dma_wait3A_1083 = tpu.memref_squeeze %dma_wait3A_1082 : memref<1x8x128xf32, #tpu.memory_space<hbm>> -> memref<8x128xf32, #tpu.memory_space<hbm>>
        %dma_wait3A_1084 = arith.constant 0 : i32
        %dma_wait3A_1085 = arith.constant 0 : i32
        %dma_wait3A_1086 = tpu.memref_slice %arg5[%dma_wait3A_1075, %dma_wait3A_1084, %dma_wait3A_1085] : memref<200x64x4096xf32, #tpu.memory_space<hbm>> -> memref<1x8x128xf32, #tpu.memory_space<hbm>>
        %dma_wait3A_1087 = tpu.memref_squeeze %dma_wait3A_1086 : memref<1x8x128xf32, #tpu.memory_space<hbm>> -> memref<8x128xf32, #tpu.memory_space<hbm>>
        %dma_wait3A_1088 = arith.constant 48 : i32
        %dma_wait3A_1089 = arith.constant 0 : i32
        %dma_wait3A_1090 = tpu.memref_slice %arg8[%dma_wait3A_1074, %dma_wait3A_1088, %dma_wait3A_1089] : memref<2x64x128xf32, #tpu.memory_space<vmem>> -> memref<1x8x128xf32, #tpu.memory_space<vmem>>
        %dma_wait3A_1091 = tpu.memref_squeeze %dma_wait3A_1090 : memref<1x8x128xf32, #tpu.memory_space<vmem>> -> memref<8x128xf32, #tpu.memory_space<vmem>>
        tpu.wait_dma2 semaphore(%arg11 : memref<!tpu.dma_semaphore, #tpu.memory_space<semaphore_mem>>) src(%dma_wait3A_1091 : memref<8x128xf32, #tpu.memory_space<vmem>>) dst(%dma_wait3A_1087 : memref<8x128xf32, #tpu.memory_space<hbm>>)
        %dma_wait3A_1092 = arith.constant 1 : i32
        %dma_wait3A_1093 = arith.constant 0 : i32
        %dma_wait3A_1094 = arith.constant 56 : i32
        %dma_wait3A_1095 = arith.constant 0 : i32
        %dma_wait3A_1096 = tpu.memref_slice %arg8[%dma_wait3A_1092, %dma_wait3A_1094, %dma_wait3A_1095] : memref<2x64x128xf32, #tpu.memory_space<vmem>> -> memref<1x8x128xf32, #tpu.memory_space<vmem>>
        %dma_wait3A_1097 = tpu.memref_squeeze %dma_wait3A_1096 : memref<1x8x128xf32, #tpu.memory_space<vmem>> -> memref<8x128xf32, #tpu.memory_space<vmem>>
        %dma_wait3A_1098 = arith.constant 0 : i32
        %dma_wait3A_1099 = arith.constant 0 : i32
        %dma_wait3A_1100 = tpu.memref_slice %arg5[%dma_wait3A_1093, %dma_wait3A_1098, %dma_wait3A_1099] : memref<200x64x4096xf32, #tpu.memory_space<hbm>> -> memref<1x8x128xf32, #tpu.memory_space<hbm>>
        %dma_wait3A_1101 = tpu.memref_squeeze %dma_wait3A_1100 : memref<1x8x128xf32, #tpu.memory_space<hbm>> -> memref<8x128xf32, #tpu.memory_space<hbm>>
        %dma_wait3A_1102 = arith.constant 0 : i32
        %dma_wait3A_1103 = arith.constant 0 : i32
        %dma_wait3A_1104 = tpu.memref_slice %arg5[%dma_wait3A_1093, %dma_wait3A_1102, %dma_wait3A_1103] : memref<200x64x4096xf32, #tpu.memory_space<hbm>> -> memref<1x8x128xf32, #tpu.memory_space<hbm>>
        %dma_wait3A_1105 = tpu.memref_squeeze %dma_wait3A_1104 : memref<1x8x128xf32, #tpu.memory_space<hbm>> -> memref<8x128xf32, #tpu.memory_space<hbm>>
        %dma_wait3A_1106 = arith.constant 56 : i32
        %dma_wait3A_1107 = arith.constant 0 : i32
        %dma_wait3A_1108 = tpu.memref_slice %arg8[%dma_wait3A_1092, %dma_wait3A_1106, %dma_wait3A_1107] : memref<2x64x128xf32, #tpu.memory_space<vmem>> -> memref<1x8x128xf32, #tpu.memory_space<vmem>>
        %dma_wait3A_1109 = tpu.memref_squeeze %dma_wait3A_1108 : memref<1x8x128xf32, #tpu.memory_space<vmem>> -> memref<8x128xf32, #tpu.memory_space<vmem>>
        tpu.wait_dma2 semaphore(%arg11 : memref<!tpu.dma_semaphore, #tpu.memory_space<semaphore_mem>>) src(%dma_wait3A_1109 : memref<8x128xf32, #tpu.memory_space<vmem>>) dst(%dma_wait3A_1105 : memref<8x128xf32, #tpu.memory_space<hbm>>)
      } else {
      }
      %parallel_loop3A_535 = arith.constant 0 : i32
      %parallel_loop3A_536 = arith.constant 64 : i32
      %parallel_loop3A_537 = arith.constant 1 : i32
      scf.for %parallel_loop3A_966 = %parallel_loop3A_535 to %parallel_loop3A_536 step %parallel_loop3A_537  : i32 {
        %parallel_loop3A_967 = arith.constant 0 : i32
        %parallel_loop3A_968 = vector.broadcast %parallel_loop3A_967 : i32 to vector<16xi32>
        %parallel_loop3A_969 = arith.constant 64 : i32
        %parallel_loop3A_970 = arith.muli %add3A_507, %parallel_loop3A_969 : i32
        %parallel_loop3A_971 = arith.addi %parallel_loop3A_970, %parallel_loop3A_966 : i32
        %parallel_loop3A_972 = vector.broadcast %parallel_loop3A_971 : i32 to vector<16xi32>
        %parallel_loop3A_973 = arith.addi %parallel_loop3A_968, %parallel_loop3A_972 : vector<16xi32>
        %parallel_loop3A_974 = tpu.vector_load_idx %arg9[%parallel_loop3A_973] : memref<12800xf32, #tpu.memory_space<vmem>>[vector<16xi32>], vector<16xf32>,
        %parallel_loop3A_975 = arith.constant 0 : i32
        %parallel_loop3A_976 = vector.broadcast %parallel_loop3A_975 : i32 to vector<16xi32>
        %parallel_loop3A_977 = vector.broadcast %parallel_loop3A_966 : i32 to vector<16xi32>
        %parallel_loop3A_978 = arith.addi %parallel_loop3A_976, %parallel_loop3A_977 : vector<16xi32>
        %parallel_loop3A_979 = arith.constant 1 : i32
        %parallel_loop3A_980 = arith.constant 0 : i32
        %parallel_loop3A_981 = arith.constant 0 : i32
        %parallel_loop3A_982 = tpu.memref_slice %arg7[%parallel_loop3A_979, %parallel_loop3A_980, %parallel_loop3A_981] : memref<4x128x128xf32, #tpu.memory_space<vmem>> -> memref<1x128x128xf32, #tpu.memory_space<vmem>>
        %parallel_loop3A_983 = tpu.memref_squeeze %parallel_loop3A_982 : memref<1x128x128xf32, #tpu.memory_space<vmem>> -> memref<128x128xf32, #tpu.memory_space<vmem>>
        %parallel_loop3A_984 = tpu.vector_load_idx %parallel_loop3A_983[%add3A_40, %parallel_loop3A_978] : memref<128x128xf32, #tpu.memory_space<vmem>>[vector<16xi32>, vector<16xi32>], vector<16xf32>,
        %parallel_loop3A_985 = arith.addf %parallel_loop3A_984, %parallel_loop3A_974 : vector<16xf32>
        %parallel_loop3A_986 = arith.constant 1 : i32
        %parallel_loop3A_987 = arith.index_cast %parallel_loop3A_986 : i32 to index
        %parallel_loop3A_988 = arith.index_cast %parallel_loop3A_966 : i32 to index
        %parallel_loop3A_989 = arith.constant 0 : index
        %parallel_loop3A_990 = tpu.vector_load %arg8[%parallel_loop3A_987, %parallel_loop3A_988, %parallel_loop3A_989] {strides = array<i32>} : memref<2x64x128xf32, #tpu.memory_space<vmem>>, vector<16xf32>,
        tpu.vector_store %arg8[%parallel_loop3A_987, %parallel_loop3A_988, %parallel_loop3A_989], %parallel_loop3A_985 {strides = array<i32>} : memref<2x64x128xf32, #tpu.memory_space<vmem>>, vector<16xf32>,
        %parallel_loop3A_991 = arith.constant 1 : i32
        %parallel_loop3A_992 = arith.constant 0 : i32
        %parallel_loop3A_993 = arith.constant 0 : i32
        %parallel_loop3A_994 = tpu.memref_slice %arg7[%parallel_loop3A_991, %parallel_loop3A_992, %parallel_loop3A_993] : memref<4x128x128xf32, #tpu.memory_space<vmem>> -> memref<1x128x128xf32, #tpu.memory_space<vmem>>
        %parallel_loop3A_995 = tpu.memref_squeeze %parallel_loop3A_994 : memref<1x128x128xf32, #tpu.memory_space<vmem>> -> memref<128x128xf32, #tpu.memory_space<vmem>>
        %parallel_loop3A_996 = tpu.vector_load_idx %parallel_loop3A_995[%add3A_43, %parallel_loop3A_978] : memref<128x128xf32, #tpu.memory_space<vmem>>[vector<16xi32>, vector<16xi32>], vector<16xf32>,
        %parallel_loop3A_997 = arith.addf %parallel_loop3A_996, %parallel_loop3A_974 : vector<16xf32>
        %parallel_loop3A_998 = arith.constant 1 : i32
        %parallel_loop3A_999 = arith.index_cast %parallel_loop3A_998 : i32 to index
        %parallel_loop3A_1000 = arith.index_cast %parallel_loop3A_966 : i32 to index
        %parallel_loop3A_1001 = arith.constant 16 : index
        %parallel_loop3A_1002 = tpu.vector_load %arg8[%parallel_loop3A_999, %parallel_loop3A_1000, %parallel_loop3A_1001] {strides = array<i32>} : memref<2x64x128xf32, #tpu.memory_space<vmem>>, vector<16xf32>,
        tpu.vector_store %arg8[%parallel_loop3A_999, %parallel_loop3A_1000, %parallel_loop3A_1001], %parallel_loop3A_997 {strides = array<i32>} : memref<2x64x128xf32, #tpu.memory_space<vmem>>, vector<16xf32>,
        %parallel_loop3A_1003 = arith.constant 1 : i32
        %parallel_loop3A_1004 = arith.constant 0 : i32
        %parallel_loop3A_1005 = arith.constant 0 : i32
        %parallel_loop3A_1006 = tpu.memref_slice %arg7[%parallel_loop3A_1003, %parallel_loop3A_1004, %parallel_loop3A_1005] : memref<4x128x128xf32, #tpu.memory_space<vmem>> -> memref<1x128x128xf32, #tpu.memory_space<vmem>>
        %parallel_loop3A_1007 = tpu.memref_squeeze %parallel_loop3A_1006 : memref<1x128x128xf32, #tpu.memory_space<vmem>> -> memref<128x128xf32, #tpu.memory_space<vmem>>
        %parallel_loop3A_1008 = tpu.vector_load_idx %parallel_loop3A_1007[%add3A_46, %parallel_loop3A_978] : memref<128x128xf32, #tpu.memory_space<vmem>>[vector<16xi32>, vector<16xi32>], vector<16xf32>,
        %parallel_loop3A_1009 = arith.addf %parallel_loop3A_1008, %parallel_loop3A_974 : vector<16xf32>
        %parallel_loop3A_1010 = arith.constant 1 : i32
        %parallel_loop3A_1011 = arith.index_cast %parallel_loop3A_1010 : i32 to index
        %parallel_loop3A_1012 = arith.index_cast %parallel_loop3A_966 : i32 to index
        %parallel_loop3A_1013 = arith.constant 32 : index
        %parallel_loop3A_1014 = tpu.vector_load %arg8[%parallel_loop3A_1011, %parallel_loop3A_1012, %parallel_loop3A_1013] {strides = array<i32>} : memref<2x64x128xf32, #tpu.memory_space<vmem>>, vector<16xf32>,
        tpu.vector_store %arg8[%parallel_loop3A_1011, %parallel_loop3A_1012, %parallel_loop3A_1013], %parallel_loop3A_1009 {strides = array<i32>} : memref<2x64x128xf32, #tpu.memory_space<vmem>>, vector<16xf32>,
        %parallel_loop3A_1015 = arith.constant 1 : i32
        %parallel_loop3A_1016 = arith.constant 0 : i32
        %parallel_loop3A_1017 = arith.constant 0 : i32
        %parallel_loop3A_1018 = tpu.memref_slice %arg7[%parallel_loop3A_1015, %parallel_loop3A_1016, %parallel_loop3A_1017] : memref<4x128x128xf32, #tpu.memory_space<vmem>> -> memref<1x128x128xf32, #tpu.memory_space<vmem>>
        %parallel_loop3A_1019 = tpu.memref_squeeze %parallel_loop3A_1018 : memref<1x128x128xf32, #tpu.memory_space<vmem>> -> memref<128x128xf32, #tpu.memory_space<vmem>>
        %parallel_loop3A_1020 = tpu.vector_load_idx %parallel_loop3A_1019[%add3A_49, %parallel_loop3A_978] : memref<128x128xf32, #tpu.memory_space<vmem>>[vector<16xi32>, vector<16xi32>], vector<16xf32>,
        %parallel_loop3A_1021 = arith.addf %parallel_loop3A_1020, %parallel_loop3A_974 : vector<16xf32>
        %parallel_loop3A_1022 = arith.constant 1 : i32
        %parallel_loop3A_1023 = arith.index_cast %parallel_loop3A_1022 : i32 to index
        %parallel_loop3A_1024 = arith.index_cast %parallel_loop3A_966 : i32 to index
        %parallel_loop3A_1025 = arith.constant 48 : index
        %parallel_loop3A_1026 = tpu.vector_load %arg8[%parallel_loop3A_1023, %parallel_loop3A_1024, %parallel_loop3A_1025] {strides = array<i32>} : memref<2x64x128xf32, #tpu.memory_space<vmem>>, vector<16xf32>,
        tpu.vector_store %arg8[%parallel_loop3A_1023, %parallel_loop3A_1024, %parallel_loop3A_1025], %parallel_loop3A_1021 {strides = array<i32>} : memref<2x64x128xf32, #tpu.memory_space<vmem>>, vector<16xf32>,
        %parallel_loop3A_1027 = arith.constant 1 : i32
        %parallel_loop3A_1028 = arith.constant 0 : i32
        %parallel_loop3A_1029 = arith.constant 0 : i32
        %parallel_loop3A_1030 = tpu.memref_slice %arg7[%parallel_loop3A_1027, %parallel_loop3A_1028, %parallel_loop3A_1029] : memref<4x128x128xf32, #tpu.memory_space<vmem>> -> memref<1x128x128xf32, #tpu.memory_space<vmem>>
        %parallel_loop3A_1031 = tpu.memref_squeeze %parallel_loop3A_1030 : memref<1x128x128xf32, #tpu.memory_space<vmem>> -> memref<128x128xf32, #tpu.memory_space<vmem>>
        %parallel_loop3A_1032 = tpu.vector_load_idx %parallel_loop3A_1031[%add3A_52, %parallel_loop3A_978] : memref<128x128xf32, #tpu.memory_space<vmem>>[vector<16xi32>, vector<16xi32>], vector<16xf32>,
        %parallel_loop3A_1033 = arith.addf %parallel_loop3A_1032, %parallel_loop3A_974 : vector<16xf32>
        %parallel_loop3A_1034 = arith.constant 1 : i32
        %parallel_loop3A_1035 = arith.index_cast %parallel_loop3A_1034 : i32 to index
        %parallel_loop3A_1036 = arith.index_cast %parallel_loop3A_966 : i32 to index
        %parallel_loop3A_1037 = arith.constant 64 : index
        %parallel_loop3A_1038 = tpu.vector_load %arg8[%parallel_loop3A_1035, %parallel_loop3A_1036, %parallel_loop3A_1037] {strides = array<i32>} : memref<2x64x128xf32, #tpu.memory_space<vmem>>, vector<16xf32>,
        tpu.vector_store %arg8[%parallel_loop3A_1035, %parallel_loop3A_1036, %parallel_loop3A_1037], %parallel_loop3A_1033 {strides = array<i32>} : memref<2x64x128xf32, #tpu.memory_space<vmem>>, vector<16xf32>,
        %parallel_loop3A_1039 = arith.constant 1 : i32
        %parallel_loop3A_1040 = arith.constant 0 : i32
        %parallel_loop3A_1041 = arith.constant 0 : i32
        %parallel_loop3A_1042 = tpu.memref_slice %arg7[%parallel_loop3A_1039, %parallel_loop3A_1040, %parallel_loop3A_1041] : memref<4x128x128xf32, #tpu.memory_space<vmem>> -> memref<1x128x128xf32, #tpu.memory_space<vmem>>
        %parallel_loop3A_1043 = tpu.memref_squeeze %parallel_loop3A_1042 : memref<1x128x128xf32, #tpu.memory_space<vmem>> -> memref<128x128xf32, #tpu.memory_space<vmem>>
        %parallel_loop3A_1044 = tpu.vector_load_idx %parallel_loop3A_1043[%add3A_55, %parallel_loop3A_978] : memref<128x128xf32, #tpu.memory_space<vmem>>[vector<16xi32>, vector<16xi32>], vector<16xf32>,
        %parallel_loop3A_1045 = arith.addf %parallel_loop3A_1044, %parallel_loop3A_974 : vector<16xf32>
        %parallel_loop3A_1046 = arith.constant 1 : i32
        %parallel_loop3A_1047 = arith.index_cast %parallel_loop3A_1046 : i32 to index
        %parallel_loop3A_1048 = arith.index_cast %parallel_loop3A_966 : i32 to index
        %parallel_loop3A_1049 = arith.constant 80 : index
        %parallel_loop3A_1050 = tpu.vector_load %arg8[%parallel_loop3A_1047, %parallel_loop3A_1048, %parallel_loop3A_1049] {strides = array<i32>} : memref<2x64x128xf32, #tpu.memory_space<vmem>>, vector<16xf32>,
        tpu.vector_store %arg8[%parallel_loop3A_1047, %parallel_loop3A_1048, %parallel_loop3A_1049], %parallel_loop3A_1045 {strides = array<i32>} : memref<2x64x128xf32, #tpu.memory_space<vmem>>, vector<16xf32>,
        %parallel_loop3A_1051 = arith.constant 1 : i32
        %parallel_loop3A_1052 = arith.constant 0 : i32
        %parallel_loop3A_1053 = arith.constant 0 : i32
        %parallel_loop3A_1054 = tpu.memref_slice %arg7[%parallel_loop3A_1051, %parallel_loop3A_1052, %parallel_loop3A_1053] : memref<4x128x128xf32, #tpu.memory_space<vmem>> -> memref<1x128x128xf32, #tpu.memory_space<vmem>>
        %parallel_loop3A_1055 = tpu.memref_squeeze %parallel_loop3A_1054 : memref<1x128x128xf32, #tpu.memory_space<vmem>> -> memref<128x128xf32, #tpu.memory_space<vmem>>
        %parallel_loop3A_1056 = tpu.vector_load_idx %parallel_loop3A_1055[%add3A_58, %parallel_loop3A_978] : memref<128x128xf32, #tpu.memory_space<vmem>>[vector<16xi32>, vector<16xi32>], vector<16xf32>,
        %parallel_loop3A_1057 = arith.addf %parallel_loop3A_1056, %parallel_loop3A_974 : vector<16xf32>
        %parallel_loop3A_1058 = arith.constant 1 : i32
        %parallel_loop3A_1059 = arith.index_cast %parallel_loop3A_1058 : i32 to index
        %parallel_loop3A_1060 = arith.index_cast %parallel_loop3A_966 : i32 to index
        %parallel_loop3A_1061 = arith.constant 96 : index
        %parallel_loop3A_1062 = tpu.vector_load %arg8[%parallel_loop3A_1059, %parallel_loop3A_1060, %parallel_loop3A_1061] {strides = array<i32>} : memref<2x64x128xf32, #tpu.memory_space<vmem>>, vector<16xf32>,
        tpu.vector_store %arg8[%parallel_loop3A_1059, %parallel_loop3A_1060, %parallel_loop3A_1061], %parallel_loop3A_1057 {strides = array<i32>} : memref<2x64x128xf32, #tpu.memory_space<vmem>>, vector<16xf32>,
        %parallel_loop3A_1063 = arith.constant 1 : i32
        %parallel_loop3A_1064 = arith.constant 0 : i32
        %parallel_loop3A_1065 = arith.constant 0 : i32
        %parallel_loop3A_1066 = tpu.memref_slice %arg7[%parallel_loop3A_1063, %parallel_loop3A_1064, %parallel_loop3A_1065] : memref<4x128x128xf32, #tpu.memory_space<vmem>> -> memref<1x128x128xf32, #tpu.memory_space<vmem>>
        %parallel_loop3A_1067 = tpu.memref_squeeze %parallel_loop3A_1066 : memref<1x128x128xf32, #tpu.memory_space<vmem>> -> memref<128x128xf32, #tpu.memory_space<vmem>>
        %parallel_loop3A_1068 = tpu.vector_load_idx %parallel_loop3A_1067[%add3A_61, %parallel_loop3A_978] : memref<128x128xf32, #tpu.memory_space<vmem>>[vector<16xi32>, vector<16xi32>], vector<16xf32>,
        %parallel_loop3A_1069 = arith.addf %parallel_loop3A_1068, %parallel_loop3A_974 : vector<16xf32>
        %parallel_loop3A_1070 = arith.constant 1 : i32
        %parallel_loop3A_1071 = arith.index_cast %parallel_loop3A_1070 : i32 to index
        %parallel_loop3A_1072 = arith.index_cast %parallel_loop3A_966 : i32 to index
        %parallel_loop3A_1073 = arith.constant 112 : index
        %parallel_loop3A_1074 = tpu.vector_load %arg8[%parallel_loop3A_1071, %parallel_loop3A_1072, %parallel_loop3A_1073] {strides = array<i32>} : memref<2x64x128xf32, #tpu.memory_space<vmem>>, vector<16xf32>,
        tpu.vector_store %arg8[%parallel_loop3A_1071, %parallel_loop3A_1072, %parallel_loop3A_1073], %parallel_loop3A_1069 {strides = array<i32>} : memref<2x64x128xf32, #tpu.memory_space<vmem>>, vector<16xf32>,
      } {sc.loop_unroll_factor = 4 : i64, sc.parallel_access}
      %dma_start3A_538 = arith.constant 1 : i32
      %dma_start3A_539 = arith.constant 0 : i32
      %dma_start3A_540 = arith.constant 0 : i32
      %dma_start3A_541 = tpu.memref_slice %arg8[%dma_start3A_538, %dma_start3A_539, %dma_start3A_540] : memref<2x64x128xf32, #tpu.memory_space<vmem>> -> memref<1x8x128xf32, #tpu.memory_space<vmem>>
      %dma_start3A_542 = tpu.memref_squeeze %dma_start3A_541 : memref<1x8x128xf32, #tpu.memory_space<vmem>> -> memref<8x128xf32, #tpu.memory_space<vmem>>
      %dma_start3A_543 = arith.constant 0 : i32
      %dma_start3A_544 = tpu.memref_slice %arg5[%add3A_507, %dma_start3A_543, %mul3A_2] : memref<200x64x4096xf32, #tpu.memory_space<hbm>> -> memref<1x8x128xf32, #tpu.memory_space<hbm>>
      %dma_start3A_545 = tpu.memref_squeeze %dma_start3A_544 : memref<1x8x128xf32, #tpu.memory_space<hbm>> -> memref<8x128xf32, #tpu.memory_space<hbm>>
      %dma_start3A_546 = arith.constant 0 : i32
      %dma_start3A_547 = tpu.memref_slice %arg5[%add3A_507, %dma_start3A_546, %mul3A_2] : memref<200x64x4096xf32, #tpu.memory_space<hbm>> -> memref<1x8x128xf32, #tpu.memory_space<hbm>>
      %dma_start3A_548 = tpu.memref_squeeze %dma_start3A_547 : memref<1x8x128xf32, #tpu.memory_space<hbm>> -> memref<8x128xf32, #tpu.memory_space<hbm>>
      %dma_start3A_549 = arith.constant 0 : i32
      %dma_start3A_550 = arith.constant 0 : i32
      %dma_start3A_551 = tpu.memref_slice %arg8[%dma_start3A_538, %dma_start3A_549, %dma_start3A_550] : memref<2x64x128xf32, #tpu.memory_space<vmem>> -> memref<1x8x128xf32, #tpu.memory_space<vmem>>
      %dma_start3A_552 = tpu.memref_squeeze %dma_start3A_551 : memref<1x8x128xf32, #tpu.memory_space<vmem>> -> memref<8x128xf32, #tpu.memory_space<vmem>>
      tpu.enqueue_dma source(%dma_start3A_552 : memref<8x128xf32, #tpu.memory_space<vmem>>) target(%dma_start3A_548 : memref<8x128xf32, #tpu.memory_space<hbm>>) target_semaphore(%arg11 : memref<!tpu.dma_semaphore, #tpu.memory_space<semaphore_mem>>)
      %dma_start3A_553 = arith.constant 1 : i32
      %dma_start3A_554 = arith.constant 8 : i32
      %dma_start3A_555 = arith.constant 0 : i32
      %dma_start3A_556 = tpu.memref_slice %arg8[%dma_start3A_553, %dma_start3A_554, %dma_start3A_555] : memref<2x64x128xf32, #tpu.memory_space<vmem>> -> memref<1x8x128xf32, #tpu.memory_space<vmem>>
      %dma_start3A_557 = tpu.memref_squeeze %dma_start3A_556 : memref<1x8x128xf32, #tpu.memory_space<vmem>> -> memref<8x128xf32, #tpu.memory_space<vmem>>
      %dma_start3A_558 = arith.constant 8 : i32
      %dma_start3A_559 = tpu.memref_slice %arg5[%add3A_507, %dma_start3A_558, %mul3A_2] : memref<200x64x4096xf32, #tpu.memory_space<hbm>> -> memref<1x8x128xf32, #tpu.memory_space<hbm>>
      %dma_start3A_560 = tpu.memref_squeeze %dma_start3A_559 : memref<1x8x128xf32, #tpu.memory_space<hbm>> -> memref<8x128xf32, #tpu.memory_space<hbm>>
      %dma_start3A_561 = arith.constant 8 : i32
      %dma_start3A_562 = tpu.memref_slice %arg5[%add3A_507, %dma_start3A_561, %mul3A_2] : memref<200x64x4096xf32, #tpu.memory_space<hbm>> -> memref<1x8x128xf32, #tpu.memory_space<hbm>>
      %dma_start3A_563 = tpu.memref_squeeze %dma_start3A_562 : memref<1x8x128xf32, #tpu.memory_space<hbm>> -> memref<8x128xf32, #tpu.memory_space<hbm>>
      %dma_start3A_564 = arith.constant 8 : i32
      %dma_start3A_565 = arith.constant 0 : i32
      %dma_start3A_566 = tpu.memref_slice %arg8[%dma_start3A_553, %dma_start3A_564, %dma_start3A_565] : memref<2x64x128xf32, #tpu.memory_space<vmem>> -> memref<1x8x128xf32, #tpu.memory_space<vmem>>
      %dma_start3A_567 = tpu.memref_squeeze %dma_start3A_566 : memref<1x8x128xf32, #tpu.memory_space<vmem>> -> memref<8x128xf32, #tpu.memory_space<vmem>>
      tpu.enqueue_dma source(%dma_start3A_567 : memref<8x128xf32, #tpu.memory_space<vmem>>) target(%dma_start3A_563 : memref<8x128xf32, #tpu.memory_space<hbm>>) target_semaphore(%arg11 : memref<!tpu.dma_semaphore, #tpu.memory_space<semaphore_mem>>)
      %dma_start3A_568 = arith.constant 1 : i32
      %dma_start3A_569 = arith.constant 16 : i32
      %dma_start3A_570 = arith.constant 0 : i32
      %dma_start3A_571 = tpu.memref_slice %arg8[%dma_start3A_568, %dma_start3A_569, %dma_start3A_570] : memref<2x64x128xf32, #tpu.memory_space<vmem>> -> memref<1x8x128xf32, #tpu.memory_space<vmem>>
      %dma_start3A_572 = tpu.memref_squeeze %dma_start3A_571 : memref<1x8x128xf32, #tpu.memory_space<vmem>> -> memref<8x128xf32, #tpu.memory_space<vmem>>
      %dma_start3A_573 = arith.constant 16 : i32
      %dma_start3A_574 = tpu.memref_slice %arg5[%add3A_507, %dma_start3A_573, %mul3A_2] : memref<200x64x4096xf32, #tpu.memory_space<hbm>> -> memref<1x8x128xf32, #tpu.memory_space<hbm>>
      %dma_start3A_575 = tpu.memref_squeeze %dma_start3A_574 : memref<1x8x128xf32, #tpu.memory_space<hbm>> -> memref<8x128xf32, #tpu.memory_space<hbm>>
      %dma_start3A_576 = arith.constant 16 : i32
      %dma_start3A_577 = tpu.memref_slice %arg5[%add3A_507, %dma_start3A_576, %mul3A_2] : memref<200x64x4096xf32, #tpu.memory_space<hbm>> -> memref<1x8x128xf32, #tpu.memory_space<hbm>>
      %dma_start3A_578 = tpu.memref_squeeze %dma_start3A_577 : memref<1x8x128xf32, #tpu.memory_space<hbm>> -> memref<8x128xf32, #tpu.memory_space<hbm>>
      %dma_start3A_579 = arith.constant 16 : i32
      %dma_start3A_580 = arith.constant 0 : i32
      %dma_start3A_581 = tpu.memref_slice %arg8[%dma_start3A_568, %dma_start3A_579, %dma_start3A_580] : memref<2x64x128xf32, #tpu.memory_space<vmem>> -> memref<1x8x128xf32, #tpu.memory_space<vmem>>
      %dma_start3A_582 = tpu.memref_squeeze %dma_start3A_581 : memref<1x8x128xf32, #tpu.memory_space<vmem>> -> memref<8x128xf32, #tpu.memory_space<vmem>>
      tpu.enqueue_dma source(%dma_start3A_582 : memref<8x128xf32, #tpu.memory_space<vmem>>) target(%dma_start3A_578 : memref<8x128xf32, #tpu.memory_space<hbm>>) target_semaphore(%arg11 : memref<!tpu.dma_semaphore, #tpu.memory_space<semaphore_mem>>)
      %dma_start3A_583 = arith.constant 1 : i32
      %dma_start3A_584 = arith.constant 24 : i32
      %dma_start3A_585 = arith.constant 0 : i32
      %dma_start3A_586 = tpu.memref_slice %arg8[%dma_start3A_583, %dma_start3A_584, %dma_start3A_585] : memref<2x64x128xf32, #tpu.memory_space<vmem>> -> memref<1x8x128xf32, #tpu.memory_space<vmem>>
      %dma_start3A_587 = tpu.memref_squeeze %dma_start3A_586 : memref<1x8x128xf32, #tpu.memory_space<vmem>> -> memref<8x128xf32, #tpu.memory_space<vmem>>
      %dma_start3A_588 = arith.constant 24 : i32
      %dma_start3A_589 = tpu.memref_slice %arg5[%add3A_507, %dma_start3A_588, %mul3A_2] : memref<200x64x4096xf32, #tpu.memory_space<hbm>> -> memref<1x8x128xf32, #tpu.memory_space<hbm>>
      %dma_start3A_590 = tpu.memref_squeeze %dma_start3A_589 : memref<1x8x128xf32, #tpu.memory_space<hbm>> -> memref<8x128xf32, #tpu.memory_space<hbm>>
      %dma_start3A_591 = arith.constant 24 : i32
      %dma_start3A_592 = tpu.memref_slice %arg5[%add3A_507, %dma_start3A_591, %mul3A_2] : memref<200x64x4096xf32, #tpu.memory_space<hbm>> -> memref<1x8x128xf32, #tpu.memory_space<hbm>>
      %dma_start3A_593 = tpu.memref_squeeze %dma_start3A_592 : memref<1x8x128xf32, #tpu.memory_space<hbm>> -> memref<8x128xf32, #tpu.memory_space<hbm>>
      %dma_start3A_594 = arith.constant 24 : i32
      %dma_start3A_595 = arith.constant 0 : i32
      %dma_start3A_596 = tpu.memref_slice %arg8[%dma_start3A_583, %dma_start3A_594, %dma_start3A_595] : memref<2x64x128xf32, #tpu.memory_space<vmem>> -> memref<1x8x128xf32, #tpu.memory_space<vmem>>
      %dma_start3A_597 = tpu.memref_squeeze %dma_start3A_596 : memref<1x8x128xf32, #tpu.memory_space<vmem>> -> memref<8x128xf32, #tpu.memory_space<vmem>>
      tpu.enqueue_dma source(%dma_start3A_597 : memref<8x128xf32, #tpu.memory_space<vmem>>) target(%dma_start3A_593 : memref<8x128xf32, #tpu.memory_space<hbm>>) target_semaphore(%arg11 : memref<!tpu.dma_semaphore, #tpu.memory_space<semaphore_mem>>)
      %dma_start3A_598 = arith.constant 1 : i32
      %dma_start3A_599 = arith.constant 32 : i32
      %dma_start3A_600 = arith.constant 0 : i32
      %dma_start3A_601 = tpu.memref_slice %arg8[%dma_start3A_598, %dma_start3A_599, %dma_start3A_600] : memref<2x64x128xf32, #tpu.memory_space<vmem>> -> memref<1x8x128xf32, #tpu.memory_space<vmem>>
      %dma_start3A_602 = tpu.memref_squeeze %dma_start3A_601 : memref<1x8x128xf32, #tpu.memory_space<vmem>> -> memref<8x128xf32, #tpu.memory_space<vmem>>
      %dma_start3A_603 = arith.constant 32 : i32
      %dma_start3A_604 = tpu.memref_slice %arg5[%add3A_507, %dma_start3A_603, %mul3A_2] : memref<200x64x4096xf32, #tpu.memory_space<hbm>> -> memref<1x8x128xf32, #tpu.memory_space<hbm>>
      %dma_start3A_605 = tpu.memref_squeeze %dma_start3A_604 : memref<1x8x128xf32, #tpu.memory_space<hbm>> -> memref<8x128xf32, #tpu.memory_space<hbm>>
      %dma_start3A_606 = arith.constant 32 : i32
      %dma_start3A_607 = tpu.memref_slice %arg5[%add3A_507, %dma_start3A_606, %mul3A_2] : memref<200x64x4096xf32, #tpu.memory_space<hbm>> -> memref<1x8x128xf32, #tpu.memory_space<hbm>>
      %dma_start3A_608 = tpu.memref_squeeze %dma_start3A_607 : memref<1x8x128xf32, #tpu.memory_space<hbm>> -> memref<8x128xf32, #tpu.memory_space<hbm>>
      %dma_start3A_609 = arith.constant 32 : i32
      %dma_start3A_610 = arith.constant 0 : i32
      %dma_start3A_611 = tpu.memref_slice %arg8[%dma_start3A_598, %dma_start3A_609, %dma_start3A_610] : memref<2x64x128xf32, #tpu.memory_space<vmem>> -> memref<1x8x128xf32, #tpu.memory_space<vmem>>
      %dma_start3A_612 = tpu.memref_squeeze %dma_start3A_611 : memref<1x8x128xf32, #tpu.memory_space<vmem>> -> memref<8x128xf32, #tpu.memory_space<vmem>>
      tpu.enqueue_dma source(%dma_start3A_612 : memref<8x128xf32, #tpu.memory_space<vmem>>) target(%dma_start3A_608 : memref<8x128xf32, #tpu.memory_space<hbm>>) target_semaphore(%arg11 : memref<!tpu.dma_semaphore, #tpu.memory_space<semaphore_mem>>)
      %dma_start3A_613 = arith.constant 1 : i32
      %dma_start3A_614 = arith.constant 40 : i32
      %dma_start3A_615 = arith.constant 0 : i32
      %dma_start3A_616 = tpu.memref_slice %arg8[%dma_start3A_613, %dma_start3A_614, %dma_start3A_615] : memref<2x64x128xf32, #tpu.memory_space<vmem>> -> memref<1x8x128xf32, #tpu.memory_space<vmem>>
      %dma_start3A_617 = tpu.memref_squeeze %dma_start3A_616 : memref<1x8x128xf32, #tpu.memory_space<vmem>> -> memref<8x128xf32, #tpu.memory_space<vmem>>
      %dma_start3A_618 = arith.constant 40 : i32
      %dma_start3A_619 = tpu.memref_slice %arg5[%add3A_507, %dma_start3A_618, %mul3A_2] : memref<200x64x4096xf32, #tpu.memory_space<hbm>> -> memref<1x8x128xf32, #tpu.memory_space<hbm>>
      %dma_start3A_620 = tpu.memref_squeeze %dma_start3A_619 : memref<1x8x128xf32, #tpu.memory_space<hbm>> -> memref<8x128xf32, #tpu.memory_space<hbm>>
      %dma_start3A_621 = arith.constant 40 : i32
      %dma_start3A_622 = tpu.memref_slice %arg5[%add3A_507, %dma_start3A_621, %mul3A_2] : memref<200x64x4096xf32, #tpu.memory_space<hbm>> -> memref<1x8x128xf32, #tpu.memory_space<hbm>>
      %dma_start3A_623 = tpu.memref_squeeze %dma_start3A_622 : memref<1x8x128xf32, #tpu.memory_space<hbm>> -> memref<8x128xf32, #tpu.memory_space<hbm>>
      %dma_start3A_624 = arith.constant 40 : i32
      %dma_start3A_625 = arith.constant 0 : i32
      %dma_start3A_626 = tpu.memref_slice %arg8[%dma_start3A_613, %dma_start3A_624, %dma_start3A_625] : memref<2x64x128xf32, #tpu.memory_space<vmem>> -> memref<1x8x128xf32, #tpu.memory_space<vmem>>
      %dma_start3A_627 = tpu.memref_squeeze %dma_start3A_626 : memref<1x8x128xf32, #tpu.memory_space<vmem>> -> memref<8x128xf32, #tpu.memory_space<vmem>>
      tpu.enqueue_dma source(%dma_start3A_627 : memref<8x128xf32, #tpu.memory_space<vmem>>) target(%dma_start3A_623 : memref<8x128xf32, #tpu.memory_space<hbm>>) target_semaphore(%arg11 : memref<!tpu.dma_semaphore, #tpu.memory_space<semaphore_mem>>)
      %dma_start3A_628 = arith.constant 1 : i32
      %dma_start3A_629 = arith.constant 48 : i32
      %dma_start3A_630 = arith.constant 0 : i32
      %dma_start3A_631 = tpu.memref_slice %arg8[%dma_start3A_628, %dma_start3A_629, %dma_start3A_630] : memref<2x64x128xf32, #tpu.memory_space<vmem>> -> memref<1x8x128xf32, #tpu.memory_space<vmem>>
      %dma_start3A_632 = tpu.memref_squeeze %dma_start3A_631 : memref<1x8x128xf32, #tpu.memory_space<vmem>> -> memref<8x128xf32, #tpu.memory_space<vmem>>
      %dma_start3A_633 = arith.constant 48 : i32
      %dma_start3A_634 = tpu.memref_slice %arg5[%add3A_507, %dma_start3A_633, %mul3A_2] : memref<200x64x4096xf32, #tpu.memory_space<hbm>> -> memref<1x8x128xf32, #tpu.memory_space<hbm>>
      %dma_start3A_635 = tpu.memref_squeeze %dma_start3A_634 : memref<1x8x128xf32, #tpu.memory_space<hbm>> -> memref<8x128xf32, #tpu.memory_space<hbm>>
      %dma_start3A_636 = arith.constant 48 : i32
      %dma_start3A_637 = tpu.memref_slice %arg5[%add3A_507, %dma_start3A_636, %mul3A_2] : memref<200x64x4096xf32, #tpu.memory_space<hbm>> -> memref<1x8x128xf32, #tpu.memory_space<hbm>>
      %dma_start3A_638 = tpu.memref_squeeze %dma_start3A_637 : memref<1x8x128xf32, #tpu.memory_space<hbm>> -> memref<8x128xf32, #tpu.memory_space<hbm>>
      %dma_start3A_639 = arith.constant 48 : i32
      %dma_start3A_640 = arith.constant 0 : i32
      %dma_start3A_641 = tpu.memref_slice %arg8[%dma_start3A_628, %dma_start3A_639, %dma_start3A_640] : memref<2x64x128xf32, #tpu.memory_space<vmem>> -> memref<1x8x128xf32, #tpu.memory_space<vmem>>
      %dma_start3A_642 = tpu.memref_squeeze %dma_start3A_641 : memref<1x8x128xf32, #tpu.memory_space<vmem>> -> memref<8x128xf32, #tpu.memory_space<vmem>>
      tpu.enqueue_dma source(%dma_start3A_642 : memref<8x128xf32, #tpu.memory_space<vmem>>) target(%dma_start3A_638 : memref<8x128xf32, #tpu.memory_space<hbm>>) target_semaphore(%arg11 : memref<!tpu.dma_semaphore, #tpu.memory_space<semaphore_mem>>)
      %dma_start3A_643 = arith.constant 1 : i32
      %dma_start3A_644 = arith.constant 56 : i32
      %dma_start3A_645 = arith.constant 0 : i32
      %dma_start3A_646 = tpu.memref_slice %arg8[%dma_start3A_643, %dma_start3A_644, %dma_start3A_645] : memref<2x64x128xf32, #tpu.memory_space<vmem>> -> memref<1x8x128xf32, #tpu.memory_space<vmem>>
      %dma_start3A_647 = tpu.memref_squeeze %dma_start3A_646 : memref<1x8x128xf32, #tpu.memory_space<vmem>> -> memref<8x128xf32, #tpu.memory_space<vmem>>
      %dma_start3A_648 = arith.constant 56 : i32
      %dma_start3A_649 = tpu.memref_slice %arg5[%add3A_507, %dma_start3A_648, %mul3A_2] : memref<200x64x4096xf32, #tpu.memory_space<hbm>> -> memref<1x8x128xf32, #tpu.memory_space<hbm>>
      %dma_start3A_650 = tpu.memref_squeeze %dma_start3A_649 : memref<1x8x128xf32, #tpu.memory_space<hbm>> -> memref<8x128xf32, #tpu.memory_space<hbm>>
      %dma_start3A_651 = arith.constant 56 : i32
      %dma_start3A_652 = tpu.memref_slice %arg5[%add3A_507, %dma_start3A_651, %mul3A_2] : memref<200x64x4096xf32, #tpu.memory_space<hbm>> -> memref<1x8x128xf32, #tpu.memory_space<hbm>>
      %dma_start3A_653 = tpu.memref_squeeze %dma_start3A_652 : memref<1x8x128xf32, #tpu.memory_space<hbm>> -> memref<8x128xf32, #tpu.memory_space<hbm>>
      %dma_start3A_654 = arith.constant 56 : i32
      %dma_start3A_655 = arith.constant 0 : i32
      %dma_start3A_656 = tpu.memref_slice %arg8[%dma_start3A_643, %dma_start3A_654, %dma_start3A_655] : memref<2x64x128xf32, #tpu.memory_space<vmem>> -> memref<1x8x128xf32, #tpu.memory_space<vmem>>
      %dma_start3A_657 = tpu.memref_squeeze %dma_start3A_656 : memref<1x8x128xf32, #tpu.memory_space<vmem>> -> memref<8x128xf32, #tpu.memory_space<vmem>>
      tpu.enqueue_dma source(%dma_start3A_657 : memref<8x128xf32, #tpu.memory_space<vmem>>) target(%dma_start3A_653 : memref<8x128xf32, #tpu.memory_space<hbm>>) target_semaphore(%arg11 : memref<!tpu.dma_semaphore, #tpu.memory_space<semaphore_mem>>)
      %mul3A_658 = arith.constant 4 : i32
      %mul3A_659 = arith.muli %scan3A_354, %mul3A_658 : i32
      %add3A_660 = arith.constant 2 : i32
      %add3A_661 = arith.addi %mul3A_659, %add3A_660 : i32
      %dma_wait3A_662 = arith.constant 2 : i32
      %dma_wait3A_663 = arith.constant 0 : i32
      %dma_wait3A_664 = arith.constant 0 : i32
      %dma_wait3A_665 = tpu.memref_slice %arg7[%dma_wait3A_662, %dma_wait3A_663, %dma_wait3A_664] : memref<4x128x128xf32, #tpu.memory_space<vmem>> -> memref<1x128x128xf32, #tpu.memory_space<vmem>>
      %dma_wait3A_666 = tpu.memref_squeeze %dma_wait3A_665 : memref<1x128x128xf32, #tpu.memory_space<vmem>> -> memref<128x128xf32, #tpu.memory_space<vmem>>
      %dma_wait3A_667 = arith.constant 0 : i32
      %dma_wait3A_668 = arith.constant 0 : i32
      %dma_wait3A_669 = tpu.memref_slice %arg3[%dma_wait3A_667, %dma_wait3A_668] : memref<100000x128xf32, #tpu.memory_space<hbm>> -> memref<128x128xf32, #tpu.memory_space<hbm>>
      %dma_wait3A_670 = arith.constant 0 : i32
      %dma_wait3A_671 = arith.constant 0 : i32
      %dma_wait3A_672 = tpu.memref_slice %arg7[%dma_wait3A_662, %dma_wait3A_670, %dma_wait3A_671] : memref<4x128x128xf32, #tpu.memory_space<vmem>> -> memref<1x128x128xf32, #tpu.memory_space<vmem>>
      %dma_wait3A_673 = tpu.memref_squeeze %dma_wait3A_672 : memref<1x128x128xf32, #tpu.memory_space<vmem>> -> memref<128x128xf32, #tpu.memory_space<vmem>>
      %dma_wait3A_674 = arith.constant 0 : i32
      %dma_wait3A_675 = arith.constant 0 : i32
      %dma_wait3A_676 = tpu.memref_slice %arg3[%dma_wait3A_674, %dma_wait3A_675] : memref<100000x128xf32, #tpu.memory_space<hbm>> -> memref<128x128xf32, #tpu.memory_space<hbm>>
      tpu.wait_dma2 semaphore(%arg10 : memref<!tpu.dma_semaphore, #tpu.memory_space<semaphore_mem>>) src(%dma_wait3A_676 : memref<128x128xf32, #tpu.memory_space<hbm>>) dst(%dma_wait3A_673 : memref<128x128xf32, #tpu.memory_space<vmem>>)
      %add3A_677 = arith.constant 3 : i32
      %add3A_678 = arith.addi %add3A_661, %add3A_677 : i32
      %lt3A_679 = arith.constant 200 : i32
      %lt3A_680 = arith.cmpi slt, %add3A_678, %lt3A_679 : i32
      %convert_element_type3A_681 = arith.extui %lt3A_680 : i1 to i32
      %cond3A_682 = arith.constant 0 : i32
      %cond3A_683 = arith.cmpi ne, %convert_element_type3A_681, %cond3A_682 : i32
      scf.if %cond3A_683 {
        %add3A_966 = arith.constant 3 : i32
        %add3A_967 = arith.addi %add3A_661, %add3A_966 : i32
        %dma_start3A_968 = arith.constant 1 : i32
        %dma_start3A_969 = arith.constant 0 : i32
        %dma_start3A_970 = arith.constant 0 : i32
        %dma_start3A_971 = tpu.memref_slice %arg7[%dma_start3A_968, %dma_start3A_969, %dma_start3A_970] : memref<4x128x128xf32, #tpu.memory_space<vmem>> -> memref<1x128x128xf32, #tpu.memory_space<vmem>>
        %dma_start3A_972 = tpu.memref_squeeze %dma_start3A_971 : memref<1x128x128xf32, #tpu.memory_space<vmem>> -> memref<128x128xf32, #tpu.memory_space<vmem>>
        %dma_start3A_973 = arith.constant 0 : i32
        %dma_start3A_974 = tpu.memref_slice %arg6[%add3A_967, %dma_start3A_973] : memref<200x128xi32, #tpu.memory_space<vmem>> -> memref<1x128xi32, #tpu.memory_space<vmem>>
        %dma_start3A_975 = tpu.memref_squeeze %dma_start3A_974 : memref<1x128xi32, #tpu.memory_space<vmem>> -> memref<128xi32, #tpu.memory_space<vmem>>
        %dma_start3A_976 = arith.constant 0 : i32
        %dma_start3A_977 = arith.constant 0 : i32
        %dma_start3A_978 = tpu.memref_slice %arg3[%dma_start3A_976, %dma_start3A_977] : memref<100000x128xf32, #tpu.memory_space<hbm>> -> memref<100000x128xf32, #tpu.memory_space<hbm>>
        tpu.enqueue_indirect_dma source(%dma_start3A_978 : memref<100000x128xf32, #tpu.memory_space<hbm>>) target(%dma_start3A_972 : memref<128x128xf32, #tpu.memory_space<vmem>>) offsets(%dma_start3A_975 : memref<128xi32, #tpu.memory_space<vmem>>) semaphore(%arg10 : memref<!tpu.dma_semaphore, #tpu.memory_space<semaphore_mem>>)
      } else {
      }
      %ge3A_684 = arith.constant 2 : i32
      %ge3A_685 = arith.cmpi sge, %add3A_661, %ge3A_684 : i32
      %convert_element_type3A_686 = arith.extui %ge3A_685 : i1 to i32
      %cond3A_687 = arith.constant 0 : i32
      %cond3A_688 = arith.cmpi ne, %convert_element_type3A_686, %cond3A_687 : i32
      scf.if %cond3A_688 {
        %dma_wait3A_966 = arith.constant 0 : i32
        %dma_wait3A_967 = arith.constant 0 : i32
        %dma_wait3A_968 = arith.constant 0 : i32
        %dma_wait3A_969 = arith.constant 0 : i32
        %dma_wait3A_970 = tpu.memref_slice %arg8[%dma_wait3A_966, %dma_wait3A_968, %dma_wait3A_969] : memref<2x64x128xf32, #tpu.memory_space<vmem>> -> memref<1x8x128xf32, #tpu.memory_space<vmem>>
        %dma_wait3A_971 = tpu.memref_squeeze %dma_wait3A_970 : memref<1x8x128xf32, #tpu.memory_space<vmem>> -> memref<8x128xf32, #tpu.memory_space<vmem>>
        %dma_wait3A_972 = arith.constant 0 : i32
        %dma_wait3A_973 = arith.constant 0 : i32
        %dma_wait3A_974 = tpu.memref_slice %arg5[%dma_wait3A_967, %dma_wait3A_972, %dma_wait3A_973] : memref<200x64x4096xf32, #tpu.memory_space<hbm>> -> memref<1x8x128xf32, #tpu.memory_space<hbm>>
        %dma_wait3A_975 = tpu.memref_squeeze %dma_wait3A_974 : memref<1x8x128xf32, #tpu.memory_space<hbm>> -> memref<8x128xf32, #tpu.memory_space<hbm>>
        %dma_wait3A_976 = arith.constant 0 : i32
        %dma_wait3A_977 = arith.constant 0 : i32
        %dma_wait3A_978 = tpu.memref_slice %arg5[%dma_wait3A_967, %dma_wait3A_976, %dma_wait3A_977] : memref<200x64x4096xf32, #tpu.memory_space<hbm>> -> memref<1x8x128xf32, #tpu.memory_space<hbm>>
        %dma_wait3A_979 = tpu.memref_squeeze %dma_wait3A_978 : memref<1x8x128xf32, #tpu.memory_space<hbm>> -> memref<8x128xf32, #tpu.memory_space<hbm>>
        %dma_wait3A_980 = arith.constant 0 : i32
        %dma_wait3A_981 = arith.constant 0 : i32
        %dma_wait3A_982 = tpu.memref_slice %arg8[%dma_wait3A_966, %dma_wait3A_980, %dma_wait3A_981] : memref<2x64x128xf32, #tpu.memory_space<vmem>> -> memref<1x8x128xf32, #tpu.memory_space<vmem>>
        %dma_wait3A_983 = tpu.memref_squeeze %dma_wait3A_982 : memref<1x8x128xf32, #tpu.memory_space<vmem>> -> memref<8x128xf32, #tpu.memory_space<vmem>>
        tpu.wait_dma2 semaphore(%arg11 : memref<!tpu.dma_semaphore, #tpu.memory_space<semaphore_mem>>) src(%dma_wait3A_983 : memref<8x128xf32, #tpu.memory_space<vmem>>) dst(%dma_wait3A_979 : memref<8x128xf32, #tpu.memory_space<hbm>>)
        %dma_wait3A_984 = arith.constant 0 : i32
        %dma_wait3A_985 = arith.constant 0 : i32
        %dma_wait3A_986 = arith.constant 8 : i32
        %dma_wait3A_987 = arith.constant 0 : i32
        %dma_wait3A_988 = tpu.memref_slice %arg8[%dma_wait3A_984, %dma_wait3A_986, %dma_wait3A_987] : memref<2x64x128xf32, #tpu.memory_space<vmem>> -> memref<1x8x128xf32, #tpu.memory_space<vmem>>
        %dma_wait3A_989 = tpu.memref_squeeze %dma_wait3A_988 : memref<1x8x128xf32, #tpu.memory_space<vmem>> -> memref<8x128xf32, #tpu.memory_space<vmem>>
        %dma_wait3A_990 = arith.constant 0 : i32
        %dma_wait3A_991 = arith.constant 0 : i32
        %dma_wait3A_992 = tpu.memref_slice %arg5[%dma_wait3A_985, %dma_wait3A_990, %dma_wait3A_991] : memref<200x64x4096xf32, #tpu.memory_space<hbm>> -> memref<1x8x128xf32, #tpu.memory_space<hbm>>
        %dma_wait3A_993 = tpu.memref_squeeze %dma_wait3A_992 : memref<1x8x128xf32, #tpu.memory_space<hbm>> -> memref<8x128xf32, #tpu.memory_space<hbm>>
        %dma_wait3A_994 = arith.constant 0 : i32
        %dma_wait3A_995 = arith.constant 0 : i32
        %dma_wait3A_996 = tpu.memref_slice %arg5[%dma_wait3A_985, %dma_wait3A_994, %dma_wait3A_995] : memref<200x64x4096xf32, #tpu.memory_space<hbm>> -> memref<1x8x128xf32, #tpu.memory_space<hbm>>
        %dma_wait3A_997 = tpu.memref_squeeze %dma_wait3A_996 : memref<1x8x128xf32, #tpu.memory_space<hbm>> -> memref<8x128xf32, #tpu.memory_space<hbm>>
        %dma_wait3A_998 = arith.constant 8 : i32
        %dma_wait3A_999 = arith.constant 0 : i32
        %dma_wait3A_1000 = tpu.memref_slice %arg8[%dma_wait3A_984, %dma_wait3A_998, %dma_wait3A_999] : memref<2x64x128xf32, #tpu.memory_space<vmem>> -> memref<1x8x128xf32, #tpu.memory_space<vmem>>
        %dma_wait3A_1001 = tpu.memref_squeeze %dma_wait3A_1000 : memref<1x8x128xf32, #tpu.memory_space<vmem>> -> memref<8x128xf32, #tpu.memory_space<vmem>>
        tpu.wait_dma2 semaphore(%arg11 : memref<!tpu.dma_semaphore, #tpu.memory_space<semaphore_mem>>) src(%dma_wait3A_1001 : memref<8x128xf32, #tpu.memory_space<vmem>>) dst(%dma_wait3A_997 : memref<8x128xf32, #tpu.memory_space<hbm>>)
        %dma_wait3A_1002 = arith.constant 0 : i32
        %dma_wait3A_1003 = arith.constant 0 : i32
        %dma_wait3A_1004 = arith.constant 16 : i32
        %dma_wait3A_1005 = arith.constant 0 : i32
        %dma_wait3A_1006 = tpu.memref_slice %arg8[%dma_wait3A_1002, %dma_wait3A_1004, %dma_wait3A_1005] : memref<2x64x128xf32, #tpu.memory_space<vmem>> -> memref<1x8x128xf32, #tpu.memory_space<vmem>>
        %dma_wait3A_1007 = tpu.memref_squeeze %dma_wait3A_1006 : memref<1x8x128xf32, #tpu.memory_space<vmem>> -> memref<8x128xf32, #tpu.memory_space<vmem>>
        %dma_wait3A_1008 = arith.constant 0 : i32
        %dma_wait3A_1009 = arith.constant 0 : i32
        %dma_wait3A_1010 = tpu.memref_slice %arg5[%dma_wait3A_1003, %dma_wait3A_1008, %dma_wait3A_1009] : memref<200x64x4096xf32, #tpu.memory_space<hbm>> -> memref<1x8x128xf32, #tpu.memory_space<hbm>>
        %dma_wait3A_1011 = tpu.memref_squeeze %dma_wait3A_1010 : memref<1x8x128xf32, #tpu.memory_space<hbm>> -> memref<8x128xf32, #tpu.memory_space<hbm>>
        %dma_wait3A_1012 = arith.constant 0 : i32
        %dma_wait3A_1013 = arith.constant 0 : i32
        %dma_wait3A_1014 = tpu.memref_slice %arg5[%dma_wait3A_1003, %dma_wait3A_1012, %dma_wait3A_1013] : memref<200x64x4096xf32, #tpu.memory_space<hbm>> -> memref<1x8x128xf32, #tpu.memory_space<hbm>>
        %dma_wait3A_1015 = tpu.memref_squeeze %dma_wait3A_1014 : memref<1x8x128xf32, #tpu.memory_space<hbm>> -> memref<8x128xf32, #tpu.memory_space<hbm>>
        %dma_wait3A_1016 = arith.constant 16 : i32
        %dma_wait3A_1017 = arith.constant 0 : i32
        %dma_wait3A_1018 = tpu.memref_slice %arg8[%dma_wait3A_1002, %dma_wait3A_1016, %dma_wait3A_1017] : memref<2x64x128xf32, #tpu.memory_space<vmem>> -> memref<1x8x128xf32, #tpu.memory_space<vmem>>
        %dma_wait3A_1019 = tpu.memref_squeeze %dma_wait3A_1018 : memref<1x8x128xf32, #tpu.memory_space<vmem>> -> memref<8x128xf32, #tpu.memory_space<vmem>>
        tpu.wait_dma2 semaphore(%arg11 : memref<!tpu.dma_semaphore, #tpu.memory_space<semaphore_mem>>) src(%dma_wait3A_1019 : memref<8x128xf32, #tpu.memory_space<vmem>>) dst(%dma_wait3A_1015 : memref<8x128xf32, #tpu.memory_space<hbm>>)
        %dma_wait3A_1020 = arith.constant 0 : i32
        %dma_wait3A_1021 = arith.constant 0 : i32
        %dma_wait3A_1022 = arith.constant 24 : i32
        %dma_wait3A_1023 = arith.constant 0 : i32
        %dma_wait3A_1024 = tpu.memref_slice %arg8[%dma_wait3A_1020, %dma_wait3A_1022, %dma_wait3A_1023] : memref<2x64x128xf32, #tpu.memory_space<vmem>> -> memref<1x8x128xf32, #tpu.memory_space<vmem>>
        %dma_wait3A_1025 = tpu.memref_squeeze %dma_wait3A_1024 : memref<1x8x128xf32, #tpu.memory_space<vmem>> -> memref<8x128xf32, #tpu.memory_space<vmem>>
        %dma_wait3A_1026 = arith.constant 0 : i32
        %dma_wait3A_1027 = arith.constant 0 : i32
        %dma_wait3A_1028 = tpu.memref_slice %arg5[%dma_wait3A_1021, %dma_wait3A_1026, %dma_wait3A_1027] : memref<200x64x4096xf32, #tpu.memory_space<hbm>> -> memref<1x8x128xf32, #tpu.memory_space<hbm>>
        %dma_wait3A_1029 = tpu.memref_squeeze %dma_wait3A_1028 : memref<1x8x128xf32, #tpu.memory_space<hbm>> -> memref<8x128xf32, #tpu.memory_space<hbm>>
        %dma_wait3A_1030 = arith.constant 0 : i32
        %dma_wait3A_1031 = arith.constant 0 : i32
        %dma_wait3A_1032 = tpu.memref_slice %arg5[%dma_wait3A_1021, %dma_wait3A_1030, %dma_wait3A_1031] : memref<200x64x4096xf32, #tpu.memory_space<hbm>> -> memref<1x8x128xf32, #tpu.memory_space<hbm>>
        %dma_wait3A_1033 = tpu.memref_squeeze %dma_wait3A_1032 : memref<1x8x128xf32, #tpu.memory_space<hbm>> -> memref<8x128xf32, #tpu.memory_space<hbm>>
        %dma_wait3A_1034 = arith.constant 24 : i32
        %dma_wait3A_1035 = arith.constant 0 : i32
        %dma_wait3A_1036 = tpu.memref_slice %arg8[%dma_wait3A_1020, %dma_wait3A_1034, %dma_wait3A_1035] : memref<2x64x128xf32, #tpu.memory_space<vmem>> -> memref<1x8x128xf32, #tpu.memory_space<vmem>>
        %dma_wait3A_1037 = tpu.memref_squeeze %dma_wait3A_1036 : memref<1x8x128xf32, #tpu.memory_space<vmem>> -> memref<8x128xf32, #tpu.memory_space<vmem>>
        tpu.wait_dma2 semaphore(%arg11 : memref<!tpu.dma_semaphore, #tpu.memory_space<semaphore_mem>>) src(%dma_wait3A_1037 : memref<8x128xf32, #tpu.memory_space<vmem>>) dst(%dma_wait3A_1033 : memref<8x128xf32, #tpu.memory_space<hbm>>)
        %dma_wait3A_1038 = arith.constant 0 : i32
        %dma_wait3A_1039 = arith.constant 0 : i32
        %dma_wait3A_1040 = arith.constant 32 : i32
        %dma_wait3A_1041 = arith.constant 0 : i32
        %dma_wait3A_1042 = tpu.memref_slice %arg8[%dma_wait3A_1038, %dma_wait3A_1040, %dma_wait3A_1041] : memref<2x64x128xf32, #tpu.memory_space<vmem>> -> memref<1x8x128xf32, #tpu.memory_space<vmem>>
        %dma_wait3A_1043 = tpu.memref_squeeze %dma_wait3A_1042 : memref<1x8x128xf32, #tpu.memory_space<vmem>> -> memref<8x128xf32, #tpu.memory_space<vmem>>
        %dma_wait3A_1044 = arith.constant 0 : i32
        %dma_wait3A_1045 = arith.constant 0 : i32
        %dma_wait3A_1046 = tpu.memref_slice %arg5[%dma_wait3A_1039, %dma_wait3A_1044, %dma_wait3A_1045] : memref<200x64x4096xf32, #tpu.memory_space<hbm>> -> memref<1x8x128xf32, #tpu.memory_space<hbm>>
        %dma_wait3A_1047 = tpu.memref_squeeze %dma_wait3A_1046 : memref<1x8x128xf32, #tpu.memory_space<hbm>> -> memref<8x128xf32, #tpu.memory_space<hbm>>
        %dma_wait3A_1048 = arith.constant 0 : i32
        %dma_wait3A_1049 = arith.constant 0 : i32
        %dma_wait3A_1050 = tpu.memref_slice %arg5[%dma_wait3A_1039, %dma_wait3A_1048, %dma_wait3A_1049] : memref<200x64x4096xf32, #tpu.memory_space<hbm>> -> memref<1x8x128xf32, #tpu.memory_space<hbm>>
        %dma_wait3A_1051 = tpu.memref_squeeze %dma_wait3A_1050 : memref<1x8x128xf32, #tpu.memory_space<hbm>> -> memref<8x128xf32, #tpu.memory_space<hbm>>
        %dma_wait3A_1052 = arith.constant 32 : i32
        %dma_wait3A_1053 = arith.constant 0 : i32
        %dma_wait3A_1054 = tpu.memref_slice %arg8[%dma_wait3A_1038, %dma_wait3A_1052, %dma_wait3A_1053] : memref<2x64x128xf32, #tpu.memory_space<vmem>> -> memref<1x8x128xf32, #tpu.memory_space<vmem>>
        %dma_wait3A_1055 = tpu.memref_squeeze %dma_wait3A_1054 : memref<1x8x128xf32, #tpu.memory_space<vmem>> -> memref<8x128xf32, #tpu.memory_space<vmem>>
        tpu.wait_dma2 semaphore(%arg11 : memref<!tpu.dma_semaphore, #tpu.memory_space<semaphore_mem>>) src(%dma_wait3A_1055 : memref<8x128xf32, #tpu.memory_space<vmem>>) dst(%dma_wait3A_1051 : memref<8x128xf32, #tpu.memory_space<hbm>>)
        %dma_wait3A_1056 = arith.constant 0 : i32
        %dma_wait3A_1057 = arith.constant 0 : i32
        %dma_wait3A_1058 = arith.constant 40 : i32
        %dma_wait3A_1059 = arith.constant 0 : i32
        %dma_wait3A_1060 = tpu.memref_slice %arg8[%dma_wait3A_1056, %dma_wait3A_1058, %dma_wait3A_1059] : memref<2x64x128xf32, #tpu.memory_space<vmem>> -> memref<1x8x128xf32, #tpu.memory_space<vmem>>
        %dma_wait3A_1061 = tpu.memref_squeeze %dma_wait3A_1060 : memref<1x8x128xf32, #tpu.memory_space<vmem>> -> memref<8x128xf32, #tpu.memory_space<vmem>>
        %dma_wait3A_1062 = arith.constant 0 : i32
        %dma_wait3A_1063 = arith.constant 0 : i32
        %dma_wait3A_1064 = tpu.memref_slice %arg5[%dma_wait3A_1057, %dma_wait3A_1062, %dma_wait3A_1063] : memref<200x64x4096xf32, #tpu.memory_space<hbm>> -> memref<1x8x128xf32, #tpu.memory_space<hbm>>
        %dma_wait3A_1065 = tpu.memref_squeeze %dma_wait3A_1064 : memref<1x8x128xf32, #tpu.memory_space<hbm>> -> memref<8x128xf32, #tpu.memory_space<hbm>>
        %dma_wait3A_1066 = arith.constant 0 : i32
        %dma_wait3A_1067 = arith.constant 0 : i32
        %dma_wait3A_1068 = tpu.memref_slice %arg5[%dma_wait3A_1057, %dma_wait3A_1066, %dma_wait3A_1067] : memref<200x64x4096xf32, #tpu.memory_space<hbm>> -> memref<1x8x128xf32, #tpu.memory_space<hbm>>
        %dma_wait3A_1069 = tpu.memref_squeeze %dma_wait3A_1068 : memref<1x8x128xf32, #tpu.memory_space<hbm>> -> memref<8x128xf32, #tpu.memory_space<hbm>>
        %dma_wait3A_1070 = arith.constant 40 : i32
        %dma_wait3A_1071 = arith.constant 0 : i32
        %dma_wait3A_1072 = tpu.memref_slice %arg8[%dma_wait3A_1056, %dma_wait3A_1070, %dma_wait3A_1071] : memref<2x64x128xf32, #tpu.memory_space<vmem>> -> memref<1x8x128xf32, #tpu.memory_space<vmem>>
        %dma_wait3A_1073 = tpu.memref_squeeze %dma_wait3A_1072 : memref<1x8x128xf32, #tpu.memory_space<vmem>> -> memref<8x128xf32, #tpu.memory_space<vmem>>
        tpu.wait_dma2 semaphore(%arg11 : memref<!tpu.dma_semaphore, #tpu.memory_space<semaphore_mem>>) src(%dma_wait3A_1073 : memref<8x128xf32, #tpu.memory_space<vmem>>) dst(%dma_wait3A_1069 : memref<8x128xf32, #tpu.memory_space<hbm>>)
        %dma_wait3A_1074 = arith.constant 0 : i32
        %dma_wait3A_1075 = arith.constant 0 : i32
        %dma_wait3A_1076 = arith.constant 48 : i32
        %dma_wait3A_1077 = arith.constant 0 : i32
        %dma_wait3A_1078 = tpu.memref_slice %arg8[%dma_wait3A_1074, %dma_wait3A_1076, %dma_wait3A_1077] : memref<2x64x128xf32, #tpu.memory_space<vmem>> -> memref<1x8x128xf32, #tpu.memory_space<vmem>>
        %dma_wait3A_1079 = tpu.memref_squeeze %dma_wait3A_1078 : memref<1x8x128xf32, #tpu.memory_space<vmem>> -> memref<8x128xf32, #tpu.memory_space<vmem>>
        %dma_wait3A_1080 = arith.constant 0 : i32
        %dma_wait3A_1081 = arith.constant 0 : i32
        %dma_wait3A_1082 = tpu.memref_slice %arg5[%dma_wait3A_1075, %dma_wait3A_1080, %dma_wait3A_1081] : memref<200x64x4096xf32, #tpu.memory_space<hbm>> -> memref<1x8x128xf32, #tpu.memory_space<hbm>>
        %dma_wait3A_1083 = tpu.memref_squeeze %dma_wait3A_1082 : memref<1x8x128xf32, #tpu.memory_space<hbm>> -> memref<8x128xf32, #tpu.memory_space<hbm>>
        %dma_wait3A_1084 = arith.constant 0 : i32
        %dma_wait3A_1085 = arith.constant 0 : i32
        %dma_wait3A_1086 = tpu.memref_slice %arg5[%dma_wait3A_1075, %dma_wait3A_1084, %dma_wait3A_1085] : memref<200x64x4096xf32, #tpu.memory_space<hbm>> -> memref<1x8x128xf32, #tpu.memory_space<hbm>>
        %dma_wait3A_1087 = tpu.memref_squeeze %dma_wait3A_1086 : memref<1x8x128xf32, #tpu.memory_space<hbm>> -> memref<8x128xf32, #tpu.memory_space<hbm>>
        %dma_wait3A_1088 = arith.constant 48 : i32
        %dma_wait3A_1089 = arith.constant 0 : i32
        %dma_wait3A_1090 = tpu.memref_slice %arg8[%dma_wait3A_1074, %dma_wait3A_1088, %dma_wait3A_1089] : memref<2x64x128xf32, #tpu.memory_space<vmem>> -> memref<1x8x128xf32, #tpu.memory_space<vmem>>
        %dma_wait3A_1091 = tpu.memref_squeeze %dma_wait3A_1090 : memref<1x8x128xf32, #tpu.memory_space<vmem>> -> memref<8x128xf32, #tpu.memory_space<vmem>>
        tpu.wait_dma2 semaphore(%arg11 : memref<!tpu.dma_semaphore, #tpu.memory_space<semaphore_mem>>) src(%dma_wait3A_1091 : memref<8x128xf32, #tpu.memory_space<vmem>>) dst(%dma_wait3A_1087 : memref<8x128xf32, #tpu.memory_space<hbm>>)
        %dma_wait3A_1092 = arith.constant 0 : i32
        %dma_wait3A_1093 = arith.constant 0 : i32
        %dma_wait3A_1094 = arith.constant 56 : i32
        %dma_wait3A_1095 = arith.constant 0 : i32
        %dma_wait3A_1096 = tpu.memref_slice %arg8[%dma_wait3A_1092, %dma_wait3A_1094, %dma_wait3A_1095] : memref<2x64x128xf32, #tpu.memory_space<vmem>> -> memref<1x8x128xf32, #tpu.memory_space<vmem>>
        %dma_wait3A_1097 = tpu.memref_squeeze %dma_wait3A_1096 : memref<1x8x128xf32, #tpu.memory_space<vmem>> -> memref<8x128xf32, #tpu.memory_space<vmem>>
        %dma_wait3A_1098 = arith.constant 0 : i32
        %dma_wait3A_1099 = arith.constant 0 : i32
        %dma_wait3A_1100 = tpu.memref_slice %arg5[%dma_wait3A_1093, %dma_wait3A_1098, %dma_wait3A_1099] : memref<200x64x4096xf32, #tpu.memory_space<hbm>> -> memref<1x8x128xf32, #tpu.memory_space<hbm>>
        %dma_wait3A_1101 = tpu.memref_squeeze %dma_wait3A_1100 : memref<1x8x128xf32, #tpu.memory_space<hbm>> -> memref<8x128xf32, #tpu.memory_space<hbm>>
        %dma_wait3A_1102 = arith.constant 0 : i32
        %dma_wait3A_1103 = arith.constant 0 : i32
        %dma_wait3A_1104 = tpu.memref_slice %arg5[%dma_wait3A_1093, %dma_wait3A_1102, %dma_wait3A_1103] : memref<200x64x4096xf32, #tpu.memory_space<hbm>> -> memref<1x8x128xf32, #tpu.memory_space<hbm>>
        %dma_wait3A_1105 = tpu.memref_squeeze %dma_wait3A_1104 : memref<1x8x128xf32, #tpu.memory_space<hbm>> -> memref<8x128xf32, #tpu.memory_space<hbm>>
        %dma_wait3A_1106 = arith.constant 56 : i32
        %dma_wait3A_1107 = arith.constant 0 : i32
        %dma_wait3A_1108 = tpu.memref_slice %arg8[%dma_wait3A_1092, %dma_wait3A_1106, %dma_wait3A_1107] : memref<2x64x128xf32, #tpu.memory_space<vmem>> -> memref<1x8x128xf32, #tpu.memory_space<vmem>>
        %dma_wait3A_1109 = tpu.memref_squeeze %dma_wait3A_1108 : memref<1x8x128xf32, #tpu.memory_space<vmem>> -> memref<8x128xf32, #tpu.memory_space<vmem>>
        tpu.wait_dma2 semaphore(%arg11 : memref<!tpu.dma_semaphore, #tpu.memory_space<semaphore_mem>>) src(%dma_wait3A_1109 : memref<8x128xf32, #tpu.memory_space<vmem>>) dst(%dma_wait3A_1105 : memref<8x128xf32, #tpu.memory_space<hbm>>)
      } else {
      }
      %parallel_loop3A_689 = arith.constant 0 : i32
      %parallel_loop3A_690 = arith.constant 64 : i32
      %parallel_loop3A_691 = arith.constant 1 : i32
      scf.for %parallel_loop3A_966 = %parallel_loop3A_689 to %parallel_loop3A_690 step %parallel_loop3A_691  : i32 {
        %parallel_loop3A_967 = arith.constant 0 : i32
        %parallel_loop3A_968 = vector.broadcast %parallel_loop3A_967 : i32 to vector<16xi32>
        %parallel_loop3A_969 = arith.constant 64 : i32
        %parallel_loop3A_970 = arith.muli %add3A_661, %parallel_loop3A_969 : i32
        %parallel_loop3A_971 = arith.addi %parallel_loop3A_970, %parallel_loop3A_966 : i32
        %parallel_loop3A_972 = vector.broadcast %parallel_loop3A_971 : i32 to vector<16xi32>
        %parallel_loop3A_973 = arith.addi %parallel_loop3A_968, %parallel_loop3A_972 : vector<16xi32>
        %parallel_loop3A_974 = tpu.vector_load_idx %arg9[%parallel_loop3A_973] : memref<12800xf32, #tpu.memory_space<vmem>>[vector<16xi32>], vector<16xf32>,
        %parallel_loop3A_975 = arith.constant 0 : i32
        %parallel_loop3A_976 = vector.broadcast %parallel_loop3A_975 : i32 to vector<16xi32>
        %parallel_loop3A_977 = vector.broadcast %parallel_loop3A_966 : i32 to vector<16xi32>
        %parallel_loop3A_978 = arith.addi %parallel_loop3A_976, %parallel_loop3A_977 : vector<16xi32>
        %parallel_loop3A_979 = arith.constant 2 : i32
        %parallel_loop3A_980 = arith.constant 0 : i32
        %parallel_loop3A_981 = arith.constant 0 : i32
        %parallel_loop3A_982 = tpu.memref_slice %arg7[%parallel_loop3A_979, %parallel_loop3A_980, %parallel_loop3A_981] : memref<4x128x128xf32, #tpu.memory_space<vmem>> -> memref<1x128x128xf32, #tpu.memory_space<vmem>>
        %parallel_loop3A_983 = tpu.memref_squeeze %parallel_loop3A_982 : memref<1x128x128xf32, #tpu.memory_space<vmem>> -> memref<128x128xf32, #tpu.memory_space<vmem>>
        %parallel_loop3A_984 = tpu.vector_load_idx %parallel_loop3A_983[%add3A_40, %parallel_loop3A_978] : memref<128x128xf32, #tpu.memory_space<vmem>>[vector<16xi32>, vector<16xi32>], vector<16xf32>,
        %parallel_loop3A_985 = arith.addf %parallel_loop3A_984, %parallel_loop3A_974 : vector<16xf32>
        %parallel_loop3A_986 = arith.constant 0 : i32
        %parallel_loop3A_987 = arith.index_cast %parallel_loop3A_986 : i32 to index
        %parallel_loop3A_988 = arith.index_cast %parallel_loop3A_966 : i32 to index
        %parallel_loop3A_989 = arith.constant 0 : index
        %parallel_loop3A_990 = tpu.vector_load %arg8[%parallel_loop3A_987, %parallel_loop3A_988, %parallel_loop3A_989] {strides = array<i32>} : memref<2x64x128xf32, #tpu.memory_space<vmem>>, vector<16xf32>,
        tpu.vector_store %arg8[%parallel_loop3A_987, %parallel_loop3A_988, %parallel_loop3A_989], %parallel_loop3A_985 {strides = array<i32>} : memref<2x64x128xf32, #tpu.memory_space<vmem>>, vector<16xf32>,
        %parallel_loop3A_991 = arith.constant 2 : i32
        %parallel_loop3A_992 = arith.constant 0 : i32
        %parallel_loop3A_993 = arith.constant 0 : i32
        %parallel_loop3A_994 = tpu.memref_slice %arg7[%parallel_loop3A_991, %parallel_loop3A_992, %parallel_loop3A_993] : memref<4x128x128xf32, #tpu.memory_space<vmem>> -> memref<1x128x128xf32, #tpu.memory_space<vmem>>
        %parallel_loop3A_995 = tpu.memref_squeeze %parallel_loop3A_994 : memref<1x128x128xf32, #tpu.memory_space<vmem>> -> memref<128x128xf32, #tpu.memory_space<vmem>>
        %parallel_loop3A_996 = tpu.vector_load_idx %parallel_loop3A_995[%add3A_43, %parallel_loop3A_978] : memref<128x128xf32, #tpu.memory_space<vmem>>[vector<16xi32>, vector<16xi32>], vector<16xf32>,
        %parallel_loop3A_997 = arith.addf %parallel_loop3A_996, %parallel_loop3A_974 : vector<16xf32>
        %parallel_loop3A_998 = arith.constant 0 : i32
        %parallel_loop3A_999 = arith.index_cast %parallel_loop3A_998 : i32 to index
        %parallel_loop3A_1000 = arith.index_cast %parallel_loop3A_966 : i32 to index
        %parallel_loop3A_1001 = arith.constant 16 : index
        %parallel_loop3A_1002 = tpu.vector_load %arg8[%parallel_loop3A_999, %parallel_loop3A_1000, %parallel_loop3A_1001] {strides = array<i32>} : memref<2x64x128xf32, #tpu.memory_space<vmem>>, vector<16xf32>,
        tpu.vector_store %arg8[%parallel_loop3A_999, %parallel_loop3A_1000, %parallel_loop3A_1001], %parallel_loop3A_997 {strides = array<i32>} : memref<2x64x128xf32, #tpu.memory_space<vmem>>, vector<16xf32>,
        %parallel_loop3A_1003 = arith.constant 2 : i32
        %parallel_loop3A_1004 = arith.constant 0 : i32
        %parallel_loop3A_1005 = arith.constant 0 : i32
        %parallel_loop3A_1006 = tpu.memref_slice %arg7[%parallel_loop3A_1003, %parallel_loop3A_1004, %parallel_loop3A_1005] : memref<4x128x128xf32, #tpu.memory_space<vmem>> -> memref<1x128x128xf32, #tpu.memory_space<vmem>>
        %parallel_loop3A_1007 = tpu.memref_squeeze %parallel_loop3A_1006 : memref<1x128x128xf32, #tpu.memory_space<vmem>> -> memref<128x128xf32, #tpu.memory_space<vmem>>
        %parallel_loop3A_1008 = tpu.vector_load_idx %parallel_loop3A_1007[%add3A_46, %parallel_loop3A_978] : memref<128x128xf32, #tpu.memory_space<vmem>>[vector<16xi32>, vector<16xi32>], vector<16xf32>,
        %parallel_loop3A_1009 = arith.addf %parallel_loop3A_1008, %parallel_loop3A_974 : vector<16xf32>
        %parallel_loop3A_1010 = arith.constant 0 : i32
        %parallel_loop3A_1011 = arith.index_cast %parallel_loop3A_1010 : i32 to index
        %parallel_loop3A_1012 = arith.index_cast %parallel_loop3A_966 : i32 to index
        %parallel_loop3A_1013 = arith.constant 32 : index
        %parallel_loop3A_1014 = tpu.vector_load %arg8[%parallel_loop3A_1011, %parallel_loop3A_1012, %parallel_loop3A_1013] {strides = array<i32>} : memref<2x64x128xf32, #tpu.memory_space<vmem>>, vector<16xf32>,
        tpu.vector_store %arg8[%parallel_loop3A_1011, %parallel_loop3A_1012, %parallel_loop3A_1013], %parallel_loop3A_1009 {strides = array<i32>} : memref<2x64x128xf32, #tpu.memory_space<vmem>>, vector<16xf32>,
        %parallel_loop3A_1015 = arith.constant 2 : i32
        %parallel_loop3A_1016 = arith.constant 0 : i32
        %parallel_loop3A_1017 = arith.constant 0 : i32
        %parallel_loop3A_1018 = tpu.memref_slice %arg7[%parallel_loop3A_1015, %parallel_loop3A_1016, %parallel_loop3A_1017] : memref<4x128x128xf32, #tpu.memory_space<vmem>> -> memref<1x128x128xf32, #tpu.memory_space<vmem>>
        %parallel_loop3A_1019 = tpu.memref_squeeze %parallel_loop3A_1018 : memref<1x128x128xf32, #tpu.memory_space<vmem>> -> memref<128x128xf32, #tpu.memory_space<vmem>>
        %parallel_loop3A_1020 = tpu.vector_load_idx %parallel_loop3A_1019[%add3A_49, %parallel_loop3A_978] : memref<128x128xf32, #tpu.memory_space<vmem>>[vector<16xi32>, vector<16xi32>], vector<16xf32>,
        %parallel_loop3A_1021 = arith.addf %parallel_loop3A_1020, %parallel_loop3A_974 : vector<16xf32>
        %parallel_loop3A_1022 = arith.constant 0 : i32
        %parallel_loop3A_1023 = arith.index_cast %parallel_loop3A_1022 : i32 to index
        %parallel_loop3A_1024 = arith.index_cast %parallel_loop3A_966 : i32 to index
        %parallel_loop3A_1025 = arith.constant 48 : index
        %parallel_loop3A_1026 = tpu.vector_load %arg8[%parallel_loop3A_1023, %parallel_loop3A_1024, %parallel_loop3A_1025] {strides = array<i32>} : memref<2x64x128xf32, #tpu.memory_space<vmem>>, vector<16xf32>,
        tpu.vector_store %arg8[%parallel_loop3A_1023, %parallel_loop3A_1024, %parallel_loop3A_1025], %parallel_loop3A_1021 {strides = array<i32>} : memref<2x64x128xf32, #tpu.memory_space<vmem>>, vector<16xf32>,
        %parallel_loop3A_1027 = arith.constant 2 : i32
        %parallel_loop3A_1028 = arith.constant 0 : i32
        %parallel_loop3A_1029 = arith.constant 0 : i32
        %parallel_loop3A_1030 = tpu.memref_slice %arg7[%parallel_loop3A_1027, %parallel_loop3A_1028, %parallel_loop3A_1029] : memref<4x128x128xf32, #tpu.memory_space<vmem>> -> memref<1x128x128xf32, #tpu.memory_space<vmem>>
        %parallel_loop3A_1031 = tpu.memref_squeeze %parallel_loop3A_1030 : memref<1x128x128xf32, #tpu.memory_space<vmem>> -> memref<128x128xf32, #tpu.memory_space<vmem>>
        %parallel_loop3A_1032 = tpu.vector_load_idx %parallel_loop3A_1031[%add3A_52, %parallel_loop3A_978] : memref<128x128xf32, #tpu.memory_space<vmem>>[vector<16xi32>, vector<16xi32>], vector<16xf32>,
        %parallel_loop3A_1033 = arith.addf %parallel_loop3A_1032, %parallel_loop3A_974 : vector<16xf32>
        %parallel_loop3A_1034 = arith.constant 0 : i32
        %parallel_loop3A_1035 = arith.index_cast %parallel_loop3A_1034 : i32 to index
        %parallel_loop3A_1036 = arith.index_cast %parallel_loop3A_966 : i32 to index
        %parallel_loop3A_1037 = arith.constant 64 : index
        %parallel_loop3A_1038 = tpu.vector_load %arg8[%parallel_loop3A_1035, %parallel_loop3A_1036, %parallel_loop3A_1037] {strides = array<i32>} : memref<2x64x128xf32, #tpu.memory_space<vmem>>, vector<16xf32>,
        tpu.vector_store %arg8[%parallel_loop3A_1035, %parallel_loop3A_1036, %parallel_loop3A_1037], %parallel_loop3A_1033 {strides = array<i32>} : memref<2x64x128xf32, #tpu.memory_space<vmem>>, vector<16xf32>,
        %parallel_loop3A_1039 = arith.constant 2 : i32
        %parallel_loop3A_1040 = arith.constant 0 : i32
        %parallel_loop3A_1041 = arith.constant 0 : i32
        %parallel_loop3A_1042 = tpu.memref_slice %arg7[%parallel_loop3A_1039, %parallel_loop3A_1040, %parallel_loop3A_1041] : memref<4x128x128xf32, #tpu.memory_space<vmem>> -> memref<1x128x128xf32, #tpu.memory_space<vmem>>
        %parallel_loop3A_1043 = tpu.memref_squeeze %parallel_loop3A_1042 : memref<1x128x128xf32, #tpu.memory_space<vmem>> -> memref<128x128xf32, #tpu.memory_space<vmem>>
        %parallel_loop3A_1044 = tpu.vector_load_idx %parallel_loop3A_1043[%add3A_55, %parallel_loop3A_978] : memref<128x128xf32, #tpu.memory_space<vmem>>[vector<16xi32>, vector<16xi32>], vector<16xf32>,
        %parallel_loop3A_1045 = arith.addf %parallel_loop3A_1044, %parallel_loop3A_974 : vector<16xf32>
        %parallel_loop3A_1046 = arith.constant 0 : i32
        %parallel_loop3A_1047 = arith.index_cast %parallel_loop3A_1046 : i32 to index
        %parallel_loop3A_1048 = arith.index_cast %parallel_loop3A_966 : i32 to index
        %parallel_loop3A_1049 = arith.constant 80 : index
        %parallel_loop3A_1050 = tpu.vector_load %arg8[%parallel_loop3A_1047, %parallel_loop3A_1048, %parallel_loop3A_1049] {strides = array<i32>} : memref<2x64x128xf32, #tpu.memory_space<vmem>>, vector<16xf32>,
        tpu.vector_store %arg8[%parallel_loop3A_1047, %parallel_loop3A_1048, %parallel_loop3A_1049], %parallel_loop3A_1045 {strides = array<i32>} : memref<2x64x128xf32, #tpu.memory_space<vmem>>, vector<16xf32>,
        %parallel_loop3A_1051 = arith.constant 2 : i32
        %parallel_loop3A_1052 = arith.constant 0 : i32
        %parallel_loop3A_1053 = arith.constant 0 : i32
        %parallel_loop3A_1054 = tpu.memref_slice %arg7[%parallel_loop3A_1051, %parallel_loop3A_1052, %parallel_loop3A_1053] : memref<4x128x128xf32, #tpu.memory_space<vmem>> -> memref<1x128x128xf32, #tpu.memory_space<vmem>>
        %parallel_loop3A_1055 = tpu.memref_squeeze %parallel_loop3A_1054 : memref<1x128x128xf32, #tpu.memory_space<vmem>> -> memref<128x128xf32, #tpu.memory_space<vmem>>
        %parallel_loop3A_1056 = tpu.vector_load_idx %parallel_loop3A_1055[%add3A_58, %parallel_loop3A_978] : memref<128x128xf32, #tpu.memory_space<vmem>>[vector<16xi32>, vector<16xi32>], vector<16xf32>,
        %parallel_loop3A_1057 = arith.addf %parallel_loop3A_1056, %parallel_loop3A_974 : vector<16xf32>
        %parallel_loop3A_1058 = arith.constant 0 : i32
        %parallel_loop3A_1059 = arith.index_cast %parallel_loop3A_1058 : i32 to index
        %parallel_loop3A_1060 = arith.index_cast %parallel_loop3A_966 : i32 to index
        %parallel_loop3A_1061 = arith.constant 96 : index
        %parallel_loop3A_1062 = tpu.vector_load %arg8[%parallel_loop3A_1059, %parallel_loop3A_1060, %parallel_loop3A_1061] {strides = array<i32>} : memref<2x64x128xf32, #tpu.memory_space<vmem>>, vector<16xf32>,
        tpu.vector_store %arg8[%parallel_loop3A_1059, %parallel_loop3A_1060, %parallel_loop3A_1061], %parallel_loop3A_1057 {strides = array<i32>} : memref<2x64x128xf32, #tpu.memory_space<vmem>>, vector<16xf32>,
        %parallel_loop3A_1063 = arith.constant 2 : i32
        %parallel_loop3A_1064 = arith.constant 0 : i32
        %parallel_loop3A_1065 = arith.constant 0 : i32
        %parallel_loop3A_1066 = tpu.memref_slice %arg7[%parallel_loop3A_1063, %parallel_loop3A_1064, %parallel_loop3A_1065] : memref<4x128x128xf32, #tpu.memory_space<vmem>> -> memref<1x128x128xf32, #tpu.memory_space<vmem>>
        %parallel_loop3A_1067 = tpu.memref_squeeze %parallel_loop3A_1066 : memref<1x128x128xf32, #tpu.memory_space<vmem>> -> memref<128x128xf32, #tpu.memory_space<vmem>>
        %parallel_loop3A_1068 = tpu.vector_load_idx %parallel_loop3A_1067[%add3A_61, %parallel_loop3A_978] : memref<128x128xf32, #tpu.memory_space<vmem>>[vector<16xi32>, vector<16xi32>], vector<16xf32>,
        %parallel_loop3A_1069 = arith.addf %parallel_loop3A_1068, %parallel_loop3A_974 : vector<16xf32>
        %parallel_loop3A_1070 = arith.constant 0 : i32
        %parallel_loop3A_1071 = arith.index_cast %parallel_loop3A_1070 : i32 to index
        %parallel_loop3A_1072 = arith.index_cast %parallel_loop3A_966 : i32 to index
        %parallel_loop3A_1073 = arith.constant 112 : index
        %parallel_loop3A_1074 = tpu.vector_load %arg8[%parallel_loop3A_1071, %parallel_loop3A_1072, %parallel_loop3A_1073] {strides = array<i32>} : memref<2x64x128xf32, #tpu.memory_space<vmem>>, vector<16xf32>,
        tpu.vector_store %arg8[%parallel_loop3A_1071, %parallel_loop3A_1072, %parallel_loop3A_1073], %parallel_loop3A_1069 {strides = array<i32>} : memref<2x64x128xf32, #tpu.memory_space<vmem>>, vector<16xf32>,
      } {sc.loop_unroll_factor = 4 : i64, sc.parallel_access}
      %dma_start3A_692 = arith.constant 0 : i32
      %dma_start3A_693 = arith.constant 0 : i32
      %dma_start3A_694 = arith.constant 0 : i32
      %dma_start3A_695 = tpu.memref_slice %arg8[%dma_start3A_692, %dma_start3A_693, %dma_start3A_694] : memref<2x64x128xf32, #tpu.memory_space<vmem>> -> memref<1x8x128xf32, #tpu.memory_space<vmem>>
      %dma_start3A_696 = tpu.memref_squeeze %dma_start3A_695 : memref<1x8x128xf32, #tpu.memory_space<vmem>> -> memref<8x128xf32, #tpu.memory_space<vmem>>
      %dma_start3A_697 = arith.constant 0 : i32
      %dma_start3A_698 = tpu.memref_slice %arg5[%add3A_661, %dma_start3A_697, %mul3A_2] : memref<200x64x4096xf32, #tpu.memory_space<hbm>> -> memref<1x8x128xf32, #tpu.memory_space<hbm>>
      %dma_start3A_699 = tpu.memref_squeeze %dma_start3A_698 : memref<1x8x128xf32, #tpu.memory_space<hbm>> -> memref<8x128xf32, #tpu.memory_space<hbm>>
      %dma_start3A_700 = arith.constant 0 : i32
      %dma_start3A_701 = tpu.memref_slice %arg5[%add3A_661, %dma_start3A_700, %mul3A_2] : memref<200x64x4096xf32, #tpu.memory_space<hbm>> -> memref<1x8x128xf32, #tpu.memory_space<hbm>>
      %dma_start3A_702 = tpu.memref_squeeze %dma_start3A_701 : memref<1x8x128xf32, #tpu.memory_space<hbm>> -> memref<8x128xf32, #tpu.memory_space<hbm>>
      %dma_start3A_703 = arith.constant 0 : i32
      %dma_start3A_704 = arith.constant 0 : i32
      %dma_start3A_705 = tpu.memref_slice %arg8[%dma_start3A_692, %dma_start3A_703, %dma_start3A_704] : memref<2x64x128xf32, #tpu.memory_space<vmem>> -> memref<1x8x128xf32, #tpu.memory_space<vmem>>
      %dma_start3A_706 = tpu.memref_squeeze %dma_start3A_705 : memref<1x8x128xf32, #tpu.memory_space<vmem>> -> memref<8x128xf32, #tpu.memory_space<vmem>>
      tpu.enqueue_dma source(%dma_start3A_706 : memref<8x128xf32, #tpu.memory_space<vmem>>) target(%dma_start3A_702 : memref<8x128xf32, #tpu.memory_space<hbm>>) target_semaphore(%arg11 : memref<!tpu.dma_semaphore, #tpu.memory_space<semaphore_mem>>)
      %dma_start3A_707 = arith.constant 0 : i32
      %dma_start3A_708 = arith.constant 8 : i32
      %dma_start3A_709 = arith.constant 0 : i32
      %dma_start3A_710 = tpu.memref_slice %arg8[%dma_start3A_707, %dma_start3A_708, %dma_start3A_709] : memref<2x64x128xf32, #tpu.memory_space<vmem>> -> memref<1x8x128xf32, #tpu.memory_space<vmem>>
      %dma_start3A_711 = tpu.memref_squeeze %dma_start3A_710 : memref<1x8x128xf32, #tpu.memory_space<vmem>> -> memref<8x128xf32, #tpu.memory_space<vmem>>
      %dma_start3A_712 = arith.constant 8 : i32
      %dma_start3A_713 = tpu.memref_slice %arg5[%add3A_661, %dma_start3A_712, %mul3A_2] : memref<200x64x4096xf32, #tpu.memory_space<hbm>> -> memref<1x8x128xf32, #tpu.memory_space<hbm>>
      %dma_start3A_714 = tpu.memref_squeeze %dma_start3A_713 : memref<1x8x128xf32, #tpu.memory_space<hbm>> -> memref<8x128xf32, #tpu.memory_space<hbm>>
      %dma_start3A_715 = arith.constant 8 : i32
      %dma_start3A_716 = tpu.memref_slice %arg5[%add3A_661, %dma_start3A_715, %mul3A_2] : memref<200x64x4096xf32, #tpu.memory_space<hbm>> -> memref<1x8x128xf32, #tpu.memory_space<hbm>>
      %dma_start3A_717 = tpu.memref_squeeze %dma_start3A_716 : memref<1x8x128xf32, #tpu.memory_space<hbm>> -> memref<8x128xf32, #tpu.memory_space<hbm>>
      %dma_start3A_718 = arith.constant 8 : i32
      %dma_start3A_719 = arith.constant 0 : i32
      %dma_start3A_720 = tpu.memref_slice %arg8[%dma_start3A_707, %dma_start3A_718, %dma_start3A_719] : memref<2x64x128xf32, #tpu.memory_space<vmem>> -> memref<1x8x128xf32, #tpu.memory_space<vmem>>
      %dma_start3A_721 = tpu.memref_squeeze %dma_start3A_720 : memref<1x8x128xf32, #tpu.memory_space<vmem>> -> memref<8x128xf32, #tpu.memory_space<vmem>>
      tpu.enqueue_dma source(%dma_start3A_721 : memref<8x128xf32, #tpu.memory_space<vmem>>) target(%dma_start3A_717 : memref<8x128xf32, #tpu.memory_space<hbm>>) target_semaphore(%arg11 : memref<!tpu.dma_semaphore, #tpu.memory_space<semaphore_mem>>)
      %dma_start3A_722 = arith.constant 0 : i32
      %dma_start3A_723 = arith.constant 16 : i32
      %dma_start3A_724 = arith.constant 0 : i32
      %dma_start3A_725 = tpu.memref_slice %arg8[%dma_start3A_722, %dma_start3A_723, %dma_start3A_724] : memref<2x64x128xf32, #tpu.memory_space<vmem>> -> memref<1x8x128xf32, #tpu.memory_space<vmem>>
      %dma_start3A_726 = tpu.memref_squeeze %dma_start3A_725 : memref<1x8x128xf32, #tpu.memory_space<vmem>> -> memref<8x128xf32, #tpu.memory_space<vmem>>
      %dma_start3A_727 = arith.constant 16 : i32
      %dma_start3A_728 = tpu.memref_slice %arg5[%add3A_661, %dma_start3A_727, %mul3A_2] : memref<200x64x4096xf32, #tpu.memory_space<hbm>> -> memref<1x8x128xf32, #tpu.memory_space<hbm>>
      %dma_start3A_729 = tpu.memref_squeeze %dma_start3A_728 : memref<1x8x128xf32, #tpu.memory_space<hbm>> -> memref<8x128xf32, #tpu.memory_space<hbm>>
      %dma_start3A_730 = arith.constant 16 : i32
      %dma_start3A_731 = tpu.memref_slice %arg5[%add3A_661, %dma_start3A_730, %mul3A_2] : memref<200x64x4096xf32, #tpu.memory_space<hbm>> -> memref<1x8x128xf32, #tpu.memory_space<hbm>>
      %dma_start3A_732 = tpu.memref_squeeze %dma_start3A_731 : memref<1x8x128xf32, #tpu.memory_space<hbm>> -> memref<8x128xf32, #tpu.memory_space<hbm>>
      %dma_start3A_733 = arith.constant 16 : i32
      %dma_start3A_734 = arith.constant 0 : i32
      %dma_start3A_735 = tpu.memref_slice %arg8[%dma_start3A_722, %dma_start3A_733, %dma_start3A_734] : memref<2x64x128xf32, #tpu.memory_space<vmem>> -> memref<1x8x128xf32, #tpu.memory_space<vmem>>
      %dma_start3A_736 = tpu.memref_squeeze %dma_start3A_735 : memref<1x8x128xf32, #tpu.memory_space<vmem>> -> memref<8x128xf32, #tpu.memory_space<vmem>>
      tpu.enqueue_dma source(%dma_start3A_736 : memref<8x128xf32, #tpu.memory_space<vmem>>) target(%dma_start3A_732 : memref<8x128xf32, #tpu.memory_space<hbm>>) target_semaphore(%arg11 : memref<!tpu.dma_semaphore, #tpu.memory_space<semaphore_mem>>)
      %dma_start3A_737 = arith.constant 0 : i32
      %dma_start3A_738 = arith.constant 24 : i32
      %dma_start3A_739 = arith.constant 0 : i32
      %dma_start3A_740 = tpu.memref_slice %arg8[%dma_start3A_737, %dma_start3A_738, %dma_start3A_739] : memref<2x64x128xf32, #tpu.memory_space<vmem>> -> memref<1x8x128xf32, #tpu.memory_space<vmem>>
      %dma_start3A_741 = tpu.memref_squeeze %dma_start3A_740 : memref<1x8x128xf32, #tpu.memory_space<vmem>> -> memref<8x128xf32, #tpu.memory_space<vmem>>
      %dma_start3A_742 = arith.constant 24 : i32
      %dma_start3A_743 = tpu.memref_slice %arg5[%add3A_661, %dma_start3A_742, %mul3A_2] : memref<200x64x4096xf32, #tpu.memory_space<hbm>> -> memref<1x8x128xf32, #tpu.memory_space<hbm>>
      %dma_start3A_744 = tpu.memref_squeeze %dma_start3A_743 : memref<1x8x128xf32, #tpu.memory_space<hbm>> -> memref<8x128xf32, #tpu.memory_space<hbm>>
      %dma_start3A_745 = arith.constant 24 : i32
      %dma_start3A_746 = tpu.memref_slice %arg5[%add3A_661, %dma_start3A_745, %mul3A_2] : memref<200x64x4096xf32, #tpu.memory_space<hbm>> -> memref<1x8x128xf32, #tpu.memory_space<hbm>>
      %dma_start3A_747 = tpu.memref_squeeze %dma_start3A_746 : memref<1x8x128xf32, #tpu.memory_space<hbm>> -> memref<8x128xf32, #tpu.memory_space<hbm>>
      %dma_start3A_748 = arith.constant 24 : i32
      %dma_start3A_749 = arith.constant 0 : i32
      %dma_start3A_750 = tpu.memref_slice %arg8[%dma_start3A_737, %dma_start3A_748, %dma_start3A_749] : memref<2x64x128xf32, #tpu.memory_space<vmem>> -> memref<1x8x128xf32, #tpu.memory_space<vmem>>
      %dma_start3A_751 = tpu.memref_squeeze %dma_start3A_750 : memref<1x8x128xf32, #tpu.memory_space<vmem>> -> memref<8x128xf32, #tpu.memory_space<vmem>>
      tpu.enqueue_dma source(%dma_start3A_751 : memref<8x128xf32, #tpu.memory_space<vmem>>) target(%dma_start3A_747 : memref<8x128xf32, #tpu.memory_space<hbm>>) target_semaphore(%arg11 : memref<!tpu.dma_semaphore, #tpu.memory_space<semaphore_mem>>)
      %dma_start3A_752 = arith.constant 0 : i32
      %dma_start3A_753 = arith.constant 32 : i32
      %dma_start3A_754 = arith.constant 0 : i32
      %dma_start3A_755 = tpu.memref_slice %arg8[%dma_start3A_752, %dma_start3A_753, %dma_start3A_754] : memref<2x64x128xf32, #tpu.memory_space<vmem>> -> memref<1x8x128xf32, #tpu.memory_space<vmem>>
      %dma_start3A_756 = tpu.memref_squeeze %dma_start3A_755 : memref<1x8x128xf32, #tpu.memory_space<vmem>> -> memref<8x128xf32, #tpu.memory_space<vmem>>
      %dma_start3A_757 = arith.constant 32 : i32
      %dma_start3A_758 = tpu.memref_slice %arg5[%add3A_661, %dma_start3A_757, %mul3A_2] : memref<200x64x4096xf32, #tpu.memory_space<hbm>> -> memref<1x8x128xf32, #tpu.memory_space<hbm>>
      %dma_start3A_759 = tpu.memref_squeeze %dma_start3A_758 : memref<1x8x128xf32, #tpu.memory_space<hbm>> -> memref<8x128xf32, #tpu.memory_space<hbm>>
      %dma_start3A_760 = arith.constant 32 : i32
      %dma_start3A_761 = tpu.memref_slice %arg5[%add3A_661, %dma_start3A_760, %mul3A_2] : memref<200x64x4096xf32, #tpu.memory_space<hbm>> -> memref<1x8x128xf32, #tpu.memory_space<hbm>>
      %dma_start3A_762 = tpu.memref_squeeze %dma_start3A_761 : memref<1x8x128xf32, #tpu.memory_space<hbm>> -> memref<8x128xf32, #tpu.memory_space<hbm>>
      %dma_start3A_763 = arith.constant 32 : i32
      %dma_start3A_764 = arith.constant 0 : i32
      %dma_start3A_765 = tpu.memref_slice %arg8[%dma_start3A_752, %dma_start3A_763, %dma_start3A_764] : memref<2x64x128xf32, #tpu.memory_space<vmem>> -> memref<1x8x128xf32, #tpu.memory_space<vmem>>
      %dma_start3A_766 = tpu.memref_squeeze %dma_start3A_765 : memref<1x8x128xf32, #tpu.memory_space<vmem>> -> memref<8x128xf32, #tpu.memory_space<vmem>>
      tpu.enqueue_dma source(%dma_start3A_766 : memref<8x128xf32, #tpu.memory_space<vmem>>) target(%dma_start3A_762 : memref<8x128xf32, #tpu.memory_space<hbm>>) target_semaphore(%arg11 : memref<!tpu.dma_semaphore, #tpu.memory_space<semaphore_mem>>)
      %dma_start3A_767 = arith.constant 0 : i32
      %dma_start3A_768 = arith.constant 40 : i32
      %dma_start3A_769 = arith.constant 0 : i32
      %dma_start3A_770 = tpu.memref_slice %arg8[%dma_start3A_767, %dma_start3A_768, %dma_start3A_769] : memref<2x64x128xf32, #tpu.memory_space<vmem>> -> memref<1x8x128xf32, #tpu.memory_space<vmem>>
      %dma_start3A_771 = tpu.memref_squeeze %dma_start3A_770 : memref<1x8x128xf32, #tpu.memory_space<vmem>> -> memref<8x128xf32, #tpu.memory_space<vmem>>
      %dma_start3A_772 = arith.constant 40 : i32
      %dma_start3A_773 = tpu.memref_slice %arg5[%add3A_661, %dma_start3A_772, %mul3A_2] : memref<200x64x4096xf32, #tpu.memory_space<hbm>> -> memref<1x8x128xf32, #tpu.memory_space<hbm>>
      %dma_start3A_774 = tpu.memref_squeeze %dma_start3A_773 : memref<1x8x128xf32, #tpu.memory_space<hbm>> -> memref<8x128xf32, #tpu.memory_space<hbm>>
      %dma_start3A_775 = arith.constant 40 : i32
      %dma_start3A_776 = tpu.memref_slice %arg5[%add3A_661, %dma_start3A_775, %mul3A_2] : memref<200x64x4096xf32, #tpu.memory_space<hbm>> -> memref<1x8x128xf32, #tpu.memory_space<hbm>>
      %dma_start3A_777 = tpu.memref_squeeze %dma_start3A_776 : memref<1x8x128xf32, #tpu.memory_space<hbm>> -> memref<8x128xf32, #tpu.memory_space<hbm>>
      %dma_start3A_778 = arith.constant 40 : i32
      %dma_start3A_779 = arith.constant 0 : i32
      %dma_start3A_780 = tpu.memref_slice %arg8[%dma_start3A_767, %dma_start3A_778, %dma_start3A_779] : memref<2x64x128xf32, #tpu.memory_space<vmem>> -> memref<1x8x128xf32, #tpu.memory_space<vmem>>
      %dma_start3A_781 = tpu.memref_squeeze %dma_start3A_780 : memref<1x8x128xf32, #tpu.memory_space<vmem>> -> memref<8x128xf32, #tpu.memory_space<vmem>>
      tpu.enqueue_dma source(%dma_start3A_781 : memref<8x128xf32, #tpu.memory_space<vmem>>) target(%dma_start3A_777 : memref<8x128xf32, #tpu.memory_space<hbm>>) target_semaphore(%arg11 : memref<!tpu.dma_semaphore, #tpu.memory_space<semaphore_mem>>)
      %dma_start3A_782 = arith.constant 0 : i32
      %dma_start3A_783 = arith.constant 48 : i32
      %dma_start3A_784 = arith.constant 0 : i32
      %dma_start3A_785 = tpu.memref_slice %arg8[%dma_start3A_782, %dma_start3A_783, %dma_start3A_784] : memref<2x64x128xf32, #tpu.memory_space<vmem>> -> memref<1x8x128xf32, #tpu.memory_space<vmem>>
      %dma_start3A_786 = tpu.memref_squeeze %dma_start3A_785 : memref<1x8x128xf32, #tpu.memory_space<vmem>> -> memref<8x128xf32, #tpu.memory_space<vmem>>
      %dma_start3A_787 = arith.constant 48 : i32
      %dma_start3A_788 = tpu.memref_slice %arg5[%add3A_661, %dma_start3A_787, %mul3A_2] : memref<200x64x4096xf32, #tpu.memory_space<hbm>> -> memref<1x8x128xf32, #tpu.memory_space<hbm>>
      %dma_start3A_789 = tpu.memref_squeeze %dma_start3A_788 : memref<1x8x128xf32, #tpu.memory_space<hbm>> -> memref<8x128xf32, #tpu.memory_space<hbm>>
      %dma_start3A_790 = arith.constant 48 : i32
      %dma_start3A_791 = tpu.memref_slice %arg5[%add3A_661, %dma_start3A_790, %mul3A_2] : memref<200x64x4096xf32, #tpu.memory_space<hbm>> -> memref<1x8x128xf32, #tpu.memory_space<hbm>>
      %dma_start3A_792 = tpu.memref_squeeze %dma_start3A_791 : memref<1x8x128xf32, #tpu.memory_space<hbm>> -> memref<8x128xf32, #tpu.memory_space<hbm>>
      %dma_start3A_793 = arith.constant 48 : i32
      %dma_start3A_794 = arith.constant 0 : i32
      %dma_start3A_795 = tpu.memref_slice %arg8[%dma_start3A_782, %dma_start3A_793, %dma_start3A_794] : memref<2x64x128xf32, #tpu.memory_space<vmem>> -> memref<1x8x128xf32, #tpu.memory_space<vmem>>
      %dma_start3A_796 = tpu.memref_squeeze %dma_start3A_795 : memref<1x8x128xf32, #tpu.memory_space<vmem>> -> memref<8x128xf32, #tpu.memory_space<vmem>>
      tpu.enqueue_dma source(%dma_start3A_796 : memref<8x128xf32, #tpu.memory_space<vmem>>) target(%dma_start3A_792 : memref<8x128xf32, #tpu.memory_space<hbm>>) target_semaphore(%arg11 : memref<!tpu.dma_semaphore, #tpu.memory_space<semaphore_mem>>)
      %dma_start3A_797 = arith.constant 0 : i32
      %dma_start3A_798 = arith.constant 56 : i32
      %dma_start3A_799 = arith.constant 0 : i32
      %dma_start3A_800 = tpu.memref_slice %arg8[%dma_start3A_797, %dma_start3A_798, %dma_start3A_799] : memref<2x64x128xf32, #tpu.memory_space<vmem>> -> memref<1x8x128xf32, #tpu.memory_space<vmem>>
      %dma_start3A_801 = tpu.memref_squeeze %dma_start3A_800 : memref<1x8x128xf32, #tpu.memory_space<vmem>> -> memref<8x128xf32, #tpu.memory_space<vmem>>
      %dma_start3A_802 = arith.constant 56 : i32
      %dma_start3A_803 = tpu.memref_slice %arg5[%add3A_661, %dma_start3A_802, %mul3A_2] : memref<200x64x4096xf32, #tpu.memory_space<hbm>> -> memref<1x8x128xf32, #tpu.memory_space<hbm>>
      %dma_start3A_804 = tpu.memref_squeeze %dma_start3A_803 : memref<1x8x128xf32, #tpu.memory_space<hbm>> -> memref<8x128xf32, #tpu.memory_space<hbm>>
      %dma_start3A_805 = arith.constant 56 : i32
      %dma_start3A_806 = tpu.memref_slice %arg5[%add3A_661, %dma_start3A_805, %mul3A_2] : memref<200x64x4096xf32, #tpu.memory_space<hbm>> -> memref<1x8x128xf32, #tpu.memory_space<hbm>>
      %dma_start3A_807 = tpu.memref_squeeze %dma_start3A_806 : memref<1x8x128xf32, #tpu.memory_space<hbm>> -> memref<8x128xf32, #tpu.memory_space<hbm>>
      %dma_start3A_808 = arith.constant 56 : i32
      %dma_start3A_809 = arith.constant 0 : i32
      %dma_start3A_810 = tpu.memref_slice %arg8[%dma_start3A_797, %dma_start3A_808, %dma_start3A_809] : memref<2x64x128xf32, #tpu.memory_space<vmem>> -> memref<1x8x128xf32, #tpu.memory_space<vmem>>
      %dma_start3A_811 = tpu.memref_squeeze %dma_start3A_810 : memref<1x8x128xf32, #tpu.memory_space<vmem>> -> memref<8x128xf32, #tpu.memory_space<vmem>>
      tpu.enqueue_dma source(%dma_start3A_811 : memref<8x128xf32, #tpu.memory_space<vmem>>) target(%dma_start3A_807 : memref<8x128xf32, #tpu.memory_space<hbm>>) target_semaphore(%arg11 : memref<!tpu.dma_semaphore, #tpu.memory_space<semaphore_mem>>)
      %mul3A_812 = arith.constant 4 : i32
      %mul3A_813 = arith.muli %scan3A_354, %mul3A_812 : i32
      %add3A_814 = arith.constant 3 : i32
      %add3A_815 = arith.addi %mul3A_813, %add3A_814 : i32
      %dma_wait3A_816 = arith.constant 3 : i32
      %dma_wait3A_817 = arith.constant 0 : i32
      %dma_wait3A_818 = arith.constant 0 : i32
      %dma_wait3A_819 = tpu.memref_slice %arg7[%dma_wait3A_816, %dma_wait3A_817, %dma_wait3A_818] : memref<4x128x128xf32, #tpu.memory_space<vmem>> -> memref<1x128x128xf32, #tpu.memory_space<vmem>>
      %dma_wait3A_820 = tpu.memref_squeeze %dma_wait3A_819 : memref<1x128x128xf32, #tpu.memory_space<vmem>> -> memref<128x128xf32, #tpu.memory_space<vmem>>
      %dma_wait3A_821 = arith.constant 0 : i32
      %dma_wait3A_822 = arith.constant 0 : i32
      %dma_wait3A_823 = tpu.memref_slice %arg3[%dma_wait3A_821, %dma_wait3A_822] : memref<100000x128xf32, #tpu.memory_space<hbm>> -> memref<128x128xf32, #tpu.memory_space<hbm>>
      %dma_wait3A_824 = arith.constant 0 : i32
      %dma_wait3A_825 = arith.constant 0 : i32
      %dma_wait3A_826 = tpu.memref_slice %arg7[%dma_wait3A_816, %dma_wait3A_824, %dma_wait3A_825] : memref<4x128x128xf32, #tpu.memory_space<vmem>> -> memref<1x128x128xf32, #tpu.memory_space<vmem>>
      %dma_wait3A_827 = tpu.memref_squeeze %dma_wait3A_826 : memref<1x128x128xf32, #tpu.memory_space<vmem>> -> memref<128x128xf32, #tpu.memory_space<vmem>>
      %dma_wait3A_828 = arith.constant 0 : i32
      %dma_wait3A_829 = arith.constant 0 : i32
      %dma_wait3A_830 = tpu.memref_slice %arg3[%dma_wait3A_828, %dma_wait3A_829] : memref<100000x128xf32, #tpu.memory_space<hbm>> -> memref<128x128xf32, #tpu.memory_space<hbm>>
      tpu.wait_dma2 semaphore(%arg10 : memref<!tpu.dma_semaphore, #tpu.memory_space<semaphore_mem>>) src(%dma_wait3A_830 : memref<128x128xf32, #tpu.memory_space<hbm>>) dst(%dma_wait3A_827 : memref<128x128xf32, #tpu.memory_space<vmem>>)
      %add3A_831 = arith.constant 3 : i32
      %add3A_832 = arith.addi %add3A_815, %add3A_831 : i32
      %lt3A_833 = arith.constant 200 : i32
      %lt3A_834 = arith.cmpi slt, %add3A_832, %lt3A_833 : i32
      %convert_element_type3A_835 = arith.extui %lt3A_834 : i1 to i32
      %cond3A_836 = arith.constant 0 : i32
      %cond3A_837 = arith.cmpi ne, %convert_element_type3A_835, %cond3A_836 : i32
      scf.if %cond3A_837 {
        %add3A_966 = arith.constant 3 : i32
        %add3A_967 = arith.addi %add3A_815, %add3A_966 : i32
        %dma_start3A_968 = arith.constant 2 : i32
        %dma_start3A_969 = arith.constant 0 : i32
        %dma_start3A_970 = arith.constant 0 : i32
        %dma_start3A_971 = tpu.memref_slice %arg7[%dma_start3A_968, %dma_start3A_969, %dma_start3A_970] : memref<4x128x128xf32, #tpu.memory_space<vmem>> -> memref<1x128x128xf32, #tpu.memory_space<vmem>>
        %dma_start3A_972 = tpu.memref_squeeze %dma_start3A_971 : memref<1x128x128xf32, #tpu.memory_space<vmem>> -> memref<128x128xf32, #tpu.memory_space<vmem>>
        %dma_start3A_973 = arith.constant 0 : i32
        %dma_start3A_974 = tpu.memref_slice %arg6[%add3A_967, %dma_start3A_973] : memref<200x128xi32, #tpu.memory_space<vmem>> -> memref<1x128xi32, #tpu.memory_space<vmem>>
        %dma_start3A_975 = tpu.memref_squeeze %dma_start3A_974 : memref<1x128xi32, #tpu.memory_space<vmem>> -> memref<128xi32, #tpu.memory_space<vmem>>
        %dma_start3A_976 = arith.constant 0 : i32
        %dma_start3A_977 = arith.constant 0 : i32
        %dma_start3A_978 = tpu.memref_slice %arg3[%dma_start3A_976, %dma_start3A_977] : memref<100000x128xf32, #tpu.memory_space<hbm>> -> memref<100000x128xf32, #tpu.memory_space<hbm>>
        tpu.enqueue_indirect_dma source(%dma_start3A_978 : memref<100000x128xf32, #tpu.memory_space<hbm>>) target(%dma_start3A_972 : memref<128x128xf32, #tpu.memory_space<vmem>>) offsets(%dma_start3A_975 : memref<128xi32, #tpu.memory_space<vmem>>) semaphore(%arg10 : memref<!tpu.dma_semaphore, #tpu.memory_space<semaphore_mem>>)
      } else {
      }
      %ge3A_838 = arith.constant 2 : i32
      %ge3A_839 = arith.cmpi sge, %add3A_815, %ge3A_838 : i32
      %convert_element_type3A_840 = arith.extui %ge3A_839 : i1 to i32
      %cond3A_841 = arith.constant 0 : i32
      %cond3A_842 = arith.cmpi ne, %convert_element_type3A_840, %cond3A_841 : i32
      scf.if %cond3A_842 {
        %dma_wait3A_966 = arith.constant 1 : i32
        %dma_wait3A_967 = arith.constant 0 : i32
        %dma_wait3A_968 = arith.constant 0 : i32
        %dma_wait3A_969 = arith.constant 0 : i32
        %dma_wait3A_970 = tpu.memref_slice %arg8[%dma_wait3A_966, %dma_wait3A_968, %dma_wait3A_969] : memref<2x64x128xf32, #tpu.memory_space<vmem>> -> memref<1x8x128xf32, #tpu.memory_space<vmem>>
        %dma_wait3A_971 = tpu.memref_squeeze %dma_wait3A_970 : memref<1x8x128xf32, #tpu.memory_space<vmem>> -> memref<8x128xf32, #tpu.memory_space<vmem>>
        %dma_wait3A_972 = arith.constant 0 : i32
        %dma_wait3A_973 = arith.constant 0 : i32
        %dma_wait3A_974 = tpu.memref_slice %arg5[%dma_wait3A_967, %dma_wait3A_972, %dma_wait3A_973] : memref<200x64x4096xf32, #tpu.memory_space<hbm>> -> memref<1x8x128xf32, #tpu.memory_space<hbm>>
        %dma_wait3A_975 = tpu.memref_squeeze %dma_wait3A_974 : memref<1x8x128xf32, #tpu.memory_space<hbm>> -> memref<8x128xf32, #tpu.memory_space<hbm>>
        %dma_wait3A_976 = arith.constant 0 : i32
        %dma_wait3A_977 = arith.constant 0 : i32
        %dma_wait3A_978 = tpu.memref_slice %arg5[%dma_wait3A_967, %dma_wait3A_976, %dma_wait3A_977] : memref<200x64x4096xf32, #tpu.memory_space<hbm>> -> memref<1x8x128xf32, #tpu.memory_space<hbm>>
        %dma_wait3A_979 = tpu.memref_squeeze %dma_wait3A_978 : memref<1x8x128xf32, #tpu.memory_space<hbm>> -> memref<8x128xf32, #tpu.memory_space<hbm>>
        %dma_wait3A_980 = arith.constant 0 : i32
        %dma_wait3A_981 = arith.constant 0 : i32
        %dma_wait3A_982 = tpu.memref_slice %arg8[%dma_wait3A_966, %dma_wait3A_980, %dma_wait3A_981] : memref<2x64x128xf32, #tpu.memory_space<vmem>> -> memref<1x8x128xf32, #tpu.memory_space<vmem>>
        %dma_wait3A_983 = tpu.memref_squeeze %dma_wait3A_982 : memref<1x8x128xf32, #tpu.memory_space<vmem>> -> memref<8x128xf32, #tpu.memory_space<vmem>>
        tpu.wait_dma2 semaphore(%arg11 : memref<!tpu.dma_semaphore, #tpu.memory_space<semaphore_mem>>) src(%dma_wait3A_983 : memref<8x128xf32, #tpu.memory_space<vmem>>) dst(%dma_wait3A_979 : memref<8x128xf32, #tpu.memory_space<hbm>>)
        %dma_wait3A_984 = arith.constant 1 : i32
        %dma_wait3A_985 = arith.constant 0 : i32
        %dma_wait3A_986 = arith.constant 8 : i32
        %dma_wait3A_987 = arith.constant 0 : i32
        %dma_wait3A_988 = tpu.memref_slice %arg8[%dma_wait3A_984, %dma_wait3A_986, %dma_wait3A_987] : memref<2x64x128xf32, #tpu.memory_space<vmem>> -> memref<1x8x128xf32, #tpu.memory_space<vmem>>
        %dma_wait3A_989 = tpu.memref_squeeze %dma_wait3A_988 : memref<1x8x128xf32, #tpu.memory_space<vmem>> -> memref<8x128xf32, #tpu.memory_space<vmem>>
        %dma_wait3A_990 = arith.constant 0 : i32
        %dma_wait3A_991 = arith.constant 0 : i32
        %dma_wait3A_992 = tpu.memref_slice %arg5[%dma_wait3A_985, %dma_wait3A_990, %dma_wait3A_991] : memref<200x64x4096xf32, #tpu.memory_space<hbm>> -> memref<1x8x128xf32, #tpu.memory_space<hbm>>
        %dma_wait3A_993 = tpu.memref_squeeze %dma_wait3A_992 : memref<1x8x128xf32, #tpu.memory_space<hbm>> -> memref<8x128xf32, #tpu.memory_space<hbm>>
        %dma_wait3A_994 = arith.constant 0 : i32
        %dma_wait3A_995 = arith.constant 0 : i32
        %dma_wait3A_996 = tpu.memref_slice %arg5[%dma_wait3A_985, %dma_wait3A_994, %dma_wait3A_995] : memref<200x64x4096xf32, #tpu.memory_space<hbm>> -> memref<1x8x128xf32, #tpu.memory_space<hbm>>
        %dma_wait3A_997 = tpu.memref_squeeze %dma_wait3A_996 : memref<1x8x128xf32, #tpu.memory_space<hbm>> -> memref<8x128xf32, #tpu.memory_space<hbm>>
        %dma_wait3A_998 = arith.constant 8 : i32
        %dma_wait3A_999 = arith.constant 0 : i32
        %dma_wait3A_1000 = tpu.memref_slice %arg8[%dma_wait3A_984, %dma_wait3A_998, %dma_wait3A_999] : memref<2x64x128xf32, #tpu.memory_space<vmem>> -> memref<1x8x128xf32, #tpu.memory_space<vmem>>
        %dma_wait3A_1001 = tpu.memref_squeeze %dma_wait3A_1000 : memref<1x8x128xf32, #tpu.memory_space<vmem>> -> memref<8x128xf32, #tpu.memory_space<vmem>>
        tpu.wait_dma2 semaphore(%arg11 : memref<!tpu.dma_semaphore, #tpu.memory_space<semaphore_mem>>) src(%dma_wait3A_1001 : memref<8x128xf32, #tpu.memory_space<vmem>>) dst(%dma_wait3A_997 : memref<8x128xf32, #tpu.memory_space<hbm>>)
        %dma_wait3A_1002 = arith.constant 1 : i32
        %dma_wait3A_1003 = arith.constant 0 : i32
        %dma_wait3A_1004 = arith.constant 16 : i32
        %dma_wait3A_1005 = arith.constant 0 : i32
        %dma_wait3A_1006 = tpu.memref_slice %arg8[%dma_wait3A_1002, %dma_wait3A_1004, %dma_wait3A_1005] : memref<2x64x128xf32, #tpu.memory_space<vmem>> -> memref<1x8x128xf32, #tpu.memory_space<vmem>>
        %dma_wait3A_1007 = tpu.memref_squeeze %dma_wait3A_1006 : memref<1x8x128xf32, #tpu.memory_space<vmem>> -> memref<8x128xf32, #tpu.memory_space<vmem>>
        %dma_wait3A_1008 = arith.constant 0 : i32
        %dma_wait3A_1009 = arith.constant 0 : i32
        %dma_wait3A_1010 = tpu.memref_slice %arg5[%dma_wait3A_1003, %dma_wait3A_1008, %dma_wait3A_1009] : memref<200x64x4096xf32, #tpu.memory_space<hbm>> -> memref<1x8x128xf32, #tpu.memory_space<hbm>>
        %dma_wait3A_1011 = tpu.memref_squeeze %dma_wait3A_1010 : memref<1x8x128xf32, #tpu.memory_space<hbm>> -> memref<8x128xf32, #tpu.memory_space<hbm>>
        %dma_wait3A_1012 = arith.constant 0 : i32
        %dma_wait3A_1013 = arith.constant 0 : i32
        %dma_wait3A_1014 = tpu.memref_slice %arg5[%dma_wait3A_1003, %dma_wait3A_1012, %dma_wait3A_1013] : memref<200x64x4096xf32, #tpu.memory_space<hbm>> -> memref<1x8x128xf32, #tpu.memory_space<hbm>>
        %dma_wait3A_1015 = tpu.memref_squeeze %dma_wait3A_1014 : memref<1x8x128xf32, #tpu.memory_space<hbm>> -> memref<8x128xf32, #tpu.memory_space<hbm>>
        %dma_wait3A_1016 = arith.constant 16 : i32
        %dma_wait3A_1017 = arith.constant 0 : i32
        %dma_wait3A_1018 = tpu.memref_slice %arg8[%dma_wait3A_1002, %dma_wait3A_1016, %dma_wait3A_1017] : memref<2x64x128xf32, #tpu.memory_space<vmem>> -> memref<1x8x128xf32, #tpu.memory_space<vmem>>
        %dma_wait3A_1019 = tpu.memref_squeeze %dma_wait3A_1018 : memref<1x8x128xf32, #tpu.memory_space<vmem>> -> memref<8x128xf32, #tpu.memory_space<vmem>>
        tpu.wait_dma2 semaphore(%arg11 : memref<!tpu.dma_semaphore, #tpu.memory_space<semaphore_mem>>) src(%dma_wait3A_1019 : memref<8x128xf32, #tpu.memory_space<vmem>>) dst(%dma_wait3A_1015 : memref<8x128xf32, #tpu.memory_space<hbm>>)
        %dma_wait3A_1020 = arith.constant 1 : i32
        %dma_wait3A_1021 = arith.constant 0 : i32
        %dma_wait3A_1022 = arith.constant 24 : i32
        %dma_wait3A_1023 = arith.constant 0 : i32
        %dma_wait3A_1024 = tpu.memref_slice %arg8[%dma_wait3A_1020, %dma_wait3A_1022, %dma_wait3A_1023] : memref<2x64x128xf32, #tpu.memory_space<vmem>> -> memref<1x8x128xf32, #tpu.memory_space<vmem>>
        %dma_wait3A_1025 = tpu.memref_squeeze %dma_wait3A_1024 : memref<1x8x128xf32, #tpu.memory_space<vmem>> -> memref<8x128xf32, #tpu.memory_space<vmem>>
        %dma_wait3A_1026 = arith.constant 0 : i32
        %dma_wait3A_1027 = arith.constant 0 : i32
        %dma_wait3A_1028 = tpu.memref_slice %arg5[%dma_wait3A_1021, %dma_wait3A_1026, %dma_wait3A_1027] : memref<200x64x4096xf32, #tpu.memory_space<hbm>> -> memref<1x8x128xf32, #tpu.memory_space<hbm>>
        %dma_wait3A_1029 = tpu.memref_squeeze %dma_wait3A_1028 : memref<1x8x128xf32, #tpu.memory_space<hbm>> -> memref<8x128xf32, #tpu.memory_space<hbm>>
        %dma_wait3A_1030 = arith.constant 0 : i32
        %dma_wait3A_1031 = arith.constant 0 : i32
        %dma_wait3A_1032 = tpu.memref_slice %arg5[%dma_wait3A_1021, %dma_wait3A_1030, %dma_wait3A_1031] : memref<200x64x4096xf32, #tpu.memory_space<hbm>> -> memref<1x8x128xf32, #tpu.memory_space<hbm>>
        %dma_wait3A_1033 = tpu.memref_squeeze %dma_wait3A_1032 : memref<1x8x128xf32, #tpu.memory_space<hbm>> -> memref<8x128xf32, #tpu.memory_space<hbm>>
        %dma_wait3A_1034 = arith.constant 24 : i32
        %dma_wait3A_1035 = arith.constant 0 : i32
        %dma_wait3A_1036 = tpu.memref_slice %arg8[%dma_wait3A_1020, %dma_wait3A_1034, %dma_wait3A_1035] : memref<2x64x128xf32, #tpu.memory_space<vmem>> -> memref<1x8x128xf32, #tpu.memory_space<vmem>>
        %dma_wait3A_1037 = tpu.memref_squeeze %dma_wait3A_1036 : memref<1x8x128xf32, #tpu.memory_space<vmem>> -> memref<8x128xf32, #tpu.memory_space<vmem>>
        tpu.wait_dma2 semaphore(%arg11 : memref<!tpu.dma_semaphore, #tpu.memory_space<semaphore_mem>>) src(%dma_wait3A_1037 : memref<8x128xf32, #tpu.memory_space<vmem>>) dst(%dma_wait3A_1033 : memref<8x128xf32, #tpu.memory_space<hbm>>)
        %dma_wait3A_1038 = arith.constant 1 : i32
        %dma_wait3A_1039 = arith.constant 0 : i32
        %dma_wait3A_1040 = arith.constant 32 : i32
        %dma_wait3A_1041 = arith.constant 0 : i32
        %dma_wait3A_1042 = tpu.memref_slice %arg8[%dma_wait3A_1038, %dma_wait3A_1040, %dma_wait3A_1041] : memref<2x64x128xf32, #tpu.memory_space<vmem>> -> memref<1x8x128xf32, #tpu.memory_space<vmem>>
        %dma_wait3A_1043 = tpu.memref_squeeze %dma_wait3A_1042 : memref<1x8x128xf32, #tpu.memory_space<vmem>> -> memref<8x128xf32, #tpu.memory_space<vmem>>
        %dma_wait3A_1044 = arith.constant 0 : i32
        %dma_wait3A_1045 = arith.constant 0 : i32
        %dma_wait3A_1046 = tpu.memref_slice %arg5[%dma_wait3A_1039, %dma_wait3A_1044, %dma_wait3A_1045] : memref<200x64x4096xf32, #tpu.memory_space<hbm>> -> memref<1x8x128xf32, #tpu.memory_space<hbm>>
        %dma_wait3A_1047 = tpu.memref_squeeze %dma_wait3A_1046 : memref<1x8x128xf32, #tpu.memory_space<hbm>> -> memref<8x128xf32, #tpu.memory_space<hbm>>
        %dma_wait3A_1048 = arith.constant 0 : i32
        %dma_wait3A_1049 = arith.constant 0 : i32
        %dma_wait3A_1050 = tpu.memref_slice %arg5[%dma_wait3A_1039, %dma_wait3A_1048, %dma_wait3A_1049] : memref<200x64x4096xf32, #tpu.memory_space<hbm>> -> memref<1x8x128xf32, #tpu.memory_space<hbm>>
        %dma_wait3A_1051 = tpu.memref_squeeze %dma_wait3A_1050 : memref<1x8x128xf32, #tpu.memory_space<hbm>> -> memref<8x128xf32, #tpu.memory_space<hbm>>
        %dma_wait3A_1052 = arith.constant 32 : i32
        %dma_wait3A_1053 = arith.constant 0 : i32
        %dma_wait3A_1054 = tpu.memref_slice %arg8[%dma_wait3A_1038, %dma_wait3A_1052, %dma_wait3A_1053] : memref<2x64x128xf32, #tpu.memory_space<vmem>> -> memref<1x8x128xf32, #tpu.memory_space<vmem>>
        %dma_wait3A_1055 = tpu.memref_squeeze %dma_wait3A_1054 : memref<1x8x128xf32, #tpu.memory_space<vmem>> -> memref<8x128xf32, #tpu.memory_space<vmem>>
        tpu.wait_dma2 semaphore(%arg11 : memref<!tpu.dma_semaphore, #tpu.memory_space<semaphore_mem>>) src(%dma_wait3A_1055 : memref<8x128xf32, #tpu.memory_space<vmem>>) dst(%dma_wait3A_1051 : memref<8x128xf32, #tpu.memory_space<hbm>>)
        %dma_wait3A_1056 = arith.constant 1 : i32
        %dma_wait3A_1057 = arith.constant 0 : i32
        %dma_wait3A_1058 = arith.constant 40 : i32
        %dma_wait3A_1059 = arith.constant 0 : i32
        %dma_wait3A_1060 = tpu.memref_slice %arg8[%dma_wait3A_1056, %dma_wait3A_1058, %dma_wait3A_1059] : memref<2x64x128xf32, #tpu.memory_space<vmem>> -> memref<1x8x128xf32, #tpu.memory_space<vmem>>
        %dma_wait3A_1061 = tpu.memref_squeeze %dma_wait3A_1060 : memref<1x8x128xf32, #tpu.memory_space<vmem>> -> memref<8x128xf32, #tpu.memory_space<vmem>>
        %dma_wait3A_1062 = arith.constant 0 : i32
        %dma_wait3A_1063 = arith.constant 0 : i32
        %dma_wait3A_1064 = tpu.memref_slice %arg5[%dma_wait3A_1057, %dma_wait3A_1062, %dma_wait3A_1063] : memref<200x64x4096xf32, #tpu.memory_space<hbm>> -> memref<1x8x128xf32, #tpu.memory_space<hbm>>
        %dma_wait3A_1065 = tpu.memref_squeeze %dma_wait3A_1064 : memref<1x8x128xf32, #tpu.memory_space<hbm>> -> memref<8x128xf32, #tpu.memory_space<hbm>>
        %dma_wait3A_1066 = arith.constant 0 : i32
        %dma_wait3A_1067 = arith.constant 0 : i32
        %dma_wait3A_1068 = tpu.memref_slice %arg5[%dma_wait3A_1057, %dma_wait3A_1066, %dma_wait3A_1067] : memref<200x64x4096xf32, #tpu.memory_space<hbm>> -> memref<1x8x128xf32, #tpu.memory_space<hbm>>
        %dma_wait3A_1069 = tpu.memref_squeeze %dma_wait3A_1068 : memref<1x8x128xf32, #tpu.memory_space<hbm>> -> memref<8x128xf32, #tpu.memory_space<hbm>>
        %dma_wait3A_1070 = arith.constant 40 : i32
        %dma_wait3A_1071 = arith.constant 0 : i32
        %dma_wait3A_1072 = tpu.memref_slice %arg8[%dma_wait3A_1056, %dma_wait3A_1070, %dma_wait3A_1071] : memref<2x64x128xf32, #tpu.memory_space<vmem>> -> memref<1x8x128xf32, #tpu.memory_space<vmem>>
        %dma_wait3A_1073 = tpu.memref_squeeze %dma_wait3A_1072 : memref<1x8x128xf32, #tpu.memory_space<vmem>> -> memref<8x128xf32, #tpu.memory_space<vmem>>
        tpu.wait_dma2 semaphore(%arg11 : memref<!tpu.dma_semaphore, #tpu.memory_space<semaphore_mem>>) src(%dma_wait3A_1073 : memref<8x128xf32, #tpu.memory_space<vmem>>) dst(%dma_wait3A_1069 : memref<8x128xf32, #tpu.memory_space<hbm>>)
        %dma_wait3A_1074 = arith.constant 1 : i32
        %dma_wait3A_1075 = arith.constant 0 : i32
        %dma_wait3A_1076 = arith.constant 48 : i32
        %dma_wait3A_1077 = arith.constant 0 : i32
        %dma_wait3A_1078 = tpu.memref_slice %arg8[%dma_wait3A_1074, %dma_wait3A_1076, %dma_wait3A_1077] : memref<2x64x128xf32, #tpu.memory_space<vmem>> -> memref<1x8x128xf32, #tpu.memory_space<vmem>>
        %dma_wait3A_1079 = tpu.memref_squeeze %dma_wait3A_1078 : memref<1x8x128xf32, #tpu.memory_space<vmem>> -> memref<8x128xf32, #tpu.memory_space<vmem>>
        %dma_wait3A_1080 = arith.constant 0 : i32
        %dma_wait3A_1081 = arith.constant 0 : i32
        %dma_wait3A_1082 = tpu.memref_slice %arg5[%dma_wait3A_1075, %dma_wait3A_1080, %dma_wait3A_1081] : memref<200x64x4096xf32, #tpu.memory_space<hbm>> -> memref<1x8x128xf32, #tpu.memory_space<hbm>>
        %dma_wait3A_1083 = tpu.memref_squeeze %dma_wait3A_1082 : memref<1x8x128xf32, #tpu.memory_space<hbm>> -> memref<8x128xf32, #tpu.memory_space<hbm>>
        %dma_wait3A_1084 = arith.constant 0 : i32
        %dma_wait3A_1085 = arith.constant 0 : i32
        %dma_wait3A_1086 = tpu.memref_slice %arg5[%dma_wait3A_1075, %dma_wait3A_1084, %dma_wait3A_1085] : memref<200x64x4096xf32, #tpu.memory_space<hbm>> -> memref<1x8x128xf32, #tpu.memory_space<hbm>>
        %dma_wait3A_1087 = tpu.memref_squeeze %dma_wait3A_1086 : memref<1x8x128xf32, #tpu.memory_space<hbm>> -> memref<8x128xf32, #tpu.memory_space<hbm>>
        %dma_wait3A_1088 = arith.constant 48 : i32
        %dma_wait3A_1089 = arith.constant 0 : i32
        %dma_wait3A_1090 = tpu.memref_slice %arg8[%dma_wait3A_1074, %dma_wait3A_1088, %dma_wait3A_1089] : memref<2x64x128xf32, #tpu.memory_space<vmem>> -> memref<1x8x128xf32, #tpu.memory_space<vmem>>
        %dma_wait3A_1091 = tpu.memref_squeeze %dma_wait3A_1090 : memref<1x8x128xf32, #tpu.memory_space<vmem>> -> memref<8x128xf32, #tpu.memory_space<vmem>>
        tpu.wait_dma2 semaphore(%arg11 : memref<!tpu.dma_semaphore, #tpu.memory_space<semaphore_mem>>) src(%dma_wait3A_1091 : memref<8x128xf32, #tpu.memory_space<vmem>>) dst(%dma_wait3A_1087 : memref<8x128xf32, #tpu.memory_space<hbm>>)
        %dma_wait3A_1092 = arith.constant 1 : i32
        %dma_wait3A_1093 = arith.constant 0 : i32
        %dma_wait3A_1094 = arith.constant 56 : i32
        %dma_wait3A_1095 = arith.constant 0 : i32
        %dma_wait3A_1096 = tpu.memref_slice %arg8[%dma_wait3A_1092, %dma_wait3A_1094, %dma_wait3A_1095] : memref<2x64x128xf32, #tpu.memory_space<vmem>> -> memref<1x8x128xf32, #tpu.memory_space<vmem>>
        %dma_wait3A_1097 = tpu.memref_squeeze %dma_wait3A_1096 : memref<1x8x128xf32, #tpu.memory_space<vmem>> -> memref<8x128xf32, #tpu.memory_space<vmem>>
        %dma_wait3A_1098 = arith.constant 0 : i32
        %dma_wait3A_1099 = arith.constant 0 : i32
        %dma_wait3A_1100 = tpu.memref_slice %arg5[%dma_wait3A_1093, %dma_wait3A_1098, %dma_wait3A_1099] : memref<200x64x4096xf32, #tpu.memory_space<hbm>> -> memref<1x8x128xf32, #tpu.memory_space<hbm>>
        %dma_wait3A_1101 = tpu.memref_squeeze %dma_wait3A_1100 : memref<1x8x128xf32, #tpu.memory_space<hbm>> -> memref<8x128xf32, #tpu.memory_space<hbm>>
        %dma_wait3A_1102 = arith.constant 0 : i32
        %dma_wait3A_1103 = arith.constant 0 : i32
        %dma_wait3A_1104 = tpu.memref_slice %arg5[%dma_wait3A_1093, %dma_wait3A_1102, %dma_wait3A_1103] : memref<200x64x4096xf32, #tpu.memory_space<hbm>> -> memref<1x8x128xf32, #tpu.memory_space<hbm>>
        %dma_wait3A_1105 = tpu.memref_squeeze %dma_wait3A_1104 : memref<1x8x128xf32, #tpu.memory_space<hbm>> -> memref<8x128xf32, #tpu.memory_space<hbm>>
        %dma_wait3A_1106 = arith.constant 56 : i32
        %dma_wait3A_1107 = arith.constant 0 : i32
        %dma_wait3A_1108 = tpu.memref_slice %arg8[%dma_wait3A_1092, %dma_wait3A_1106, %dma_wait3A_1107] : memref<2x64x128xf32, #tpu.memory_space<vmem>> -> memref<1x8x128xf32, #tpu.memory_space<vmem>>
        %dma_wait3A_1109 = tpu.memref_squeeze %dma_wait3A_1108 : memref<1x8x128xf32, #tpu.memory_space<vmem>> -> memref<8x128xf32, #tpu.memory_space<vmem>>
        tpu.wait_dma2 semaphore(%arg11 : memref<!tpu.dma_semaphore, #tpu.memory_space<semaphore_mem>>) src(%dma_wait3A_1109 : memref<8x128xf32, #tpu.memory_space<vmem>>) dst(%dma_wait3A_1105 : memref<8x128xf32, #tpu.memory_space<hbm>>)
      } else {
      }
      %parallel_loop3A_843 = arith.constant 0 : i32
      %parallel_loop3A_844 = arith.constant 64 : i32
      %parallel_loop3A_845 = arith.constant 1 : i32
      scf.for %parallel_loop3A_966 = %parallel_loop3A_843 to %parallel_loop3A_844 step %parallel_loop3A_845  : i32 {
        %parallel_loop3A_967 = arith.constant 0 : i32
        %parallel_loop3A_968 = vector.broadcast %parallel_loop3A_967 : i32 to vector<16xi32>
        %parallel_loop3A_969 = arith.constant 64 : i32
        %parallel_loop3A_970 = arith.muli %add3A_815, %parallel_loop3A_969 : i32
        %parallel_loop3A_971 = arith.addi %parallel_loop3A_970, %parallel_loop3A_966 : i32
        %parallel_loop3A_972 = vector.broadcast %parallel_loop3A_971 : i32 to vector<16xi32>
        %parallel_loop3A_973 = arith.addi %parallel_loop3A_968, %parallel_loop3A_972 : vector<16xi32>
        %parallel_loop3A_974 = tpu.vector_load_idx %arg9[%parallel_loop3A_973] : memref<12800xf32, #tpu.memory_space<vmem>>[vector<16xi32>], vector<16xf32>,
        %parallel_loop3A_975 = arith.constant 0 : i32
        %parallel_loop3A_976 = vector.broadcast %parallel_loop3A_975 : i32 to vector<16xi32>
        %parallel_loop3A_977 = vector.broadcast %parallel_loop3A_966 : i32 to vector<16xi32>
        %parallel_loop3A_978 = arith.addi %parallel_loop3A_976, %parallel_loop3A_977 : vector<16xi32>
        %parallel_loop3A_979 = arith.constant 3 : i32
        %parallel_loop3A_980 = arith.constant 0 : i32
        %parallel_loop3A_981 = arith.constant 0 : i32
        %parallel_loop3A_982 = tpu.memref_slice %arg7[%parallel_loop3A_979, %parallel_loop3A_980, %parallel_loop3A_981] : memref<4x128x128xf32, #tpu.memory_space<vmem>> -> memref<1x128x128xf32, #tpu.memory_space<vmem>>
        %parallel_loop3A_983 = tpu.memref_squeeze %parallel_loop3A_982 : memref<1x128x128xf32, #tpu.memory_space<vmem>> -> memref<128x128xf32, #tpu.memory_space<vmem>>
        %parallel_loop3A_984 = tpu.vector_load_idx %parallel_loop3A_983[%add3A_40, %parallel_loop3A_978] : memref<128x128xf32, #tpu.memory_space<vmem>>[vector<16xi32>, vector<16xi32>], vector<16xf32>,
        %parallel_loop3A_985 = arith.addf %parallel_loop3A_984, %parallel_loop3A_974 : vector<16xf32>
        %parallel_loop3A_986 = arith.constant 1 : i32
        %parallel_loop3A_987 = arith.index_cast %parallel_loop3A_986 : i32 to index
        %parallel_loop3A_988 = arith.index_cast %parallel_loop3A_966 : i32 to index
        %parallel_loop3A_989 = arith.constant 0 : index
        %parallel_loop3A_990 = tpu.vector_load %arg8[%parallel_loop3A_987, %parallel_loop3A_988, %parallel_loop3A_989] {strides = array<i32>} : memref<2x64x128xf32, #tpu.memory_space<vmem>>, vector<16xf32>,
        tpu.vector_store %arg8[%parallel_loop3A_987, %parallel_loop3A_988, %parallel_loop3A_989], %parallel_loop3A_985 {strides = array<i32>} : memref<2x64x128xf32, #tpu.memory_space<vmem>>, vector<16xf32>,
        %parallel_loop3A_991 = arith.constant 3 : i32
        %parallel_loop3A_992 = arith.constant 0 : i32
        %parallel_loop3A_993 = arith.constant 0 : i32
        %parallel_loop3A_994 = tpu.memref_slice %arg7[%parallel_loop3A_991, %parallel_loop3A_992, %parallel_loop3A_993] : memref<4x128x128xf32, #tpu.memory_space<vmem>> -> memref<1x128x128xf32, #tpu.memory_space<vmem>>
        %parallel_loop3A_995 = tpu.memref_squeeze %parallel_loop3A_994 : memref<1x128x128xf32, #tpu.memory_space<vmem>> -> memref<128x128xf32, #tpu.memory_space<vmem>>
        %parallel_loop3A_996 = tpu.vector_load_idx %parallel_loop3A_995[%add3A_43, %parallel_loop3A_978] : memref<128x128xf32, #tpu.memory_space<vmem>>[vector<16xi32>, vector<16xi32>], vector<16xf32>,
        %parallel_loop3A_997 = arith.addf %parallel_loop3A_996, %parallel_loop3A_974 : vector<16xf32>
        %parallel_loop3A_998 = arith.constant 1 : i32
        %parallel_loop3A_999 = arith.index_cast %parallel_loop3A_998 : i32 to index
        %parallel_loop3A_1000 = arith.index_cast %parallel_loop3A_966 : i32 to index
        %parallel_loop3A_1001 = arith.constant 16 : index
        %parallel_loop3A_1002 = tpu.vector_load %arg8[%parallel_loop3A_999, %parallel_loop3A_1000, %parallel_loop3A_1001] {strides = array<i32>} : memref<2x64x128xf32, #tpu.memory_space<vmem>>, vector<16xf32>,
        tpu.vector_store %arg8[%parallel_loop3A_999, %parallel_loop3A_1000, %parallel_loop3A_1001], %parallel_loop3A_997 {strides = array<i32>} : memref<2x64x128xf32, #tpu.memory_space<vmem>>, vector<16xf32>,
        %parallel_loop3A_1003 = arith.constant 3 : i32
        %parallel_loop3A_1004 = arith.constant 0 : i32
        %parallel_loop3A_1005 = arith.constant 0 : i32
        %parallel_loop3A_1006 = tpu.memref_slice %arg7[%parallel_loop3A_1003, %parallel_loop3A_1004, %parallel_loop3A_1005] : memref<4x128x128xf32, #tpu.memory_space<vmem>> -> memref<1x128x128xf32, #tpu.memory_space<vmem>>
        %parallel_loop3A_1007 = tpu.memref_squeeze %parallel_loop3A_1006 : memref<1x128x128xf32, #tpu.memory_space<vmem>> -> memref<128x128xf32, #tpu.memory_space<vmem>>
        %parallel_loop3A_1008 = tpu.vector_load_idx %parallel_loop3A_1007[%add3A_46, %parallel_loop3A_978] : memref<128x128xf32, #tpu.memory_space<vmem>>[vector<16xi32>, vector<16xi32>], vector<16xf32>,
        %parallel_loop3A_1009 = arith.addf %parallel_loop3A_1008, %parallel_loop3A_974 : vector<16xf32>
        %parallel_loop3A_1010 = arith.constant 1 : i32
        %parallel_loop3A_1011 = arith.index_cast %parallel_loop3A_1010 : i32 to index
        %parallel_loop3A_1012 = arith.index_cast %parallel_loop3A_966 : i32 to index
        %parallel_loop3A_1013 = arith.constant 32 : index
        %parallel_loop3A_1014 = tpu.vector_load %arg8[%parallel_loop3A_1011, %parallel_loop3A_1012, %parallel_loop3A_1013] {strides = array<i32>} : memref<2x64x128xf32, #tpu.memory_space<vmem>>, vector<16xf32>,
        tpu.vector_store %arg8[%parallel_loop3A_1011, %parallel_loop3A_1012, %parallel_loop3A_1013], %parallel_loop3A_1009 {strides = array<i32>} : memref<2x64x128xf32, #tpu.memory_space<vmem>>, vector<16xf32>,
        %parallel_loop3A_1015 = arith.constant 3 : i32
        %parallel_loop3A_1016 = arith.constant 0 : i32
        %parallel_loop3A_1017 = arith.constant 0 : i32
        %parallel_loop3A_1018 = tpu.memref_slice %arg7[%parallel_loop3A_1015, %parallel_loop3A_1016, %parallel_loop3A_1017] : memref<4x128x128xf32, #tpu.memory_space<vmem>> -> memref<1x128x128xf32, #tpu.memory_space<vmem>>
        %parallel_loop3A_1019 = tpu.memref_squeeze %parallel_loop3A_1018 : memref<1x128x128xf32, #tpu.memory_space<vmem>> -> memref<128x128xf32, #tpu.memory_space<vmem>>
        %parallel_loop3A_1020 = tpu.vector_load_idx %parallel_loop3A_1019[%add3A_49, %parallel_loop3A_978] : memref<128x128xf32, #tpu.memory_space<vmem>>[vector<16xi32>, vector<16xi32>], vector<16xf32>,
        %parallel_loop3A_1021 = arith.addf %parallel_loop3A_1020, %parallel_loop3A_974 : vector<16xf32>
        %parallel_loop3A_1022 = arith.constant 1 : i32
        %parallel_loop3A_1023 = arith.index_cast %parallel_loop3A_1022 : i32 to index
        %parallel_loop3A_1024 = arith.index_cast %parallel_loop3A_966 : i32 to index
        %parallel_loop3A_1025 = arith.constant 48 : index
        %parallel_loop3A_1026 = tpu.vector_load %arg8[%parallel_loop3A_1023, %parallel_loop3A_1024, %parallel_loop3A_1025] {strides = array<i32>} : memref<2x64x128xf32, #tpu.memory_space<vmem>>, vector<16xf32>,
        tpu.vector_store %arg8[%parallel_loop3A_1023, %parallel_loop3A_1024, %parallel_loop3A_1025], %parallel_loop3A_1021 {strides = array<i32>} : memref<2x64x128xf32, #tpu.memory_space<vmem>>, vector<16xf32>,
        %parallel_loop3A_1027 = arith.constant 3 : i32
        %parallel_loop3A_1028 = arith.constant 0 : i32
        %parallel_loop3A_1029 = arith.constant 0 : i32
        %parallel_loop3A_1030 = tpu.memref_slice %arg7[%parallel_loop3A_1027, %parallel_loop3A_1028, %parallel_loop3A_1029] : memref<4x128x128xf32, #tpu.memory_space<vmem>> -> memref<1x128x128xf32, #tpu.memory_space<vmem>>
        %parallel_loop3A_1031 = tpu.memref_squeeze %parallel_loop3A_1030 : memref<1x128x128xf32, #tpu.memory_space<vmem>> -> memref<128x128xf32, #tpu.memory_space<vmem>>
        %parallel_loop3A_1032 = tpu.vector_load_idx %parallel_loop3A_1031[%add3A_52, %parallel_loop3A_978] : memref<128x128xf32, #tpu.memory_space<vmem>>[vector<16xi32>, vector<16xi32>], vector<16xf32>,
        %parallel_loop3A_1033 = arith.addf %parallel_loop3A_1032, %parallel_loop3A_974 : vector<16xf32>
        %parallel_loop3A_1034 = arith.constant 1 : i32
        %parallel_loop3A_1035 = arith.index_cast %parallel_loop3A_1034 : i32 to index
        %parallel_loop3A_1036 = arith.index_cast %parallel_loop3A_966 : i32 to index
        %parallel_loop3A_1037 = arith.constant 64 : index
        %parallel_loop3A_1038 = tpu.vector_load %arg8[%parallel_loop3A_1035, %parallel_loop3A_1036, %parallel_loop3A_1037] {strides = array<i32>} : memref<2x64x128xf32, #tpu.memory_space<vmem>>, vector<16xf32>,
        tpu.vector_store %arg8[%parallel_loop3A_1035, %parallel_loop3A_1036, %parallel_loop3A_1037], %parallel_loop3A_1033 {strides = array<i32>} : memref<2x64x128xf32, #tpu.memory_space<vmem>>, vector<16xf32>,
        %parallel_loop3A_1039 = arith.constant 3 : i32
        %parallel_loop3A_1040 = arith.constant 0 : i32
        %parallel_loop3A_1041 = arith.constant 0 : i32
        %parallel_loop3A_1042 = tpu.memref_slice %arg7[%parallel_loop3A_1039, %parallel_loop3A_1040, %parallel_loop3A_1041] : memref<4x128x128xf32, #tpu.memory_space<vmem>> -> memref<1x128x128xf32, #tpu.memory_space<vmem>>
        %parallel_loop3A_1043 = tpu.memref_squeeze %parallel_loop3A_1042 : memref<1x128x128xf32, #tpu.memory_space<vmem>> -> memref<128x128xf32, #tpu.memory_space<vmem>>
        %parallel_loop3A_1044 = tpu.vector_load_idx %parallel_loop3A_1043[%add3A_55, %parallel_loop3A_978] : memref<128x128xf32, #tpu.memory_space<vmem>>[vector<16xi32>, vector<16xi32>], vector<16xf32>,
        %parallel_loop3A_1045 = arith.addf %parallel_loop3A_1044, %parallel_loop3A_974 : vector<16xf32>
        %parallel_loop3A_1046 = arith.constant 1 : i32
        %parallel_loop3A_1047 = arith.index_cast %parallel_loop3A_1046 : i32 to index
        %parallel_loop3A_1048 = arith.index_cast %parallel_loop3A_966 : i32 to index
        %parallel_loop3A_1049 = arith.constant 80 : index
        %parallel_loop3A_1050 = tpu.vector_load %arg8[%parallel_loop3A_1047, %parallel_loop3A_1048, %parallel_loop3A_1049] {strides = array<i32>} : memref<2x64x128xf32, #tpu.memory_space<vmem>>, vector<16xf32>,
        tpu.vector_store %arg8[%parallel_loop3A_1047, %parallel_loop3A_1048, %parallel_loop3A_1049], %parallel_loop3A_1045 {strides = array<i32>} : memref<2x64x128xf32, #tpu.memory_space<vmem>>, vector<16xf32>,
        %parallel_loop3A_1051 = arith.constant 3 : i32
        %parallel_loop3A_1052 = arith.constant 0 : i32
        %parallel_loop3A_1053 = arith.constant 0 : i32
        %parallel_loop3A_1054 = tpu.memref_slice %arg7[%parallel_loop3A_1051, %parallel_loop3A_1052, %parallel_loop3A_1053] : memref<4x128x128xf32, #tpu.memory_space<vmem>> -> memref<1x128x128xf32, #tpu.memory_space<vmem>>
        %parallel_loop3A_1055 = tpu.memref_squeeze %parallel_loop3A_1054 : memref<1x128x128xf32, #tpu.memory_space<vmem>> -> memref<128x128xf32, #tpu.memory_space<vmem>>
        %parallel_loop3A_1056 = tpu.vector_load_idx %parallel_loop3A_1055[%add3A_58, %parallel_loop3A_978] : memref<128x128xf32, #tpu.memory_space<vmem>>[vector<16xi32>, vector<16xi32>], vector<16xf32>,
        %parallel_loop3A_1057 = arith.addf %parallel_loop3A_1056, %parallel_loop3A_974 : vector<16xf32>
        %parallel_loop3A_1058 = arith.constant 1 : i32
        %parallel_loop3A_1059 = arith.index_cast %parallel_loop3A_1058 : i32 to index
        %parallel_loop3A_1060 = arith.index_cast %parallel_loop3A_966 : i32 to index
        %parallel_loop3A_1061 = arith.constant 96 : index
        %parallel_loop3A_1062 = tpu.vector_load %arg8[%parallel_loop3A_1059, %parallel_loop3A_1060, %parallel_loop3A_1061] {strides = array<i32>} : memref<2x64x128xf32, #tpu.memory_space<vmem>>, vector<16xf32>,
        tpu.vector_store %arg8[%parallel_loop3A_1059, %parallel_loop3A_1060, %parallel_loop3A_1061], %parallel_loop3A_1057 {strides = array<i32>} : memref<2x64x128xf32, #tpu.memory_space<vmem>>, vector<16xf32>,
        %parallel_loop3A_1063 = arith.constant 3 : i32
        %parallel_loop3A_1064 = arith.constant 0 : i32
        %parallel_loop3A_1065 = arith.constant 0 : i32
        %parallel_loop3A_1066 = tpu.memref_slice %arg7[%parallel_loop3A_1063, %parallel_loop3A_1064, %parallel_loop3A_1065] : memref<4x128x128xf32, #tpu.memory_space<vmem>> -> memref<1x128x128xf32, #tpu.memory_space<vmem>>
        %parallel_loop3A_1067 = tpu.memref_squeeze %parallel_loop3A_1066 : memref<1x128x128xf32, #tpu.memory_space<vmem>> -> memref<128x128xf32, #tpu.memory_space<vmem>>
        %parallel_loop3A_1068 = tpu.vector_load_idx %parallel_loop3A_1067[%add3A_61, %parallel_loop3A_978] : memref<128x128xf32, #tpu.memory_space<vmem>>[vector<16xi32>, vector<16xi32>], vector<16xf32>,
        %parallel_loop3A_1069 = arith.addf %parallel_loop3A_1068, %parallel_loop3A_974 : vector<16xf32>
        %parallel_loop3A_1070 = arith.constant 1 : i32
        %parallel_loop3A_1071 = arith.index_cast %parallel_loop3A_1070 : i32 to index
        %parallel_loop3A_1072 = arith.index_cast %parallel_loop3A_966 : i32 to index
        %parallel_loop3A_1073 = arith.constant 112 : index
        %parallel_loop3A_1074 = tpu.vector_load %arg8[%parallel_loop3A_1071, %parallel_loop3A_1072, %parallel_loop3A_1073] {strides = array<i32>} : memref<2x64x128xf32, #tpu.memory_space<vmem>>, vector<16xf32>,
        tpu.vector_store %arg8[%parallel_loop3A_1071, %parallel_loop3A_1072, %parallel_loop3A_1073], %parallel_loop3A_1069 {strides = array<i32>} : memref<2x64x128xf32, #tpu.memory_space<vmem>>, vector<16xf32>,
      } {sc.loop_unroll_factor = 4 : i64, sc.parallel_access}
      %dma_start3A_846 = arith.constant 1 : i32
      %dma_start3A_847 = arith.constant 0 : i32
      %dma_start3A_848 = arith.constant 0 : i32
      %dma_start3A_849 = tpu.memref_slice %arg8[%dma_start3A_846, %dma_start3A_847, %dma_start3A_848] : memref<2x64x128xf32, #tpu.memory_space<vmem>> -> memref<1x8x128xf32, #tpu.memory_space<vmem>>
      %dma_start3A_850 = tpu.memref_squeeze %dma_start3A_849 : memref<1x8x128xf32, #tpu.memory_space<vmem>> -> memref<8x128xf32, #tpu.memory_space<vmem>>
      %dma_start3A_851 = arith.constant 0 : i32
      %dma_start3A_852 = tpu.memref_slice %arg5[%add3A_815, %dma_start3A_851, %mul3A_2] : memref<200x64x4096xf32, #tpu.memory_space<hbm>> -> memref<1x8x128xf32, #tpu.memory_space<hbm>>
      %dma_start3A_853 = tpu.memref_squeeze %dma_start3A_852 : memref<1x8x128xf32, #tpu.memory_space<hbm>> -> memref<8x128xf32, #tpu.memory_space<hbm>>
      %dma_start3A_854 = arith.constant 0 : i32
      %dma_start3A_855 = tpu.memref_slice %arg5[%add3A_815, %dma_start3A_854, %mul3A_2] : memref<200x64x4096xf32, #tpu.memory_space<hbm>> -> memref<1x8x128xf32, #tpu.memory_space<hbm>>
      %dma_start3A_856 = tpu.memref_squeeze %dma_start3A_855 : memref<1x8x128xf32, #tpu.memory_space<hbm>> -> memref<8x128xf32, #tpu.memory_space<hbm>>
      %dma_start3A_857 = arith.constant 0 : i32
      %dma_start3A_858 = arith.constant 0 : i32
      %dma_start3A_859 = tpu.memref_slice %arg8[%dma_start3A_846, %dma_start3A_857, %dma_start3A_858] : memref<2x64x128xf32, #tpu.memory_space<vmem>> -> memref<1x8x128xf32, #tpu.memory_space<vmem>>
      %dma_start3A_860 = tpu.memref_squeeze %dma_start3A_859 : memref<1x8x128xf32, #tpu.memory_space<vmem>> -> memref<8x128xf32, #tpu.memory_space<vmem>>
      tpu.enqueue_dma source(%dma_start3A_860 : memref<8x128xf32, #tpu.memory_space<vmem>>) target(%dma_start3A_856 : memref<8x128xf32, #tpu.memory_space<hbm>>) target_semaphore(%arg11 : memref<!tpu.dma_semaphore, #tpu.memory_space<semaphore_mem>>)
      %dma_start3A_861 = arith.constant 1 : i32
      %dma_start3A_862 = arith.constant 8 : i32
      %dma_start3A_863 = arith.constant 0 : i32
      %dma_start3A_864 = tpu.memref_slice %arg8[%dma_start3A_861, %dma_start3A_862, %dma_start3A_863] : memref<2x64x128xf32, #tpu.memory_space<vmem>> -> memref<1x8x128xf32, #tpu.memory_space<vmem>>
      %dma_start3A_865 = tpu.memref_squeeze %dma_start3A_864 : memref<1x8x128xf32, #tpu.memory_space<vmem>> -> memref<8x128xf32, #tpu.memory_space<vmem>>
      %dma_start3A_866 = arith.constant 8 : i32
      %dma_start3A_867 = tpu.memref_slice %arg5[%add3A_815, %dma_start3A_866, %mul3A_2] : memref<200x64x4096xf32, #tpu.memory_space<hbm>> -> memref<1x8x128xf32, #tpu.memory_space<hbm>>
      %dma_start3A_868 = tpu.memref_squeeze %dma_start3A_867 : memref<1x8x128xf32, #tpu.memory_space<hbm>> -> memref<8x128xf32, #tpu.memory_space<hbm>>
      %dma_start3A_869 = arith.constant 8 : i32
      %dma_start3A_870 = tpu.memref_slice %arg5[%add3A_815, %dma_start3A_869, %mul3A_2] : memref<200x64x4096xf32, #tpu.memory_space<hbm>> -> memref<1x8x128xf32, #tpu.memory_space<hbm>>
      %dma_start3A_871 = tpu.memref_squeeze %dma_start3A_870 : memref<1x8x128xf32, #tpu.memory_space<hbm>> -> memref<8x128xf32, #tpu.memory_space<hbm>>
      %dma_start3A_872 = arith.constant 8 : i32
      %dma_start3A_873 = arith.constant 0 : i32
      %dma_start3A_874 = tpu.memref_slice %arg8[%dma_start3A_861, %dma_start3A_872, %dma_start3A_873] : memref<2x64x128xf32, #tpu.memory_space<vmem>> -> memref<1x8x128xf32, #tpu.memory_space<vmem>>
      %dma_start3A_875 = tpu.memref_squeeze %dma_start3A_874 : memref<1x8x128xf32, #tpu.memory_space<vmem>> -> memref<8x128xf32, #tpu.memory_space<vmem>>
      tpu.enqueue_dma source(%dma_start3A_875 : memref<8x128xf32, #tpu.memory_space<vmem>>) target(%dma_start3A_871 : memref<8x128xf32, #tpu.memory_space<hbm>>) target_semaphore(%arg11 : memref<!tpu.dma_semaphore, #tpu.memory_space<semaphore_mem>>)
      %dma_start3A_876 = arith.constant 1 : i32
      %dma_start3A_877 = arith.constant 16 : i32
      %dma_start3A_878 = arith.constant 0 : i32
      %dma_start3A_879 = tpu.memref_slice %arg8[%dma_start3A_876, %dma_start3A_877, %dma_start3A_878] : memref<2x64x128xf32, #tpu.memory_space<vmem>> -> memref<1x8x128xf32, #tpu.memory_space<vmem>>
      %dma_start3A_880 = tpu.memref_squeeze %dma_start3A_879 : memref<1x8x128xf32, #tpu.memory_space<vmem>> -> memref<8x128xf32, #tpu.memory_space<vmem>>
      %dma_start3A_881 = arith.constant 16 : i32
      %dma_start3A_882 = tpu.memref_slice %arg5[%add3A_815, %dma_start3A_881, %mul3A_2] : memref<200x64x4096xf32, #tpu.memory_space<hbm>> -> memref<1x8x128xf32, #tpu.memory_space<hbm>>
      %dma_start3A_883 = tpu.memref_squeeze %dma_start3A_882 : memref<1x8x128xf32, #tpu.memory_space<hbm>> -> memref<8x128xf32, #tpu.memory_space<hbm>>
      %dma_start3A_884 = arith.constant 16 : i32
      %dma_start3A_885 = tpu.memref_slice %arg5[%add3A_815, %dma_start3A_884, %mul3A_2] : memref<200x64x4096xf32, #tpu.memory_space<hbm>> -> memref<1x8x128xf32, #tpu.memory_space<hbm>>
      %dma_start3A_886 = tpu.memref_squeeze %dma_start3A_885 : memref<1x8x128xf32, #tpu.memory_space<hbm>> -> memref<8x128xf32, #tpu.memory_space<hbm>>
      %dma_start3A_887 = arith.constant 16 : i32
      %dma_start3A_888 = arith.constant 0 : i32
      %dma_start3A_889 = tpu.memref_slice %arg8[%dma_start3A_876, %dma_start3A_887, %dma_start3A_888] : memref<2x64x128xf32, #tpu.memory_space<vmem>> -> memref<1x8x128xf32, #tpu.memory_space<vmem>>
      %dma_start3A_890 = tpu.memref_squeeze %dma_start3A_889 : memref<1x8x128xf32, #tpu.memory_space<vmem>> -> memref<8x128xf32, #tpu.memory_space<vmem>>
      tpu.enqueue_dma source(%dma_start3A_890 : memref<8x128xf32, #tpu.memory_space<vmem>>) target(%dma_start3A_886 : memref<8x128xf32, #tpu.memory_space<hbm>>) target_semaphore(%arg11 : memref<!tpu.dma_semaphore, #tpu.memory_space<semaphore_mem>>)
      %dma_start3A_891 = arith.constant 1 : i32
      %dma_start3A_892 = arith.constant 24 : i32
      %dma_start3A_893 = arith.constant 0 : i32
      %dma_start3A_894 = tpu.memref_slice %arg8[%dma_start3A_891, %dma_start3A_892, %dma_start3A_893] : memref<2x64x128xf32, #tpu.memory_space<vmem>> -> memref<1x8x128xf32, #tpu.memory_space<vmem>>
      %dma_start3A_895 = tpu.memref_squeeze %dma_start3A_894 : memref<1x8x128xf32, #tpu.memory_space<vmem>> -> memref<8x128xf32, #tpu.memory_space<vmem>>
      %dma_start3A_896 = arith.constant 24 : i32
      %dma_start3A_897 = tpu.memref_slice %arg5[%add3A_815, %dma_start3A_896, %mul3A_2] : memref<200x64x4096xf32, #tpu.memory_space<hbm>> -> memref<1x8x128xf32, #tpu.memory_space<hbm>>
      %dma_start3A_898 = tpu.memref_squeeze %dma_start3A_897 : memref<1x8x128xf32, #tpu.memory_space<hbm>> -> memref<8x128xf32, #tpu.memory_space<hbm>>
      %dma_start3A_899 = arith.constant 24 : i32
      %dma_start3A_900 = tpu.memref_slice %arg5[%add3A_815, %dma_start3A_899, %mul3A_2] : memref<200x64x4096xf32, #tpu.memory_space<hbm>> -> memref<1x8x128xf32, #tpu.memory_space<hbm>>
      %dma_start3A_901 = tpu.memref_squeeze %dma_start3A_900 : memref<1x8x128xf32, #tpu.memory_space<hbm>> -> memref<8x128xf32, #tpu.memory_space<hbm>>
      %dma_start3A_902 = arith.constant 24 : i32
      %dma_start3A_903 = arith.constant 0 : i32
      %dma_start3A_904 = tpu.memref_slice %arg8[%dma_start3A_891, %dma_start3A_902, %dma_start3A_903] : memref<2x64x128xf32, #tpu.memory_space<vmem>> -> memref<1x8x128xf32, #tpu.memory_space<vmem>>
      %dma_start3A_905 = tpu.memref_squeeze %dma_start3A_904 : memref<1x8x128xf32, #tpu.memory_space<vmem>> -> memref<8x128xf32, #tpu.memory_space<vmem>>
      tpu.enqueue_dma source(%dma_start3A_905 : memref<8x128xf32, #tpu.memory_space<vmem>>) target(%dma_start3A_901 : memref<8x128xf32, #tpu.memory_space<hbm>>) target_semaphore(%arg11 : memref<!tpu.dma_semaphore, #tpu.memory_space<semaphore_mem>>)
      %dma_start3A_906 = arith.constant 1 : i32
      %dma_start3A_907 = arith.constant 32 : i32
      %dma_start3A_908 = arith.constant 0 : i32
      %dma_start3A_909 = tpu.memref_slice %arg8[%dma_start3A_906, %dma_start3A_907, %dma_start3A_908] : memref<2x64x128xf32, #tpu.memory_space<vmem>> -> memref<1x8x128xf32, #tpu.memory_space<vmem>>
      %dma_start3A_910 = tpu.memref_squeeze %dma_start3A_909 : memref<1x8x128xf32, #tpu.memory_space<vmem>> -> memref<8x128xf32, #tpu.memory_space<vmem>>
      %dma_start3A_911 = arith.constant 32 : i32
      %dma_start3A_912 = tpu.memref_slice %arg5[%add3A_815, %dma_start3A_911, %mul3A_2] : memref<200x64x4096xf32, #tpu.memory_space<hbm>> -> memref<1x8x128xf32, #tpu.memory_space<hbm>>
      %dma_start3A_913 = tpu.memref_squeeze %dma_start3A_912 : memref<1x8x128xf32, #tpu.memory_space<hbm>> -> memref<8x128xf32, #tpu.memory_space<hbm>>
      %dma_start3A_914 = arith.constant 32 : i32
      %dma_start3A_915 = tpu.memref_slice %arg5[%add3A_815, %dma_start3A_914, %mul3A_2] : memref<200x64x4096xf32, #tpu.memory_space<hbm>> -> memref<1x8x128xf32, #tpu.memory_space<hbm>>
      %dma_start3A_916 = tpu.memref_squeeze %dma_start3A_915 : memref<1x8x128xf32, #tpu.memory_space<hbm>> -> memref<8x128xf32, #tpu.memory_space<hbm>>
      %dma_start3A_917 = arith.constant 32 : i32
      %dma_start3A_918 = arith.constant 0 : i32
      %dma_start3A_919 = tpu.memref_slice %arg8[%dma_start3A_906, %dma_start3A_917, %dma_start3A_918] : memref<2x64x128xf32, #tpu.memory_space<vmem>> -> memref<1x8x128xf32, #tpu.memory_space<vmem>>
      %dma_start3A_920 = tpu.memref_squeeze %dma_start3A_919 : memref<1x8x128xf32, #tpu.memory_space<vmem>> -> memref<8x128xf32, #tpu.memory_space<vmem>>
      tpu.enqueue_dma source(%dma_start3A_920 : memref<8x128xf32, #tpu.memory_space<vmem>>) target(%dma_start3A_916 : memref<8x128xf32, #tpu.memory_space<hbm>>) target_semaphore(%arg11 : memref<!tpu.dma_semaphore, #tpu.memory_space<semaphore_mem>>)
      %dma_start3A_921 = arith.constant 1 : i32
      %dma_start3A_922 = arith.constant 40 : i32
      %dma_start3A_923 = arith.constant 0 : i32
      %dma_start3A_924 = tpu.memref_slice %arg8[%dma_start3A_921, %dma_start3A_922, %dma_start3A_923] : memref<2x64x128xf32, #tpu.memory_space<vmem>> -> memref<1x8x128xf32, #tpu.memory_space<vmem>>
      %dma_start3A_925 = tpu.memref_squeeze %dma_start3A_924 : memref<1x8x128xf32, #tpu.memory_space<vmem>> -> memref<8x128xf32, #tpu.memory_space<vmem>>
      %dma_start3A_926 = arith.constant 40 : i32
      %dma_start3A_927 = tpu.memref_slice %arg5[%add3A_815, %dma_start3A_926, %mul3A_2] : memref<200x64x4096xf32, #tpu.memory_space<hbm>> -> memref<1x8x128xf32, #tpu.memory_space<hbm>>
      %dma_start3A_928 = tpu.memref_squeeze %dma_start3A_927 : memref<1x8x128xf32, #tpu.memory_space<hbm>> -> memref<8x128xf32, #tpu.memory_space<hbm>>
      %dma_start3A_929 = arith.constant 40 : i32
      %dma_start3A_930 = tpu.memref_slice %arg5[%add3A_815, %dma_start3A_929, %mul3A_2] : memref<200x64x4096xf32, #tpu.memory_space<hbm>> -> memref<1x8x128xf32, #tpu.memory_space<hbm>>
      %dma_start3A_931 = tpu.memref_squeeze %dma_start3A_930 : memref<1x8x128xf32, #tpu.memory_space<hbm>> -> memref<8x128xf32, #tpu.memory_space<hbm>>
      %dma_start3A_932 = arith.constant 40 : i32
      %dma_start3A_933 = arith.constant 0 : i32
      %dma_start3A_934 = tpu.memref_slice %arg8[%dma_start3A_921, %dma_start3A_932, %dma_start3A_933] : memref<2x64x128xf32, #tpu.memory_space<vmem>> -> memref<1x8x128xf32, #tpu.memory_space<vmem>>
      %dma_start3A_935 = tpu.memref_squeeze %dma_start3A_934 : memref<1x8x128xf32, #tpu.memory_space<vmem>> -> memref<8x128xf32, #tpu.memory_space<vmem>>
      tpu.enqueue_dma source(%dma_start3A_935 : memref<8x128xf32, #tpu.memory_space<vmem>>) target(%dma_start3A_931 : memref<8x128xf32, #tpu.memory_space<hbm>>) target_semaphore(%arg11 : memref<!tpu.dma_semaphore, #tpu.memory_space<semaphore_mem>>)
      %dma_start3A_936 = arith.constant 1 : i32
      %dma_start3A_937 = arith.constant 48 : i32
      %dma_start3A_938 = arith.constant 0 : i32
      %dma_start3A_939 = tpu.memref_slice %arg8[%dma_start3A_936, %dma_start3A_937, %dma_start3A_938] : memref<2x64x128xf32, #tpu.memory_space<vmem>> -> memref<1x8x128xf32, #tpu.memory_space<vmem>>
      %dma_start3A_940 = tpu.memref_squeeze %dma_start3A_939 : memref<1x8x128xf32, #tpu.memory_space<vmem>> -> memref<8x128xf32, #tpu.memory_space<vmem>>
      %dma_start3A_941 = arith.constant 48 : i32
      %dma_start3A_942 = tpu.memref_slice %arg5[%add3A_815, %dma_start3A_941, %mul3A_2] : memref<200x64x4096xf32, #tpu.memory_space<hbm>> -> memref<1x8x128xf32, #tpu.memory_space<hbm>>
      %dma_start3A_943 = tpu.memref_squeeze %dma_start3A_942 : memref<1x8x128xf32, #tpu.memory_space<hbm>> -> memref<8x128xf32, #tpu.memory_space<hbm>>
      %dma_start3A_944 = arith.constant 48 : i32
      %dma_start3A_945 = tpu.memref_slice %arg5[%add3A_815, %dma_start3A_944, %mul3A_2] : memref<200x64x4096xf32, #tpu.memory_space<hbm>> -> memref<1x8x128xf32, #tpu.memory_space<hbm>>
      %dma_start3A_946 = tpu.memref_squeeze %dma_start3A_945 : memref<1x8x128xf32, #tpu.memory_space<hbm>> -> memref<8x128xf32, #tpu.memory_space<hbm>>
      %dma_start3A_947 = arith.constant 48 : i32
      %dma_start3A_948 = arith.constant 0 : i32
      %dma_start3A_949 = tpu.memref_slice %arg8[%dma_start3A_936, %dma_start3A_947, %dma_start3A_948] : memref<2x64x128xf32, #tpu.memory_space<vmem>> -> memref<1x8x128xf32, #tpu.memory_space<vmem>>
      %dma_start3A_950 = tpu.memref_squeeze %dma_start3A_949 : memref<1x8x128xf32, #tpu.memory_space<vmem>> -> memref<8x128xf32, #tpu.memory_space<vmem>>
      tpu.enqueue_dma source(%dma_start3A_950 : memref<8x128xf32, #tpu.memory_space<vmem>>) target(%dma_start3A_946 : memref<8x128xf32, #tpu.memory_space<hbm>>) target_semaphore(%arg11 : memref<!tpu.dma_semaphore, #tpu.memory_space<semaphore_mem>>)
      %dma_start3A_951 = arith.constant 1 : i32
      %dma_start3A_952 = arith.constant 56 : i32
      %dma_start3A_953 = arith.constant 0 : i32
      %dma_start3A_954 = tpu.memref_slice %arg8[%dma_start3A_951, %dma_start3A_952, %dma_start3A_953] : memref<2x64x128xf32, #tpu.memory_space<vmem>> -> memref<1x8x128xf32, #tpu.memory_space<vmem>>
      %dma_start3A_955 = tpu.memref_squeeze %dma_start3A_954 : memref<1x8x128xf32, #tpu.memory_space<vmem>> -> memref<8x128xf32, #tpu.memory_space<vmem>>
      %dma_start3A_956 = arith.constant 56 : i32
      %dma_start3A_957 = tpu.memref_slice %arg5[%add3A_815, %dma_start3A_956, %mul3A_2] : memref<200x64x4096xf32, #tpu.memory_space<hbm>> -> memref<1x8x128xf32, #tpu.memory_space<hbm>>
      %dma_start3A_958 = tpu.memref_squeeze %dma_start3A_957 : memref<1x8x128xf32, #tpu.memory_space<hbm>> -> memref<8x128xf32, #tpu.memory_space<hbm>>
      %dma_start3A_959 = arith.constant 56 : i32
      %dma_start3A_960 = tpu.memref_slice %arg5[%add3A_815, %dma_start3A_959, %mul3A_2] : memref<200x64x4096xf32, #tpu.memory_space<hbm>> -> memref<1x8x128xf32, #tpu.memory_space<hbm>>
      %dma_start3A_961 = tpu.memref_squeeze %dma_start3A_960 : memref<1x8x128xf32, #tpu.memory_space<hbm>> -> memref<8x128xf32, #tpu.memory_space<hbm>>
      %dma_start3A_962 = arith.constant 56 : i32
      %dma_start3A_963 = arith.constant 0 : i32
      %dma_start3A_964 = tpu.memref_slice %arg8[%dma_start3A_951, %dma_start3A_962, %dma_start3A_963] : memref<2x64x128xf32, #tpu.memory_space<vmem>> -> memref<1x8x128xf32, #tpu.memory_space<vmem>>
      %dma_start3A_965 = tpu.memref_squeeze %dma_start3A_964 : memref<1x8x128xf32, #tpu.memory_space<vmem>> -> memref<8x128xf32, #tpu.memory_space<vmem>>
      tpu.enqueue_dma source(%dma_start3A_965 : memref<8x128xf32, #tpu.memory_space<vmem>>) target(%dma_start3A_961 : memref<8x128xf32, #tpu.memory_space<hbm>>) target_semaphore(%arg11 : memref<!tpu.dma_semaphore, #tpu.memory_space<semaphore_mem>>)
    }
    %scan3A_66 = arith.constant 50 : i32
    %dma_wait3A = arith.constant 0 : i32
    %dma_wait3A_67 = arith.constant 0 : i32
    %dma_wait3A_68 = arith.constant 0 : i32
    %dma_wait3A_69 = arith.constant 0 : i32
    %dma_wait3A_70 = tpu.memref_slice %arg8[%dma_wait3A, %dma_wait3A_68, %dma_wait3A_69] : memref<2x64x128xf32, #tpu.memory_space<vmem>> -> memref<1x8x128xf32, #tpu.memory_space<vmem>>
    %dma_wait3A_71 = tpu.memref_squeeze %dma_wait3A_70 : memref<1x8x128xf32, #tpu.memory_space<vmem>> -> memref<8x128xf32, #tpu.memory_space<vmem>>
    %dma_wait3A_72 = arith.constant 0 : i32
    %dma_wait3A_73 = arith.constant 0 : i32
    %dma_wait3A_74 = tpu.memref_slice %arg5[%dma_wait3A_67, %dma_wait3A_72, %dma_wait3A_73] : memref<200x64x4096xf32, #tpu.memory_space<hbm>> -> memref<1x8x128xf32, #tpu.memory_space<hbm>>
    %dma_wait3A_75 = tpu.memref_squeeze %dma_wait3A_74 : memref<1x8x128xf32, #tpu.memory_space<hbm>> -> memref<8x128xf32, #tpu.memory_space<hbm>>
    %dma_wait3A_76 = arith.constant 0 : i32
    %dma_wait3A_77 = arith.constant 0 : i32
    %dma_wait3A_78 = tpu.memref_slice %arg5[%dma_wait3A_67, %dma_wait3A_76, %dma_wait3A_77] : memref<200x64x4096xf32, #tpu.memory_space<hbm>> -> memref<1x8x128xf32, #tpu.memory_space<hbm>>
    %dma_wait3A_79 = tpu.memref_squeeze %dma_wait3A_78 : memref<1x8x128xf32, #tpu.memory_space<hbm>> -> memref<8x128xf32, #tpu.memory_space<hbm>>
    %dma_wait3A_80 = arith.constant 0 : i32
    %dma_wait3A_81 = arith.constant 0 : i32
    %dma_wait3A_82 = tpu.memref_slice %arg8[%dma_wait3A, %dma_wait3A_80, %dma_wait3A_81] : memref<2x64x128xf32, #tpu.memory_space<vmem>> -> memref<1x8x128xf32, #tpu.memory_space<vmem>>
    %dma_wait3A_83 = tpu.memref_squeeze %dma_wait3A_82 : memref<1x8x128xf32, #tpu.memory_space<vmem>> -> memref<8x128xf32, #tpu.memory_space<vmem>>
    tpu.wait_dma2 semaphore(%arg11 : memref<!tpu.dma_semaphore, #tpu.memory_space<semaphore_mem>>) src(%dma_wait3A_83 : memref<8x128xf32, #tpu.memory_space<vmem>>) dst(%dma_wait3A_79 : memref<8x128xf32, #tpu.memory_space<hbm>>)
    %dma_wait3A_84 = arith.constant 0 : i32
    %dma_wait3A_85 = arith.constant 0 : i32
    %dma_wait3A_86 = arith.constant 8 : i32
    %dma_wait3A_87 = arith.constant 0 : i32
    %dma_wait3A_88 = tpu.memref_slice %arg8[%dma_wait3A_84, %dma_wait3A_86, %dma_wait3A_87] : memref<2x64x128xf32, #tpu.memory_space<vmem>> -> memref<1x8x128xf32, #tpu.memory_space<vmem>>
    %dma_wait3A_89 = tpu.memref_squeeze %dma_wait3A_88 : memref<1x8x128xf32, #tpu.memory_space<vmem>> -> memref<8x128xf32, #tpu.memory_space<vmem>>
    %dma_wait3A_90 = arith.constant 0 : i32
    %dma_wait3A_91 = arith.constant 0 : i32
    %dma_wait3A_92 = tpu.memref_slice %arg5[%dma_wait3A_85, %dma_wait3A_90, %dma_wait3A_91] : memref<200x64x4096xf32, #tpu.memory_space<hbm>> -> memref<1x8x128xf32, #tpu.memory_space<hbm>>
    %dma_wait3A_93 = tpu.memref_squeeze %dma_wait3A_92 : memref<1x8x128xf32, #tpu.memory_space<hbm>> -> memref<8x128xf32, #tpu.memory_space<hbm>>
    %dma_wait3A_94 = arith.constant 0 : i32
    %dma_wait3A_95 = arith.constant 0 : i32
    %dma_wait3A_96 = tpu.memref_slice %arg5[%dma_wait3A_85, %dma_wait3A_94, %dma_wait3A_95] : memref<200x64x4096xf32, #tpu.memory_space<hbm>> -> memref<1x8x128xf32, #tpu.memory_space<hbm>>
    %dma_wait3A_97 = tpu.memref_squeeze %dma_wait3A_96 : memref<1x8x128xf32, #tpu.memory_space<hbm>> -> memref<8x128xf32, #tpu.memory_space<hbm>>
    %dma_wait3A_98 = arith.constant 8 : i32
    %dma_wait3A_99 = arith.constant 0 : i32
    %dma_wait3A_100 = tpu.memref_slice %arg8[%dma_wait3A_84, %dma_wait3A_98, %dma_wait3A_99] : memref<2x64x128xf32, #tpu.memory_space<vmem>> -> memref<1x8x128xf32, #tpu.memory_space<vmem>>
    %dma_wait3A_101 = tpu.memref_squeeze %dma_wait3A_100 : memref<1x8x128xf32, #tpu.memory_space<vmem>> -> memref<8x128xf32, #tpu.memory_space<vmem>>
    tpu.wait_dma2 semaphore(%arg11 : memref<!tpu.dma_semaphore, #tpu.memory_space<semaphore_mem>>) src(%dma_wait3A_101 : memref<8x128xf32, #tpu.memory_space<vmem>>) dst(%dma_wait3A_97 : memref<8x128xf32, #tpu.memory_space<hbm>>)
    %dma_wait3A_102 = arith.constant 0 : i32
    %dma_wait3A_103 = arith.constant 0 : i32
    %dma_wait3A_104 = arith.constant 16 : i32
    %dma_wait3A_105 = arith.constant 0 : i32
    %dma_wait3A_106 = tpu.memref_slice %arg8[%dma_wait3A_102, %dma_wait3A_104, %dma_wait3A_105] : memref<2x64x128xf32, #tpu.memory_space<vmem>> -> memref<1x8x128xf32, #tpu.memory_space<vmem>>
    %dma_wait3A_107 = tpu.memref_squeeze %dma_wait3A_106 : memref<1x8x128xf32, #tpu.memory_space<vmem>> -> memref<8x128xf32, #tpu.memory_space<vmem>>
    %dma_wait3A_108 = arith.constant 0 : i32
    %dma_wait3A_109 = arith.constant 0 : i32
    %dma_wait3A_110 = tpu.memref_slice %arg5[%dma_wait3A_103, %dma_wait3A_108, %dma_wait3A_109] : memref<200x64x4096xf32, #tpu.memory_space<hbm>> -> memref<1x8x128xf32, #tpu.memory_space<hbm>>
    %dma_wait3A_111 = tpu.memref_squeeze %dma_wait3A_110 : memref<1x8x128xf32, #tpu.memory_space<hbm>> -> memref<8x128xf32, #tpu.memory_space<hbm>>
    %dma_wait3A_112 = arith.constant 0 : i32
    %dma_wait3A_113 = arith.constant 0 : i32
    %dma_wait3A_114 = tpu.memref_slice %arg5[%dma_wait3A_103, %dma_wait3A_112, %dma_wait3A_113] : memref<200x64x4096xf32, #tpu.memory_space<hbm>> -> memref<1x8x128xf32, #tpu.memory_space<hbm>>
    %dma_wait3A_115 = tpu.memref_squeeze %dma_wait3A_114 : memref<1x8x128xf32, #tpu.memory_space<hbm>> -> memref<8x128xf32, #tpu.memory_space<hbm>>
    %dma_wait3A_116 = arith.constant 16 : i32
    %dma_wait3A_117 = arith.constant 0 : i32
    %dma_wait3A_118 = tpu.memref_slice %arg8[%dma_wait3A_102, %dma_wait3A_116, %dma_wait3A_117] : memref<2x64x128xf32, #tpu.memory_space<vmem>> -> memref<1x8x128xf32, #tpu.memory_space<vmem>>
    %dma_wait3A_119 = tpu.memref_squeeze %dma_wait3A_118 : memref<1x8x128xf32, #tpu.memory_space<vmem>> -> memref<8x128xf32, #tpu.memory_space<vmem>>
    tpu.wait_dma2 semaphore(%arg11 : memref<!tpu.dma_semaphore, #tpu.memory_space<semaphore_mem>>) src(%dma_wait3A_119 : memref<8x128xf32, #tpu.memory_space<vmem>>) dst(%dma_wait3A_115 : memref<8x128xf32, #tpu.memory_space<hbm>>)
    %dma_wait3A_120 = arith.constant 0 : i32
    %dma_wait3A_121 = arith.constant 0 : i32
    %dma_wait3A_122 = arith.constant 24 : i32
    %dma_wait3A_123 = arith.constant 0 : i32
    %dma_wait3A_124 = tpu.memref_slice %arg8[%dma_wait3A_120, %dma_wait3A_122, %dma_wait3A_123] : memref<2x64x128xf32, #tpu.memory_space<vmem>> -> memref<1x8x128xf32, #tpu.memory_space<vmem>>
    %dma_wait3A_125 = tpu.memref_squeeze %dma_wait3A_124 : memref<1x8x128xf32, #tpu.memory_space<vmem>> -> memref<8x128xf32, #tpu.memory_space<vmem>>
    %dma_wait3A_126 = arith.constant 0 : i32
    %dma_wait3A_127 = arith.constant 0 : i32
    %dma_wait3A_128 = tpu.memref_slice %arg5[%dma_wait3A_121, %dma_wait3A_126, %dma_wait3A_127] : memref<200x64x4096xf32, #tpu.memory_space<hbm>> -> memref<1x8x128xf32, #tpu.memory_space<hbm>>
    %dma_wait3A_129 = tpu.memref_squeeze %dma_wait3A_128 : memref<1x8x128xf32, #tpu.memory_space<hbm>> -> memref<8x128xf32, #tpu.memory_space<hbm>>
    %dma_wait3A_130 = arith.constant 0 : i32
    %dma_wait3A_131 = arith.constant 0 : i32
    %dma_wait3A_132 = tpu.memref_slice %arg5[%dma_wait3A_121, %dma_wait3A_130, %dma_wait3A_131] : memref<200x64x4096xf32, #tpu.memory_space<hbm>> -> memref<1x8x128xf32, #tpu.memory_space<hbm>>
    %dma_wait3A_133 = tpu.memref_squeeze %dma_wait3A_132 : memref<1x8x128xf32, #tpu.memory_space<hbm>> -> memref<8x128xf32, #tpu.memory_space<hbm>>
    %dma_wait3A_134 = arith.constant 24 : i32
    %dma_wait3A_135 = arith.constant 0 : i32
    %dma_wait3A_136 = tpu.memref_slice %arg8[%dma_wait3A_120, %dma_wait3A_134, %dma_wait3A_135] : memref<2x64x128xf32, #tpu.memory_space<vmem>> -> memref<1x8x128xf32, #tpu.memory_space<vmem>>
    %dma_wait3A_137 = tpu.memref_squeeze %dma_wait3A_136 : memref<1x8x128xf32, #tpu.memory_space<vmem>> -> memref<8x128xf32, #tpu.memory_space<vmem>>
    tpu.wait_dma2 semaphore(%arg11 : memref<!tpu.dma_semaphore, #tpu.memory_space<semaphore_mem>>) src(%dma_wait3A_137 : memref<8x128xf32, #tpu.memory_space<vmem>>) dst(%dma_wait3A_133 : memref<8x128xf32, #tpu.memory_space<hbm>>)
    %dma_wait3A_138 = arith.constant 0 : i32
    %dma_wait3A_139 = arith.constant 0 : i32
    %dma_wait3A_140 = arith.constant 32 : i32
    %dma_wait3A_141 = arith.constant 0 : i32
    %dma_wait3A_142 = tpu.memref_slice %arg8[%dma_wait3A_138, %dma_wait3A_140, %dma_wait3A_141] : memref<2x64x128xf32, #tpu.memory_space<vmem>> -> memref<1x8x128xf32, #tpu.memory_space<vmem>>
    %dma_wait3A_143 = tpu.memref_squeeze %dma_wait3A_142 : memref<1x8x128xf32, #tpu.memory_space<vmem>> -> memref<8x128xf32, #tpu.memory_space<vmem>>
    %dma_wait3A_144 = arith.constant 0 : i32
    %dma_wait3A_145 = arith.constant 0 : i32
    %dma_wait3A_146 = tpu.memref_slice %arg5[%dma_wait3A_139, %dma_wait3A_144, %dma_wait3A_145] : memref<200x64x4096xf32, #tpu.memory_space<hbm>> -> memref<1x8x128xf32, #tpu.memory_space<hbm>>
    %dma_wait3A_147 = tpu.memref_squeeze %dma_wait3A_146 : memref<1x8x128xf32, #tpu.memory_space<hbm>> -> memref<8x128xf32, #tpu.memory_space<hbm>>
    %dma_wait3A_148 = arith.constant 0 : i32
    %dma_wait3A_149 = arith.constant 0 : i32
    %dma_wait3A_150 = tpu.memref_slice %arg5[%dma_wait3A_139, %dma_wait3A_148, %dma_wait3A_149] : memref<200x64x4096xf32, #tpu.memory_space<hbm>> -> memref<1x8x128xf32, #tpu.memory_space<hbm>>
    %dma_wait3A_151 = tpu.memref_squeeze %dma_wait3A_150 : memref<1x8x128xf32, #tpu.memory_space<hbm>> -> memref<8x128xf32, #tpu.memory_space<hbm>>
    %dma_wait3A_152 = arith.constant 32 : i32
    %dma_wait3A_153 = arith.constant 0 : i32
    %dma_wait3A_154 = tpu.memref_slice %arg8[%dma_wait3A_138, %dma_wait3A_152, %dma_wait3A_153] : memref<2x64x128xf32, #tpu.memory_space<vmem>> -> memref<1x8x128xf32, #tpu.memory_space<vmem>>
    %dma_wait3A_155 = tpu.memref_squeeze %dma_wait3A_154 : memref<1x8x128xf32, #tpu.memory_space<vmem>> -> memref<8x128xf32, #tpu.memory_space<vmem>>
    tpu.wait_dma2 semaphore(%arg11 : memref<!tpu.dma_semaphore, #tpu.memory_space<semaphore_mem>>) src(%dma_wait3A_155 : memref<8x128xf32, #tpu.memory_space<vmem>>) dst(%dma_wait3A_151 : memref<8x128xf32, #tpu.memory_space<hbm>>)
    %dma_wait3A_156 = arith.constant 0 : i32
    %dma_wait3A_157 = arith.constant 0 : i32
    %dma_wait3A_158 = arith.constant 40 : i32
    %dma_wait3A_159 = arith.constant 0 : i32
    %dma_wait3A_160 = tpu.memref_slice %arg8[%dma_wait3A_156, %dma_wait3A_158, %dma_wait3A_159] : memref<2x64x128xf32, #tpu.memory_space<vmem>> -> memref<1x8x128xf32, #tpu.memory_space<vmem>>
    %dma_wait3A_161 = tpu.memref_squeeze %dma_wait3A_160 : memref<1x8x128xf32, #tpu.memory_space<vmem>> -> memref<8x128xf32, #tpu.memory_space<vmem>>
    %dma_wait3A_162 = arith.constant 0 : i32
    %dma_wait3A_163 = arith.constant 0 : i32
    %dma_wait3A_164 = tpu.memref_slice %arg5[%dma_wait3A_157, %dma_wait3A_162, %dma_wait3A_163] : memref<200x64x4096xf32, #tpu.memory_space<hbm>> -> memref<1x8x128xf32, #tpu.memory_space<hbm>>
    %dma_wait3A_165 = tpu.memref_squeeze %dma_wait3A_164 : memref<1x8x128xf32, #tpu.memory_space<hbm>> -> memref<8x128xf32, #tpu.memory_space<hbm>>
    %dma_wait3A_166 = arith.constant 0 : i32
    %dma_wait3A_167 = arith.constant 0 : i32
    %dma_wait3A_168 = tpu.memref_slice %arg5[%dma_wait3A_157, %dma_wait3A_166, %dma_wait3A_167] : memref<200x64x4096xf32, #tpu.memory_space<hbm>> -> memref<1x8x128xf32, #tpu.memory_space<hbm>>
    %dma_wait3A_169 = tpu.memref_squeeze %dma_wait3A_168 : memref<1x8x128xf32, #tpu.memory_space<hbm>> -> memref<8x128xf32, #tpu.memory_space<hbm>>
    %dma_wait3A_170 = arith.constant 40 : i32
    %dma_wait3A_171 = arith.constant 0 : i32
    %dma_wait3A_172 = tpu.memref_slice %arg8[%dma_wait3A_156, %dma_wait3A_170, %dma_wait3A_171] : memref<2x64x128xf32, #tpu.memory_space<vmem>> -> memref<1x8x128xf32, #tpu.memory_space<vmem>>
    %dma_wait3A_173 = tpu.memref_squeeze %dma_wait3A_172 : memref<1x8x128xf32, #tpu.memory_space<vmem>> -> memref<8x128xf32, #tpu.memory_space<vmem>>
    tpu.wait_dma2 semaphore(%arg11 : memref<!tpu.dma_semaphore, #tpu.memory_space<semaphore_mem>>) src(%dma_wait3A_173 : memref<8x128xf32, #tpu.memory_space<vmem>>) dst(%dma_wait3A_169 : memref<8x128xf32, #tpu.memory_space<hbm>>)
    %dma_wait3A_174 = arith.constant 0 : i32
    %dma_wait3A_175 = arith.constant 0 : i32
    %dma_wait3A_176 = arith.constant 48 : i32
    %dma_wait3A_177 = arith.constant 0 : i32
    %dma_wait3A_178 = tpu.memref_slice %arg8[%dma_wait3A_174, %dma_wait3A_176, %dma_wait3A_177] : memref<2x64x128xf32, #tpu.memory_space<vmem>> -> memref<1x8x128xf32, #tpu.memory_space<vmem>>
    %dma_wait3A_179 = tpu.memref_squeeze %dma_wait3A_178 : memref<1x8x128xf32, #tpu.memory_space<vmem>> -> memref<8x128xf32, #tpu.memory_space<vmem>>
    %dma_wait3A_180 = arith.constant 0 : i32
    %dma_wait3A_181 = arith.constant 0 : i32
    %dma_wait3A_182 = tpu.memref_slice %arg5[%dma_wait3A_175, %dma_wait3A_180, %dma_wait3A_181] : memref<200x64x4096xf32, #tpu.memory_space<hbm>> -> memref<1x8x128xf32, #tpu.memory_space<hbm>>
    %dma_wait3A_183 = tpu.memref_squeeze %dma_wait3A_182 : memref<1x8x128xf32, #tpu.memory_space<hbm>> -> memref<8x128xf32, #tpu.memory_space<hbm>>
    %dma_wait3A_184 = arith.constant 0 : i32
    %dma_wait3A_185 = arith.constant 0 : i32
    %dma_wait3A_186 = tpu.memref_slice %arg5[%dma_wait3A_175, %dma_wait3A_184, %dma_wait3A_185] : memref<200x64x4096xf32, #tpu.memory_space<hbm>> -> memref<1x8x128xf32, #tpu.memory_space<hbm>>
    %dma_wait3A_187 = tpu.memref_squeeze %dma_wait3A_186 : memref<1x8x128xf32, #tpu.memory_space<hbm>> -> memref<8x128xf32, #tpu.memory_space<hbm>>
    %dma_wait3A_188 = arith.constant 48 : i32
    %dma_wait3A_189 = arith.constant 0 : i32
    %dma_wait3A_190 = tpu.memref_slice %arg8[%dma_wait3A_174, %dma_wait3A_188, %dma_wait3A_189] : memref<2x64x128xf32, #tpu.memory_space<vmem>> -> memref<1x8x128xf32, #tpu.memory_space<vmem>>
    %dma_wait3A_191 = tpu.memref_squeeze %dma_wait3A_190 : memref<1x8x128xf32, #tpu.memory_space<vmem>> -> memref<8x128xf32, #tpu.memory_space<vmem>>
    tpu.wait_dma2 semaphore(%arg11 : memref<!tpu.dma_semaphore, #tpu.memory_space<semaphore_mem>>) src(%dma_wait3A_191 : memref<8x128xf32, #tpu.memory_space<vmem>>) dst(%dma_wait3A_187 : memref<8x128xf32, #tpu.memory_space<hbm>>)
    %dma_wait3A_192 = arith.constant 0 : i32
    %dma_wait3A_193 = arith.constant 0 : i32
    %dma_wait3A_194 = arith.constant 56 : i32
    %dma_wait3A_195 = arith.constant 0 : i32
    %dma_wait3A_196 = tpu.memref_slice %arg8[%dma_wait3A_192, %dma_wait3A_194, %dma_wait3A_195] : memref<2x64x128xf32, #tpu.memory_space<vmem>> -> memref<1x8x128xf32, #tpu.memory_space<vmem>>
    %dma_wait3A_197 = tpu.memref_squeeze %dma_wait3A_196 : memref<1x8x128xf32, #tpu.memory_space<vmem>> -> memref<8x128xf32, #tpu.memory_space<vmem>>
    %dma_wait3A_198 = arith.constant 0 : i32
    %dma_wait3A_199 = arith.constant 0 : i32
    %dma_wait3A_200 = tpu.memref_slice %arg5[%dma_wait3A_193, %dma_wait3A_198, %dma_wait3A_199] : memref<200x64x4096xf32, #tpu.memory_space<hbm>> -> memref<1x8x128xf32, #tpu.memory_space<hbm>>
    %dma_wait3A_201 = tpu.memref_squeeze %dma_wait3A_200 : memref<1x8x128xf32, #tpu.memory_space<hbm>> -> memref<8x128xf32, #tpu.memory_space<hbm>>
    %dma_wait3A_202 = arith.constant 0 : i32
    %dma_wait3A_203 = arith.constant 0 : i32
    %dma_wait3A_204 = tpu.memref_slice %arg5[%dma_wait3A_193, %dma_wait3A_202, %dma_wait3A_203] : memref<200x64x4096xf32, #tpu.memory_space<hbm>> -> memref<1x8x128xf32, #tpu.memory_space<hbm>>
    %dma_wait3A_205 = tpu.memref_squeeze %dma_wait3A_204 : memref<1x8x128xf32, #tpu.memory_space<hbm>> -> memref<8x128xf32, #tpu.memory_space<hbm>>
    %dma_wait3A_206 = arith.constant 56 : i32
    %dma_wait3A_207 = arith.constant 0 : i32
    %dma_wait3A_208 = tpu.memref_slice %arg8[%dma_wait3A_192, %dma_wait3A_206, %dma_wait3A_207] : memref<2x64x128xf32, #tpu.memory_space<vmem>> -> memref<1x8x128xf32, #tpu.memory_space<vmem>>
    %dma_wait3A_209 = tpu.memref_squeeze %dma_wait3A_208 : memref<1x8x128xf32, #tpu.memory_space<vmem>> -> memref<8x128xf32, #tpu.memory_space<vmem>>
    tpu.wait_dma2 semaphore(%arg11 : memref<!tpu.dma_semaphore, #tpu.memory_space<semaphore_mem>>) src(%dma_wait3A_209 : memref<8x128xf32, #tpu.memory_space<vmem>>) dst(%dma_wait3A_205 : memref<8x128xf32, #tpu.memory_space<hbm>>)
    %dma_wait3A_210 = arith.constant 1 : i32
    %dma_wait3A_211 = arith.constant 0 : i32
    %dma_wait3A_212 = arith.constant 0 : i32
    %dma_wait3A_213 = arith.constant 0 : i32
    %dma_wait3A_214 = tpu.memref_slice %arg8[%dma_wait3A_210, %dma_wait3A_212, %dma_wait3A_213] : memref<2x64x128xf32, #tpu.memory_space<vmem>> -> memref<1x8x128xf32, #tpu.memory_space<vmem>>
    %dma_wait3A_215 = tpu.memref_squeeze %dma_wait3A_214 : memref<1x8x128xf32, #tpu.memory_space<vmem>> -> memref<8x128xf32, #tpu.memory_space<vmem>>
    %dma_wait3A_216 = arith.constant 0 : i32
    %dma_wait3A_217 = arith.constant 0 : i32
    %dma_wait3A_218 = tpu.memref_slice %arg5[%dma_wait3A_211, %dma_wait3A_216, %dma_wait3A_217] : memref<200x64x4096xf32, #tpu.memory_space<hbm>> -> memref<1x8x128xf32, #tpu.memory_space<hbm>>
    %dma_wait3A_219 = tpu.memref_squeeze %dma_wait3A_218 : memref<1x8x128xf32, #tpu.memory_space<hbm>> -> memref<8x128xf32, #tpu.memory_space<hbm>>
    %dma_wait3A_220 = arith.constant 0 : i32
    %dma_wait3A_221 = arith.constant 0 : i32
    %dma_wait3A_222 = tpu.memref_slice %arg5[%dma_wait3A_211, %dma_wait3A_220, %dma_wait3A_221] : memref<200x64x4096xf32, #tpu.memory_space<hbm>> -> memref<1x8x128xf32, #tpu.memory_space<hbm>>
    %dma_wait3A_223 = tpu.memref_squeeze %dma_wait3A_222 : memref<1x8x128xf32, #tpu.memory_space<hbm>> -> memref<8x128xf32, #tpu.memory_space<hbm>>
    %dma_wait3A_224 = arith.constant 0 : i32
    %dma_wait3A_225 = arith.constant 0 : i32
    %dma_wait3A_226 = tpu.memref_slice %arg8[%dma_wait3A_210, %dma_wait3A_224, %dma_wait3A_225] : memref<2x64x128xf32, #tpu.memory_space<vmem>> -> memref<1x8x128xf32, #tpu.memory_space<vmem>>
    %dma_wait3A_227 = tpu.memref_squeeze %dma_wait3A_226 : memref<1x8x128xf32, #tpu.memory_space<vmem>> -> memref<8x128xf32, #tpu.memory_space<vmem>>
    tpu.wait_dma2 semaphore(%arg11 : memref<!tpu.dma_semaphore, #tpu.memory_space<semaphore_mem>>) src(%dma_wait3A_227 : memref<8x128xf32, #tpu.memory_space<vmem>>) dst(%dma_wait3A_223 : memref<8x128xf32, #tpu.memory_space<hbm>>)
    %dma_wait3A_228 = arith.constant 1 : i32
    %dma_wait3A_229 = arith.constant 0 : i32
    %dma_wait3A_230 = arith.constant 8 : i32
    %dma_wait3A_231 = arith.constant 0 : i32
    %dma_wait3A_232 = tpu.memref_slice %arg8[%dma_wait3A_228, %dma_wait3A_230, %dma_wait3A_231] : memref<2x64x128xf32, #tpu.memory_space<vmem>> -> memref<1x8x128xf32, #tpu.memory_space<vmem>>
    %dma_wait3A_233 = tpu.memref_squeeze %dma_wait3A_232 : memref<1x8x128xf32, #tpu.memory_space<vmem>> -> memref<8x128xf32, #tpu.memory_space<vmem>>
    %dma_wait3A_234 = arith.constant 0 : i32
    %dma_wait3A_235 = arith.constant 0 : i32
    %dma_wait3A_236 = tpu.memref_slice %arg5[%dma_wait3A_229, %dma_wait3A_234, %dma_wait3A_235] : memref<200x64x4096xf32, #tpu.memory_space<hbm>> -> memref<1x8x128xf32, #tpu.memory_space<hbm>>
    %dma_wait3A_237 = tpu.memref_squeeze %dma_wait3A_236 : memref<1x8x128xf32, #tpu.memory_space<hbm>> -> memref<8x128xf32, #tpu.memory_space<hbm>>
    %dma_wait3A_238 = arith.constant 0 : i32
    %dma_wait3A_239 = arith.constant 0 : i32
    %dma_wait3A_240 = tpu.memref_slice %arg5[%dma_wait3A_229, %dma_wait3A_238, %dma_wait3A_239] : memref<200x64x4096xf32, #tpu.memory_space<hbm>> -> memref<1x8x128xf32, #tpu.memory_space<hbm>>
    %dma_wait3A_241 = tpu.memref_squeeze %dma_wait3A_240 : memref<1x8x128xf32, #tpu.memory_space<hbm>> -> memref<8x128xf32, #tpu.memory_space<hbm>>
    %dma_wait3A_242 = arith.constant 8 : i32
    %dma_wait3A_243 = arith.constant 0 : i32
    %dma_wait3A_244 = tpu.memref_slice %arg8[%dma_wait3A_228, %dma_wait3A_242, %dma_wait3A_243] : memref<2x64x128xf32, #tpu.memory_space<vmem>> -> memref<1x8x128xf32, #tpu.memory_space<vmem>>
    %dma_wait3A_245 = tpu.memref_squeeze %dma_wait3A_244 : memref<1x8x128xf32, #tpu.memory_space<vmem>> -> memref<8x128xf32, #tpu.memory_space<vmem>>
    tpu.wait_dma2 semaphore(%arg11 : memref<!tpu.dma_semaphore, #tpu.memory_space<semaphore_mem>>) src(%dma_wait3A_245 : memref<8x128xf32, #tpu.memory_space<vmem>>) dst(%dma_wait3A_241 : memref<8x128xf32, #tpu.memory_space<hbm>>)
    %dma_wait3A_246 = arith.constant 1 : i32
    %dma_wait3A_247 = arith.constant 0 : i32
    %dma_wait3A_248 = arith.constant 16 : i32
    %dma_wait3A_249 = arith.constant 0 : i32
    %dma_wait3A_250 = tpu.memref_slice %arg8[%dma_wait3A_246, %dma_wait3A_248, %dma_wait3A_249] : memref<2x64x128xf32, #tpu.memory_space<vmem>> -> memref<1x8x128xf32, #tpu.memory_space<vmem>>
    %dma_wait3A_251 = tpu.memref_squeeze %dma_wait3A_250 : memref<1x8x128xf32, #tpu.memory_space<vmem>> -> memref<8x128xf32, #tpu.memory_space<vmem>>
    %dma_wait3A_252 = arith.constant 0 : i32
    %dma_wait3A_253 = arith.constant 0 : i32
    %dma_wait3A_254 = tpu.memref_slice %arg5[%dma_wait3A_247, %dma_wait3A_252, %dma_wait3A_253] : memref<200x64x4096xf32, #tpu.memory_space<hbm>> -> memref<1x8x128xf32, #tpu.memory_space<hbm>>
    %dma_wait3A_255 = tpu.memref_squeeze %dma_wait3A_254 : memref<1x8x128xf32, #tpu.memory_space<hbm>> -> memref<8x128xf32, #tpu.memory_space<hbm>>
    %dma_wait3A_256 = arith.constant 0 : i32
    %dma_wait3A_257 = arith.constant 0 : i32
    %dma_wait3A_258 = tpu.memref_slice %arg5[%dma_wait3A_247, %dma_wait3A_256, %dma_wait3A_257] : memref<200x64x4096xf32, #tpu.memory_space<hbm>> -> memref<1x8x128xf32, #tpu.memory_space<hbm>>
    %dma_wait3A_259 = tpu.memref_squeeze %dma_wait3A_258 : memref<1x8x128xf32, #tpu.memory_space<hbm>> -> memref<8x128xf32, #tpu.memory_space<hbm>>
    %dma_wait3A_260 = arith.constant 16 : i32
    %dma_wait3A_261 = arith.constant 0 : i32
    %dma_wait3A_262 = tpu.memref_slice %arg8[%dma_wait3A_246, %dma_wait3A_260, %dma_wait3A_261] : memref<2x64x128xf32, #tpu.memory_space<vmem>> -> memref<1x8x128xf32, #tpu.memory_space<vmem>>
    %dma_wait3A_263 = tpu.memref_squeeze %dma_wait3A_262 : memref<1x8x128xf32, #tpu.memory_space<vmem>> -> memref<8x128xf32, #tpu.memory_space<vmem>>
    tpu.wait_dma2 semaphore(%arg11 : memref<!tpu.dma_semaphore, #tpu.memory_space<semaphore_mem>>) src(%dma_wait3A_263 : memref<8x128xf32, #tpu.memory_space<vmem>>) dst(%dma_wait3A_259 : memref<8x128xf32, #tpu.memory_space<hbm>>)
    %dma_wait3A_264 = arith.constant 1 : i32
    %dma_wait3A_265 = arith.constant 0 : i32
    %dma_wait3A_266 = arith.constant 24 : i32
    %dma_wait3A_267 = arith.constant 0 : i32
    %dma_wait3A_268 = tpu.memref_slice %arg8[%dma_wait3A_264, %dma_wait3A_266, %dma_wait3A_267] : memref<2x64x128xf32, #tpu.memory_space<vmem>> -> memref<1x8x128xf32, #tpu.memory_space<vmem>>
    %dma_wait3A_269 = tpu.memref_squeeze %dma_wait3A_268 : memref<1x8x128xf32, #tpu.memory_space<vmem>> -> memref<8x128xf32, #tpu.memory_space<vmem>>
    %dma_wait3A_270 = arith.constant 0 : i32
    %dma_wait3A_271 = arith.constant 0 : i32
    %dma_wait3A_272 = tpu.memref_slice %arg5[%dma_wait3A_265, %dma_wait3A_270, %dma_wait3A_271] : memref<200x64x4096xf32, #tpu.memory_space<hbm>> -> memref<1x8x128xf32, #tpu.memory_space<hbm>>
    %dma_wait3A_273 = tpu.memref_squeeze %dma_wait3A_272 : memref<1x8x128xf32, #tpu.memory_space<hbm>> -> memref<8x128xf32, #tpu.memory_space<hbm>>
    %dma_wait3A_274 = arith.constant 0 : i32
    %dma_wait3A_275 = arith.constant 0 : i32
    %dma_wait3A_276 = tpu.memref_slice %arg5[%dma_wait3A_265, %dma_wait3A_274, %dma_wait3A_275] : memref<200x64x4096xf32, #tpu.memory_space<hbm>> -> memref<1x8x128xf32, #tpu.memory_space<hbm>>
    %dma_wait3A_277 = tpu.memref_squeeze %dma_wait3A_276 : memref<1x8x128xf32, #tpu.memory_space<hbm>> -> memref<8x128xf32, #tpu.memory_space<hbm>>
    %dma_wait3A_278 = arith.constant 24 : i32
    %dma_wait3A_279 = arith.constant 0 : i32
    %dma_wait3A_280 = tpu.memref_slice %arg8[%dma_wait3A_264, %dma_wait3A_278, %dma_wait3A_279] : memref<2x64x128xf32, #tpu.memory_space<vmem>> -> memref<1x8x128xf32, #tpu.memory_space<vmem>>
    %dma_wait3A_281 = tpu.memref_squeeze %dma_wait3A_280 : memref<1x8x128xf32, #tpu.memory_space<vmem>> -> memref<8x128xf32, #tpu.memory_space<vmem>>
    tpu.wait_dma2 semaphore(%arg11 : memref<!tpu.dma_semaphore, #tpu.memory_space<semaphore_mem>>) src(%dma_wait3A_281 : memref<8x128xf32, #tpu.memory_space<vmem>>) dst(%dma_wait3A_277 : memref<8x128xf32, #tpu.memory_space<hbm>>)
    %dma_wait3A_282 = arith.constant 1 : i32
    %dma_wait3A_283 = arith.constant 0 : i32
    %dma_wait3A_284 = arith.constant 32 : i32
    %dma_wait3A_285 = arith.constant 0 : i32
    %dma_wait3A_286 = tpu.memref_slice %arg8[%dma_wait3A_282, %dma_wait3A_284, %dma_wait3A_285] : memref<2x64x128xf32, #tpu.memory_space<vmem>> -> memref<1x8x128xf32, #tpu.memory_space<vmem>>
    %dma_wait3A_287 = tpu.memref_squeeze %dma_wait3A_286 : memref<1x8x128xf32, #tpu.memory_space<vmem>> -> memref<8x128xf32, #tpu.memory_space<vmem>>
    %dma_wait3A_288 = arith.constant 0 : i32
    %dma_wait3A_289 = arith.constant 0 : i32
    %dma_wait3A_290 = tpu.memref_slice %arg5[%dma_wait3A_283, %dma_wait3A_288, %dma_wait3A_289] : memref<200x64x4096xf32, #tpu.memory_space<hbm>> -> memref<1x8x128xf32, #tpu.memory_space<hbm>>
    %dma_wait3A_291 = tpu.memref_squeeze %dma_wait3A_290 : memref<1x8x128xf32, #tpu.memory_space<hbm>> -> memref<8x128xf32, #tpu.memory_space<hbm>>
    %dma_wait3A_292 = arith.constant 0 : i32
    %dma_wait3A_293 = arith.constant 0 : i32
    %dma_wait3A_294 = tpu.memref_slice %arg5[%dma_wait3A_283, %dma_wait3A_292, %dma_wait3A_293] : memref<200x64x4096xf32, #tpu.memory_space<hbm>> -> memref<1x8x128xf32, #tpu.memory_space<hbm>>
    %dma_wait3A_295 = tpu.memref_squeeze %dma_wait3A_294 : memref<1x8x128xf32, #tpu.memory_space<hbm>> -> memref<8x128xf32, #tpu.memory_space<hbm>>
    %dma_wait3A_296 = arith.constant 32 : i32
    %dma_wait3A_297 = arith.constant 0 : i32
    %dma_wait3A_298 = tpu.memref_slice %arg8[%dma_wait3A_282, %dma_wait3A_296, %dma_wait3A_297] : memref<2x64x128xf32, #tpu.memory_space<vmem>> -> memref<1x8x128xf32, #tpu.memory_space<vmem>>
    %dma_wait3A_299 = tpu.memref_squeeze %dma_wait3A_298 : memref<1x8x128xf32, #tpu.memory_space<vmem>> -> memref<8x128xf32, #tpu.memory_space<vmem>>
    tpu.wait_dma2 semaphore(%arg11 : memref<!tpu.dma_semaphore, #tpu.memory_space<semaphore_mem>>) src(%dma_wait3A_299 : memref<8x128xf32, #tpu.memory_space<vmem>>) dst(%dma_wait3A_295 : memref<8x128xf32, #tpu.memory_space<hbm>>)
    %dma_wait3A_300 = arith.constant 1 : i32
    %dma_wait3A_301 = arith.constant 0 : i32
    %dma_wait3A_302 = arith.constant 40 : i32
    %dma_wait3A_303 = arith.constant 0 : i32
    %dma_wait3A_304 = tpu.memref_slice %arg8[%dma_wait3A_300, %dma_wait3A_302, %dma_wait3A_303] : memref<2x64x128xf32, #tpu.memory_space<vmem>> -> memref<1x8x128xf32, #tpu.memory_space<vmem>>
    %dma_wait3A_305 = tpu.memref_squeeze %dma_wait3A_304 : memref<1x8x128xf32, #tpu.memory_space<vmem>> -> memref<8x128xf32, #tpu.memory_space<vmem>>
    %dma_wait3A_306 = arith.constant 0 : i32
    %dma_wait3A_307 = arith.constant 0 : i32
    %dma_wait3A_308 = tpu.memref_slice %arg5[%dma_wait3A_301, %dma_wait3A_306, %dma_wait3A_307] : memref<200x64x4096xf32, #tpu.memory_space<hbm>> -> memref<1x8x128xf32, #tpu.memory_space<hbm>>
    %dma_wait3A_309 = tpu.memref_squeeze %dma_wait3A_308 : memref<1x8x128xf32, #tpu.memory_space<hbm>> -> memref<8x128xf32, #tpu.memory_space<hbm>>
    %dma_wait3A_310 = arith.constant 0 : i32
    %dma_wait3A_311 = arith.constant 0 : i32
    %dma_wait3A_312 = tpu.memref_slice %arg5[%dma_wait3A_301, %dma_wait3A_310, %dma_wait3A_311] : memref<200x64x4096xf32, #tpu.memory_space<hbm>> -> memref<1x8x128xf32, #tpu.memory_space<hbm>>
    %dma_wait3A_313 = tpu.memref_squeeze %dma_wait3A_312 : memref<1x8x128xf32, #tpu.memory_space<hbm>> -> memref<8x128xf32, #tpu.memory_space<hbm>>
    %dma_wait3A_314 = arith.constant 40 : i32
    %dma_wait3A_315 = arith.constant 0 : i32
    %dma_wait3A_316 = tpu.memref_slice %arg8[%dma_wait3A_300, %dma_wait3A_314, %dma_wait3A_315] : memref<2x64x128xf32, #tpu.memory_space<vmem>> -> memref<1x8x128xf32, #tpu.memory_space<vmem>>
    %dma_wait3A_317 = tpu.memref_squeeze %dma_wait3A_316 : memref<1x8x128xf32, #tpu.memory_space<vmem>> -> memref<8x128xf32, #tpu.memory_space<vmem>>
    tpu.wait_dma2 semaphore(%arg11 : memref<!tpu.dma_semaphore, #tpu.memory_space<semaphore_mem>>) src(%dma_wait3A_317 : memref<8x128xf32, #tpu.memory_space<vmem>>) dst(%dma_wait3A_313 : memref<8x128xf32, #tpu.memory_space<hbm>>)
    %dma_wait3A_318 = arith.constant 1 : i32
    %dma_wait3A_319 = arith.constant 0 : i32
    %dma_wait3A_320 = arith.constant 48 : i32
    %dma_wait3A_321 = arith.constant 0 : i32
    %dma_wait3A_322 = tpu.memref_slice %arg8[%dma_wait3A_318, %dma_wait3A_320, %dma_wait3A_321] : memref<2x64x128xf32, #tpu.memory_space<vmem>> -> memref<1x8x128xf32, #tpu.memory_space<vmem>>
    %dma_wait3A_323 = tpu.memref_squeeze %dma_wait3A_322 : memref<1x8x128xf32, #tpu.memory_space<vmem>> -> memref<8x128xf32, #tpu.memory_space<vmem>>
    %dma_wait3A_324 = arith.constant 0 : i32
    %dma_wait3A_325 = arith.constant 0 : i32
    %dma_wait3A_326 = tpu.memref_slice %arg5[%dma_wait3A_319, %dma_wait3A_324, %dma_wait3A_325] : memref<200x64x4096xf32, #tpu.memory_space<hbm>> -> memref<1x8x128xf32, #tpu.memory_space<hbm>>
    %dma_wait3A_327 = tpu.memref_squeeze %dma_wait3A_326 : memref<1x8x128xf32, #tpu.memory_space<hbm>> -> memref<8x128xf32, #tpu.memory_space<hbm>>
    %dma_wait3A_328 = arith.constant 0 : i32
    %dma_wait3A_329 = arith.constant 0 : i32
    %dma_wait3A_330 = tpu.memref_slice %arg5[%dma_wait3A_319, %dma_wait3A_328, %dma_wait3A_329] : memref<200x64x4096xf32, #tpu.memory_space<hbm>> -> memref<1x8x128xf32, #tpu.memory_space<hbm>>
    %dma_wait3A_331 = tpu.memref_squeeze %dma_wait3A_330 : memref<1x8x128xf32, #tpu.memory_space<hbm>> -> memref<8x128xf32, #tpu.memory_space<hbm>>
    %dma_wait3A_332 = arith.constant 48 : i32
    %dma_wait3A_333 = arith.constant 0 : i32
    %dma_wait3A_334 = tpu.memref_slice %arg8[%dma_wait3A_318, %dma_wait3A_332, %dma_wait3A_333] : memref<2x64x128xf32, #tpu.memory_space<vmem>> -> memref<1x8x128xf32, #tpu.memory_space<vmem>>
    %dma_wait3A_335 = tpu.memref_squeeze %dma_wait3A_334 : memref<1x8x128xf32, #tpu.memory_space<vmem>> -> memref<8x128xf32, #tpu.memory_space<vmem>>
    tpu.wait_dma2 semaphore(%arg11 : memref<!tpu.dma_semaphore, #tpu.memory_space<semaphore_mem>>) src(%dma_wait3A_335 : memref<8x128xf32, #tpu.memory_space<vmem>>) dst(%dma_wait3A_331 : memref<8x128xf32, #tpu.memory_space<hbm>>)
    %dma_wait3A_336 = arith.constant 1 : i32
    %dma_wait3A_337 = arith.constant 0 : i32
    %dma_wait3A_338 = arith.constant 56 : i32
    %dma_wait3A_339 = arith.constant 0 : i32
    %dma_wait3A_340 = tpu.memref_slice %arg8[%dma_wait3A_336, %dma_wait3A_338, %dma_wait3A_339] : memref<2x64x128xf32, #tpu.memory_space<vmem>> -> memref<1x8x128xf32, #tpu.memory_space<vmem>>
    %dma_wait3A_341 = tpu.memref_squeeze %dma_wait3A_340 : memref<1x8x128xf32, #tpu.memory_space<vmem>> -> memref<8x128xf32, #tpu.memory_space<vmem>>
    %dma_wait3A_342 = arith.constant 0 : i32
    %dma_wait3A_343 = arith.constant 0 : i32
    %dma_wait3A_344 = tpu.memref_slice %arg5[%dma_wait3A_337, %dma_wait3A_342, %dma_wait3A_343] : memref<200x64x4096xf32, #tpu.memory_space<hbm>> -> memref<1x8x128xf32, #tpu.memory_space<hbm>>
    %dma_wait3A_345 = tpu.memref_squeeze %dma_wait3A_344 : memref<1x8x128xf32, #tpu.memory_space<hbm>> -> memref<8x128xf32, #tpu.memory_space<hbm>>
    %dma_wait3A_346 = arith.constant 0 : i32
    %dma_wait3A_347 = arith.constant 0 : i32
    %dma_wait3A_348 = tpu.memref_slice %arg5[%dma_wait3A_337, %dma_wait3A_346, %dma_wait3A_347] : memref<200x64x4096xf32, #tpu.memory_space<hbm>> -> memref<1x8x128xf32, #tpu.memory_space<hbm>>
    %dma_wait3A_349 = tpu.memref_squeeze %dma_wait3A_348 : memref<1x8x128xf32, #tpu.memory_space<hbm>> -> memref<8x128xf32, #tpu.memory_space<hbm>>
    %dma_wait3A_350 = arith.constant 56 : i32
    %dma_wait3A_351 = arith.constant 0 : i32
    %dma_wait3A_352 = tpu.memref_slice %arg8[%dma_wait3A_336, %dma_wait3A_350, %dma_wait3A_351] : memref<2x64x128xf32, #tpu.memory_space<vmem>> -> memref<1x8x128xf32, #tpu.memory_space<vmem>>
    %dma_wait3A_353 = tpu.memref_squeeze %dma_wait3A_352 : memref<1x8x128xf32, #tpu.memory_space<vmem>> -> memref<8x128xf32, #tpu.memory_space<vmem>>
    tpu.wait_dma2 semaphore(%arg11 : memref<!tpu.dma_semaphore, #tpu.memory_space<semaphore_mem>>) src(%dma_wait3A_353 : memref<8x128xf32, #tpu.memory_space<vmem>>) dst(%dma_wait3A_349 : memref<8x128xf32, #tpu.memory_space<hbm>>)
    return
  }
}

</mosaic_0001>

<sc_bundles>
// kernel: kernel.3.cloned.1.call-start
scs
__scs_entry_jumppad:
0x0: {  	(pc) =	sbr.rel $0x88, $3  }
0x1: {  	(tag) =	ssettag $0x0;
	lr =	simm.s32 $0x1  }
0x2: {  	[smem:$0x3F9E] =	sst lr;
	_ =	strace $0xD0000000  }
0x3: {  	_ = 	snop  }
0x4: {  	_ = 	snop  }
0x5: {  	_ = 	snop  }
0x6: {  	_ = 	snop  }
0x7: {  	_ = 	snop  }
__scs_overlays_trampoline_lowered:
0x8: {  	[smem:$0x3FAD] =	sst s0  }
0x9: {  	[smem:$0x3FAE] =	sst s1  }
0xa: {  	[smem:$0x3FAF] =	sst s2  }
0xb: {  	[smem:$0x3FB0] =	sst s3  }
0xc: {  	[smem:$0x3FB1] =	sst s4  }
0xd: {  	[smem:$0x3FB2] =	sst s5  }
0xe: {  	[smem:$0x3FB3] =	sst s6  }
0xf: {  	[smem:$0x3FB4] =	sst s7  }
0x10: {  	[smem:$0x3FB5] =	sst s8  }
0x11: {  	[smem:$0x3FB6] =	sst s9;
	s0 =	simm.s32 @!p0 $0x0  }
0x12: {  	s1 =	sld [smem:$0x3F9C];
	s0 =	simm.s32 @p0 $0x1  }
0x13: {  	[smem:$0x3FB7] =	sst s0;
	s0 =	simm.s32 @!p1 $0x0  }
0x14: {  	s2 =	sld [smem:$0x3F9B];
	s0 =	simm.s32 @p1 $0x1  }
0x15: {  	[smem:$0x3FB8] =	sst s0;
	s0 =	simm.s32 @!p2 $0x0  }
0x16: {  	s3 =	sld [smem:$0x3FDB];
	s0 =	simm.s32 @p2 $0x1  }
0x17: {  	s4 =	simm.s32 $0x1BF5;
	[smem:$0x3FBA] =	sst s0  }
0x18: {  	s0 =	sld [smem:$0x3F9D];
	_ =	swait.ge [sflag:s4], $0x0  }
0x19: {  	s7 =	sld [smem:$0x3F9E]  }
0x1a: {  	s8 =	sadd.s32 $0xFFFFE003, lr  }
0x1b: {  	s9 =	sadd.s32 $0xFFFFFEF7, lr;
	s5 =	simm.s32 $0xFFFFFFFF;
	p2 =	slt.u32 s8, $0xFFFFF086  }
0x1c: {  	p1 =	slt.u32 s9, $0xF7A;
	s5 =	simm.s32 @!p2 $0x0  }
0x1d: {  	s5 =	simm.s32 @p1 $0x1;
	p0 =	seq.s32 s7, s2  }
0x1e: {  	s7 =	smul.u32 @!p0 $0xF7A, s2;
	p2 =	seq.s32 @!p0 s5, $0x0  }
0x1f: {  	s9 =	smul.u32 $0xF7A, s1;
	s8 =	simm.s32 @!p0 $0x1BF5;
	p2 =	por !p2, p0  }
0x20: {  	[sflag:s8] =	ssyncset.s32 @!p0 $0xFFFFF086;
	s6 =	sadd.s32 @!p0 s3, s7;
	s7 =	simm.s32 @!p0 $0x108  }
0x21: {  	s3 =	sadd.s32 s3, s9;
	s6 =	sadd.s32 @!p0 $0x88, s6;
	s7 =	simm.s32 @p2 $0x1082  }
0x22: {  	[simem:s7], [sflag:s8] =	dma.local @!p0 [hbm:s6], $0xF7A  }
0x23: {  	s9 =	sor.u32 $0xD0000000, s2;
	s6 =	simm.s32 $0x108;
	_ =	swait.ge @!p0 [sflag:s8], $0x0  }
0x24: {  	s3 =	sadd.s32 $0x88, s3;
	s6 =	simm.s32 @!p1 $0x1082;
	[sflag:s4] =	ssyncset.s32 $0xFFFFF086  }
0x25: {  	[simem:s6], [sflag:s4] =	dma.local [hbm:s3], $0xF7A  }
0x26: {  	[smem:$0x3F9E] =	sst s1;
	(tag) =	ssettag s2;
	_ =	strace s9  }
0x27: {  	s1 =	sld [smem:$0x3FAE]  }
0x28: {  	s2 =	sld [smem:$0x3FAF]  }
0x29: {  	s4 =	sld [smem:$0x3FB1]  }
0x2a: {  	p0 =	seq.s32 s5, $0x0;
	s5 =	sld [smem:$0x3FB2]  }
0x2b: {  	s6 =	sld [smem:$0x3FB3]  }
0x2c: {  	s7 =	sld [smem:$0x3FB4]  }
0x2d: {  	s3 =	simm.s32 $0x108;
	s8 =	sld [smem:$0x3FB5]  }
0x2e: {  	s3 =	simm.s32 @!p0 $0x1082;
	s9 =	sld [smem:$0x3FB6]  }
0x2f: {  	lr =	sadd.s32 s0, s3;
	s0 =	sld [smem:$0x3FAD]  }
0x30: {  	s3 =	sld [smem:$0x3FB0]  }
0x31: {  	[smem:$0x3FB9] =	sst s10  }
0x32: {  	s10 =	sld [smem:$0x3FB7];
	_ =	sdelay $0x3  }
0x33: {  	p0 =	seq.s32 s10, $0x1;
	s10 =	sld [smem:$0x3FB9];
	_ =	sdelay $0x3  }
0x34: {  	[smem:$0x3FB9] =	sst s10  }
0x35: {  	s10 =	sld [smem:$0x3FB8];
	_ =	sdelay $0x3  }
0x36: {  	p1 =	seq.s32 s10, $0x1;
	s10 =	sld [smem:$0x3FB9];
	_ =	sdelay $0x3  }
0x37: {  	[smem:$0x3FB9] =	sst s10  }
0x38: {  	s10 =	sld [smem:$0x3FBA]  }
0x39: {  	_ = 	snop;
	(pc) =	sbr.ind lr, $3  }
0x3a: {  	_ = 	snop  }
0x3b: {  	_ = 	snop  }
0x3c: {  	p2 =	seq.s32 s10, $0x1;
	s10 =	sld [smem:$0x3FB9]  }
0x3d: {  	_ =	shalt  }
0x3e: {  	_ =	shalt  }
0x3f: {  	_ =	shalt  }
0x40: {  	_ =	shalt  }
0x41: {  	_ =	shalt  }
0x42: {  	_ =	shalt  }
0x43: {  	_ =	shalt  }
0x44: {  	_ =	shalt  }
0x45: {  	_ =	shalt  }
0x46: {  	_ =	shalt  }
0x47: {  	_ =	shalt  }
0x48: {  	_ =	shalt  }
0x49: {  	_ =	shalt  }
0x4a: {  	_ =	shalt  }
0x4b: {  	_ =	shalt  }
0x4c: {  	_ =	shalt  }
0x4d: {  	_ =	shalt  }
0x4e: {  	_ =	shalt  }
0x4f: {  	_ =	shalt  }
0x50: {  	_ =	shalt  }
0x51: {  	_ =	shalt  }
0x52: {  	_ =	shalt  }
0x53: {  	_ =	shalt  }
0x54: {  	_ =	shalt  }
0x55: {  	_ =	shalt  }
0x56: {  	_ =	shalt  }
0x57: {  	_ =	shalt  }
0x58: {  	_ =	shalt  }
0x59: {  	_ =	shalt  }
0x5a: {  	_ =	shalt  }
0x5b: {  	_ =	shalt  }
0x5c: {  	_ =	shalt  }
0x5d: {  	_ =	shalt  }
0x5e: {  	_ =	shalt  }
0x5f: {  	_ =	shalt  }
0x60: {  	_ =	shalt  }
0x61: {  	_ =	shalt  }
0x62: {  	_ =	shalt  }
0x63: {  	_ =	shalt  }
0x64: {  	_ =	shalt  }
0x65: {  	_ =	shalt  }
0x66: {  	_ =	shalt  }
0x67: {  	_ =	shalt  }
0x68: {  	_ =	shalt  }
0x69: {  	_ =	shalt  }
0x6a: {  	_ =	shalt  }
0x6b: {  	_ =	shalt  }
0x6c: {  	_ =	shalt  }
0x6d: {  	_ =	shalt  }
0x6e: {  	_ =	shalt  }
0x6f: {  	_ =	shalt  }
0x70: {  	_ =	shalt  }
0x71: {  	_ =	shalt  }
0x72: {  	_ =	shalt  }
0x73: {  	_ =	shalt  }
0x74: {  	_ =	shalt  }
0x75: {  	_ =	shalt  }
0x76: {  	_ =	shalt  }
0x77: {  	_ =	shalt  }
0x78: {  	_ =	shalt  }
0x79: {  	_ =	shalt  }
0x7a: {  	_ =	shalt  }
0x7b: {  	_ =	shalt  }
0x7c: {  	_ =	shalt  }
0x7d: {  	_ =	shalt  }
0x7e: {  	_ =	shalt  }
0x7f: {  	_ =	shalt  }
0x80: {  	_ =	shalt  }
0x81: {  	_ =	shalt  }
0x82: {  	_ =	shalt  }
0x83: {  	_ =	shalt  }
0x84: {  	_ =	shalt  }
0x85: {  	_ =	shalt  }
0x86: {  	_ =	shalt  }
0x87: {  	_ =	shalt  }
.Lfunc_end0:
.L_simem_size_0:
called_computation_lowered:
.L_overlay_start_0:
0x88: {  	s2 =	sld [smem:$0x3FD9]  }
0x89: {  	s3 =	sld [smem:$0x3FFE];
	_ =	sdelay $0x1  }
0x8a: {  	s1 =	srdreg.scid  }
0x8b: {  	s0 =	sand.u32 $0x1, s1  }
0x8c: {  	s17 =	sshll.u32 s0, $0xA;
	s2 =	sadd.s32 s3, s2  }
0x8d: {  	s2 =	sadd.s32 s2, s17  }
0x8e: {  	[smem:$0x3FC5] =	sst s2  }
0x8f: {  	_ = 	snop  }
0x90: {  	s2 =	sld [smem:$0x3FD0];
	(tm) =	ssettm $0x1  }
0x91: {  	s18 =	sld [smem:$0x3FFB];
	_ =	sdelay $0x3  }
0x92: {  	_ =	strace s18  }
0x93: {  	s3 =	sld [smem:$0x3FFC];
	_ =	sdelay $0x3  }
0x94: {  	_ =	strace s3  }
0x95: {  	s3 =	sld [smem:$0x3FFD];
	_ =	sdelay $0x3  }
0x96: {  	_ =	strace s3  }
0x97: {  	_ =	strace $0x8FFFFFFF  }
0x98: {  	s19 =	sld [smem:$0x3FDB];
	_ =	sdelay $0x1  }
0x99: {  	s4 =	simm.s32 $_scs_section_size  }
0x9a: {  	s5 =	simm.s32 $_size__tile_overlayer_lowered;
	s6 =	simm.s32 $_tile_overlayer_lowered  }
0x9b: {  	s22 =	simm.s32 $0x1BFF;
	s21 =	sshll.u32 s6, $0x1;
	s3 =	sadd.s32 s4, s19  }
0x9c: {  	s7 =	simm.s32 $0x0;
	s20 =	sshll.u32 s5, $0x1;
	s5 =	sadd.s32 s21, s3  }
0x9d: {  	[timem:s7], [sflag:s22] =	dma.local [hbm:s5], s20  }
0x9e: {  	_ =	swait.ge [sflag:s22], s20  }
0x9f: {  	s4 =	ssub.s32 $0x0, s20;
	[sflag:s22] =	ssyncset.done $0x0  }
0xa0: {  	[sflag:s22] =	ssyncadd.s32 s4;
	_ =	sdelay $0x1  }
0xa1: {  	s23 =	simm.s32 $0x1B8B  }
0xa2: {  	_ =	swait.ge [sflag:s23], $0x1  }
0xa3: {  	[sflag:s23] =	ssyncset.done $0x0  }
0xa4: {  	s25 =	simm.s32 $0x1B8E;
	s24 =	sld [smem:$0x3FFE];
	[sflag:s23] =	ssyncadd.s32 $0xFFFFFFFF  }
0xa5: {  	s26 =	simm.s32 $execute0_lowered;
	[smem:$0x3FD2] =	sst s25  }
0xa6: {  	s5 =	sshll.u32 s26, $0x1;
	_ =	strace $0x80000046;
	[dreg:$0x1] =	wrdreg $0xFFFFFFFF  }
0xa7: {  	s28 =	simm.s32 $_size_execute0_lowered;
	s3 =	sadd.s32 s3, s5;
	[dreg:$0x0] =	wrdreg $0x0  }
0xa8: {  	s5 =	sshll.u32 s28, $0x1;
	[dreg:$0x2] =	wrdreg s3  }
0xa9: {  	[dreg:$0x3] =	wrdreg s5  }
0xaa: {  	[dreg:$0x4] =	wrdreg $0xC0  }
0xab: {  	_ =	task [dreg:s7], $0x5FFFF  }
0xac: {  	[dreg:$0x1] =	wrdreg $0xFFFFFFFF  }
0xad: {  	[dreg:$0x0] =	wrdreg $0x60  }
0xae: {  	[dreg:$0x2] =	wrdreg s24  }
0xaf: {  	[dreg:$0x3] =	wrdreg s2  }
0xb0: {  	[dreg:$0x4] =	wrdreg $0x9  }
0xb1: {  	_ =	task.clear_ibuf [dreg:s7], $0x5FFFF;
	_ =	strace $0x90000046  }
0xb2: {  	s29 =	simm.s32 $0x9;
	_ =	strace $0x80000048  }
0xb3: {  	_ =	swait.ge [sflag:s29], $0x1  }
0xb4: {  	[sflag:s29] =	ssyncadd.s32 $0xFFFFFFFF  }
0xb5: {  	_ =	strace $0x90000048  }
0xb6: {  	_ =	sfence  }
0xb7: {  	s30 =	sld [smem:$0x0];
	_ =	sdelay $0x2  }
0xb8: {  	s31 =	sshll.u32 s1, $0xD;
	s1 =	sshrl.u32 s1, $0x2  }
0xb9: {  	s3 =	sand.u32 $0x4000, s31;
	s1 =	sadd.s32 s1, s30  }
0xba: {  	s0 =	sor.u32 s3, s0;
	s1 =	sshll.u32 s1, $0x11  }
0xbb: {  	s0 =	sor.u32 s1, s0  }
0xbc: {  	s0 =	sadd.s32 $0x8F2B, s0  }
0xbd: {  	[sflag:s0] =	ssyncadd.remote.s32 $0x1  }
0xbe: {  	_ =	sfence.sel $0xFFFF  }
0xbf: {  	[dreg:$0x0] =	wrdreg $0xFFFFFFFF;
	(pc) =	sbr.abs _section_cstart, $3  }
0xc0: {  	[dreg:$0x1] =	wrdreg $0xFFFFFFFF  }
0xc1: {  	_ =	task.clear_ibuf [dreg:s7], $0x2FFFF;
	_ =	strace $0x9FFFFFFF  }
0xc2: {  	(tm) =	ssettm $0x7FFFFFFF  }
0xc3: {  	_ =	shalt  }
tec
execute0_lowered:
.L_overlay_start_1:
0x0: {  	(tag) =	ssettag $0x1  }
0x1: {  	s0 =	rddreg [dreg:$0x0];
	s1 =	srdreg.scid  }
0x2: {  	s2 =	stileid.u32;
	s31 =	rddreg [dreg:$0x1];
	s3 =	simm.s32 $0x0  }
0x3: {  	s16 =	simm.s32 $0x1A400;
	s19 =	simm.s32 $0x6400;
	s20 =	simm.s32 $0xA400  }
0x4: {  	s22 =	simm.s32 $0xE400;
	s28 =	simm.s32 $0x2;
	s1 =	sand.u32 $0x1, s1  }
0x5: {  	s4 =	sshll.u32 s2, $0x1;
	[smem:$0x7FF] =	sst s3;
	s26 =	sadd.s32 $0x1000, s31  }
0x6: {  	s25 =	sadd.s32 $0x2000, s31;
	s29 =	sadd.s32 $0x3000, s31;
	s30 =	sadd.s32 $0x4000, s31  }
0x7: {  	s12 =	sadd.s32 $0x5000, s31;
	s13 =	sadd.s32 $0x6000, s31;
	s14 =	sadd.s32 $0x7000, s31  }
0x8: {  	s5 =	sor.u32 s1, s4;
	_ =	strace $0x80000047;
	[dreg:$0x5] =	wrdreg s25  }
0x9: {  	v0 =	vlaneseq.u32;
	s1 =	ssub.s32 $0x2, s1;
	[dreg:$0x6] =	wrdreg s29;
	s4 =	smul.u32 $0xC80, s5  }
0xa: {  	v0 =	vmul.u32 $0x80, v0;
	[dreg:$0x7] =	wrdreg s30;
	s7 =	sshrl.u32 s1, $0x1;
	s9 =	sshll.u32 s5, $0xA  }
0xb: {  	s6 =	sadd.s32 s4, s0;
	s4 =	sadd.s32 $0x1A000, s0;
	s0 =	sadd.s32 $0x800, s0  }
0xc: {  	v1 =	vor.u32 $0x800, v0;
	s23 =	ssub.s32 s1, s7;
	[dreg:$0x3] =	wrdreg s0;
	s24 =	sadd.s32 $0x1000, s6  }
0xd: {  	v2 =	vor.u32 $0x1000, v0;
	v3 =	vor.u32 $0x1800, v0;
	v4 =	vor.u32 $0x2000, v0;
	s1 =	simm.s32 $0x0;
	s0 =	smax.u32 s23, $0x1;
	[dreg:$0x4] =	wrdreg s24  }
0xe: {  	v5 =	vor.u32 $0x2800, v0;
	v6 =	vor.u32 $0x3000, v0;
	v7 =	vor.u32 $0x3800, v0;
	s23 =	simm.s32 $0x1;
	[dreg:$0x8] =	wrdreg s0;
	s24 =	simm.s32 $0x12400  }
.LBB2_1:
0xf: {  	[dreg:$0x9] =	wrdreg s1  }
0x10: {  	s0 =	rddreg [dreg:$0x3];
	s17 =	simm.s32 $0x3  }
0x11: {  	[tilespmem:s16], [sflag:$0x3] =	stream.linear.gather [hbm4b:s0+s3], $0x3200, $0x38;
	[tilespmem:$0x1D600] =	vst v63  }
0x12: {  	_ =	swait.ge [sflag:s17], $0x3200  }
0x13: {  	[sflag:s17] =	ssyncset.done $0x0  }
0x14: {  	s18 =	rddreg [dreg:$0x4];
	[sflag:s17] =	ssyncadd.s32 $0xFFFFCE00  }
0x15: {  	[tilespmem:s3], [sflag:$0x3] =	stream.linear.gather [hbm4b:s18+s3], $0x6400, $0x38;
	[tilespmem:$0x1D600] =	vst v63  }
0x16: {  	_ =	swait.ge [sflag:s17], $0x6400  }
0x17: {  	[sflag:s17] =	ssyncset.done $0x0  }
0x18: {  	s21 =	simm.s32 $0x80;
	[sflag:s17] =	ssyncadd.s32 $0xFFFF9C00  }
0x19: {  	[tilespmem:s19], [sflag:$0x1] =	stream.indirect.gather [hbm4b:s4+s21], $0x80, s3, s21, $0xb8;
	[tilespmem:$0x1D600] =	vst v63  }
0x1a: {  	_ = 	snop  }
0x1b: {  	[tilespmem:s20], [sflag:$0x1] =	stream.indirect.gather [hbm4b:s4+s21], $0x80, s21, s21, $0xb8;
	[tilespmem:$0x1D600] =	vst v63  }
0x1c: {  	s25 =	simm.s32 $0x100;
	s29 =	simm.s32 $0x0;
	s30 =	simm.s32 $0x0  }
0x1d: {  	[tilespmem:s22], [sflag:$0x1] =	stream.indirect.gather [hbm4b:s4+s21], $0x80, s25, s21, $0xb8;
	[tilespmem:$0x1D600] =	vst v63  }
.LBB2_2:
0x1e: {  	_ =	swait.ge [sflag:s23], $0x4000;
	s0 =	sshllo.u32 s30, $0x2;
	s1 =	simm.s32 $0x80  }
0x1f: {  	[sflag:s23] =	ssyncset.done $0x0;
	[dreg:$0xa] =	wrdreg s0;
	s0 =	sshll.u32 s0, $0x7  }
0x20: {  	p0 =	seq.s32 s30, $0x0;
	[sflag:s23] =	ssyncadd.s32 $0xFFFFC000;
	s0 =	sand.u32 $0x3FFFFF80, s0  }
0x21: {  	[tilespmem:s24], [sflag:$0x1] =	stream.indirect.gather [hbm4b:s4+s1], $0x80, s0, s1, $0xb8;
	[tilespmem:$0x1D600] =	vst v63  }
0x22: {  	s0 =	simm.s32 @!p0 $0x2  }
0x23: {  	_ =	swait.ge @!p0 [sflag:s0], $0x400  }
0x24: {  	[sflag:s0] =	ssyncset.done @!p0 $0x0  }
0x25: {  	[sflag:s0] =	ssyncadd.s32 @!p0 $0xFFFFFC00  }
0x26: {  	_ =	swait.ge @!p0 [sflag:s0], $0x400  }
0x27: {  	[sflag:s0] =	ssyncset.done @!p0 $0x0  }
0x28: {  	[sflag:s0] =	ssyncadd.s32 @!p0 $0xFFFFFC00  }
0x29: {  	_ =	swait.ge @!p0 [sflag:s0], $0x400  }
0x2a: {  	[sflag:s0] =	ssyncset.done @!p0 $0x0  }
0x2b: {  	[sflag:s0] =	ssyncadd.s32 @!p0 $0xFFFFFC00  }
0x2c: {  	_ =	swait.ge @!p0 [sflag:s0], $0x400  }
0x2d: {  	[sflag:s0] =	ssyncset.done @!p0 $0x0  }
0x2e: {  	[sflag:s0] =	ssyncadd.s32 @!p0 $0xFFFFFC00  }
0x2f: {  	_ =	swait.ge @!p0 [sflag:s0], $0x400  }
0x30: {  	[sflag:s0] =	ssyncset.done @!p0 $0x0  }
0x31: {  	[sflag:s0] =	ssyncadd.s32 @!p0 $0xFFFFFC00  }
0x32: {  	s7 =	simm.s32 $0x3;
	s5 =	simm.s32 $0x0;
	_ =	swait.ge @!p0 [sflag:s0], $0x400  }
0x33: {  	s8 =	sadd.s32 $0x0, s29;
	s15 =	simm.s32 $0x1;
	v8 =	vmov s7;
	v9 =	vmov s5;
	[sflag:s0] =	ssyncset.done @!p0 $0x0  }
0x34: {  	v10 =	vmov s8;
	v14 =	vmov s15;
	v8 =	vand.u32 $0x7F, v8;
	[sflag:s0] =	ssyncadd.s32 @!p0 $0xFFFFFC00  }
0x35: {  	s10 =	sadd.s32 $0x3, s8;
	s11 =	sadd.s32 $0x2, s8;
	v10 =	vand.u32 $0xFFFFFFFC, v10;
	v30 =	vbroadcast v8, $0x0;
	v8 =	vand.u32 $0x7C, v9;
	_ =	swait.ge @!p0 [sflag:s0], $0x400  }
0x36: {  	s6 =	simm.s32 $0x2;
	v12 =	vmov s11;
	v9 =	vmov s10;
	v32 =	vbroadcast v8, $0x0;
	[sflag:s0] =	ssyncset.done @!p0 $0x0  }
0x37: {  	v10 =	vbroadcast v10, $0x0;
	v8 =	vmov s6;
	v11 =	vor.u32 v0, v30;
	[sflag:s0] =	ssyncadd.s32 @!p0 $0xFFFFFC00  }
0x38: {  	v12 =	vand.u32 $0xFFFFFFFE, v12;
	v8 =	vand.u32 $0x7E, v8;
	v13 =	vor.u32 v0, v32;
	_ =	swait.ge @!p0 [sflag:s0], $0x400  }
0x39: {  	s17 =	sadd.s32 $0x1, s8;
	v14 =	vand.u32 $0x7D, v14;
	v33 =	vbroadcast v8, $0x0;
	v8 =	vbroadcast v12, $0x0;
	[sflag:s0] =	ssyncset.done @!p0 $0x0  }
0x3a: {  	v27 =	vbroadcast v14, $0x0;
	v12 =	vmov s17;
	[sflag:s0] =	ssyncadd.s32 @!p0 $0xFFFFFC00  }
0x3b: {  	v18 =	vld.idx.msk [tilespmem:v9+s16+$0x0], $0xffff;
	v9 =	vand.u32 $0xFFFFFFFD, v12;
	v12 =	vor.u32 v0, v33  }
0x3c: {  	v14 =	vor.u32 v0, v27;
	v11 =	vld.idx.msk [tilespmem:v11+s19+$0x0], $0xffff;
	v9 =	vbroadcast v9, $0x0  }
0x3d: {  	v17 =	vld.idx.msk [tilespmem:v13+s19+$0x0], $0xffff  }
0x3e: {  	v16 =	vld.idx.msk [tilespmem:v10+s16+$0x0], $0xffff  }
0x3f: {  	v13 =	vld.idx.msk [tilespmem:v8+s16+$0x0], $0xffff  }
0x40: {  	v10 =	vor.u32 v1, v30;
	v12 =	vld.idx.msk [tilespmem:v12+s19+$0x0], $0xffff  }
0x41: {  	v8 =	vor.u32 v1, v32;
	v14 =	vld.idx.msk [tilespmem:v14+s19+$0x0], $0xffff;
	v11 =	vadd.f32 v11, v18  }
0x42: {  	s1 =	simm.s32 $0x16500;
	v15 =	vld.idx.msk [tilespmem:v9+s16+$0x0], $0xffff  }
0x43: {  	v9 =	vadd.f32 v17, v16;
	[tilespmem:s1+$0x80] =	vst v11;
	v11 =	vor.u32 v1, v33;
	_ =	sdelay $0x1  }
0x44: {  	v10 =	vld.idx.msk [tilespmem:v10+s19+$0x0], $0xffff;
	[tilespmem:s1+$0xFFFFFF00] =	vst v9;
	v9 =	vor.u32 v1, v27;
	v12 =	vadd.f32 v12, v13  }
0x45: {  	v8 =	vld.idx.msk [tilespmem:v8+s19+$0x0], $0xffff  }
0x46: {  	s18 =	sadd.s32 $0x4, s29;
	s25 =	simm.s32 $0x6;
	v14 =	vadd.f32 v14, v15;
	[tilespmem:s1+$0x0] =	vst v12  }
0x47: {  	s2 =	sadd.s32 $0x3, s18;
	v21 =	vmov s25;
	v12 =	vld.idx.msk [tilespmem:v11+s19+$0x0], $0xffff  }
0x48: {  	s7 =	sadd.s32 $0x1, s18;
	v23 =	vmov s18;
	v22 =	vmov s2;
	[tilespmem:s1+$0xFFFFFF80] =	vst v14;
	v14 =	vor.u32 v2, v32  }
0x49: {  	v26 =	vmov s7;
	s6 =	simm.s32 $0x7;
	v19 =	vor.u32 v2, v30;
	v10 =	vadd.f32 v10, v18;
	v9 =	vld.idx.msk [tilespmem:v9+s19+$0x0], $0xffff  }
0x4a: {  	s21 =	simm.s32 $0x5;
	v24 =	vmov s6;
	v20 =	vor.u32 v2, v33;
	v8 =	vadd.f32 v8, v16  }
0x4b: {  	s8 =	simm.s32 $0x4;
	v17 =	vor.u32 v2, v27;
	v11 =	vmov s21;
	[tilespmem:s1+$0x90] =	vst v10;
	v10 =	vand.u32 $0xFFFFFFFD, v26  }
0x4c: {  	[tilespmem:s1+$0xFFFFFF10] =	vst v8;
	v8 =	vmov s8;
	v25 =	vadd.f32 v12, v13;
	v12 =	vand.u32 $0x7F, v24  }
0x4d: {  	v10 =	vbroadcast v10, $0x0;
	v8 =	vand.u32 $0x7C, v8;
	v12 =	vbroadcast v12, $0x0;
	v26 =	vld.idx.msk [tilespmem:v14+s19+$0x0], $0xffff  }
0x4e: {  	s0 =	sadd.s32 $0x2, s18;
	v14 =	vand.u32 $0x7E, v21;
	v9 =	vadd.f32 v9, v15;
	[tilespmem:s1+$0x10] =	vst v25;
	v25 =	vld.idx.msk [tilespmem:v19+s19+$0x0], $0xffff;
	v19 =	vbroadcast v8, $0x0  }
0x4f: {  	v21 =	vand.u32 $0xFFFFFFFC, v23;
	v8 =	vmov s0;
	v28 =	vor.u32 v0, v12  }
0x50: {  	v21 =	vbroadcast v21, $0x0;
	v23 =	vand.u32 $0xFFFFFFFE, v8;
	v8 =	vld.idx.msk [tilespmem:v22+s16+$0x0], $0xffff;
	[tilespmem:s1+$0xFFFFFF90] =	vst v9;
	v22 =	vor.u32 v0, v19  }
0x51: {  	v11 =	vand.u32 $0x7D, v11;
	v14 =	vbroadcast v14, $0x0;
	v23 =	vbroadcast v23, $0x0;
	v17 =	vld.idx.msk [tilespmem:v17+s19+$0x0], $0xffff  }
0x52: {  	v11 =	vbroadcast v11, $0x0;
	v20 =	vld.idx.msk [tilespmem:v20+s19+$0x0], $0xffff  }
0x53: {  	v29 =	vor.u32 v0, v14;
	v9 =	vld.idx.msk [tilespmem:v10+s16+$0x0], $0xffff  }
0x54: {  	v24 =	vor.u32 v0, v11;
	v28 =	vld.idx.msk [tilespmem:v28+s19+$0x0], $0xffff  }
0x55: {  	v31 =	vor.u32 v3, v27;
	v22 =	vld.idx.msk [tilespmem:v22+s19+$0x0], $0xffff  }
0x56: {  	v35 =	vadd.f32 v17, v15;
	v17 =	vld.idx.msk [tilespmem:v21+s16+$0x0], $0xffff;
	v21 =	vor.u32 v3, v33  }
0x57: {  	v34 =	vor.u32 v3, v30;
	v10 =	vld.idx.msk [tilespmem:v23+s16+$0x0], $0xffff;
	v23 =	vadd.f32 v25, v18  }
0x58: {  	v46 =	vor.u32 v3, v32;
	v20 =	vadd.f32 v20, v13;
	v29 =	vld.idx.msk [tilespmem:v29+s19+$0x0], $0xffff;
	[tilespmem:s1+$0xFFFFFFA0] =	vst v35  }
0x59: {  	v38 =	vor.u32 v1, v19;
	v24 =	vld.idx.msk [tilespmem:v24+s19+$0x0], $0xffff;
	[tilespmem:s1+$0xA0] =	vst v23;
	v23 =	vadd.f32 v26, v16  }
0x5a: {  	v37 =	vor.u32 v1, v12;
	[tilespmem:s1+$0x20] =	vst v20;
	v28 =	vadd.f32 v28, v8;
	v31 =	vld.idx.msk [tilespmem:v31+s19+$0x0], $0xffff  }
0x5b: {  	s5 =	simm.s32 $0x16700;
	v26 =	vor.u32 v1, v14;
	[tilespmem:s1+$0xFFFFFF20] =	vst v23;
	v22 =	vadd.f32 v22, v17;
	v21 =	vld.idx.msk [tilespmem:v21+s19+$0x0], $0xffff  }
0x5c: {  	v48 =	vor.u32 v4, v27;
	v20 =	vld.idx.msk [tilespmem:v34+s19+$0x0], $0xffff;
	[tilespmem:s5+$0x80] =	vst v28;
	v28 =	vor.u32 v1, v11  }
0x5d: {  	v39 =	vor.u32 v5, v30;
	v23 =	vld.idx.msk [tilespmem:v46+s19+$0x0], $0xffff;
	[tilespmem:s5+$0xFFFFFF00] =	vst v22;
	v22 =	vadd.f32 v29, v10  }
0x5e: {  	s11 =	sadd.s32 $0x8, s29;
	s10 =	simm.s32 $0x9;
	v36 =	vor.u32 v4, v32;
	v50 =	vor.u32 v4, v33;
	v24 =	vadd.f32 v24, v9;
	v49 =	vld.idx.msk [tilespmem:v38+s19+$0x0], $0xffff  }
0x5f: {  	v51 =	vmov s10;
	s17 =	sadd.s32 $0x3, s11;
	v47 =	vld.idx.msk [tilespmem:v37+s19+$0x0], $0xffff;
	v31 =	vadd.f32 v31, v15;
	[tilespmem:s5+$0x0] =	vst v22;
	v22 =	vor.u32 v4, v30  }
0x60: {  	v41 =	vor.u32 v5, v32;
	v53 =	vmov s17;
	s0 =	sadd.s32 $0x2, s11;
	[tilespmem:s5+$0xFFFFFF80] =	vst v24;
	v26 =	vld.idx.msk [tilespmem:v26+s19+$0x0], $0xffff;
	v21 =	vadd.f32 v21, v13  }
0x61: {  	v56 =	vmov s0;
	v24 =	vor.u32 v2, v19;
	v20 =	vadd.f32 v20, v18;
	[tilespmem:s1+$0xFFFFFFB0] =	vst v31;
	v28 =	vld.idx.msk [tilespmem:v28+s19+$0x0], $0xffff  }
0x62: {  	v42 =	vor.u32 v2, v12;
	v59 =	vand.u32 $0xFFFFFFFE, v56;
	v23 =	vadd.f32 v23, v16;
	v31 =	vld.idx.msk [tilespmem:v48+s19+$0x0], $0xffff;
	[tilespmem:s1+$0x30] =	vst v21  }
0x63: {  	[tilespmem:s1+$0xB0] =	vst v20;
	v48 =	vbroadcast v59, $0x0;
	v21 =	vand.u32 $0x7D, v51;
	v35 =	vadd.f32 v49, v17;
	v38 =	vld.idx.msk [tilespmem:v50+s19+$0x0], $0xffff  }
0x64: {  	v40 =	vor.u32 v5, v33;
	[tilespmem:s1+$0xFFFFFF30] =	vst v23;
	v20 =	vbroadcast v21, $0x0;
	v21 =	vadd.f32 v47, v8;
	v44 =	vld.idx.msk [tilespmem:v22+s19+$0x0], $0xffff  }
0x65: {  	v55 =	vmov s11;
	s18 =	simm.s32 $0xB;
	v52 =	vor.u32 v2, v14;
	[tilespmem:s5+$0xFFFFFF10] =	vst v35;
	v23 =	vadd.f32 v26, v10;
	v26 =	vld.idx.msk [tilespmem:v36+s19+$0x0], $0xffff  }
0x66: {  	v45 =	vmov s18;
	s21 =	sadd.s32 $0x1, s11;
	v43 =	vor.u32 v2, v11;
	v29 =	vor.u32 v5, v27;
	[tilespmem:s5+$0x90] =	vst v21;
	v46 =	vld.idx.msk [tilespmem:v24+s19+$0x0], $0xffff  }
0x67: {  	s15 =	simm.s32 $0xA;
	v51 =	vor.u32 v6, v27;
	v54 =	vor.u32 v0, v20;
	v21 =	vmov s21;
	v42 =	vld.idx.msk [tilespmem:v42+s19+$0x0], $0xffff  }
0x68: {  	v22 =	vmov s15;
	v31 =	vadd.f32 v31, v15;
	v57 =	vand.u32 $0xFFFFFFFD, v21;
	v21 =	vld.idx.msk [tilespmem:v53+s16+$0x0], $0xffff  }
0x69: {  	s25 =	simm.s32 $0x8;
	v47 =	vand.u32 $0x7E, v22;
	v22 =	vand.u32 $0x7F, v45;
	v53 =	vor.u32 v7, v27;
	[tilespmem:s5+$0x10] =	vst v23;
	v27 =	vld.idx.msk [tilespmem:v48+s16+$0x0], $0xffff  }
0x6a: {  	v22 =	vbroadcast v22, $0x0;
	v24 =	vmov s25;
	v23 =	vadd.f32 v28, v9;
	v28 =	vld.idx.msk [tilespmem:v52+s19+$0x0], $0xffff;
	[tilespmem:s1+$0xFFFFFFC0] =	vst v31  }
0x6b: {  	v24 =	vand.u32 $0x7C, v24;
	v45 =	vbroadcast v57, $0x0;
	v38 =	vadd.f32 v38, v13;
	v61 =	vld.idx.msk [tilespmem:v29+s19+$0x0], $0xffff  }
0x6c: {  	v58 =	vor.u32 v0, v22;
	v24 =	vbroadcast v24, $0x0;
	[tilespmem:s5+$0xFFFFFF90] =	vst v23;
	v44 =	vadd.f32 v44, v18;
	v35 =	vld.idx.msk [tilespmem:v54+s19+$0x0], $0xffff  }
0x6d: {  	v31 =	vand.u32 $0xFFFFFFFC, v55;
	v43 =	vld.idx.msk [tilespmem:v43+s19+$0x0], $0xffff;
	v26 =	vadd.f32 v26, v16;
	[tilespmem:s1+$0x40] =	vst v38  }
0x6e: {  	v23 =	vbroadcast v47, $0x0;
	v60 =	vbroadcast v31, $0x0;
	v62 =	vor.u32 v0, v24;
	v40 =	vld.idx.msk [tilespmem:v40+s19+$0x0], $0xffff;
	[tilespmem:s1+$0xC0] =	vst v44  }
0x6f: {  	[tilespmem:s1+$0xFFFFFF40] =	vst v26;
	v39 =	vld.idx.msk [tilespmem:v39+s19+$0x0], $0xffff  }
0x70: {  	v63 =	vor.u32 v3, v11;
	v25 =	vor.u32 v4, v19;
	v49 =	vor.u32 v0, v23;
	v41 =	vld.idx.msk [tilespmem:v41+s19+$0x0], $0xffff  }
0x71: {  	v34 =	vor.u32 v7, v32;
	v37 =	vor.u32 v7, v30;
	v59 =	vadd.f32 v42, v8;
	v50 =	vld.idx.msk [tilespmem:v58+s19+$0x0], $0xffff  }
0x72: {  	v36 =	vor.u32 v1, v20;
	v57 =	vor.u32 v1, v22;
	v26 =	vld.idx.msk [tilespmem:v45+s16+$0x0], $0xffff;
	v52 =	vadd.f32 v28, v10  }
0x73: {  	v54 =	vor.u32 v3, v12;
	[tilespmem:s5+$0xA0] =	vst v59;
	v38 =	vadd.f32 v61, v15;
	v47 =	vld.idx.msk [tilespmem:v62+s19+$0x0], $0xffff  }
0x74: {  	v58 =	vor.u32 v6, v30;
	v43 =	vadd.f32 v43, v9;
	v28 =	vld.idx.msk [tilespmem:v60+s16+$0x0], $0xffff;
	[tilespmem:s5+$0x20] =	vst v52  }
0x75: {  	v46 =	vadd.f32 v46, v17;
	v45 =	vor.u32 v3, v19;
	[tilespmem:s1+$0xFFFFFFD0] =	vst v38;
	v38 =	vld.idx.msk [tilespmem:v49+s19+$0x0], $0xffff  }
0x76: {  	v52 =	vor.u32 v6, v33;
	[tilespmem:s5+$0xFFFFFFA0] =	vst v43;
	v39 =	vadd.f32 v39, v18;
	v51 =	vld.idx.msk [tilespmem:v51+s19+$0x0], $0xffff  }
0x77: {  	v31 =	vor.u32 v7, v33;
	[tilespmem:s5+$0xFFFFFF20] =	vst v46;
	v40 =	vadd.f32 v40, v13;
	v44 =	vld.idx.msk [tilespmem:v63+s19+$0x0], $0xffff  }
0x78: {  	v61 =	vor.u32 v6, v32;
	v60 =	vadd.f32 v50, v21;
	v50 =	vld.idx.msk [tilespmem:v54+s19+$0x0], $0xffff;
	[tilespmem:s1+$0xD0] =	vst v39  }
0x79: {  	s21 =	simm.s32 $0x16900;
	v62 =	vor.u32 v3, v14;
	v41 =	vadd.f32 v41, v16;
	[tilespmem:s1+$0x50] =	vst v40;
	v55 =	vld.idx.msk [tilespmem:v58+s19+$0x0], $0xffff  }
0x7a: {  	v42 =	vor.u32 v1, v24;
	[tilespmem:s21+$0x80] =	vst v60;
	v63 =	vadd.f32 v47, v28;
	v47 =	vld.idx.msk [tilespmem:v45+s19+$0x0], $0xffff  }
0x7b: {  	v29 =	vor.u32 v4, v24;
	[tilespmem:s1+$0xFFFFFF50] =	vst v41;
	v41 =	vor.u32 v4, v11;
	v45 =	vld.idx.msk [tilespmem:v52+s19+$0x0], $0xffff  }
0x7c: {  	v30 =	vor.u32 v5, v12;
	v32 =	vor.u32 v5, v11;
	v54 =	vld.idx.msk [tilespmem:v57+s19+$0x0], $0xffff;
	v38 =	vadd.f32 v38, v27  }
0x7d: {  	v33 =	vor.u32 v5, v14;
	v56 =	vld.idx.msk [tilespmem:v61+s19+$0x0], $0xffff;
	[tilespmem:s21+$0xFFFFFF00] =	vst v63;
	v60 =	vadd.f32 v44, v9  }
0x7e: {  	v61 =	vor.u32 v1, v23;
	v57 =	vld.idx.msk [tilespmem:v62+s19+$0x0], $0xffff;
	v62 =	vadd.f32 v35, v26;
	[tilespmem:s21+$0x0] =	vst v38  }
0x7f: {  	v40 =	vor.u32 v2, v23;
	v63 =	vadd.f32 v51, v15;
	v48 =	vld.idx.msk [tilespmem:v42+s19+$0x0], $0xffff;
	[tilespmem:s5+$0xFFFFFFB0] =	vst v60  }
0x80: {  	v39 =	vor.u32 v2, v20;
	v35 =	vor.u32 v5, v19;
	[tilespmem:s21+$0xFFFFFF80] =	vst v62;
	v43 =	vld.idx.msk [tilespmem:v41+s19+$0x0], $0xffff  }
0x81: {  	v44 =	vor.u32 v4, v14;
	v42 =	vor.u32 v2, v22;
	[tilespmem:s1+$0xFFFFFFE0] =	vst v63;
	v55 =	vadd.f32 v55, v18  }
0x82: {  	v50 =	vadd.f32 v50, v8;
	v38 =	vld.idx.msk [tilespmem:v53+s19+$0x0], $0xffff;
	v41 =	vor.u32 v4, v12;
	v52 =	vadd.f32 v56, v16  }
0x83: {  	s6 =	simm.s32 $0xC;
	s0 =	sshll.u32 s30, $0x2;
	v49 =	vld.idx.msk [tilespmem:v61+s19+$0x0], $0xffff;
	v46 =	vadd.f32 v54, v21;
	v51 =	vadd.f32 v57, v10;
	[tilespmem:s1+$0xE0] =	vst v55  }
.LBB2_3:
0x84: {  	s15 =	sadd.s32 s6, s29;
	s17 =	sadd.s32 $0x1, s6;
	s18 =	sadd.s32 $0x2, s6;
	v48 =	vadd.f32 v48, v28;
	v53 =	vor.u32 v2, v24;
	v36 =	vld.idx.msk [tilespmem:v36+s19+$0x0], $0xffff;
	[tilespmem:s1+$0xFFFFFF60] =	vst v52  }
0x85: {  	v43 =	vadd.f32 v43, v9;
	s25 =	sadd.s32 $0x1, s15;
	v52 =	vmov s17;
	s17 =	sadd.s32 $0x2, s15;
	v54 =	vmov s18;
	s18 =	sadd.s32 $0x3, s15;
	[tilespmem:s5+$0x30] =	vst v51;
	v37 =	vld.idx.msk [tilespmem:v37+s19+$0x0], $0xffff  }
0x86: {  	p0 =	slt.u32 s6, $0x3C;
	v47 =	vadd.f32 v47, v17;
	v51 =	vand.u32 $0x7D, v52;
	v52 =	vmov s18;
	v44 =	vld.idx.msk [tilespmem:v44+s19+$0x0], $0xffff;
	[tilespmem:s5+$0xB0] =	vst v50;
	s18 =	smov.u32 s6;
	s6 =	sadd.s32 $0x4, s6  }
0x87: {  	v50 =	vmov s15;
	v54 =	vand.u32 $0x7E, v54;
	v45 =	vadd.f32 v45, v13;
	[tilespmem:s21+$0xFFFFFF10] =	vst v48;
	v41 =	vld.idx.msk [tilespmem:v41+s19+$0x0], $0xffff  }
0x88: {  	v48 =	vbroadcast v51, $0x0;
	v51 =	vmov s17;
	s15 =	sadd.s32 $0x3, s18;
	v49 =	vadd.f32 v49, v27;
	[tilespmem:s5+$0xFFFFFF30] =	vst v47;
	v34 =	vld.idx.msk [tilespmem:v34+s19+$0x0], $0xffff  }
0x89: {  	v47 =	vmov s25;
	v51 =	vand.u32 $0xFFFFFFFE, v51;
	v55 =	vmov s15;
	v56 =	vld.idx.msk [tilespmem:v25+s19+$0x0], $0xffff;
	[tilespmem:s1+$0x60] =	vst v45;
	v25 =	vmovc v29  }
0x8a: {  	v29 =	vor.u32 v0, v48;
	v45 =	vand.u32 $0x7F, v55;
	v36 =	vadd.f32 v36, v26;
	[tilespmem:s21+$0x90] =	vst v46;
	v31 =	vld.idx.msk [tilespmem:v31+s19+$0x0], $0xffff  }
0x8b: {  	v46 =	vand.u32 $0xFFFFFFFD, v47;
	v45 =	vbroadcast v45, $0x0;
	v37 =	vadd.f32 v37, v18;
	v18 =	vmovc v8;
	v47 =	vld.idx.msk [tilespmem:v53+s19+$0x0], $0xffff;
	[tilespmem:s5+$0xFFFFFFC0] =	vst v43  }
0x8c: {  	v8 =	vmovc v21;
	v43 =	vand.u32 $0xFFFFFFFC, v50;
	v50 =	vmov s18;
	v53 =	vbroadcast v54, $0x0;
	[tilespmem:s21+$0x10] =	vst v49;
	v42 =	vld.idx.msk [tilespmem:v42+s19+$0x0], $0xffff  }
0x8d: {  	v44 =	vadd.f32 v44, v10;
	v21 =	vand.u32 $0x7C, v50;
	v49 =	vor.u32 v0, v45;
	v40 =	vld.idx.msk [tilespmem:v40+s19+$0x0], $0xffff;
	[tilespmem:s1+$0xF0] =	vst v37  }
0x8e: {  	v37 =	vbroadcast v43, $0x0;
	v43 =	vbroadcast v21, $0x0;
	v34 =	vadd.f32 v34, v16;
	v16 =	vmovc v17;
	v21 =	vld.idx.msk [tilespmem:v52+s16+$0x0], $0xffff;
	[tilespmem:s21+$0xFFFFFF90] =	vst v36  }
0x8f: {  	v46 =	vbroadcast v46, $0x0;
	v41 =	vadd.f32 v41, v18;
	v17 =	vadd.f32 v38, v15;
	v50 =	vld.idx.msk [tilespmem:v29+s19+$0x0], $0xffff;
	[tilespmem:s5+$0x40] =	vst v44  }
0x90: {  	v15 =	vmov v9;
	v36 =	vadd.f32 v56, v16;
	v38 =	vor.u32 v0, v43;
	v39 =	vld.idx.msk [tilespmem:v39+s19+$0x0], $0xffff;
	[tilespmem:s1+$0xFFFFFF70] =	vst v34  }
0x91: {  	v9 =	vmov v26;
	v31 =	vadd.f32 v31, v13;
	v44 =	vadd.f32 v47, v28;
	v32 =	vld.idx.msk [tilespmem:v32+s19+$0x0], $0xffff;
	[tilespmem:s1+$0xFFFFFFF0] =	vst v17  }
0x92: {  	v29 =	vor.u32 v4, v43;
	v13 =	vmovc v10;
	v10 =	vmov v27;
	v47 =	vbroadcast v51, $0x0;
	[tilespmem:s5+$0xFFFFFF40] =	vst v36;
	v33 =	vld.idx.msk [tilespmem:v33+s19+$0x0], $0xffff  }
0x93: {  	v51 =	vor.u32 v0, v53;
	v17 =	vmov v28;
	v36 =	vor.u32 v1, v48;
	v35 =	vld.idx.msk [tilespmem:v35+s19+$0x0], $0xffff;
	[tilespmem:s1+$0x70] =	vst v31;
	s1 =	smov.u32 s5;
	s5 =	smov.u32 s21  }
0x94: {  	v31 =	vor.u32 v7, v14;
	v49 =	vld.idx.msk [tilespmem:v49+s19+$0x0], $0xffff;
	[tilespmem:s1+$0xC0] =	vst v41  }
0x95: {  	v54 =	vor.u32 v7, v11;
	v34 =	vor.u32 v7, v19;
	v41 =	vor.u32 v3, v20;
	v26 =	vld.idx.msk [tilespmem:v46+s16+$0x0], $0xffff  }
0x96: {  	s21 =	sadd.s32 $0x200, s21;
	v46 =	vor.u32 v1, v45;
	v28 =	vadd.f32 v39, v9;
	v39 =	vor.u32 v6, v11;
	v30 =	vld.idx.msk [tilespmem:v30+s19+$0x0], $0xffff  }
0x97: {  	v52 =	vor.u32 v3, v22;
	v40 =	vadd.f32 v40, v10;
	v32 =	vadd.f32 v32, v15;
	v38 =	vld.idx.msk [tilespmem:v38+s19+$0x0], $0xffff  }
0x98: {  	v11 =	vmov v20;
	v33 =	vadd.f32 v33, v13;
	v27 =	vld.idx.msk [tilespmem:v47+s16+$0x0], $0xffff;
	[tilespmem:s5+$0xFFFFFFA0] =	vst v28;
	v47 =	vor.u32 v6, v12  }
0x99: {  	v20 =	vmov v48;
	v35 =	vadd.f32 v35, v16;
	v28 =	vld.idx.msk [tilespmem:v37+s16+$0x0], $0xffff;
	[tilespmem:s5+$0x20] =	vst v40;
	v37 =	vadd.f32 v42, v8  }
0x9a: {  	v40 =	vor.u32 v1, v43;
	v42 =	vadd.f32 v49, v21;
	v41 =	vld.idx.msk [tilespmem:v41+s19+$0x0], $0xffff;
	[tilespmem:s1+$0xFFFFFFD0] =	vst v32  }
0x9b: {  	v49 =	vor.u32 v6, v19;
	v48 =	vld.idx.msk [tilespmem:v51+s19+$0x0], $0xffff;
	[tilespmem:s5+$0xA0] =	vst v37;
	v37 =	vor.u32 v7, v12;
	v12 =	vmov v22  }
0x9c: {  	v56 =	vadd.f32 v30, v18;
	v22 =	vmov v45;
	[tilespmem:s21+$0x80] =	vst v42;
	v42 =	vor.u32 v3, v23;
	v55 =	vld.idx.msk [tilespmem:v52+s19+$0x0], $0xffff  }
0x9d: {  	v45 =	vor.u32 v6, v14;
	v14 =	vmov v23;
	v30 =	vor.u32 v5, v12;
	[tilespmem:s1+$0xFFFFFF50] =	vst v35;
	v39 =	vld.idx.msk [tilespmem:v39+s19+$0x0], $0xffff  }
0x9e: {  	v32 =	vor.u32 v5, v11;
	v51 =	vor.u32 v4, v11;
	v23 =	vmov v53;
	v46 =	vld.idx.msk [tilespmem:v46+s19+$0x0], $0xffff;
	[tilespmem:s1+$0xD0] =	vst v56  }
0x9f: {  	v19 =	vmov v24;
	v35 =	vadd.f32 v38, v28;
	v38 =	vor.u32 v3, v24;
	[tilespmem:s1+$0x50] =	vst v33;
	v52 =	vld.idx.msk [tilespmem:v47+s19+$0x0], $0xffff  }
0xa0: {  	v24 =	vmov v43;
	v41 =	vadd.f32 v41, v9;
	v33 =	vor.u32 v5, v14;
	[tilespmem:s5+$0xFFFFFF20] =	vst v44;
	v53 =	vld.idx.msk [tilespmem:v49+s19+$0x0], $0xffff  }
0xa1: {  	v43 =	vadd.f32 v48, v27;
	v49 =	vor.u32 v1, v23;
	[tilespmem:s21+$0xFFFFFF00] =	vst v35;
	v56 =	vld.idx.msk [tilespmem:v42+s19+$0x0], $0xffff  }
0xa2: {  	v50 =	vadd.f32 v50, v26;
	v35 =	vor.u32 v5, v19;
	v48 =	vld.idx.msk [tilespmem:v40+s19+$0x0], $0xffff;
	[tilespmem:s5+$0xFFFFFFB0] =	vst v41  }
.Ltmp0:
0xa3: {  	v41 =	vor.u32 v4, v12;
	[tilespmem:s21+$0x0] =	vst v43;
	v43 =	vld.idx.msk [tilespmem:v51+s19+$0x0], $0xffff;
	v51 =	vadd.f32 v39, v15;
	(pc) =	sbr.rel @p0 .LBB2_3-.Ltmp0, $4  }
0xa4: {  	v44 =	vor.u32 v4, v14;
	v40 =	vor.u32 v2, v23;
	v39 =	vor.u32 v2, v20;
	v47 =	vld.idx.msk [tilespmem:v38+s19+$0x0], $0xffff  }
0xa5: {  	v42 =	vor.u32 v2, v22;
	v57 =	vadd.f32 v52, v18;
	[tilespmem:s1+$0xFFFFFFE0] =	vst v51;
	v45 =	vld.idx.msk [tilespmem:v45+s19+$0x0], $0xffff  }
0xa6: {  	v46 =	vadd.f32 v46, v21;
	v52 =	vadd.f32 v53, v16;
	[tilespmem:s21+$0xFFFFFF80] =	vst v50;
	v49 =	vld.idx.msk [tilespmem:v49+s19+$0x0], $0xffff  }
0xa7: {  	v51 =	vadd.f32 v56, v10;
	v50 =	vadd.f32 v55, v8;
	v38 =	vld.idx.msk [tilespmem:v54+s19+$0x0], $0xffff;
	[tilespmem:s1+$0xE0] =	vst v57  }
0xa8: {  	_ =	sdelay $0x3  }
0xa9: {  	v36 =	vld.idx.msk [tilespmem:v36+s19+$0x0], $0xffff;
	_ =	sdelay $0x1  }
0xaa: {  	v53 =	vor.u32 v2, v24;
	_ =	sdelay $0x1  }
0xab: {  	v48 =	vadd.f32 v48, v28;
	[tilespmem:s1+$0xFFFFFF60] =	vst v52  }
0xac: {  	[tilespmem:s21+$0x90] =	vst v46;
	v36 =	vadd.f32 v36, v26  }
0xad: {  	v42 =	vld.idx.msk [tilespmem:v42+s19+$0x0], $0xffff;
	[tilespmem:s21+$0xFFFFFF10] =	vst v48;
	v63 =	vadd.f32 v49, v27  }
0xae: {  	v48 =	vld.idx.msk [tilespmem:v53+s19+$0x0], $0xffff;
	[tilespmem:s21+$0xFFFFFF90] =	vst v36  }
0xaf: {  	[tilespmem:s21+$0x10] =	vst v63;
	v36 =	vld.idx.msk [tilespmem:v39+s19+$0x0], $0xffff  }
0xb0: {  	v52 =	vor.u32 v3, v22;
	v43 =	vadd.f32 v43, v9;
	[tilespmem:s5+$0x30] =	vst v51;
	v40 =	vld.idx.msk [tilespmem:v40+s19+$0x0], $0xffff  }
0xb1: {  	v51 =	vadd.f32 v47, v17;
	[tilespmem:s5+$0xB0] =	vst v50;
	v53 =	vor.u32 v3, v24  }
0xb2: {  	v54 =	vor.u32 v3, v20;
	[tilespmem:s5+$0xFFFFFFC0] =	vst v43;
	v42 =	vadd.f32 v42, v21  }
0xb3: {  	v37 =	vld.idx.msk [tilespmem:v37+s19+$0x0], $0xffff;
	v56 =	vor.u32 v3, v23;
	[tilespmem:s5+$0xFFFFFF30] =	vst v51;
	v55 =	vadd.f32 v48, v28  }
0xb4: {  	v34 =	vld.idx.msk [tilespmem:v34+s19+$0x0], $0xffff;
	[tilespmem:s21+$0xA0] =	vst v42;
	v36 =	vadd.f32 v36, v26  }
0xb5: {  	v42 =	vld.idx.msk [tilespmem:v52+s19+$0x0], $0xffff;
	v40 =	vadd.f32 v40, v27;
	[tilespmem:s21+$0xFFFFFF20] =	vst v55  }
0xb6: {  	v45 =	vadd.f32 v45, v13;
	v57 =	vld.idx.msk [tilespmem:v53+s19+$0x0], $0xffff;
	[tilespmem:s21+$0xFFFFFFA0] =	vst v36  }
0xb7: {  	v15 =	vadd.f32 v38, v15;
	[tilespmem:s21+$0x20] =	vst v40;
	v58 =	vld.idx.msk [tilespmem:v54+s19+$0x0], $0xffff  }
0xb8: {  	v60 =	vor.u32 v4, v22;
	[tilespmem:s1+$0x60] =	vst v45;
	v18 =	vadd.f32 v37, v18;
	v40 =	vld.idx.msk [tilespmem:v56+s19+$0x0], $0xffff  }
0xb9: {  	v41 =	vld.idx.msk [tilespmem:v41+s19+$0x0], $0xffff;
	v16 =	vadd.f32 v34, v16;
	[tilespmem:s1+$0xFFFFFFF0] =	vst v15  }
0xba: {  	[tilespmem:s1+$0xF0] =	vst v18;
	v18 =	vld.idx.msk [tilespmem:v25+s19+$0x0], $0xffff;
	v25 =	vor.u32 v4, v20;
	v61 =	vadd.f32 v42, v21  }
0xbb: {  	v44 =	vld.idx.msk [tilespmem:v44+s19+$0x0], $0xffff;
	[tilespmem:s1+$0xFFFFFF70] =	vst v16;
	v16 =	vor.u32 v4, v23;
	v36 =	vadd.f32 v57, v28  }
0xbc: {  	v31 =	vld.idx.msk [tilespmem:v31+s19+$0x0], $0xffff;
	[tilespmem:s21+$0xB0] =	vst v61;
	v37 =	vadd.f32 v58, v26  }
0xbd: {  	v63 =	vld.idx.msk [tilespmem:v60+s19+$0x0], $0xffff;
	v62 =	vadd.f32 v40, v27;
	[tilespmem:s21+$0xFFFFFF30] =	vst v36  }
0xbe: {  	v40 =	vadd.f32 v41, v8;
	v29 =	vld.idx.msk [tilespmem:v29+s19+$0x0], $0xffff;
	[tilespmem:s21+$0xFFFFFFB0] =	vst v37  }
0xbf: {  	v18 =	vadd.f32 v18, v17;
	[tilespmem:s21+$0x30] =	vst v62;
	v25 =	vld.idx.msk [tilespmem:v25+s19+$0x0], $0xffff  }
0xc0: {  	v59 =	vadd.f32 v44, v10;
	v41 =	vor.u32 v5, v22;
	[tilespmem:s5+$0xC0] =	vst v40;
	v16 =	vld.idx.msk [tilespmem:v16+s19+$0x0], $0xffff  }
0xc1: {  	v13 =	vadd.f32 v31, v13;
	[tilespmem:s5+$0xFFFFFF40] =	vst v18;
	v18 =	vld.idx.msk [tilespmem:v30+s19+$0x0], $0xffff;
	v30 =	vor.u32 v5, v24  }
0xc2: {  	[tilespmem:s5+$0x40] =	vst v59;
	v31 =	vor.u32 v5, v20;
	v15 =	vld.idx.msk [tilespmem:v35+s19+$0x0], $0xffff;
	v42 =	vadd.f32 v63, v21  }
0xc3: {  	v32 =	vld.idx.msk [tilespmem:v32+s19+$0x0], $0xffff;
	[tilespmem:s1+$0x70] =	vst v13;
	v13 =	vor.u32 v5, v23;
	v29 =	vadd.f32 v29, v28  }
0xc4: {  	v43 =	vor.u32 v6, v12;
	v33 =	vld.idx.msk [tilespmem:v33+s19+$0x0], $0xffff;
	[tilespmem:s21+$0xC0] =	vst v42;
	v25 =	vadd.f32 v25, v26  }
0xc5: {  	v44 =	vor.u32 v6, v19;
	v16 =	vadd.f32 v16, v27;
	[tilespmem:s21+$0xFFFFFF40] =	vst v29;
	v29 =	vld.idx.msk [tilespmem:v41+s19+$0x0], $0xffff  }
0xc6: {  	v45 =	vor.u32 v6, v11;
	v18 =	vadd.f32 v18, v8;
	[tilespmem:s21+$0xFFFFFFC0] =	vst v25;
	v25 =	vld.idx.msk [tilespmem:v30+s19+$0x0], $0xffff  }
0xc7: {  	v15 =	vadd.f32 v15, v17;
	[tilespmem:s21+$0x40] =	vst v16;
	v30 =	vor.u32 v6, v14;
	v16 =	vld.idx.msk [tilespmem:v31+s19+$0x0], $0xffff  }
0xc8: {  	[tilespmem:s5+$0xD0] =	vst v18;
	v18 =	vor.u32 v6, v22;
	v13 =	vld.idx.msk [tilespmem:v13+s19+$0x0], $0xffff;
	v31 =	vadd.f32 v32, v9  }
0xc9: {  	v47 =	vor.u32 v6, v24;
	v46 =	vadd.f32 v33, v10;
	[tilespmem:s5+$0xFFFFFF50] =	vst v15;
	v15 =	vld.idx.msk [tilespmem:v43+s19+$0x0], $0xffff  }
0xca: {  	v48 =	vor.u32 v6, v20;
	v29 =	vadd.f32 v29, v21;
	[tilespmem:s5+$0xFFFFFFD0] =	vst v31;
	v31 =	vld.idx.msk [tilespmem:v44+s19+$0x0], $0xffff  }
0xcb: {  	v49 =	vor.u32 v6, v23;
	[tilespmem:s5+$0x50] =	vst v46;
	v34 =	vld.idx.msk [tilespmem:v45+s19+$0x0], $0xffff;
	v25 =	vadd.f32 v25, v28  }
0xcc: {  	v12 =	vor.u32 v7, v12;
	[tilespmem:s21+$0xD0] =	vst v29;
	v30 =	vld.idx.msk [tilespmem:v30+s19+$0x0], $0xffff;
	v16 =	vadd.f32 v16, v26  }
0xcd: {  	v19 =	vor.u32 v7, v19;
	v13 =	vadd.f32 v13, v27;
	v18 =	vld.idx.msk [tilespmem:v18+s19+$0x0], $0xffff;
	[tilespmem:s21+$0xFFFFFF50] =	vst v25  }
0xce: {  	v11 =	vor.u32 v7, v11;
	v15 =	vadd.f32 v15, v8;
	[tilespmem:s21+$0xFFFFFFD0] =	vst v16;
	v16 =	vld.idx.msk [tilespmem:v47+s19+$0x0], $0xffff  }
0xcf: {  	v14 =	vor.u32 v7, v14;
	[tilespmem:s21+$0x50] =	vst v13;
	v25 =	vadd.f32 v31, v17;
	v29 =	vld.idx.msk [tilespmem:v48+s19+$0x0], $0xffff  }
0xd0: {  	[tilespmem:s5+$0xE0] =	vst v15;
	v15 =	vor.u32 v7, v22;
	v22 =	vld.idx.msk [tilespmem:v49+s19+$0x0], $0xffff;
	v13 =	vadd.f32 v34, v9  }
0xd1: {  	v24 =	vor.u32 v7, v24;
	v12 =	vld.idx.msk [tilespmem:v12+s19+$0x0], $0xffff;
	[tilespmem:s5+$0xFFFFFF60] =	vst v25;
	v25 =	vadd.f32 v30, v10  }
0xd2: {  	v18 =	vadd.f32 v18, v21;
	[tilespmem:s5+$0xFFFFFFE0] =	vst v13;
	v13 =	vld.idx.msk [tilespmem:v19+s19+$0x0], $0xffff;
	v19 =	vor.u32 v7, v20  }
0xd3: {  	v20 =	vor.u32 v7, v23;
	v11 =	vld.idx.msk [tilespmem:v11+s19+$0x0], $0xffff;
	[tilespmem:s5+$0x60] =	vst v25;
	v16 =	vadd.f32 v16, v28  }
0xd4: {  	[tilespmem:s21+$0xE0] =	vst v18;
	v14 =	vld.idx.msk [tilespmem:v14+s19+$0x0], $0xffff;
	v23 =	vadd.f32 v29, v26  }
0xd5: {  	v15 =	vld.idx.msk [tilespmem:v15+s19+$0x0], $0xffff;
	[tilespmem:s21+$0xFFFFFF60] =	vst v16;
	v16 =	vadd.f32 v22, v27  }
0xd6: {  	v8 =	vadd.f32 v12, v8;
	[tilespmem:s21+$0xFFFFFFE0] =	vst v23;
	v12 =	vld.idx.msk [tilespmem:v24+s19+$0x0], $0xffff  }
0xd7: {  	v13 =	vadd.f32 v13, v17;
	v17 =	vld.idx.msk [tilespmem:v19+s19+$0x0], $0xffff;
	[tilespmem:s21+$0x60] =	vst v16  }
0xd8: {  	[tilespmem:s5+$0xF0] =	vst v8;
	v8 =	vadd.f32 v11, v9;
	v9 =	vld.idx.msk [tilespmem:v20+s19+$0x0], $0xffff  }
0xd9: {  	[tilespmem:s5+$0xFFFFFF70] =	vst v13;
	v10 =	vadd.f32 v14, v10  }
0xda: {  	[tilespmem:s5+$0xFFFFFFF0] =	vst v8;
	v8 =	vadd.f32 v15, v21  }
0xdb: {  	[tilespmem:s5+$0x70] =	vst v10;
	v10 =	vadd.f32 v12, v28  }
0xdc: {  	s18 =	sshll.u32 s30, $0x14;
	[tilespmem:s21+$0xF0] =	vst v8;
	v8 =	vadd.f32 v17, v26  }
0xdd: {  	s1 =	sor.u32 s9, s18;
	[tilespmem:s21+$0xFFFFFF70] =	vst v10;
	v9 =	vadd.f32 v9, v27  }
0xde: {  	s10 =	smov.u32 s9;
	s2 =	simm.s32 $0x16400;
	s1 =	sshrl.u32 s1, $0x3;
	[tilespmem:s21+$0xFFFFFFF0] =	vst v8  }
0xdf: {  	s11 =	smov.u32 s26;
	s9 =	smov.u32 s31;
	s25 =	sadd.s32 s31, s1;
	[tilespmem:s21+$0x70] =	vst v9  }
0xe0: {  	[hbm4b:s25+s3] =	stream.linear.scatter [tilespmem:s2], [sflag:$0x2], $0x400, $0x38;
	[tilespmem:$0x1D600] =	vst v63  }
0xe1: {  	s26 =	sadd.s32 s1, s26;
	s31 =	simm.s32 $0x16800;
	s5 =	rddreg [dreg:$0x5]  }
0xe2: {  	[hbm4b:s26+s3] =	stream.linear.scatter [tilespmem:s31], [sflag:$0x2], $0x400, $0x38;
	[tilespmem:$0x1D600] =	vst v63  }
0xe3: {  	s7 =	simm.s32 $0x16C00;
	s8 =	rddreg [dreg:$0x6];
	s6 =	sadd.s32 s1, s5  }
0xe4: {  	[hbm4b:s6+s3] =	stream.linear.scatter [tilespmem:s7], [sflag:$0x2], $0x400, $0x38;
	[tilespmem:$0x1D600] =	vst v63  }
0xe5: {  	s17 =	simm.s32 $0x17000;
	s18 =	rddreg [dreg:$0x7];
	s15 =	sadd.s32 s1, s8  }
0xe6: {  	[hbm4b:s15+s3] =	stream.linear.scatter [tilespmem:s17], [sflag:$0x2], $0x400, $0x38;
	[tilespmem:$0x1D600] =	vst v63  }
0xe7: {  	s25 =	simm.s32 $0x17400;
	s21 =	sadd.s32 s1, s18  }
0xe8: {  	[hbm4b:s21+s3] =	stream.linear.scatter [tilespmem:s25], [sflag:$0x2], $0x400, $0x38;
	[tilespmem:$0x1D600] =	vst v63  }
0xe9: {  	s26 =	sadd.s32 s1, s12;
	s31 =	simm.s32 $0x17800  }
0xea: {  	[hbm4b:s26+s3] =	stream.linear.scatter [tilespmem:s31], [sflag:$0x2], $0x400, $0x38;
	[tilespmem:$0x1D600] =	vst v63  }
0xeb: {  	p0 =	seq.s32 s30, $0x31;
	s6 =	sadd.s32 s1, s13;
	s7 =	simm.s32 $0x17C00  }
0xec: {  	[hbm4b:s6+s3] =	stream.linear.scatter [tilespmem:s7], [sflag:$0x2], $0x400, $0x38;
	[tilespmem:$0x1D600] =	vst v63  }
0xed: {  	p1 =	seq.s32 @!p0 s30, $0x0;
	s8 =	simm.s32 $0x18000;
	s1 =	sadd.s32 s1, s14  }
0xee: {  	[hbm4b:s1+s3] =	stream.linear.scatter [tilespmem:s8], [sflag:$0x2], $0x400, $0x38;
	[tilespmem:$0x1D600] =	vst v63  }
0xef: {  	p1 =	por p0, !p1;
	s1 =	sshll.u32 @!p0 s30, $0x9;
	_ =	swait.ge [sflag:s23], $0x4000  }
0xf0: {  	s15 =	simm.s32 @!p0 $0x6400;
	s1 =	sand.u32 @!p0 $0x3FFFFE00, s1;
	[sflag:s23] =	ssyncset.done $0x0  }
0xf1: {  	s6 =	simm.s32 @!p0 $0x80;
	s5 =	sadd.s32 @!p0 $0x200, s1;
	[sflag:s23] =	ssyncadd.s32 $0xFFFFC000  }
0xf2: {  	[tilespmem:s15], [sflag:$0x1] =	stream.indirect.gather @!p0 [hbm4b:s4+s6], $0x80, s5, s6, $0xb8;
	[tilespmem:$0x1D600] =	vst v63  }
0xf3: {  	_ =	swait.ge @p1 [sflag:s28], $0x400  }
0xf4: {  	[sflag:s28] =	ssyncset.done @p1 $0x0  }
0xf5: {  	[sflag:s28] =	ssyncadd.s32 @p1 $0xFFFFFC00  }
0xf6: {  	_ =	swait.ge @p1 [sflag:s28], $0x400  }
0xf7: {  	[sflag:s28] =	ssyncset.done @p1 $0x0  }
0xf8: {  	[sflag:s28] =	ssyncadd.s32 @p1 $0xFFFFFC00  }
0xf9: {  	_ =	swait.ge @p1 [sflag:s28], $0x400  }
0xfa: {  	[sflag:s28] =	ssyncset.done @p1 $0x0  }
0xfb: {  	[sflag:s28] =	ssyncadd.s32 @p1 $0xFFFFFC00  }
0xfc: {  	_ =	swait.ge @p1 [sflag:s28], $0x400  }
0xfd: {  	[sflag:s28] =	ssyncset.done @p1 $0x0  }
0xfe: {  	[sflag:s28] =	ssyncadd.s32 @p1 $0xFFFFFC00  }
0xff: {  	_ =	swait.ge @p1 [sflag:s28], $0x400  }
0x100: {  	[sflag:s28] =	ssyncset.done @p1 $0x0  }
0x101: {  	s15 =	simm.s32 $0x1;
	[sflag:s28] =	ssyncadd.s32 @p1 $0xFFFFFC00  }
0x102: {  	s17 =	sadd.s32 $0x0, s29;
	v8 =	vmov s15;
	_ =	swait.ge @p1 [sflag:s28], $0x400  }
0x103: {  	s21 =	sadd.s32 $0x42, s17;
	s25 =	simm.s32 $0x2;
	v8 =	vand.u32 $0x7D, v8;
	[sflag:s28] =	ssyncset.done @p1 $0x0  }
0x104: {  	s18 =	sadd.s32 $0x41, s17;
	v9 =	vmov s21;
	v10 =	vmov s25;
	v26 =	vbroadcast v8, $0x0;
	[sflag:s28] =	ssyncadd.s32 @p1 $0xFFFFFC00  }
0x105: {  	v9 =	vand.u32 $0xFFFFFFFE, v9;
	v10 =	vand.u32 $0x7E, v10;
	v8 =	vmov s18;
	_ =	swait.ge @p1 [sflag:s28], $0x400  }
0x106: {  	s26 =	simm.s32 $0x3;
	v9 =	vbroadcast v9, $0x0;
	v8 =	vand.u32 $0xFFFFFFFD, v8;
	v11 =	vor.u32 v0, v26;
	[sflag:s28] =	ssyncset.done @p1 $0x0  }
0x107: {  	v12 =	vmov s26;
	v28 =	vbroadcast v10, $0x0;
	v8 =	vbroadcast v8, $0x0;
	[sflag:s28] =	ssyncadd.s32 @p1 $0xFFFFFC00  }
0x108: {  	s31 =	simm.s32 $0x0;
	v10 =	vand.u32 $0x7F, v12;
	_ =	swait.ge @p1 [sflag:s28], $0x400  }
0x109: {  	s2 =	sadd.s32 $0x43, s17;
	v12 =	vmov s31;
	v32 =	vbroadcast v10, $0x0;
	v10 =	vor.u32 v0, v28;
	[sflag:s28] =	ssyncset.done @p1 $0x0  }
0x10a: {  	v13 =	vmov s2;
	v12 =	vand.u32 $0x7C, v12;
	s6 =	sadd.s32 $0x40, s17;
	[sflag:s28] =	ssyncadd.s32 @p1 $0xFFFFFC00  }
0x10b: {  	v30 =	vbroadcast v12, $0x0;
	v15 =	vor.u32 v0, v32;
	v14 =	vmov s6;
	v11 =	vld.idx.msk [tilespmem:v11+s20+$0x0], $0xffff  }
0x10c: {  	v14 =	vand.u32 $0xFFFFFFFC, v14;
	v12 =	vld.idx.msk [tilespmem:v9+s16+$0x0], $0xffff  }
0x10d: {  	v9 =	vbroadcast v14, $0x0;
	v14 =	vor.u32 v0, v30;
	v31 =	vld.idx.msk [tilespmem:v8+s16+$0x0], $0xffff  }
0x10e: {  	v8 =	vld.idx.msk [tilespmem:v10+s20+$0x0], $0xffff  }
0x10f: {  	v13 =	vld.idx.msk [tilespmem:v13+s16+$0x0], $0xffff  }
0x110: {  	v10 =	vor.u32 v1, v26;
	v15 =	vld.idx.msk [tilespmem:v15+s20+$0x0], $0xffff;
	_ =	sdelay $0x1  }
0x111: {  	v16 =	vor.u32 v1, v28;
	v14 =	vld.idx.msk [tilespmem:v14+s20+$0x0], $0xffff;
	v11 =	vadd.f32 v11, v31  }
0x112: {  	s21 =	simm.s32 $0x185F0;
	v17 =	vor.u32 v1, v32;
	v8 =	vadd.f32 v8, v12;
	v9 =	vld.idx.msk [tilespmem:v9+s16+$0x0], $0xffff  }
0x113: {  	[tilespmem:s21+$0xFFFFFE90] =	vst v11  }
0x114: {  	[tilespmem:s21+$0xFFFFFF10] =	vst v8;
	v8 =	vadd.f32 v15, v13;
	v10 =	vld.idx.msk [tilespmem:v10+s20+$0x0], $0xffff  }
0x115: {  	v11 =	vor.u32 v1, v30  }
0x116: {  	s8 =	simm.s32 $0x5;
	v15 =	vld.idx.msk [tilespmem:v16+s20+$0x0], $0xffff;
	[tilespmem:s21+$0xFFFFFF90] =	vst v8  }
0x117: {  	s25 =	simm.s32 $0x6;
	s7 =	sadd.s32 $0x4, s29;
	v20 =	vmov s8;
	v8 =	vor.u32 v2, v26;
	v16 =	vld.idx.msk [tilespmem:v17+s20+$0x0], $0xffff;
	v14 =	vadd.f32 v14, v9  }
0x118: {  	v23 =	vmov s25;
	v18 =	vor.u32 v2, v28;
	v20 =	vand.u32 $0x7D, v20;
	s6 =	simm.s32 $0x4;
	s15 =	sadd.s32 $0x43, s7  }
0x119: {  	s17 =	sadd.s32 $0x42, s7;
	v19 =	vmov s6;
	v21 =	vmov s15;
	[tilespmem:s21+$0xFFFFFE10] =	vst v14;
	v14 =	vadd.f32 v10, v31  }
0x11a: {  	v19 =	vand.u32 $0x7C, v19;
	v10 =	vbroadcast v20, $0x0;
	v20 =	vmov s17;
	v11 =	vld.idx.msk [tilespmem:v11+s20+$0x0], $0xffff  }
0x11b: {  	s26 =	simm.s32 $0x7;
	v17 =	vor.u32 v2, v32;
	v15 =	vadd.f32 v15, v12;
	v20 =	vand.u32 $0xFFFFFFFE, v20;
	[tilespmem:s21+$0xFFFFFEA0] =	vst v14  }
0x11c: {  	v14 =	vmov s26;
	v24 =	vor.u32 v0, v10;
	v16 =	vadd.f32 v16, v13;
	v25 =	vld.idx.msk [tilespmem:v8+s20+$0x0], $0xffff  }
0x11d: {  	s18 =	sadd.s32 $0x41, s7;
	[tilespmem:s21+$0xFFFFFF20] =	vst v15;
	v15 =	vor.u32 v2, v30;
	v20 =	vbroadcast v20, $0x0;
	v8 =	vand.u32 $0x7E, v23  }
0x11e: {  	v22 =	vmov s18;
	v23 =	vand.u32 $0x7F, v14;
	v27 =	vld.idx.msk [tilespmem:v18+s20+$0x0], $0xffff;
	v18 =	vbroadcast v8, $0x0  }
0x11f: {  	v14 =	vbroadcast v19, $0x0;
	v19 =	vor.u32 v3, v26;
	v8 =	vld.idx.msk [tilespmem:v21+s16+$0x0], $0xffff;
	[tilespmem:s21+$0xFFFFFFA0] =	vst v16;
	v11 =	vadd.f32 v11, v9  }
0x120: {  	v21 =	vand.u32 $0xFFFFFFFD, v22;
	v16 =	vbroadcast v23, $0x0;
	v17 =	vld.idx.msk [tilespmem:v17+s20+$0x0], $0xffff;
	v22 =	vor.u32 v0, v18  }
0x121: {  	v23 =	vor.u32 v0, v14;
	v21 =	vbroadcast v21, $0x0;
	v24 =	vld.idx.msk [tilespmem:v24+s20+$0x0], $0xffff;
	[tilespmem:s21+$0xFFFFFE20] =	vst v11;
	v11 =	vadd.f32 v25, v31  }
0x122: {  	s31 =	sadd.s32 $0x40, s7;
	v29 =	vld.idx.msk [tilespmem:v15+s20+$0x0], $0xffff  }
0x123: {  	v50 =	vor.u32 v0, v16;
	v25 =	vmov s31;
	v15 =	vld.idx.msk [tilespmem:v20+s16+$0x0], $0xffff;
	[tilespmem:s21+$0xFFFFFEB0] =	vst v11  }
0x124: {  	v20 =	vor.u32 v3, v32;
	v11 =	vand.u32 $0xFFFFFFFC, v25;
	v19 =	vld.idx.msk [tilespmem:v19+s20+$0x0], $0xffff  }
0x125: {  	v52 =	vor.u32 v3, v28;
	v51 =	vbroadcast v11, $0x0;
	v22 =	vld.idx.msk [tilespmem:v22+s20+$0x0], $0xffff  }
0x126: {  	v17 =	vadd.f32 v17, v13;
	v23 =	vld.idx.msk [tilespmem:v23+s20+$0x0], $0xffff  }
0x127: {  	v59 =	vor.u32 v5, v28;
	v27 =	vadd.f32 v27, v12;
	v11 =	vld.idx.msk [tilespmem:v21+s16+$0x0], $0xffff;
	v21 =	vor.u32 v4, v26  }
0x128: {  	v55 =	vor.u32 v3, v30;
	v54 =	vor.u32 v1, v18;
	v33 =	vld.idx.msk [tilespmem:v50+s20+$0x0], $0xffff;
	[tilespmem:s21+$0xFFFFFFB0] =	vst v17  }
0x129: {  	v53 =	vor.u32 v5, v26;
	[tilespmem:s21+$0xFFFFFF30] =	vst v27;
	v20 =	vld.idx.msk [tilespmem:v20+s20+$0x0], $0xffff;
	v19 =	vadd.f32 v19, v31  }
0x12a: {  	v37 =	vor.u32 v6, v26;
	v27 =	vor.u32 v1, v10;
	v35 =	vld.idx.msk [tilespmem:v52+s20+$0x0], $0xffff;
	v22 =	vadd.f32 v22, v15  }
0x12b: {  	s2 =	sadd.s32 $0x8, s29;
	s5 =	simm.s32 $0x187F0;
	v56 =	vor.u32 v1, v16;
	v29 =	vadd.f32 v29, v9;
	v17 =	vld.idx.msk [tilespmem:v51+s16+$0x0], $0xffff;
	[tilespmem:s21+$0xFFFFFEC0] =	vst v19  }
0x12c: {  	s8 =	sadd.s32 $0x43, s2;
	[tilespmem:s5+$0xFFFFFF10] =	vst v22;
	v22 =	vadd.f32 v24, v11;
	v19 =	vld.idx.msk [tilespmem:v21+s20+$0x0], $0xffff;
	v21 =	vor.u32 v4, v32  }
0x12d: {  	v62 =	vmov s8;
	s7 =	simm.s32 $0x9;
	[tilespmem:s21+$0xFFFFFE30] =	vst v29;
	v33 =	vadd.f32 v33, v8;
	v24 =	vor.u32 v4, v28;
	v29 =	vld.idx.msk [tilespmem:v54+s20+$0x0], $0xffff  }
0x12e: {  	v61 =	vmov s7;
	s18 =	sadd.s32 $0x42, s2;
	v57 =	vor.u32 v1, v14;
	v58 =	vld.idx.msk [tilespmem:v55+s20+$0x0], $0xffff;
	v20 =	vadd.f32 v20, v13;
	[tilespmem:s5+$0xFFFFFE90] =	vst v22  }
0x12f: {  	v49 =	vmov s18;
	v60 =	vor.u32 v2, v18;
	[tilespmem:s5+$0xFFFFFF90] =	vst v33;
	v22 =	vld.idx.msk [tilespmem:v27+s20+$0x0], $0xffff;
	v27 =	vadd.f32 v35, v12  }
0x130: {  	v40 =	vand.u32 $0xFFFFFFFE, v49;
	v25 =	vor.u32 v5, v10;
	v33 =	vld.idx.msk [tilespmem:v56+s20+$0x0], $0xffff;
	[tilespmem:s21+$0xFFFFFFC0] =	vst v20;
	v23 =	vadd.f32 v23, v17  }
0x131: {  	v40 =	vbroadcast v40, $0x0;
	s26 =	simm.s32 $0xA;
	v52 =	vor.u32 v4, v30;
	[tilespmem:s21+$0xFFFFFF40] =	vst v27;
	v19 =	vadd.f32 v19, v31;
	v63 =	vld.idx.msk [tilespmem:v21+s20+$0x0], $0xffff  }
0x132: {  	v55 =	vmov s26;
	v20 =	vand.u32 $0x7D, v61;
	v27 =	vadd.f32 v29, v15;
	[tilespmem:s5+$0xFFFFFE10] =	vst v23;
	v23 =	vld.idx.msk [tilespmem:v24+s20+$0x0], $0xffff  }
0x133: {  	v54 =	vor.u32 v2, v14;
	v20 =	vbroadcast v20, $0x0;
	v21 =	vor.u32 v2, v10;
	v48 =	vld.idx.msk [tilespmem:v57+s20+$0x0], $0xffff;
	[tilespmem:s21+$0xFFFFFED0] =	vst v19  }
0x134: {  	s17 =	simm.s32 $0x8;
	v56 =	vand.u32 $0x7E, v55;
	v24 =	vadd.f32 v58, v9;
	v29 =	vor.u32 v2, v16;
	[tilespmem:s5+$0xFFFFFF20] =	vst v27;
	v36 =	vld.idx.msk [tilespmem:v53+s20+$0x0], $0xffff  }
0x135: {  	v19 =	vmov s17;
	v27 =	vor.u32 v0, v20;
	v22 =	vadd.f32 v22, v11;
	v35 =	vld.idx.msk [tilespmem:v60+s20+$0x0], $0xffff  }
0x136: {  	s25 =	simm.s32 $0xB;
	v55 =	vor.u32 v3, v18;
	v33 =	vadd.f32 v33, v8;
	[tilespmem:s21+$0xFFFFFE40] =	vst v24;
	v50 =	vand.u32 $0x7C, v19;
	v19 =	vld.idx.msk [tilespmem:v62+s16+$0x0], $0xffff  }
0x137: {  	v51 =	vmov s25;
	v57 =	vor.u32 v5, v32;
	v39 =	vld.idx.msk [tilespmem:v52+s20+$0x0], $0xffff;
	v60 =	vor.u32 v3, v10;
	[tilespmem:s5+$0xFFFFFEA0] =	vst v22  }
0x138: {  	[tilespmem:s5+$0xFFFFFFA0] =	vst v33;
	v52 =	vor.u32 v7, v26;
	v53 =	vld.idx.msk [tilespmem:v21+s20+$0x0], $0xffff;
	v23 =	vadd.f32 v23, v12;
	v21 =	vbroadcast v50, $0x0  }
0x139: {  	v22 =	vand.u32 $0x7F, v51;
	v29 =	vld.idx.msk [tilespmem:v29+s20+$0x0], $0xffff;
	v41 =	vadd.f32 v63, v13;
	v63 =	vor.u32 v5, v30  }
0x13a: {  	v22 =	vbroadcast v22, $0x0;
	v34 =	vadd.f32 v48, v17;
	v46 =	vld.idx.msk [tilespmem:v27+s20+$0x0], $0xffff;
	[tilespmem:s21+$0xFFFFFF50] =	vst v23;
	v58 =	vor.u32 v0, v21  }
0x13b: {  	v27 =	vor.u32 v5, v20;
	[tilespmem:s21+$0xFFFFFFD0] =	vst v41;
	v24 =	vadd.f32 v36, v31;
	v38 =	vld.idx.msk [tilespmem:v59+s20+$0x0], $0xffff  }
0x13c: {  	s6 =	sadd.s32 $0x40, s2;
	s31 =	sadd.s32 $0x41, s2;
	v23 =	vbroadcast v56, $0x0;
	v42 =	vor.u32 v0, v22;
	v50 =	vor.u32 v1, v22;
	[tilespmem:s5+$0xFFFFFE20] =	vst v34;
	v44 =	vld.idx.msk [tilespmem:v57+s20+$0x0], $0xffff  }
0x13d: {  	v59 =	vmov s31;
	v57 =	vmov s6;
	v39 =	vadd.f32 v39, v9;
	v33 =	vld.idx.msk [tilespmem:v54+s20+$0x0], $0xffff;
	[tilespmem:s21+$0xFFFFFEE0] =	vst v24  }
0x13e: {  	v61 =	vor.u32 v0, v23;
	v26 =	vand.u32 $0xFFFFFFFC, v57;
	v24 =	vand.u32 $0xFFFFFFFD, v59;
	v47 =	vld.idx.msk [tilespmem:v37+s20+$0x0], $0xffff  }
0x13f: {  	v62 =	vadd.f32 v53, v11;
	v54 =	vbroadcast v26, $0x0;
	v48 =	vbroadcast v24, $0x0;
	v24 =	vld.idx.msk [tilespmem:v40+s16+$0x0], $0xffff  }
0x140: {  	v41 =	vadd.f32 v35, v15;
	v43 =	vadd.f32 v29, v8;
	[tilespmem:s21+$0xFFFFFE50] =	vst v39;
	v36 =	vld.idx.msk [tilespmem:v58+s20+$0x0], $0xffff  }
0x141: {  	v34 =	vor.u32 v1, v20;
	v35 =	vor.u32 v7, v28;
	[tilespmem:s5+$0xFFFFFEB0] =	vst v62;
	v42 =	vld.idx.msk [tilespmem:v42+s20+$0x0], $0xffff  }
0x142: {  	v59 =	vor.u32 v3, v14;
	[tilespmem:s5+$0xFFFFFFB0] =	vst v43;
	v43 =	vld.idx.msk [tilespmem:v63+s20+$0x0], $0xffff;
	v58 =	vadd.f32 v38, v12  }
0x143: {  	v57 =	vor.u32 v4, v10;
	[tilespmem:s5+$0xFFFFFF30] =	vst v41;
	v45 =	vld.idx.msk [tilespmem:v60+s20+$0x0], $0xffff;
	v44 =	vadd.f32 v44, v13  }
0x144: {  	v51 =	vld.idx.msk [tilespmem:v61+s20+$0x0], $0xffff;
	v60 =	vadd.f32 v33, v17;
	v61 =	vor.u32 v3, v16;
	[tilespmem:s21+$0xFFFFFF60] =	vst v58  }
0x145: {  	[tilespmem:s21+$0xFFFFFFE0] =	vst v44;
	v44 =	vor.u32 v6, v28;
	v62 =	vadd.f32 v47, v31;
	v28 =	vld.idx.msk [tilespmem:v54+s16+$0x0], $0xffff  }
0x146: {  	v29 =	vor.u32 v7, v30;
	v41 =	vor.u32 v4, v16;
	[tilespmem:s5+$0xFFFFFE30] =	vst v60;
	v26 =	vld.idx.msk [tilespmem:v48+s16+$0x0], $0xffff  }
0x147: {  	v39 =	vor.u32 v2, v20;
	v63 =	vor.u32 v1, v23;
	v58 =	vld.idx.msk [tilespmem:v59+s20+$0x0], $0xffff;
	[tilespmem:s21+$0xFFFFFEF0] =	vst v62  }
0x148: {  	v37 =	vor.u32 v1, v21;
	v40 =	vor.u32 v6, v32;
	v59 =	vadd.f32 v45, v11;
	v52 =	vld.idx.msk [tilespmem:v52+s20+$0x0], $0xffff  }
0x149: {  	v38 =	vor.u32 v4, v18;
	v62 =	vor.u32 v6, v30;
	v60 =	vadd.f32 v51, v24;
	v61 =	vld.idx.msk [tilespmem:v61+s20+$0x0], $0xffff  }
0x14a: {  	s17 =	simm.s32 $0x189F0;
	v33 =	vor.u32 v7, v32;
	v47 =	vld.idx.msk [tilespmem:v55+s20+$0x0], $0xffff;
	v42 =	vadd.f32 v42, v19;
	[tilespmem:s5+$0xFFFFFEC0] =	vst v59  }
0x14b: {  	v32 =	vor.u32 v5, v18;
	v43 =	vadd.f32 v43, v9;
	[tilespmem:s17+$0xFFFFFF10] =	vst v60;
	v45 =	vld.idx.msk [tilespmem:v57+s20+$0x0], $0xffff  }
0x14c: {  	v30 =	vor.u32 v6, v10;
	[tilespmem:s17+$0xFFFFFF90] =	vst v42;
	v48 =	vld.idx.msk [tilespmem:v63+s20+$0x0], $0xffff;
	v63 =	vadd.f32 v58, v17  }
0x14d: {  	[tilespmem:s21+$0xFFFFFE60] =	vst v43;
	v43 =	vor.u32 v2, v22;
	v42 =	vld.idx.msk [tilespmem:v50+s20+$0x0], $0xffff;
	v49 =	vadd.f32 v46, v26  }
0x14e: {  	s15 =	simm.s32 $0x189F0;
	s18 =	simm.s32 $0xC;
	s6 =	sor.u32 $0x1, s0;
	v46 =	vld.idx.msk [tilespmem:v62+s20+$0x0], $0xffff;
	v31 =	vadd.f32 v52, v31;
	[tilespmem:s5+$0xFFFFFE40] =	vst v63;
	v50 =	vadd.f32 v61, v8  }
.LBB2_5:
0x14f: {  	s26 =	sadd.s32 s18, s29  }
0x150: {  	s2 =	sadd.s32 $0x1, s18;
	v36 =	vadd.f32 v36, v28;
	[tilespmem:s17+$0xFFFFFE90] =	vst v49;
	v49 =	vor.u32 v2, v23;
	v44 =	vld.idx.msk [tilespmem:v44+s20+$0x0], $0xffff;
	s31 =	smov.u32 s18;
	s25 =	sadd.s32 $0x4, s18  }
0x151: {  	v45 =	vadd.f32 v45, v11;
	s7 =	sadd.s32 $0x40, s26;
	v51 =	vmov s31;
	s8 =	sadd.s32 $0x41, s26;
	v52 =	vmov s2;
	s2 =	sadd.s32 $0x43, s26;
	[tilespmem:s5+$0xFFFFFFC0] =	vst v50;
	v50 =	vld.idx.msk [tilespmem:v40+s20+$0x0], $0xffff  }
0x152: {  	p1 =	slt.u32 s18, $0x3C;
	s26 =	sadd.s32 $0x42, s26;
	v48 =	vadd.f32 v48, v24;
	v40 =	vand.u32 $0x7D, v52;
	v52 =	vmov s2;
	v34 =	vld.idx.msk [tilespmem:v34+s20+$0x0], $0xffff  }
0x153: {  	v53 =	vmov s7;
	v40 =	vbroadcast v40, $0x0;
	[tilespmem:s17+$0xFFFFFE10] =	vst v36;
	v36 =	vadd.f32 v47, v15;
	v47 =	vld.idx.msk [tilespmem:v41+s20+$0x0], $0xffff  }
0x154: {  	v54 =	vmov s26;
	s2 =	sadd.s32 $0x2, s31;
	v41 =	vmov s8;
	v37 =	vld.idx.msk [tilespmem:v37+s20+$0x0], $0xffff;
	[tilespmem:s5+$0xFFFFFED0] =	vst v45;
	v45 =	vadd.f32 v46, v9  }
0x155: {  	s7 =	sadd.s32 $0x3, s31;
	v54 =	vand.u32 $0xFFFFFFFE, v54;
	v46 =	vand.u32 $0x7C, v51;
	v51 =	vand.u32 $0xFFFFFFFD, v41;
	v55 =	vld.idx.msk [tilespmem:v25+s20+$0x0], $0xffff;
	[tilespmem:s5+$0xFFFFFF40] =	vst v36;
	v25 =	vmovc v27  }
0x156: {  	v36 =	vmov s2;
	v27 =	vmov s7;
	v41 =	vadd.f32 v44, v12;
	[tilespmem:s17+$0xFFFFFF20] =	vst v48;
	v38 =	vld.idx.msk [tilespmem:v38+s20+$0x0], $0xffff  }
0x157: {  	v44 =	vor.u32 v0, v40;
	v27 =	vand.u32 $0x7F, v27;
	v48 =	vld.idx.msk [tilespmem:v49+s20+$0x0], $0xffff;
	[tilespmem:s21+$0xFFFFFE70] =	vst v45;
	v45 =	vadd.f32 v50, v13  }
0x158: {  	v49 =	vand.u32 $0xFFFFFFFC, v53;
	v34 =	vadd.f32 v34, v26;
	v50 =	vld.idx.msk [tilespmem:v52+s16+$0x0], $0xffff;
	v52 =	vbroadcast v27, $0x0;
	[tilespmem:s21+$0xFFFFFF70] =	vst v41  }
0x159: {  	v41 =	vbroadcast v46, $0x0;
	v46 =	vadd.f32 v42, v19;
	v47 =	vadd.f32 v47, v8;
	v35 =	vld.idx.msk [tilespmem:v35+s20+$0x0], $0xffff;
	[tilespmem:s21+$0xFFFFFFF0] =	vst v45  }
0x15a: {  	v36 =	vand.u32 $0x7E, v36;
	v27 =	vor.u32 v5, v40;
	v45 =	vor.u32 v0, v52;
	[tilespmem:s17+$0xFFFFFEA0] =	vst v34;
	v33 =	vld.idx.msk [tilespmem:v33+s20+$0x0], $0xffff  }
0x15b: {  	v42 =	vbroadcast v36, $0x0;
	v34 =	vadd.f32 v55, v11;
	v36 =	vld.idx.msk [tilespmem:v39+s20+$0x0], $0xffff;
	[tilespmem:s17+$0xFFFFFFA0] =	vst v46;
	v39 =	vor.u32 v4, v14  }
0x15c: {  	v46 =	vor.u32 v2, v21;
	v38 =	vadd.f32 v38, v15;
	v43 =	vld.idx.msk [tilespmem:v43+s20+$0x0], $0xffff;
	[tilespmem:s5+$0xFFFFFFD0] =	vst v47  }
0x15d: {  	v47 =	vadd.f32 v48, v24;
	v48 =	vor.u32 v5, v16;
	[tilespmem:s5+$0xFFFFFEE0] =	vst v34;
	v29 =	vld.idx.msk [tilespmem:v29+s20+$0x0], $0xffff  }
0x15e: {  	v49 =	vbroadcast v49, $0x0;
	v37 =	vadd.f32 v37, v28;
	v53 =	vor.u32 v0, v41;
	v55 =	vld.idx.msk [tilespmem:v44+s20+$0x0], $0xffff;
	[tilespmem:s5+$0xFFFFFF50] =	vst v38  }
0x15f: {  	v38 =	vbroadcast v54, $0x0;
	v44 =	vor.u32 v3, v20;
	v35 =	vadd.f32 v35, v12;
	v12 =	vmovc v15;
	v32 =	vld.idx.msk [tilespmem:v32+s20+$0x0], $0xffff  }
0x160: {  	v34 =	vor.u32 v1, v40;
	v54 =	vadd.f32 v33, v13;
	v13 =	vmov v8;
	[tilespmem:s17+$0xFFFFFE20] =	vst v37;
	v37 =	vld.idx.msk [tilespmem:v39+s20+$0x0], $0xffff  }
0x161: {  	v33 =	vor.u32 v0, v42;
	v8 =	vmov v19;
	v36 =	vadd.f32 v36, v26;
	s17 =	sadd.s32 $0x200, s17;
	v39 =	vld.idx.msk [tilespmem:v46+s20+$0x0], $0xffff;
	[tilespmem:s21+$0xFFFFFF80] =	vst v35  }
0x162: {  	v15 =	vmov v24;
	v19 =	vmov v50;
	v35 =	vadd.f32 v43, v8;
	v30 =	vld.idx.msk [tilespmem:v30+s20+$0x0], $0xffff;
	[tilespmem:s21+$0x0] =	vst v54  }
0x163: {  	v43 =	vor.u32 v1, v52;
	[tilespmem:s15+$0xFFFFFEB0] =	vst v36;
	v46 =	vld.idx.msk [tilespmem:v48+s20+$0x0], $0xffff;
	v48 =	vadd.f32 v29, v9;
	v9 =	vmov v17  }
0x164: {  	v50 =	vbroadcast v51, $0x0;
	v51 =	vor.u32 v5, v14;
	v17 =	vmov v28;
	v36 =	vld.idx.msk [tilespmem:v53+s20+$0x0], $0xffff;
	[tilespmem:s21+$0xFFFFFF00] =	vst v31  }
0x165: {  	v29 =	vor.u32 v7, v14;
	v28 =	vadd.f32 v32, v12;
	v24 =	vld.idx.msk [tilespmem:v38+s16+$0x0], $0xffff;
	[tilespmem:s21+$0xFFFFFE80] =	vst v48;
	s21 =	smov.u32 s5;
	s5 =	smov.u32 s15;
	s15 =	smov.u32 s17  }
0x166: {  	v31 =	vor.u32 v3, v21;
	v38 =	vadd.f32 v37, v9;
	v32 =	vld.idx.msk [tilespmem:v44+s20+$0x0], $0xffff;
	v44 =	vor.u32 v7, v10  }
0x167: {  	v53 =	vor.u32 v3, v22;
	v39 =	vadd.f32 v39, v17;
	v10 =	vmov v20;
	v48 =	vld.idx.msk [tilespmem:v33+s20+$0x0], $0xffff;
	[tilespmem:s21+$0xFFFFFF60] =	vst v28  }
0x168: {  	v37 =	vor.u32 v1, v41;
	v20 =	vmov v40;
	v28 =	vadd.f32 v30, v11;
	v54 =	vld.idx.msk [tilespmem:v45+s20+$0x0], $0xffff;
	[tilespmem:s21+$0xFFFFFE50] =	vst v38  }
0x169: {  	v33 =	vor.u32 v7, v16;
	v30 =	vadd.f32 v46, v13;
	[tilespmem:s5+$0xFFFFFFB0] =	vst v35;
	v51 =	vld.idx.msk [tilespmem:v51+s20+$0x0], $0xffff  }
0x16a: {  	v46 =	vor.u32 v1, v42;
	v38 =	vor.u32 v4, v10;
	v56 =	vld.idx.msk [tilespmem:v50+s16+$0x0], $0xffff;
	[tilespmem:s5+$0xFFFFFE30] =	vst v39  }
0x16b: {  	v40 =	vor.u32 v6, v16;
	v16 =	vmov v22;
	v35 =	vor.u32 v7, v18;
	v31 =	vld.idx.msk [tilespmem:v31+s20+$0x0], $0xffff;
	[tilespmem:s21+$0xFFFFFEF0] =	vst v28  }
0x16c: {  	v22 =	vmov v52;
	v50 =	vor.u32 v3, v23;
	v32 =	vadd.f32 v32, v26;
	v57 =	vld.idx.msk [tilespmem:v44+s20+$0x0], $0xffff;
	[tilespmem:s21+$0xFFFFFFE0] =	vst v30  }
0x16d: {  	v39 =	vadd.f32 v48, v24;
	v44 =	vor.u32 v6, v18;
	v52 =	vld.idx.msk [tilespmem:v53+s20+$0x0], $0xffff;
	v53 =	vor.u32 v6, v14  }
0x16e: {  	v30 =	vor.u32 v6, v10;
	v14 =	vmov v21;
	v28 =	vld.idx.msk [tilespmem:v49+s16+$0x0], $0xffff;
	[tilespmem:s5+$0xFFFFFEC0] =	vst v32;
	v32 =	vor.u32 v5, v23  }
.Ltmp1:
0x16f: {  	v21 =	vmov v41;
	v49 =	vadd.f32 v51, v9;
	[tilespmem:s17+$0xFFFFFF10] =	vst v39;
	v45 =	vld.idx.msk [tilespmem:v38+s20+$0x0], $0xffff;
	v38 =	vor.u32 v4, v23;
	(pc) =	sbr.rel @p1 .LBB2_5-.Ltmp1, $4  }
0x170: {  	v18 =	vmov v23;
	v41 =	vor.u32 v4, v16;
	v48 =	vld.idx.msk [tilespmem:v46+s20+$0x0], $0xffff;
	v46 =	vadd.f32 v54, v19;
	[tilespmem:s5+$0xFFFFFF30] =	vst v47  }
0x171: {  	v39 =	vor.u32 v2, v20;
	v23 =	vmov v42;
	v51 =	vadd.f32 v31, v17;
	v47 =	vld.idx.msk [tilespmem:v50+s20+$0x0], $0xffff;
	[tilespmem:s21+$0xFFFFFE60] =	vst v49  }
0x172: {  	v49 =	vadd.f32 v55, v56;
	v31 =	vadd.f32 v57, v11;
	v11 =	vmov v26;
	[tilespmem:s17+$0xFFFFFF90] =	vst v46;
	v46 =	vld.idx.msk [tilespmem:v53+s20+$0x0], $0xffff  }
0x173: {  	s18 =	smov.u32 s25;
	v26 =	vmov v56;
	v50 =	vadd.f32 v52, v8;
	v42 =	vld.idx.msk [tilespmem:v43+s20+$0x0], $0xffff;
	v43 =	vor.u32 v2, v22;
	[tilespmem:s5+$0xFFFFFE40] =	vst v51  }
0x174: {  	_ =	sdelay $0x2  }
0x175: {  	v36 =	vadd.f32 v36, v28;
	[tilespmem:s17+$0xFFFFFE90] =	vst v49  }
0x176: {  	v57 =	vor.u32 v2, v23;
	v34 =	vld.idx.msk [tilespmem:v34+s20+$0x0], $0xffff  }
0x177: {  	[tilespmem:s17+$0xFFFFFE10] =	vst v36  }
0x178: {  	v48 =	vadd.f32 v48, v24;
	v37 =	vld.idx.msk [tilespmem:v37+s20+$0x0], $0xffff  }
0x179: {  	[tilespmem:s21+$0xFFFFFF00] =	vst v31  }
0x17a: {  	[tilespmem:s17+$0xFFFFFF20] =	vst v48;
	v42 =	vadd.f32 v42, v19  }
0x17b: {  	v58 =	vor.u32 v2, v21;
	[tilespmem:s5+$0xFFFFFFC0] =	vst v50;
	v36 =	vld.idx.msk [tilespmem:v57+s20+$0x0], $0xffff;
	v34 =	vadd.f32 v34, v26  }
0x17c: {  	v44 =	vld.idx.msk [tilespmem:v44+s20+$0x0], $0xffff;
	v59 =	vadd.f32 v45, v11;
	[tilespmem:s17+$0xFFFFFFA0] =	vst v42  }
0x17d: {  	v60 =	vld.idx.msk [tilespmem:v43+s20+$0x0], $0xffff;
	v37 =	vadd.f32 v37, v28;
	[tilespmem:s17+$0xFFFFFEA0] =	vst v34  }
0x17e: {  	v61 =	vadd.f32 v47, v15;
	[tilespmem:s5+$0xFFFFFED0] =	vst v59;
	v48 =	vor.u32 v3, v23;
	v39 =	vld.idx.msk [tilespmem:v39+s20+$0x0], $0xffff  }
0x17f: {  	v40 =	vld.idx.msk [tilespmem:v40+s20+$0x0], $0xffff;
	v62 =	vadd.f32 v46, v9;
	[tilespmem:s17+$0xFFFFFE20] =	vst v37  }
0x180: {  	v50 =	vor.u32 v3, v22;
	[tilespmem:s5+$0xFFFFFF40] =	vst v61;
	v36 =	vadd.f32 v36, v24;
	v63 =	vld.idx.msk [tilespmem:v58+s20+$0x0], $0xffff  }
0x181: {  	v51 =	vor.u32 v3, v20;
	v41 =	vld.idx.msk [tilespmem:v41+s20+$0x0], $0xffff;
	v49 =	vadd.f32 v44, v12;
	[tilespmem:s21+$0xFFFFFE70] =	vst v62  }
0x182: {  	v25 =	vld.idx.msk [tilespmem:v25+s20+$0x0], $0xffff;
	v34 =	vadd.f32 v60, v19;
	[tilespmem:s15+$0xFFFFFF30] =	vst v36  }
0x183: {  	v52 =	vor.u32 v3, v21;
	[tilespmem:s21+$0xFFFFFF70] =	vst v49;
	v54 =	vld.idx.msk [tilespmem:v48+s20+$0x0], $0xffff;
	v39 =	vadd.f32 v39, v26  }
0x184: {  	v40 =	vadd.f32 v40, v13;
	v35 =	vld.idx.msk [tilespmem:v35+s20+$0x0], $0xffff;
	[tilespmem:s15+$0xFFFFFFB0] =	vst v34  }
0x185: {  	v56 =	vor.u32 v4, v14;
	v55 =	vld.idx.msk [tilespmem:v50+s20+$0x0], $0xffff;
	v53 =	vadd.f32 v63, v28;
	[tilespmem:s15+$0xFFFFFEB0] =	vst v39  }
0x186: {  	v57 =	vor.u32 v4, v23;
	v41 =	vadd.f32 v41, v8;
	[tilespmem:s21+$0xFFFFFFF0] =	vst v40;
	v37 =	vld.idx.msk [tilespmem:v51+s20+$0x0], $0xffff  }
0x187: {  	v25 =	vadd.f32 v25, v11;
	v33 =	vld.idx.msk [tilespmem:v33+s20+$0x0], $0xffff;
	[tilespmem:s15+$0xFFFFFE30] =	vst v53  }
0x188: {  	[tilespmem:s5+$0xFFFFFFD0] =	vst v41;
	v58 =	vor.u32 v4, v22;
	v34 =	vadd.f32 v54, v24;
	v36 =	vld.idx.msk [tilespmem:v52+s20+$0x0], $0xffff  }
0x189: {  	v38 =	vld.idx.msk [tilespmem:v38+s20+$0x0], $0xffff;
	[tilespmem:s5+$0xFFFFFEE0] =	vst v25;
	v25 =	vor.u32 v4, v20;
	v12 =	vadd.f32 v35, v12  }
0x18a: {  	v61 =	vor.u32 v5, v16;
	v42 =	vld.idx.msk [tilespmem:v56+s20+$0x0], $0xffff;
	v59 =	vadd.f32 v55, v19;
	[tilespmem:s15+$0xFFFFFF40] =	vst v34  }
0x18b: {  	v60 =	vor.u32 v4, v21;
	[tilespmem:s21+$0xFFFFFF80] =	vst v12;
	v62 =	vld.idx.msk [tilespmem:v57+s20+$0x0], $0xffff;
	v37 =	vadd.f32 v37, v26  }
0x18c: {  	v13 =	vadd.f32 v33, v13;
	[tilespmem:s15+$0xFFFFFFC0] =	vst v59  }
0x18d: {  	v63 =	vld.idx.msk [tilespmem:v58+s20+$0x0], $0xffff;
	v36 =	vadd.f32 v36, v28;
	[tilespmem:s15+$0xFFFFFEC0] =	vst v37  }
0x18e: {  	v40 =	vor.u32 v5, v14;
	v38 =	vadd.f32 v38, v15;
	[tilespmem:s21+$0x0] =	vst v13;
	v25 =	vld.idx.msk [tilespmem:v25+s20+$0x0], $0xffff  }
0x18f: {  	v12 =	vor.u32 v5, v23;
	v13 =	vadd.f32 v42, v17;
	v34 =	vld.idx.msk [tilespmem:v61+s20+$0x0], $0xffff;
	[tilespmem:s15+$0xFFFFFE40] =	vst v36  }
0x190: {  	v41 =	vor.u32 v5, v22;
	[tilespmem:s5+$0xFFFFFF50] =	vst v38;
	v31 =	vadd.f32 v62, v24;
	v36 =	vld.idx.msk [tilespmem:v60+s20+$0x0], $0xffff  }
0x191: {  	v32 =	vld.idx.msk [tilespmem:v32+s20+$0x0], $0xffff;
	[tilespmem:s5+$0xFFFFFE50] =	vst v13  }
0x192: {  	v29 =	vld.idx.msk [tilespmem:v29+s20+$0x0], $0xffff;
	v13 =	vadd.f32 v63, v19;
	[tilespmem:s15+$0xFFFFFF50] =	vst v31;
	v31 =	vor.u32 v6, v16  }
0x193: {  	v42 =	vor.u32 v5, v21;
	v33 =	vld.idx.msk [tilespmem:v40+s20+$0x0], $0xffff;
	v25 =	vadd.f32 v25, v26  }
0x194: {  	v43 =	vor.u32 v6, v18;
	v34 =	vadd.f32 v34, v8;
	v12 =	vld.idx.msk [tilespmem:v12+s20+$0x0], $0xffff;
	[tilespmem:s15+$0xFFFFFFD0] =	vst v13  }
0x195: {  	v13 =	vadd.f32 v36, v28;
	[tilespmem:s15+$0xFFFFFED0] =	vst v25;
	v25 =	vld.idx.msk [tilespmem:v41+s20+$0x0], $0xffff  }
0x196: {  	v44 =	vor.u32 v6, v14;
	v32 =	vadd.f32 v32, v15;
	[tilespmem:s5+$0xFFFFFFE0] =	vst v34;
	v27 =	vld.idx.msk [tilespmem:v27+s20+$0x0], $0xffff  }
0x197: {  	v9 =	vadd.f32 v29, v9;
	v29 =	vor.u32 v6, v23;
	v31 =	vld.idx.msk [tilespmem:v31+s20+$0x0], $0xffff;
	[tilespmem:s15+$0xFFFFFE50] =	vst v13  }
0x198: {  	[tilespmem:s5+$0xFFFFFF60] =	vst v32;
	v45 =	vadd.f32 v33, v17;
	v13 =	vld.idx.msk [tilespmem:v42+s20+$0x0], $0xffff  }
0x199: {  	v47 =	vor.u32 v6, v22;
	[tilespmem:s21+$0xFFFFFE80] =	vst v9;
	v46 =	vld.idx.msk [tilespmem:v43+s20+$0x0], $0xffff;
	v12 =	vadd.f32 v12, v24  }
0x19a: {  	v30 =	vld.idx.msk [tilespmem:v30+s20+$0x0], $0xffff;
	v9 =	vor.u32 v6, v20;
	[tilespmem:s5+$0xFFFFFE60] =	vst v45;
	v25 =	vadd.f32 v25, v19  }
0x19b: {  	v48 =	vor.u32 v6, v21;
	v49 =	vld.idx.msk [tilespmem:v44+s20+$0x0], $0xffff;
	[tilespmem:s15+$0xFFFFFF60] =	vst v12;
	v27 =	vadd.f32 v27, v26  }
0x19c: {  	v12 =	vor.u32 v7, v16;
	v16 =	vld.idx.msk [tilespmem:v29+s20+$0x0], $0xffff;
	v29 =	vadd.f32 v31, v8;
	[tilespmem:s15+$0xFFFFFFE0] =	vst v25  }
0x19d: {  	v18 =	vor.u32 v7, v18;
	v13 =	vadd.f32 v13, v28;
	[tilespmem:s15+$0xFFFFFEE0] =	vst v27  }
0x19e: {  	v10 =	vor.u32 v7, v10;
	v25 =	vadd.f32 v46, v15;
	v27 =	vld.idx.msk [tilespmem:v47+s20+$0x0], $0xffff;
	[tilespmem:s5+$0xFFFFFFF0] =	vst v29  }
0x19f: {  	v14 =	vor.u32 v7, v14;
	v9 =	vld.idx.msk [tilespmem:v9+s20+$0x0], $0xffff;
	[tilespmem:s15+$0xFFFFFE60] =	vst v13  }
0x1a0: {  	v23 =	vor.u32 v7, v23;
	[tilespmem:s5+$0xFFFFFF70] =	vst v25;
	v13 =	vadd.f32 v30, v11;
	v25 =	vld.idx.msk [tilespmem:v48+s20+$0x0], $0xffff  }
0x1a1: {  	v22 =	vor.u32 v7, v22;
	v12 =	vld.idx.msk [tilespmem:v12+s20+$0x0], $0xffff;
	v30 =	vadd.f32 v49, v17  }
0x1a2: {  	v18 =	vld.idx.msk [tilespmem:v18+s20+$0x0], $0xffff;
	v16 =	vadd.f32 v16, v24;
	[tilespmem:s5+$0xFFFFFEF0] =	vst v13;
	v13 =	vor.u32 v7, v20  }
0x1a3: {  	[tilespmem:s5+$0xFFFFFE70] =	vst v30;
	v20 =	vor.u32 v7, v21;
	v10 =	vld.idx.msk [tilespmem:v10+s20+$0x0], $0xffff;
	v21 =	vadd.f32 v27, v19  }
0x1a4: {  	[tilespmem:s15+$0xFFFFFF70] =	vst v16;
	v14 =	vld.idx.msk [tilespmem:v14+s20+$0x0], $0xffff;
	v9 =	vadd.f32 v9, v26  }
0x1a5: {  	v23 =	vld.idx.msk [tilespmem:v23+s20+$0x0], $0xffff;
	[tilespmem:s15+$0xFFFFFFF0] =	vst v21;
	v16 =	vadd.f32 v25, v28  }
0x1a6: {  	v8 =	vadd.f32 v12, v8;
	[tilespmem:s15+$0xFFFFFEF0] =	vst v9;
	v9 =	vld.idx.msk [tilespmem:v22+s20+$0x0], $0xffff  }
0x1a7: {  	v15 =	vadd.f32 v18, v15;
	v12 =	vld.idx.msk [tilespmem:v13+s20+$0x0], $0xffff;
	[tilespmem:s15+$0xFFFFFE70] =	vst v16  }
0x1a8: {  	[tilespmem:s5+$0x0] =	vst v8;
	v10 =	vadd.f32 v10, v11;
	v11 =	vld.idx.msk [tilespmem:v20+s20+$0x0], $0xffff  }
0x1a9: {  	[tilespmem:s5+$0xFFFFFF80] =	vst v15;
	v8 =	vadd.f32 v14, v17  }
0x1aa: {  	[tilespmem:s5+$0xFFFFFF00] =	vst v10;
	v10 =	vadd.f32 v23, v24  }
0x1ab: {  	[tilespmem:s5+$0xFFFFFE80] =	vst v8;
	v8 =	vadd.f32 v9, v19  }
0x1ac: {  	s2 =	sshll.u32 s6, $0x12;
	v9 =	vadd.f32 v12, v26;
	[tilespmem:s15+$0xFFFFFF80] =	vst v10  }
0x1ad: {  	s2 =	sor.u32 s10, s2;
	[tilespmem:s15+$0x0] =	vst v8;
	v8 =	vadd.f32 v11, v28  }
0x1ae: {  	s2 =	sshrl.u32 s2, $0x3;
	[tilespmem:s15+$0xFFFFFF00] =	vst v9  }
0x1af: {  	s31 =	smov.u32 s9;
	s17 =	simm.s32 $0x18400;
	[tilespmem:s15+$0xFFFFFE80] =	vst v8;
	s15 =	sadd.s32 s9, s2  }
0x1b0: {  	[hbm4b:s15+s3] =	stream.linear.scatter [tilespmem:s17], [sflag:$0x2], $0x400, $0x38;
	[tilespmem:$0x1D600] =	vst v63  }
0x1b1: {  	s18 =	sadd.s32 s2, s11;
	s21 =	simm.s32 $0x18800;
	s25 =	rddreg [dreg:$0x5]  }
0x1b2: {  	[hbm4b:s18+s3] =	stream.linear.scatter [tilespmem:s21], [sflag:$0x2], $0x400, $0x38;
	[tilespmem:$0x1D600] =	vst v63  }
0x1b3: {  	s26 =	simm.s32 $0x18C00;
	s7 =	rddreg [dreg:$0x6];
	s5 =	sadd.s32 s2, s25  }
0x1b4: {  	[hbm4b:s5+s3] =	stream.linear.scatter [tilespmem:s26], [sflag:$0x2], $0x400, $0x38;
	[tilespmem:$0x1D600] =	vst v63  }
0x1b5: {  	s8 =	simm.s32 $0x19000;
	s9 =	rddreg [dreg:$0x7];
	s5 =	sadd.s32 s2, s7  }
0x1b6: {  	[hbm4b:s5+s3] =	stream.linear.scatter [tilespmem:s8], [sflag:$0x2], $0x400, $0x38;
	[tilespmem:$0x1D600] =	vst v63  }
0x1b7: {  	s15 =	simm.s32 $0x19400;
	s5 =	sadd.s32 s2, s9  }
0x1b8: {  	[hbm4b:s5+s3] =	stream.linear.scatter [tilespmem:s15], [sflag:$0x2], $0x400, $0x38;
	[tilespmem:$0x1D600] =	vst v63  }
0x1b9: {  	s17 =	sadd.s32 s2, s12;
	s18 =	simm.s32 $0x19800  }
0x1ba: {  	[hbm4b:s17+s3] =	stream.linear.scatter [tilespmem:s18], [sflag:$0x2], $0x400, $0x38;
	[tilespmem:$0x1D600] =	vst v63  }
0x1bb: {  	s25 =	simm.s32 $0x19C00;
	s21 =	sadd.s32 s2, s13  }
0x1bc: {  	[hbm4b:s21+s3] =	stream.linear.scatter [tilespmem:s25], [sflag:$0x2], $0x400, $0x38;
	[tilespmem:$0x1D600] =	vst v63  }
0x1bd: {  	s26 =	simm.s32 $0x1A000;
	s2 =	sadd.s32 s2, s14  }
0x1be: {  	[hbm4b:s2+s3] =	stream.linear.scatter [tilespmem:s26], [sflag:$0x2], $0x400, $0x38;
	[tilespmem:$0x1D600] =	vst v63  }
0x1bf: {  	_ =	swait.ge [sflag:s23], $0x4000  }
0x1c0: {  	s6 =	simm.s32 @!p0 $0xA400;
	[sflag:s23] =	ssyncset.done $0x0  }
0x1c1: {  	s5 =	simm.s32 @!p0 $0x80;
	s2 =	sadd.s32 @!p0 $0x280, s1;
	[sflag:s23] =	ssyncadd.s32 $0xFFFFC000  }
0x1c2: {  	[tilespmem:s6], [sflag:$0x1] =	stream.indirect.gather @!p0 [hbm4b:s4+s5], $0x80, s2, s5, $0xb8;
	[tilespmem:$0x1D600] =	vst v63  }
0x1c3: {  	_ =	swait.ge [sflag:s28], $0x400  }
0x1c4: {  	[sflag:s28] =	ssyncset.done $0x0  }
0x1c5: {  	[sflag:s28] =	ssyncadd.s32 $0xFFFFFC00  }
0x1c6: {  	_ =	swait.ge [sflag:s28], $0x400  }
0x1c7: {  	[sflag:s28] =	ssyncset.done $0x0  }
0x1c8: {  	[sflag:s28] =	ssyncadd.s32 $0xFFFFFC00  }
0x1c9: {  	_ =	swait.ge [sflag:s28], $0x400  }
0x1ca: {  	[sflag:s28] =	ssyncset.done $0x0  }
0x1cb: {  	[sflag:s28] =	ssyncadd.s32 $0xFFFFFC00  }
0x1cc: {  	_ =	swait.ge [sflag:s28], $0x400  }
0x1cd: {  	[sflag:s28] =	ssyncset.done $0x0  }
0x1ce: {  	[sflag:s28] =	ssyncadd.s32 $0xFFFFFC00  }
0x1cf: {  	_ =	swait.ge [sflag:s28], $0x400  }
0x1d0: {  	[sflag:s28] =	ssyncset.done $0x0  }
0x1d1: {  	s7 =	sadd.s32 $0x0, s29;
	s6 =	simm.s32 $0x1;
	[sflag:s28] =	ssyncadd.s32 $0xFFFFFC00  }
0x1d2: {  	s9 =	sadd.s32 $0x82, s7;
	v8 =	vmov s6;
	_ =	swait.ge [sflag:s28], $0x400  }
0x1d3: {  	v9 =	vmov s9;
	v8 =	vand.u32 $0x7D, v8;
	[sflag:s28] =	ssyncset.done $0x0  }
0x1d4: {  	s8 =	sadd.s32 $0x81, s7;
	s15 =	simm.s32 $0x2;
	v9 =	vand.u32 $0xFFFFFFFE, v9;
	v26 =	vbroadcast v8, $0x0;
	[sflag:s28] =	ssyncadd.s32 $0xFFFFFC00  }
0x1d5: {  	v10 =	vmov s15;
	v9 =	vbroadcast v9, $0x0;
	v8 =	vmov s8;
	_ =	swait.ge [sflag:s28], $0x400  }
0x1d6: {  	s17 =	simm.s32 $0x3;
	v10 =	vand.u32 $0x7E, v10;
	v8 =	vand.u32 $0xFFFFFFFD, v8;
	v11 =	vor.u32 v0, v26;
	[sflag:s28] =	ssyncset.done $0x0  }
0x1d7: {  	v12 =	vmov s17;
	v28 =	vbroadcast v10, $0x0;
	v8 =	vbroadcast v8, $0x0;
	[sflag:s28] =	ssyncadd.s32 $0xFFFFFC00  }
0x1d8: {  	s18 =	simm.s32 $0x0;
	v10 =	vand.u32 $0x7F, v12;
	_ =	swait.ge [sflag:s28], $0x400  }
0x1d9: {  	v12 =	vmov s18;
	s21 =	sadd.s32 $0x83, s7;
	v30 =	vbroadcast v10, $0x0;
	v10 =	vor.u32 v0, v28;
	[sflag:s28] =	ssyncset.done $0x0  }
0x1da: {  	v13 =	vmov s21;
	v12 =	vand.u32 $0x7C, v12;
	s5 =	sadd.s32 $0x80, s7;
	[sflag:s28] =	ssyncadd.s32 $0xFFFFFC00  }
0x1db: {  	v32 =	vbroadcast v12, $0x0;
	v15 =	vor.u32 v0, v30;
	v14 =	vmov s5;
	v11 =	vld.idx.msk [tilespmem:v11+s22+$0x0], $0xffff  }
0x1dc: {  	v14 =	vand.u32 $0xFFFFFFFC, v14;
	v12 =	vld.idx.msk [tilespmem:v9+s16+$0x0], $0xffff  }
0x1dd: {  	v9 =	vbroadcast v14, $0x0;
	v14 =	vor.u32 v0, v32;
	v31 =	vld.idx.msk [tilespmem:v8+s16+$0x0], $0xffff  }
0x1de: {  	v8 =	vld.idx.msk [tilespmem:v10+s22+$0x0], $0xffff  }
0x1df: {  	v13 =	vld.idx.msk [tilespmem:v13+s16+$0x0], $0xffff  }
0x1e0: {  	v10 =	vor.u32 v1, v26;
	v15 =	vld.idx.msk [tilespmem:v15+s22+$0x0], $0xffff  }
0x1e1: {  	v16 =	vor.u32 v1, v28  }
0x1e2: {  	v14 =	vld.idx.msk [tilespmem:v14+s22+$0x0], $0xffff;
	v11 =	vadd.f32 v11, v31  }
0x1e3: {  	s21 =	simm.s32 $0x16500;
	v17 =	vor.u32 v1, v30;
	v8 =	vadd.f32 v8, v12;
	v9 =	vld.idx.msk [tilespmem:v9+s16+$0x0], $0xffff  }
0x1e4: {  	[tilespmem:s21+$0xFFFFFF80] =	vst v11  }
0x1e5: {  	[tilespmem:s21+$0x0] =	vst v8;
	v8 =	vadd.f32 v15, v13;
	v10 =	vld.idx.msk [tilespmem:v10+s22+$0x0], $0xffff  }
0x1e6: {  	s17 =	simm.s32 $0x6;
	v11 =	vor.u32 v1, v32;
	v15 =	vld.idx.msk [tilespmem:v16+s22+$0x0], $0xffff  }
0x1e7: {  	s25 =	simm.s32 $0x4;
	v23 =	vmov s17;
	v18 =	vor.u32 v2, v28;
	s7 =	simm.s32 $0x5;
	[tilespmem:s21+$0x80] =	vst v8  }
0x1e8: {  	v19 =	vmov s25;
	s26 =	sadd.s32 $0x4, s29;
	v20 =	vmov s7;
	v16 =	vld.idx.msk [tilespmem:v17+s22+$0x0], $0xffff;
	v14 =	vadd.f32 v14, v9  }
0x1e9: {  	v19 =	vand.u32 $0x7C, v19;
	v20 =	vand.u32 $0x7D, v20;
	s8 =	sadd.s32 $0x83, s26;
	v8 =	vor.u32 v2, v26  }
0x1ea: {  	s9 =	sadd.s32 $0x82, s26;
	v21 =	vmov s8;
	[tilespmem:s21+$0xFFFFFF00] =	vst v14;
	v14 =	vadd.f32 v10, v31;
	v10 =	vbroadcast v20, $0x0  }
0x1eb: {  	s18 =	simm.s32 $0x7;
	v17 =	vor.u32 v2, v30;
	v15 =	vadd.f32 v15, v12;
	v20 =	vmov s9;
	v11 =	vld.idx.msk [tilespmem:v11+s22+$0x0], $0xffff  }
0x1ec: {  	v20 =	vand.u32 $0xFFFFFFFE, v20;
	[tilespmem:s21+$0xFFFFFF90] =	vst v14;
	v14 =	vmov s18;
	v24 =	vor.u32 v0, v10  }
0x1ed: {  	v16 =	vadd.f32 v16, v13;
	[tilespmem:s21+$0x10] =	vst v15;
	v15 =	vor.u32 v2, v32;
	v20 =	vbroadcast v20, $0x0  }
0x1ee: {  	v25 =	vld.idx.msk [tilespmem:v8+s22+$0x0], $0xffff;
	v8 =	vand.u32 $0x7E, v23;
	v23 =	vand.u32 $0x7F, v14;
	v14 =	vbroadcast v19, $0x0  }
0x1ef: {  	v27 =	vld.idx.msk [tilespmem:v18+s22+$0x0], $0xffff;
	v18 =	vbroadcast v8, $0x0  }
0x1f0: {  	s15 =	sadd.s32 $0x81, s26;
	v8 =	vld.idx.msk [tilespmem:v21+s16+$0x0], $0xffff;
	[tilespmem:s21+$0x90] =	vst v16;
	v16 =	vbroadcast v23, $0x0;
	v23 =	vor.u32 v0, v14;
	v11 =	vadd.f32 v11, v9  }
0x1f1: {  	v22 =	vmov s15;
	v19 =	vor.u32 v3, v26;
	v17 =	vld.idx.msk [tilespmem:v17+s22+$0x0], $0xffff  }
0x1f2: {  	v21 =	vand.u32 $0xFFFFFFFD, v22;
	v22 =	vor.u32 v0, v18;
	v24 =	vld.idx.msk [tilespmem:v24+s22+$0x0], $0xffff;
	[tilespmem:s21+$0xFFFFFF10] =	vst v11  }
0x1f3: {  	s25 =	sadd.s32 $0x80, s26;
	v21 =	vbroadcast v21, $0x0;
	v50 =	vor.u32 v0, v16;
	v11 =	vadd.f32 v25, v31;
	v29 =	vld.idx.msk [tilespmem:v15+s22+$0x0], $0xffff  }
0x1f4: {  	v25 =	vmov s25;
	v15 =	vld.idx.msk [tilespmem:v20+s16+$0x0], $0xffff  }
0x1f5: {  	v52 =	vor.u32 v3, v28;
	[tilespmem:s21+$0xFFFFFFA0] =	vst v11;
	v11 =	vand.u32 $0xFFFFFFFC, v25;
	v23 =	vld.idx.msk [tilespmem:v23+s22+$0x0], $0xffff  }
0x1f6: {  	v20 =	vor.u32 v3, v30;
	v19 =	vld.idx.msk [tilespmem:v19+s22+$0x0], $0xffff;
	v51 =	vbroadcast v11, $0x0  }
0x1f7: {  	v27 =	vadd.f32 v27, v12;
	v22 =	vld.idx.msk [tilespmem:v22+s22+$0x0], $0xffff  }
0x1f8: {  	v55 =	vor.u32 v3, v32;
	v17 =	vadd.f32 v17, v13;
	v33 =	vld.idx.msk [tilespmem:v50+s22+$0x0], $0xffff  }
0x1f9: {  	[tilespmem:s21+$0x20] =	vst v27;
	v11 =	vld.idx.msk [tilespmem:v21+s16+$0x0], $0xffff;
	v21 =	vor.u32 v4, v26  }
0x1fa: {  	v54 =	vor.u32 v1, v18;
	v35 =	vld.idx.msk [tilespmem:v52+s22+$0x0], $0xffff;
	[tilespmem:s21+$0xA0] =	vst v17;
	v29 =	vadd.f32 v29, v9  }
0x1fb: {  	v59 =	vor.u32 v5, v28;
	v56 =	vor.u32 v1, v16;
	v20 =	vld.idx.msk [tilespmem:v20+s22+$0x0], $0xffff;
	v19 =	vadd.f32 v19, v31  }
0x1fc: {  	v27 =	vor.u32 v1, v10;
	v22 =	vadd.f32 v22, v15;
	[tilespmem:s21+$0xFFFFFF20] =	vst v29;
	v17 =	vld.idx.msk [tilespmem:v51+s16+$0x0], $0xffff  }
0x1fd: {  	s5 =	simm.s32 $0x16700;
	v53 =	vor.u32 v5, v26;
	v33 =	vadd.f32 v33, v8;
	v58 =	vld.idx.msk [tilespmem:v55+s22+$0x0], $0xffff;
	[tilespmem:s21+$0xFFFFFFB0] =	vst v19  }
0x1fe: {  	[tilespmem:s5+$0x0] =	vst v22;
	v22 =	vadd.f32 v24, v11;
	v19 =	vld.idx.msk [tilespmem:v21+s22+$0x0], $0xffff;
	v21 =	vor.u32 v4, v30  }
0x1ff: {  	s7 =	simm.s32 $0x9;
	s26 =	sadd.s32 $0x8, s29;
	v37 =	vor.u32 v6, v26;
	v24 =	vor.u32 v4, v28;
	[tilespmem:s5+$0x80] =	vst v33;
	v29 =	vld.idx.msk [tilespmem:v54+s22+$0x0], $0xffff  }
0x200: {  	v61 =	vmov s7;
	s8 =	sadd.s32 $0x83, s26;
	s15 =	sadd.s32 $0x82, s26;
	v57 =	vor.u32 v1, v14;
	v20 =	vadd.f32 v20, v13;
	v33 =	vld.idx.msk [tilespmem:v56+s22+$0x0], $0xffff;
	[tilespmem:s5+$0xFFFFFF80] =	vst v22  }
0x201: {  	v62 =	vmov s8;
	v49 =	vmov s15;
	v22 =	vld.idx.msk [tilespmem:v27+s22+$0x0], $0xffff;
	v27 =	vadd.f32 v35, v12  }
0x202: {  	v40 =	vand.u32 $0xFFFFFFFE, v49;
	v60 =	vor.u32 v2, v18;
	[tilespmem:s21+$0xB0] =	vst v20;
	v23 =	vadd.f32 v23, v17  }
0x203: {  	v40 =	vbroadcast v40, $0x0;
	v25 =	vor.u32 v5, v10;
	[tilespmem:s21+$0x30] =	vst v27;
	v19 =	vadd.f32 v19, v31;
	v63 =	vld.idx.msk [tilespmem:v21+s22+$0x0], $0xffff  }
0x204: {  	v52 =	vor.u32 v4, v32;
	v20 =	vand.u32 $0x7D, v61;
	v27 =	vadd.f32 v29, v15;
	[tilespmem:s5+$0xFFFFFF00] =	vst v23;
	v23 =	vld.idx.msk [tilespmem:v24+s22+$0x0], $0xffff  }
0x205: {  	s17 =	simm.s32 $0xB;
	v20 =	vbroadcast v20, $0x0;
	v21 =	vor.u32 v2, v10;
	v33 =	vadd.f32 v33, v8;
	v48 =	vld.idx.msk [tilespmem:v57+s22+$0x0], $0xffff;
	[tilespmem:s21+$0xFFFFFFC0] =	vst v19  }
0x206: {  	s9 =	simm.s32 $0x8;
	v51 =	vmov s17;
	v24 =	vadd.f32 v58, v9;
	v29 =	vor.u32 v2, v16;
	[tilespmem:s5+$0x10] =	vst v27;
	v36 =	vld.idx.msk [tilespmem:v53+s22+$0x0], $0xffff  }
0x207: {  	s18 =	simm.s32 $0xA;
	v19 =	vmov s9;
	v27 =	vor.u32 v0, v20;
	v22 =	vadd.f32 v22, v11;
	[tilespmem:s5+$0x90] =	vst v33;
	v35 =	vld.idx.msk [tilespmem:v60+s22+$0x0], $0xffff  }
0x208: {  	v55 =	vmov s18;
	v54 =	vor.u32 v2, v14;
	[tilespmem:s21+$0xFFFFFF30] =	vst v24;
	v50 =	vand.u32 $0x7C, v19;
	v19 =	vld.idx.msk [tilespmem:v62+s16+$0x0], $0xffff  }
0x209: {  	v56 =	vand.u32 $0x7E, v55;
	v55 =	vor.u32 v3, v18;
	v57 =	vor.u32 v5, v30;
	v39 =	vld.idx.msk [tilespmem:v52+s22+$0x0], $0xffff;
	[tilespmem:s5+$0xFFFFFF90] =	vst v22  }
0x20a: {  	v60 =	vor.u32 v3, v10;
	v52 =	vor.u32 v7, v26;
	v53 =	vld.idx.msk [tilespmem:v21+s22+$0x0], $0xffff;
	v23 =	vadd.f32 v23, v12  }
0x20b: {  	s25 =	sadd.s32 $0x81, s26;
	s26 =	sadd.s32 $0x80, s26;
	v22 =	vand.u32 $0x7F, v51;
	v21 =	vbroadcast v50, $0x0;
	v29 =	vld.idx.msk [tilespmem:v29+s22+$0x0], $0xffff;
	v41 =	vadd.f32 v63, v13  }
0x20c: {  	v51 =	vmov s26;
	v22 =	vbroadcast v22, $0x0;
	v34 =	vadd.f32 v48, v17;
	v46 =	vld.idx.msk [tilespmem:v27+s22+$0x0], $0xffff;
	[tilespmem:s21+$0x40] =	vst v23  }
0x20d: {  	v26 =	vand.u32 $0xFFFFFFFC, v51;
	v58 =	vor.u32 v0, v21;
	[tilespmem:s21+$0xC0] =	vst v41;
	v24 =	vadd.f32 v36, v31;
	v38 =	vld.idx.msk [tilespmem:v59+s22+$0x0], $0xffff  }
0x20e: {  	v27 =	vor.u32 v5, v20;
	v23 =	vbroadcast v56, $0x0;
	v42 =	vor.u32 v0, v22;
	[tilespmem:s5+$0xFFFFFF10] =	vst v34;
	v44 =	vld.idx.msk [tilespmem:v57+s22+$0x0], $0xffff  }
0x20f: {  	v49 =	vor.u32 v1, v22;
	v59 =	vmov s25;
	v57 =	vor.u32 v5, v32;
	v33 =	vld.idx.msk [tilespmem:v54+s22+$0x0], $0xffff;
	[tilespmem:s21+$0xFFFFFFD0] =	vst v24  }
0x210: {  	v39 =	vadd.f32 v39, v9;
	v61 =	vor.u32 v0, v23;
	v24 =	vand.u32 $0xFFFFFFFD, v59;
	v47 =	vld.idx.msk [tilespmem:v37+s22+$0x0], $0xffff  }
0x211: {  	v54 =	vbroadcast v26, $0x0;
	v62 =	vadd.f32 v53, v11;
	v48 =	vbroadcast v24, $0x0;
	v24 =	vld.idx.msk [tilespmem:v40+s16+$0x0], $0xffff  }
0x212: {  	v41 =	vadd.f32 v35, v15;
	v34 =	vor.u32 v1, v20;
	[tilespmem:s21+$0xFFFFFF40] =	vst v39;
	v36 =	vld.idx.msk [tilespmem:v58+s22+$0x0], $0xffff  }
0x213: {  	v63 =	vadd.f32 v29, v8;
	v53 =	vor.u32 v3, v16;
	[tilespmem:s5+$0xFFFFFFA0] =	vst v62;
	v42 =	vld.idx.msk [tilespmem:v42+s22+$0x0], $0xffff  }
0x214: {  	v35 =	vor.u32 v7, v28;
	v59 =	vor.u32 v3, v14;
	[tilespmem:s5+$0x20] =	vst v41;
	v45 =	vld.idx.msk [tilespmem:v60+s22+$0x0], $0xffff  }
0x215: {  	v29 =	vor.u32 v7, v32;
	[tilespmem:s5+$0xA0] =	vst v63;
	v63 =	vld.idx.msk [tilespmem:v57+s22+$0x0], $0xffff;
	v44 =	vadd.f32 v44, v13  }
0x216: {  	v41 =	vor.u32 v4, v16;
	v39 =	vor.u32 v2, v20;
	v60 =	vld.idx.msk [tilespmem:v61+s22+$0x0], $0xffff;
	v61 =	vadd.f32 v33, v17  }
0x217: {  	v58 =	vadd.f32 v38, v12;
	[tilespmem:s21+$0xD0] =	vst v44;
	v44 =	vor.u32 v6, v28;
	v28 =	vld.idx.msk [tilespmem:v54+s16+$0x0], $0xffff  }
0x218: {  	v37 =	vor.u32 v1, v21;
	v62 =	vadd.f32 v47, v31;
	[tilespmem:s5+$0xFFFFFF20] =	vst v61;
	v61 =	vld.idx.msk [tilespmem:v53+s22+$0x0], $0xffff  }
0x219: {  	v40 =	vor.u32 v6, v30;
	[tilespmem:s21+$0x50] =	vst v58;
	v58 =	vor.u32 v4, v10;
	v59 =	vld.idx.msk [tilespmem:v59+s22+$0x0], $0xffff  }
0x21a: {  	v57 =	vor.u32 v1, v23;
	v26 =	vld.idx.msk [tilespmem:v48+s16+$0x0], $0xffff;
	v42 =	vadd.f32 v42, v19;
	[tilespmem:s21+$0xFFFFFFE0] =	vst v62  }
0x21b: {  	s15 =	simm.s32 $0x16900;
	v33 =	vor.u32 v7, v30;
	v30 =	vadd.f32 v45, v11;
	v62 =	vor.u32 v6, v32;
	v52 =	vld.idx.msk [tilespmem:v52+s22+$0x0], $0xffff  }
0x21c: {  	v38 =	vor.u32 v4, v18;
	v47 =	vld.idx.msk [tilespmem:v55+s22+$0x0], $0xffff;
	v60 =	vadd.f32 v60, v24;
	[tilespmem:s15+$0x80] =	vst v42  }
0x21d: {  	v32 =	vor.u32 v5, v18;
	v43 =	vadd.f32 v63, v9;
	[tilespmem:s5+$0xFFFFFFB0] =	vst v30;
	v42 =	vld.idx.msk [tilespmem:v49+s22+$0x0], $0xffff  }
0x21e: {  	v30 =	vor.u32 v6, v10;
	[tilespmem:s15+$0x0] =	vst v60;
	v45 =	vld.idx.msk [tilespmem:v58+s22+$0x0], $0xffff;
	v63 =	vadd.f32 v59, v17  }
0x21f: {  	[tilespmem:s21+$0xFFFFFF50] =	vst v43;
	v43 =	vor.u32 v2, v22;
	v49 =	vadd.f32 v61, v8;
	v48 =	vld.idx.msk [tilespmem:v57+s22+$0x0], $0xffff  }
0x220: {  	s0 =	sor.u32 $0x2, s0;
	s6 =	simm.s32 $0x16900;
	s18 =	simm.s32 $0xC;
	v50 =	vadd.f32 v46, v26;
	v46 =	vld.idx.msk [tilespmem:v62+s22+$0x0], $0xffff;
	v31 =	vadd.f32 v52, v31;
	[tilespmem:s5+$0xFFFFFF30] =	vst v63  }
.LBB2_7:
0x221: {  	s2 =	sadd.s32 s18, s29  }
0x222: {  	s7 =	sadd.s32 $0x1, s18;
	v36 =	vadd.f32 v36, v28;
	[tilespmem:s15+$0xFFFFFF80] =	vst v50;
	v50 =	vor.u32 v2, v23;
	v44 =	vld.idx.msk [tilespmem:v44+s22+$0x0], $0xffff;
	s8 =	smov.u32 s18;
	s17 =	sadd.s32 $0x4, s18  }
0x223: {  	v45 =	vadd.f32 v45, v11;
	s25 =	sadd.s32 $0x80, s2;
	v51 =	vmov s8;
	s26 =	sadd.s32 $0x81, s2;
	v52 =	vmov s7;
	s7 =	sadd.s32 $0x83, s2;
	[tilespmem:s5+$0xB0] =	vst v49;
	v49 =	vld.idx.msk [tilespmem:v40+s22+$0x0], $0xffff  }
0x224: {  	p1 =	slt.u32 s18, $0x3C;
	s2 =	sadd.s32 $0x82, s2;
	v48 =	vadd.f32 v48, v24;
	v40 =	vand.u32 $0x7D, v52;
	v52 =	vmov s7;
	v34 =	vld.idx.msk [tilespmem:v34+s22+$0x0], $0xffff  }
0x225: {  	v53 =	vmov s25;
	v40 =	vbroadcast v40, $0x0;
	[tilespmem:s15+$0xFFFFFF00] =	vst v36;
	v36 =	vadd.f32 v47, v15;
	v47 =	vld.idx.msk [tilespmem:v41+s22+$0x0], $0xffff  }
0x226: {  	v54 =	vmov s2;
	s2 =	sadd.s32 $0x2, s8;
	v41 =	vmov s26;
	v37 =	vld.idx.msk [tilespmem:v37+s22+$0x0], $0xffff;
	[tilespmem:s5+$0xFFFFFFC0] =	vst v45;
	v45 =	vadd.f32 v46, v9  }
0x227: {  	s7 =	sadd.s32 $0x3, s8;
	v54 =	vand.u32 $0xFFFFFFFE, v54;
	v46 =	vand.u32 $0x7C, v51;
	v51 =	vand.u32 $0xFFFFFFFD, v41;
	v55 =	vld.idx.msk [tilespmem:v25+s22+$0x0], $0xffff;
	[tilespmem:s5+$0x30] =	vst v36;
	v25 =	vmovc v27  }
0x228: {  	v36 =	vmov s2;
	v27 =	vmov s7;
	v41 =	vadd.f32 v44, v12;
	[tilespmem:s15+$0x10] =	vst v48;
	v38 =	vld.idx.msk [tilespmem:v38+s22+$0x0], $0xffff  }
0x229: {  	v44 =	vor.u32 v0, v40;
	v27 =	vand.u32 $0x7F, v27;
	v48 =	vld.idx.msk [tilespmem:v50+s22+$0x0], $0xffff;
	[tilespmem:s21+$0xFFFFFF60] =	vst v45;
	v45 =	vadd.f32 v49, v13  }
0x22a: {  	v49 =	vand.u32 $0xFFFFFFFC, v53;
	v34 =	vadd.f32 v34, v26;
	v50 =	vld.idx.msk [tilespmem:v52+s16+$0x0], $0xffff;
	v52 =	vbroadcast v27, $0x0;
	[tilespmem:s21+$0x60] =	vst v41  }
0x22b: {  	v41 =	vbroadcast v46, $0x0;
	v46 =	vadd.f32 v42, v19;
	v47 =	vadd.f32 v47, v8;
	v35 =	vld.idx.msk [tilespmem:v35+s22+$0x0], $0xffff;
	[tilespmem:s21+$0xE0] =	vst v45  }
0x22c: {  	v36 =	vand.u32 $0x7E, v36;
	v27 =	vor.u32 v5, v40;
	v45 =	vor.u32 v0, v52;
	[tilespmem:s15+$0xFFFFFF90] =	vst v34;
	v33 =	vld.idx.msk [tilespmem:v33+s22+$0x0], $0xffff  }
0x22d: {  	v42 =	vbroadcast v36, $0x0;
	v34 =	vadd.f32 v55, v11;
	v36 =	vld.idx.msk [tilespmem:v39+s22+$0x0], $0xffff;
	[tilespmem:s15+$0x90] =	vst v46;
	v39 =	vor.u32 v4, v14  }
0x22e: {  	v46 =	vor.u32 v2, v21;
	v38 =	vadd.f32 v38, v15;
	v43 =	vld.idx.msk [tilespmem:v43+s22+$0x0], $0xffff;
	[tilespmem:s5+$0xC0] =	vst v47  }
0x22f: {  	v47 =	vadd.f32 v48, v24;
	v48 =	vor.u32 v5, v16;
	[tilespmem:s5+$0xFFFFFFD0] =	vst v34;
	v29 =	vld.idx.msk [tilespmem:v29+s22+$0x0], $0xffff  }
0x230: {  	v49 =	vbroadcast v49, $0x0;
	v37 =	vadd.f32 v37, v28;
	v53 =	vor.u32 v0, v41;
	v55 =	vld.idx.msk [tilespmem:v44+s22+$0x0], $0xffff;
	[tilespmem:s5+$0x40] =	vst v38  }
0x231: {  	v38 =	vbroadcast v54, $0x0;
	v44 =	vor.u32 v3, v20;
	v35 =	vadd.f32 v35, v12;
	v12 =	vmovc v15;
	v32 =	vld.idx.msk [tilespmem:v32+s22+$0x0], $0xffff  }
0x232: {  	v34 =	vor.u32 v1, v40;
	v54 =	vadd.f32 v33, v13;
	v13 =	vmov v8;
	[tilespmem:s15+$0xFFFFFF10] =	vst v37;
	v37 =	vld.idx.msk [tilespmem:v39+s22+$0x0], $0xffff  }
0x233: {  	v33 =	vor.u32 v0, v42;
	v8 =	vmov v19;
	v36 =	vadd.f32 v36, v26;
	s15 =	sadd.s32 $0x200, s15;
	v39 =	vld.idx.msk [tilespmem:v46+s22+$0x0], $0xffff;
	[tilespmem:s21+$0x70] =	vst v35  }
0x234: {  	v15 =	vmov v24;
	v19 =	vmov v50;
	v35 =	vadd.f32 v43, v8;
	v30 =	vld.idx.msk [tilespmem:v30+s22+$0x0], $0xffff;
	[tilespmem:s21+$0xF0] =	vst v54  }
0x235: {  	v43 =	vor.u32 v1, v52;
	[tilespmem:s6+$0xFFFFFFA0] =	vst v36;
	v46 =	vld.idx.msk [tilespmem:v48+s22+$0x0], $0xffff;
	v48 =	vadd.f32 v29, v9;
	v9 =	vmov v17  }
0x236: {  	v50 =	vbroadcast v51, $0x0;
	v51 =	vor.u32 v5, v14;
	v17 =	vmov v28;
	v36 =	vld.idx.msk [tilespmem:v53+s22+$0x0], $0xffff;
	[tilespmem:s21+$0xFFFFFFF0] =	vst v31  }
0x237: {  	v29 =	vor.u32 v7, v14;
	v28 =	vadd.f32 v32, v12;
	v24 =	vld.idx.msk [tilespmem:v38+s16+$0x0], $0xffff;
	[tilespmem:s21+$0xFFFFFF70] =	vst v48;
	s21 =	smov.u32 s5;
	s5 =	smov.u32 s6;
	s6 =	smov.u32 s15  }
0x238: {  	v31 =	vor.u32 v3, v21;
	v38 =	vadd.f32 v37, v9;
	v32 =	vld.idx.msk [tilespmem:v44+s22+$0x0], $0xffff;
	v44 =	vor.u32 v7, v10  }
0x239: {  	v53 =	vor.u32 v3, v22;
	v39 =	vadd.f32 v39, v17;
	v10 =	vmov v20;
	v48 =	vld.idx.msk [tilespmem:v33+s22+$0x0], $0xffff;
	[tilespmem:s21+$0x50] =	vst v28  }
0x23a: {  	v37 =	vor.u32 v1, v41;
	v20 =	vmov v40;
	v28 =	vadd.f32 v30, v11;
	v54 =	vld.idx.msk [tilespmem:v45+s22+$0x0], $0xffff;
	[tilespmem:s21+$0xFFFFFF40] =	vst v38  }
0x23b: {  	v33 =	vor.u32 v7, v16;
	v30 =	vadd.f32 v46, v13;
	[tilespmem:s5+$0xA0] =	vst v35;
	v51 =	vld.idx.msk [tilespmem:v51+s22+$0x0], $0xffff  }
0x23c: {  	v46 =	vor.u32 v1, v42;
	v38 =	vor.u32 v4, v10;
	v56 =	vld.idx.msk [tilespmem:v50+s16+$0x0], $0xffff;
	[tilespmem:s5+$0xFFFFFF20] =	vst v39  }
0x23d: {  	v40 =	vor.u32 v6, v16;
	v16 =	vmov v22;
	v35 =	vor.u32 v7, v18;
	v31 =	vld.idx.msk [tilespmem:v31+s22+$0x0], $0xffff;
	[tilespmem:s21+$0xFFFFFFE0] =	vst v28  }
0x23e: {  	v22 =	vmov v52;
	v50 =	vor.u32 v3, v23;
	v32 =	vadd.f32 v32, v26;
	v57 =	vld.idx.msk [tilespmem:v44+s22+$0x0], $0xffff;
	[tilespmem:s21+$0xD0] =	vst v30  }
0x23f: {  	v39 =	vadd.f32 v48, v24;
	v44 =	vor.u32 v6, v18;
	v52 =	vld.idx.msk [tilespmem:v53+s22+$0x0], $0xffff;
	v53 =	vor.u32 v6, v14  }
0x240: {  	v30 =	vor.u32 v6, v10;
	v14 =	vmov v21;
	v28 =	vld.idx.msk [tilespmem:v49+s16+$0x0], $0xffff;
	[tilespmem:s5+$0xFFFFFFB0] =	vst v32;
	v32 =	vor.u32 v5, v23  }
.Ltmp2:
0x241: {  	v21 =	vmov v41;
	v49 =	vadd.f32 v51, v9;
	[tilespmem:s15+$0x0] =	vst v39;
	v45 =	vld.idx.msk [tilespmem:v38+s22+$0x0], $0xffff;
	v38 =	vor.u32 v4, v23;
	(pc) =	sbr.rel @p1 .LBB2_7-.Ltmp2, $4  }
0x242: {  	v18 =	vmov v23;
	v41 =	vor.u32 v4, v16;
	v48 =	vld.idx.msk [tilespmem:v46+s22+$0x0], $0xffff;
	v46 =	vadd.f32 v54, v19;
	[tilespmem:s5+$0x20] =	vst v47  }
0x243: {  	v39 =	vor.u32 v2, v20;
	v23 =	vmov v42;
	v51 =	vadd.f32 v31, v17;
	v47 =	vld.idx.msk [tilespmem:v50+s22+$0x0], $0xffff;
	[tilespmem:s21+$0xFFFFFF50] =	vst v49  }
0x244: {  	v50 =	vadd.f32 v55, v56;
	v31 =	vadd.f32 v57, v11;
	v11 =	vmov v26;
	[tilespmem:s15+$0x80] =	vst v46;
	v46 =	vld.idx.msk [tilespmem:v53+s22+$0x0], $0xffff  }
0x245: {  	s18 =	smov.u32 s17;
	v26 =	vmov v56;
	v49 =	vadd.f32 v52, v8;
	v42 =	vld.idx.msk [tilespmem:v43+s22+$0x0], $0xffff;
	v43 =	vor.u32 v2, v22;
	[tilespmem:s5+$0xFFFFFF30] =	vst v51  }
0x246: {  	_ =	sdelay $0x2  }
0x247: {  	v36 =	vadd.f32 v36, v28;
	[tilespmem:s15+$0xFFFFFF80] =	vst v50  }
0x248: {  	v52 =	vor.u32 v2, v23;
	v34 =	vld.idx.msk [tilespmem:v34+s22+$0x0], $0xffff  }
0x249: {  	[tilespmem:s15+$0xFFFFFF00] =	vst v36  }
0x24a: {  	v48 =	vadd.f32 v48, v24;
	v36 =	vld.idx.msk [tilespmem:v37+s22+$0x0], $0xffff  }
0x24b: {  	[tilespmem:s21+$0xFFFFFFF0] =	vst v31  }
0x24c: {  	[tilespmem:s15+$0x10] =	vst v48;
	v42 =	vadd.f32 v42, v19  }
0x24d: {  	v53 =	vor.u32 v2, v21;
	[tilespmem:s5+$0xB0] =	vst v49;
	v55 =	vld.idx.msk [tilespmem:v52+s22+$0x0], $0xffff;
	v34 =	vadd.f32 v34, v26  }
0x24e: {  	v44 =	vld.idx.msk [tilespmem:v44+s22+$0x0], $0xffff;
	v56 =	vadd.f32 v45, v11;
	[tilespmem:s15+$0x90] =	vst v42  }
0x24f: {  	v57 =	vld.idx.msk [tilespmem:v43+s22+$0x0], $0xffff;
	[tilespmem:s15+$0xFFFFFF90] =	vst v34;
	v54 =	vadd.f32 v36, v28  }
0x250: {  	v61 =	vor.u32 v3, v23;
	v58 =	vadd.f32 v47, v15;
	[tilespmem:s5+$0xFFFFFFC0] =	vst v56;
	v39 =	vld.idx.msk [tilespmem:v39+s22+$0x0], $0xffff  }
0x251: {  	v40 =	vld.idx.msk [tilespmem:v40+s22+$0x0], $0xffff;
	v59 =	vadd.f32 v46, v9;
	[tilespmem:s15+$0xFFFFFF10] =	vst v54  }
0x252: {  	v63 =	vor.u32 v3, v22;
	[tilespmem:s5+$0x30] =	vst v58;
	v47 =	vadd.f32 v55, v24;
	v60 =	vld.idx.msk [tilespmem:v53+s22+$0x0], $0xffff  }
0x253: {  	v41 =	vld.idx.msk [tilespmem:v41+s22+$0x0], $0xffff;
	v48 =	vor.u32 v3, v20;
	v62 =	vadd.f32 v44, v12;
	[tilespmem:s21+$0xFFFFFF60] =	vst v59  }
0x254: {  	v25 =	vld.idx.msk [tilespmem:v25+s22+$0x0], $0xffff;
	v37 =	vadd.f32 v57, v19;
	[tilespmem:s6+$0x20] =	vst v47  }
0x255: {  	v49 =	vor.u32 v3, v21;
	[tilespmem:s21+$0x60] =	vst v62;
	v51 =	vld.idx.msk [tilespmem:v61+s22+$0x0], $0xffff;
	v39 =	vadd.f32 v39, v26  }
0x256: {  	v40 =	vadd.f32 v40, v13;
	v35 =	vld.idx.msk [tilespmem:v35+s22+$0x0], $0xffff;
	[tilespmem:s6+$0xA0] =	vst v37  }
0x257: {  	v53 =	vor.u32 v4, v14;
	v52 =	vld.idx.msk [tilespmem:v63+s22+$0x0], $0xffff;
	v50 =	vadd.f32 v60, v28;
	[tilespmem:s6+$0xFFFFFFA0] =	vst v39  }
0x258: {  	v41 =	vadd.f32 v41, v8;
	[tilespmem:s21+$0xE0] =	vst v40;
	v54 =	vor.u32 v4, v23;
	v36 =	vld.idx.msk [tilespmem:v48+s22+$0x0], $0xffff  }
0x259: {  	v25 =	vadd.f32 v25, v11;
	v33 =	vld.idx.msk [tilespmem:v33+s22+$0x0], $0xffff;
	[tilespmem:s6+$0xFFFFFF20] =	vst v50  }
0x25a: {  	[tilespmem:s5+$0xC0] =	vst v41;
	v55 =	vor.u32 v4, v22;
	v37 =	vadd.f32 v51, v24;
	v34 =	vld.idx.msk [tilespmem:v49+s22+$0x0], $0xffff  }
0x25b: {  	v38 =	vld.idx.msk [tilespmem:v38+s22+$0x0], $0xffff;
	[tilespmem:s5+$0xFFFFFFD0] =	vst v25;
	v25 =	vor.u32 v4, v20;
	v12 =	vadd.f32 v35, v12  }
0x25c: {  	v59 =	vor.u32 v5, v16;
	v58 =	vld.idx.msk [tilespmem:v53+s22+$0x0], $0xffff;
	v56 =	vadd.f32 v52, v19;
	[tilespmem:s6+$0x30] =	vst v37  }
0x25d: {  	v57 =	vor.u32 v4, v21;
	[tilespmem:s21+$0x70] =	vst v12;
	v60 =	vld.idx.msk [tilespmem:v54+s22+$0x0], $0xffff;
	v36 =	vadd.f32 v36, v26  }
0x25e: {  	v13 =	vadd.f32 v33, v13;
	[tilespmem:s6+$0xB0] =	vst v56  }
0x25f: {  	v61 =	vld.idx.msk [tilespmem:v55+s22+$0x0], $0xffff;
	v34 =	vadd.f32 v34, v28;
	[tilespmem:s6+$0xFFFFFFB0] =	vst v36  }
0x260: {  	v62 =	vor.u32 v5, v14;
	v38 =	vadd.f32 v38, v15;
	[tilespmem:s21+$0xF0] =	vst v13;
	v25 =	vld.idx.msk [tilespmem:v25+s22+$0x0], $0xffff  }
0x261: {  	v12 =	vor.u32 v5, v23;
	v37 =	vld.idx.msk [tilespmem:v59+s22+$0x0], $0xffff;
	v13 =	vadd.f32 v58, v17;
	[tilespmem:s6+$0xFFFFFF30] =	vst v34  }
0x262: {  	[tilespmem:s5+$0x40] =	vst v38;
	v63 =	vor.u32 v5, v22;
	v31 =	vadd.f32 v60, v24;
	v34 =	vld.idx.msk [tilespmem:v57+s22+$0x0], $0xffff  }
0x263: {  	v32 =	vld.idx.msk [tilespmem:v32+s22+$0x0], $0xffff;
	[tilespmem:s5+$0xFFFFFF40] =	vst v13  }
0x264: {  	v29 =	vld.idx.msk [tilespmem:v29+s22+$0x0], $0xffff;
	v13 =	vadd.f32 v61, v19;
	[tilespmem:s6+$0x40] =	vst v31;
	v31 =	vor.u32 v6, v16  }
0x265: {  	v40 =	vor.u32 v5, v21;
	v33 =	vld.idx.msk [tilespmem:v62+s22+$0x0], $0xffff;
	v25 =	vadd.f32 v25, v26  }
0x266: {  	v41 =	vor.u32 v6, v18;
	v42 =	vadd.f32 v37, v8;
	v12 =	vld.idx.msk [tilespmem:v12+s22+$0x0], $0xffff;
	[tilespmem:s6+$0xC0] =	vst v13  }
0x267: {  	v13 =	vadd.f32 v34, v28;
	[tilespmem:s6+$0xFFFFFFC0] =	vst v25;
	v25 =	vld.idx.msk [tilespmem:v63+s22+$0x0], $0xffff  }
0x268: {  	v43 =	vor.u32 v6, v14;
	v32 =	vadd.f32 v32, v15;
	[tilespmem:s5+$0xD0] =	vst v42;
	v27 =	vld.idx.msk [tilespmem:v27+s22+$0x0], $0xffff  }
0x269: {  	v9 =	vadd.f32 v29, v9;
	v29 =	vor.u32 v6, v23;
	v31 =	vld.idx.msk [tilespmem:v31+s22+$0x0], $0xffff;
	[tilespmem:s6+$0xFFFFFF40] =	vst v13  }
0x26a: {  	[tilespmem:s5+$0x50] =	vst v32;
	v44 =	vadd.f32 v33, v17;
	v13 =	vld.idx.msk [tilespmem:v40+s22+$0x0], $0xffff  }
0x26b: {  	v46 =	vor.u32 v6, v22;
	[tilespmem:s21+$0xFFFFFF70] =	vst v9;
	v45 =	vld.idx.msk [tilespmem:v41+s22+$0x0], $0xffff;
	v12 =	vadd.f32 v12, v24  }
0x26c: {  	v30 =	vld.idx.msk [tilespmem:v30+s22+$0x0], $0xffff;
	v9 =	vor.u32 v6, v20;
	[tilespmem:s5+$0xFFFFFF50] =	vst v44;
	v25 =	vadd.f32 v25, v19  }
0x26d: {  	v47 =	vor.u32 v6, v21;
	v48 =	vld.idx.msk [tilespmem:v43+s22+$0x0], $0xffff;
	[tilespmem:s6+$0x50] =	vst v12;
	v27 =	vadd.f32 v27, v26  }
0x26e: {  	v12 =	vor.u32 v7, v16;
	v16 =	vld.idx.msk [tilespmem:v29+s22+$0x0], $0xffff;
	v29 =	vadd.f32 v31, v8;
	[tilespmem:s6+$0xD0] =	vst v25  }
0x26f: {  	v18 =	vor.u32 v7, v18;
	v13 =	vadd.f32 v13, v28;
	[tilespmem:s6+$0xFFFFFFD0] =	vst v27  }
0x270: {  	v10 =	vor.u32 v7, v10;
	v25 =	vadd.f32 v45, v15;
	v27 =	vld.idx.msk [tilespmem:v46+s22+$0x0], $0xffff;
	[tilespmem:s5+$0xE0] =	vst v29  }
0x271: {  	v14 =	vor.u32 v7, v14;
	v9 =	vld.idx.msk [tilespmem:v9+s22+$0x0], $0xffff;
	[tilespmem:s6+$0xFFFFFF50] =	vst v13  }
0x272: {  	v23 =	vor.u32 v7, v23;
	[tilespmem:s5+$0x60] =	vst v25;
	v13 =	vadd.f32 v30, v11;
	v25 =	vld.idx.msk [tilespmem:v47+s22+$0x0], $0xffff  }
0x273: {  	v22 =	vor.u32 v7, v22;
	v12 =	vld.idx.msk [tilespmem:v12+s22+$0x0], $0xffff;
	v30 =	vadd.f32 v48, v17  }
0x274: {  	v18 =	vld.idx.msk [tilespmem:v18+s22+$0x0], $0xffff;
	v16 =	vadd.f32 v16, v24;
	[tilespmem:s5+$0xFFFFFFE0] =	vst v13;
	v13 =	vor.u32 v7, v20  }
0x275: {  	[tilespmem:s5+$0xFFFFFF60] =	vst v30;
	v20 =	vor.u32 v7, v21;
	v10 =	vld.idx.msk [tilespmem:v10+s22+$0x0], $0xffff;
	v21 =	vadd.f32 v27, v19  }
0x276: {  	[tilespmem:s6+$0x60] =	vst v16;
	v14 =	vld.idx.msk [tilespmem:v14+s22+$0x0], $0xffff;
	v9 =	vadd.f32 v9, v26  }
0x277: {  	v23 =	vld.idx.msk [tilespmem:v23+s22+$0x0], $0xffff;
	[tilespmem:s6+$0xE0] =	vst v21;
	v16 =	vadd.f32 v25, v28  }
0x278: {  	v8 =	vadd.f32 v12, v8;
	[tilespmem:s6+$0xFFFFFFE0] =	vst v9;
	v9 =	vld.idx.msk [tilespmem:v22+s22+$0x0], $0xffff  }
0x279: {  	v15 =	vadd.f32 v18, v15;
	v12 =	vld.idx.msk [tilespmem:v13+s22+$0x0], $0xffff;
	[tilespmem:s6+$0xFFFFFF60] =	vst v16  }
0x27a: {  	[tilespmem:s5+$0xF0] =	vst v8;
	v10 =	vadd.f32 v10, v11;
	v11 =	vld.idx.msk [tilespmem:v20+s22+$0x0], $0xffff  }
0x27b: {  	[tilespmem:s5+$0x70] =	vst v15;
	v8 =	vadd.f32 v14, v17  }
0x27c: {  	[tilespmem:s5+$0xFFFFFFF0] =	vst v10;
	v10 =	vadd.f32 v23, v24  }
0x27d: {  	[tilespmem:s5+$0xFFFFFF70] =	vst v8;
	v8 =	vadd.f32 v9, v19  }
0x27e: {  	s0 =	sshll.u32 s0, $0x12;
	v9 =	vadd.f32 v12, v26;
	[tilespmem:s6+$0x70] =	vst v10  }
0x27f: {  	s0 =	sor.u32 s10, s0;
	[tilespmem:s6+$0xF0] =	vst v8;
	v8 =	vadd.f32 v11, v28  }
0x280: {  	s9 =	smov.u32 s10;
	s0 =	sshrl.u32 s0, $0x3;
	[tilespmem:s6+$0xFFFFFFF0] =	vst v9  }
0x281: {  	s26 =	smov.u32 s11;
	s10 =	simm.s32 $0x16400;
	s2 =	sadd.s32 s31, s0;
	[tilespmem:s6+$0xFFFFFF70] =	vst v8  }
0x282: {  	[hbm4b:s2+s3] =	stream.linear.scatter [tilespmem:s10], [sflag:$0x2], $0x400, $0x38;
	[tilespmem:$0x1D600] =	vst v63  }
0x283: {  	s11 =	sadd.s32 s0, s11;
	s15 =	simm.s32 $0x16800;
	s17 =	rddreg [dreg:$0x5]  }
0x284: {  	[hbm4b:s11+s3] =	stream.linear.scatter [tilespmem:s15], [sflag:$0x2], $0x400, $0x38;
	[tilespmem:$0x1D600] =	vst v63  }
0x285: {  	s18 =	simm.s32 $0x16C00;
	s21 =	rddreg [dreg:$0x6];
	s2 =	sadd.s32 s0, s17  }
0x286: {  	[hbm4b:s2+s3] =	stream.linear.scatter [tilespmem:s18], [sflag:$0x2], $0x400, $0x38;
	[tilespmem:$0x1D600] =	vst v63  }
0x287: {  	s25 =	simm.s32 $0x17000;
	s5 =	rddreg [dreg:$0x7];
	s2 =	sadd.s32 s0, s21  }
0x288: {  	[hbm4b:s2+s3] =	stream.linear.scatter [tilespmem:s25], [sflag:$0x2], $0x400, $0x38;
	[tilespmem:$0x1D600] =	vst v63  }
0x289: {  	s6 =	simm.s32 $0x17400;
	s2 =	sadd.s32 s0, s5  }
0x28a: {  	[hbm4b:s2+s3] =	stream.linear.scatter [tilespmem:s6], [sflag:$0x2], $0x400, $0x38;
	[tilespmem:$0x1D600] =	vst v63  }
0x28b: {  	s8 =	simm.s32 $0x17800;
	s7 =	sadd.s32 s0, s12  }
0x28c: {  	[hbm4b:s7+s3] =	stream.linear.scatter [tilespmem:s8], [sflag:$0x2], $0x400, $0x38;
	[tilespmem:$0x1D600] =	vst v63  }
0x28d: {  	s10 =	sadd.s32 s0, s13;
	s11 =	simm.s32 $0x17C00  }
0x28e: {  	[hbm4b:s10+s3] =	stream.linear.scatter [tilespmem:s11], [sflag:$0x2], $0x400, $0x38;
	[tilespmem:$0x1D600] =	vst v63  }
0x28f: {  	s15 =	simm.s32 $0x18000;
	s0 =	sadd.s32 s0, s14  }
0x290: {  	[hbm4b:s0+s3] =	stream.linear.scatter [tilespmem:s15], [sflag:$0x2], $0x400, $0x38;
	[tilespmem:$0x1D600] =	vst v63  }
0x291: {  	_ =	swait.ge [sflag:s23], $0x4000  }
0x292: {  	s2 =	simm.s32 @!p0 $0xE400;
	[sflag:s23] =	ssyncset.done $0x0  }
0x293: {  	s0 =	sadd.s32 @!p0 $0x300, s1;
	s1 =	simm.s32 @!p0 $0x80;
	[sflag:s23] =	ssyncadd.s32 $0xFFFFC000  }
0x294: {  	[tilespmem:s2], [sflag:$0x1] =	stream.indirect.gather @!p0 [hbm4b:s4+s1], $0x80, s0, s1, $0xb8;
	[tilespmem:$0x1D600] =	vst v63  }
0x295: {  	_ =	swait.ge [sflag:s28], $0x400  }
0x296: {  	[sflag:s28] =	ssyncset.done $0x0  }
0x297: {  	[sflag:s28] =	ssyncadd.s32 $0xFFFFFC00  }
0x298: {  	_ =	swait.ge [sflag:s28], $0x400  }
0x299: {  	[sflag:s28] =	ssyncset.done $0x0  }
0x29a: {  	[sflag:s28] =	ssyncadd.s32 $0xFFFFFC00  }
0x29b: {  	_ =	swait.ge [sflag:s28], $0x400  }
0x29c: {  	[sflag:s28] =	ssyncset.done $0x0  }
0x29d: {  	[sflag:s28] =	ssyncadd.s32 $0xFFFFFC00  }
0x29e: {  	_ =	swait.ge [sflag:s28], $0x400  }
0x29f: {  	[sflag:s28] =	ssyncset.done $0x0  }
0x2a0: {  	[sflag:s28] =	ssyncadd.s32 $0xFFFFFC00  }
0x2a1: {  	_ =	swait.ge [sflag:s28], $0x400  }
0x2a2: {  	s17 =	simm.s32 $0x1;
	[sflag:s28] =	ssyncset.done $0x0  }
0x2a3: {  	v8 =	vmov s17;
	[sflag:s28] =	ssyncadd.s32 $0xFFFFFC00  }
0x2a4: {  	v8 =	vand.u32 $0x7D, v8;
	s18 =	sadd.s32 $0x0, s29;
	_ =	swait.ge [sflag:s28], $0x400  }
0x2a5: {  	v26 =	vbroadcast v8, $0x0;
	s21 =	sadd.s32 $0xC1, s18;
	s25 =	sadd.s32 $0xC2, s18;
	[sflag:s28] =	ssyncset.done $0x0  }
0x2a6: {  	v8 =	vmov s21;
	v9 =	vmov s25;
	s2 =	simm.s32 $0x2;
	[sflag:s28] =	ssyncadd.s32 $0xFFFFFC00  }
0x2a7: {  	v11 =	vor.u32 v0, v26;
	v9 =	vand.u32 $0xFFFFFFFE, v9;
	v10 =	vmov s2;
	_ =	swait.ge [sflag:s28], $0x400  }
0x2a8: {  	s5 =	simm.s32 $0x3;
	v8 =	vand.u32 $0xFFFFFFFD, v8;
	v9 =	vbroadcast v9, $0x0;
	v10 =	vand.u32 $0x7E, v10;
	[sflag:s28] =	ssyncset.done $0x0  }
0x2a9: {  	v12 =	vmov s5;
	v8 =	vbroadcast v8, $0x0;
	v28 =	vbroadcast v10, $0x0;
	[sflag:s28] =	ssyncadd.s32 $0xFFFFFC00  }
0x2aa: {  	s6 =	simm.s32 $0x0;
	v10 =	vand.u32 $0x7F, v12;
	_ =	swait.ge [sflag:s28], $0x400  }
0x2ab: {  	s7 =	sadd.s32 $0xC3, s18;
	v12 =	vmov s6;
	v30 =	vbroadcast v10, $0x0;
	v10 =	vor.u32 v0, v28;
	[sflag:s28] =	ssyncset.done $0x0  }
0x2ac: {  	v13 =	vmov s7;
	s1 =	sadd.s32 $0xC0, s18;
	v12 =	vand.u32 $0x7C, v12;
	[sflag:s28] =	ssyncadd.s32 $0xFFFFFC00  }
0x2ad: {  	v14 =	vmov s1;
	v32 =	vbroadcast v12, $0x0;
	v15 =	vor.u32 v0, v30;
	v11 =	vld.idx.msk [tilespmem:v11+s24+$0x0], $0xffff  }
0x2ae: {  	v14 =	vand.u32 $0xFFFFFFFC, v14;
	v12 =	vld.idx.msk [tilespmem:v9+s16+$0x0], $0xffff  }
0x2af: {  	v9 =	vbroadcast v14, $0x0;
	v14 =	vor.u32 v0, v32;
	v31 =	vld.idx.msk [tilespmem:v8+s16+$0x0], $0xffff  }
0x2b0: {  	v8 =	vld.idx.msk [tilespmem:v10+s24+$0x0], $0xffff  }
0x2b1: {  	v13 =	vld.idx.msk [tilespmem:v13+s16+$0x0], $0xffff  }
0x2b2: {  	v10 =	vor.u32 v1, v26;
	v15 =	vld.idx.msk [tilespmem:v15+s24+$0x0], $0xffff;
	_ =	sdelay $0x1  }
0x2b3: {  	v16 =	vor.u32 v1, v28;
	v14 =	vld.idx.msk [tilespmem:v14+s24+$0x0], $0xffff;
	v11 =	vadd.f32 v11, v31  }
0x2b4: {  	s0 =	simm.s32 $0x185F0;
	v17 =	vor.u32 v1, v30;
	v8 =	vadd.f32 v8, v12;
	v9 =	vld.idx.msk [tilespmem:v9+s16+$0x0], $0xffff  }
0x2b5: {  	[tilespmem:s0+$0xFFFFFE90] =	vst v11  }
0x2b6: {  	[tilespmem:s0+$0xFFFFFF10] =	vst v8;
	v8 =	vadd.f32 v15, v13;
	v10 =	vld.idx.msk [tilespmem:v10+s24+$0x0], $0xffff  }
0x2b7: {  	v11 =	vor.u32 v1, v32  }
0x2b8: {  	s8 =	simm.s32 $0x4;
	v15 =	vld.idx.msk [tilespmem:v16+s24+$0x0], $0xffff;
	[tilespmem:s0+$0xFFFFFF90] =	vst v8  }
0x2b9: {  	s21 =	simm.s32 $0x6;
	v19 =	vmov s8;
	s11 =	simm.s32 $0x5;
	v8 =	vor.u32 v2, v26;
	v16 =	vld.idx.msk [tilespmem:v17+s24+$0x0], $0xffff;
	v14 =	vadd.f32 v14, v9  }
0x2ba: {  	v23 =	vmov s21;
	s10 =	sadd.s32 $0x4, s29;
	v19 =	vand.u32 $0x7C, v19;
	v20 =	vmov s11  }
0x2bb: {  	s17 =	sadd.s32 $0xC2, s10;
	s15 =	sadd.s32 $0xC3, s10;
	v20 =	vand.u32 $0x7D, v20;
	v18 =	vor.u32 v2, v28;
	[tilespmem:s0+$0xFFFFFE10] =	vst v14;
	v14 =	vadd.f32 v10, v31  }
0x2bc: {  	v21 =	vmov s15;
	v10 =	vbroadcast v20, $0x0;
	v20 =	vmov s17;
	v11 =	vld.idx.msk [tilespmem:v11+s24+$0x0], $0xffff  }
0x2bd: {  	s25 =	simm.s32 $0x7;
	v17 =	vor.u32 v2, v30;
	v15 =	vadd.f32 v15, v12;
	v20 =	vand.u32 $0xFFFFFFFE, v20;
	[tilespmem:s0+$0xFFFFFEA0] =	vst v14  }
0x2be: {  	v14 =	vmov s25;
	v24 =	vor.u32 v0, v10;
	v16 =	vadd.f32 v16, v13;
	v25 =	vld.idx.msk [tilespmem:v8+s24+$0x0], $0xffff  }
0x2bf: {  	s18 =	sadd.s32 $0xC1, s10;
	[tilespmem:s0+$0xFFFFFF20] =	vst v15;
	v15 =	vor.u32 v2, v32;
	v20 =	vbroadcast v20, $0x0;
	v8 =	vand.u32 $0x7E, v23  }
0x2c0: {  	v22 =	vmov s18;
	v23 =	vand.u32 $0x7F, v14;
	v27 =	vld.idx.msk [tilespmem:v18+s24+$0x0], $0xffff;
	v18 =	vbroadcast v8, $0x0  }
0x2c1: {  	v14 =	vbroadcast v19, $0x0;
	v19 =	vor.u32 v3, v26;
	v8 =	vld.idx.msk [tilespmem:v21+s16+$0x0], $0xffff;
	[tilespmem:s0+$0xFFFFFFA0] =	vst v16;
	v11 =	vadd.f32 v11, v9  }
0x2c2: {  	v21 =	vand.u32 $0xFFFFFFFD, v22;
	v16 =	vbroadcast v23, $0x0;
	v17 =	vld.idx.msk [tilespmem:v17+s24+$0x0], $0xffff;
	v22 =	vor.u32 v0, v18  }
0x2c3: {  	v23 =	vor.u32 v0, v14;
	v21 =	vbroadcast v21, $0x0;
	v24 =	vld.idx.msk [tilespmem:v24+s24+$0x0], $0xffff;
	[tilespmem:s0+$0xFFFFFE20] =	vst v11;
	v11 =	vadd.f32 v25, v31  }
0x2c4: {  	s6 =	sadd.s32 $0xC0, s10;
	v29 =	vld.idx.msk [tilespmem:v15+s24+$0x0], $0xffff  }
0x2c5: {  	v49 =	vor.u32 v0, v16;
	v25 =	vmov s6;
	v15 =	vld.idx.msk [tilespmem:v20+s16+$0x0], $0xffff;
	[tilespmem:s0+$0xFFFFFEB0] =	vst v11  }
0x2c6: {  	v20 =	vor.u32 v3, v30;
	v11 =	vand.u32 $0xFFFFFFFC, v25;
	v19 =	vld.idx.msk [tilespmem:v19+s24+$0x0], $0xffff  }
0x2c7: {  	v51 =	vor.u32 v3, v28;
	v50 =	vbroadcast v11, $0x0;
	v22 =	vld.idx.msk [tilespmem:v22+s24+$0x0], $0xffff  }
0x2c8: {  	v17 =	vadd.f32 v17, v13;
	v23 =	vld.idx.msk [tilespmem:v23+s24+$0x0], $0xffff  }
0x2c9: {  	v27 =	vadd.f32 v27, v12;
	v11 =	vld.idx.msk [tilespmem:v21+s16+$0x0], $0xffff;
	v21 =	vor.u32 v4, v26  }
0x2ca: {  	v53 =	vor.u32 v1, v18;
	v33 =	vld.idx.msk [tilespmem:v49+s24+$0x0], $0xffff;
	[tilespmem:s0+$0xFFFFFFB0] =	vst v17  }
0x2cb: {  	v54 =	vor.u32 v3, v32;
	[tilespmem:s0+$0xFFFFFF30] =	vst v27;
	v20 =	vld.idx.msk [tilespmem:v20+s24+$0x0], $0xffff;
	v19 =	vadd.f32 v19, v31  }
0x2cc: {  	v52 =	vor.u32 v5, v26;
	v27 =	vor.u32 v1, v10;
	v35 =	vld.idx.msk [tilespmem:v51+s24+$0x0], $0xffff;
	v22 =	vadd.f32 v22, v15  }
0x2cd: {  	s1 =	simm.s32 $0x187F0;
	v55 =	vor.u32 v1, v16;
	v29 =	vadd.f32 v29, v9;
	v17 =	vld.idx.msk [tilespmem:v50+s16+$0x0], $0xffff;
	[tilespmem:s0+$0xFFFFFEC0] =	vst v19  }
0x2ce: {  	[tilespmem:s1+$0xFFFFFF10] =	vst v22;
	v22 =	vadd.f32 v24, v11;
	v19 =	vld.idx.msk [tilespmem:v21+s24+$0x0], $0xffff;
	v21 =	vor.u32 v4, v30  }
0x2cf: {  	[tilespmem:s0+$0xFFFFFE30] =	vst v29;
	v33 =	vadd.f32 v33, v8;
	v24 =	vor.u32 v4, v28;
	v29 =	vld.idx.msk [tilespmem:v53+s24+$0x0], $0xffff  }
0x2d0: {  	s7 =	sadd.s32 $0x8, s29;
	s8 =	simm.s32 $0x9;
	v56 =	vor.u32 v1, v14;
	v57 =	vld.idx.msk [tilespmem:v54+s24+$0x0], $0xffff;
	v20 =	vadd.f32 v20, v13;
	[tilespmem:s1+$0xFFFFFE90] =	vst v22  }
0x2d1: {  	v37 =	vor.u32 v6, v26;
	v60 =	vmov s8;
	s15 =	sadd.s32 $0xC2, s7;
	[tilespmem:s1+$0xFFFFFF90] =	vst v33;
	v22 =	vld.idx.msk [tilespmem:v27+s24+$0x0], $0xffff;
	v27 =	vadd.f32 v35, v12  }
0x2d2: {  	v48 =	vmov s15;
	s10 =	sadd.s32 $0xC3, s7;
	v59 =	vor.u32 v2, v18;
	v33 =	vld.idx.msk [tilespmem:v55+s24+$0x0], $0xffff;
	[tilespmem:s0+$0xFFFFFFC0] =	vst v20;
	v23 =	vadd.f32 v23, v17  }
0x2d3: {  	v40 =	vand.u32 $0xFFFFFFFE, v48;
	v61 =	vmov s10;
	[tilespmem:s0+$0xFFFFFF40] =	vst v27;
	v19 =	vadd.f32 v19, v31;
	v62 =	vld.idx.msk [tilespmem:v21+s24+$0x0], $0xffff  }
0x2d4: {  	v51 =	vor.u32 v4, v32;
	v20 =	vand.u32 $0x7D, v60;
	v27 =	vadd.f32 v29, v15;
	[tilespmem:s1+$0xFFFFFE10] =	vst v23;
	v23 =	vld.idx.msk [tilespmem:v24+s24+$0x0], $0xffff  }
0x2d5: {  	v58 =	vor.u32 v5, v28;
	v20 =	vbroadcast v20, $0x0;
	v21 =	vor.u32 v2, v10;
	v63 =	vld.idx.msk [tilespmem:v56+s24+$0x0], $0xffff;
	[tilespmem:s0+$0xFFFFFED0] =	vst v19  }
0x2d6: {  	s11 =	simm.s32 $0x8;
	v40 =	vbroadcast v40, $0x0;
	v24 =	vadd.f32 v57, v9;
	v29 =	vor.u32 v2, v16;
	[tilespmem:s1+$0xFFFFFF20] =	vst v27;
	v36 =	vld.idx.msk [tilespmem:v52+s24+$0x0], $0xffff  }
0x2d7: {  	v19 =	vmov s11;
	v27 =	vor.u32 v0, v20;
	v22 =	vadd.f32 v22, v11;
	v35 =	vld.idx.msk [tilespmem:v59+s24+$0x0], $0xffff  }
0x2d8: {  	s17 =	simm.s32 $0xB;
	v25 =	vor.u32 v5, v10;
	v33 =	vadd.f32 v33, v8;
	[tilespmem:s0+$0xFFFFFE40] =	vst v24;
	v49 =	vand.u32 $0x7C, v19;
	v19 =	vld.idx.msk [tilespmem:v61+s16+$0x0], $0xffff  }
0x2d9: {  	s18 =	simm.s32 $0xA;
	v50 =	vmov s17;
	v53 =	vor.u32 v2, v14;
	v56 =	vor.u32 v5, v30;
	v39 =	vld.idx.msk [tilespmem:v51+s24+$0x0], $0xffff;
	[tilespmem:s1+$0xFFFFFEA0] =	vst v22  }
0x2da: {  	v54 =	vmov s18;
	[tilespmem:s1+$0xFFFFFFA0] =	vst v33;
	v59 =	vor.u32 v3, v10;
	v52 =	vld.idx.msk [tilespmem:v21+s24+$0x0], $0xffff;
	v23 =	vadd.f32 v23, v12  }
0x2db: {  	v22 =	vand.u32 $0x7F, v50;
	v21 =	vbroadcast v49, $0x0;
	v29 =	vld.idx.msk [tilespmem:v29+s24+$0x0], $0xffff;
	v41 =	vadd.f32 v62, v13  }
0x2dc: {  	v22 =	vbroadcast v22, $0x0;
	v34 =	vadd.f32 v63, v17;
	v63 =	vor.u32 v5, v32;
	v46 =	vld.idx.msk [tilespmem:v27+s24+$0x0], $0xffff;
	[tilespmem:s0+$0xFFFFFF50] =	vst v23  }
0x2dd: {  	v55 =	vand.u32 $0x7E, v54;
	v57 =	vor.u32 v0, v21;
	[tilespmem:s0+$0xFFFFFFD0] =	vst v41;
	v24 =	vadd.f32 v36, v31;
	v38 =	vld.idx.msk [tilespmem:v58+s24+$0x0], $0xffff  }
0x2de: {  	s21 =	sadd.s32 $0xC1, s7;
	v27 =	vor.u32 v5, v20;
	v23 =	vbroadcast v55, $0x0;
	v42 =	vor.u32 v0, v22;
	[tilespmem:s1+$0xFFFFFE20] =	vst v34;
	v44 =	vld.idx.msk [tilespmem:v56+s24+$0x0], $0xffff  }
0x2df: {  	v49 =	vor.u32 v1, v22;
	v55 =	vor.u32 v3, v18;
	v58 =	vmov s21;
	v33 =	vld.idx.msk [tilespmem:v53+s24+$0x0], $0xffff;
	[tilespmem:s0+$0xFFFFFEE0] =	vst v24  }
0x2e0: {  	v41 =	vadd.f32 v35, v15;
	v60 =	vor.u32 v0, v23;
	v24 =	vand.u32 $0xFFFFFFFD, v58;
	v47 =	vld.idx.msk [tilespmem:v37+s24+$0x0], $0xffff  }
0x2e1: {  	v34 =	vor.u32 v1, v20;
	v61 =	vadd.f32 v52, v11;
	v62 =	vbroadcast v24, $0x0;
	v24 =	vld.idx.msk [tilespmem:v40+s16+$0x0], $0xffff  }
0x2e2: {  	s25 =	sadd.s32 $0xC0, s7;
	v39 =	vadd.f32 v39, v9;
	v35 =	vor.u32 v7, v28;
	v43 =	vadd.f32 v29, v8;
	v36 =	vld.idx.msk [tilespmem:v57+s24+$0x0], $0xffff  }
0x2e3: {  	v51 =	vmov s25;
	v29 =	vor.u32 v7, v32;
	v52 =	vor.u32 v3, v16;
	[tilespmem:s1+$0xFFFFFEB0] =	vst v61;
	v54 =	vld.idx.msk [tilespmem:v42+s24+$0x0], $0xffff  }
0x2e4: {  	[tilespmem:s0+$0xFFFFFE50] =	vst v39;
	v57 =	vor.u32 v3, v14;
	v58 =	vld.idx.msk [tilespmem:v59+s24+$0x0], $0xffff;
	v59 =	vor.u32 v7, v26;
	v26 =	vand.u32 $0xFFFFFFFC, v51  }
0x2e5: {  	[tilespmem:s1+$0xFFFFFF30] =	vst v41;
	v39 =	vor.u32 v2, v20;
	v56 =	vadd.f32 v38, v12;
	v51 =	vld.idx.msk [tilespmem:v60+s24+$0x0], $0xffff;
	v53 =	vbroadcast v26, $0x0  }
0x2e6: {  	[tilespmem:s1+$0xFFFFFFB0] =	vst v43;
	v43 =	vld.idx.msk [tilespmem:v63+s24+$0x0], $0xffff;
	v42 =	vor.u32 v6, v30;
	v60 =	vadd.f32 v33, v17  }
0x2e7: {  	[tilespmem:s0+$0xFFFFFF60] =	vst v56;
	v61 =	vadd.f32 v47, v31;
	v26 =	vld.idx.msk [tilespmem:v62+s16+$0x0], $0xffff;
	v62 =	vor.u32 v4, v10  }
0x2e8: {  	v44 =	vadd.f32 v44, v13;
	v47 =	vor.u32 v1, v23;
	[tilespmem:s1+$0xFFFFFE30] =	vst v60;
	v60 =	vld.idx.msk [tilespmem:v52+s24+$0x0], $0xffff  }
0x2e9: {  	v33 =	vor.u32 v7, v30;
	v63 =	vld.idx.msk [tilespmem:v57+s24+$0x0], $0xffff;
	[tilespmem:s0+$0xFFFFFEF0] =	vst v61;
	v30 =	vadd.f32 v58, v11  }
0x2ea: {  	[tilespmem:s0+$0xFFFFFFE0] =	vst v44;
	v61 =	vor.u32 v6, v32;
	v56 =	vld.idx.msk [tilespmem:v59+s24+$0x0], $0xffff;
	v59 =	vadd.f32 v51, v24  }
0x2eb: {  	s6 =	simm.s32 $0x189F0;
	v37 =	vor.u32 v1, v21;
	v44 =	vor.u32 v6, v28;
	v28 =	vld.idx.msk [tilespmem:v53+s16+$0x0], $0xffff;
	[tilespmem:s1+$0xFFFFFEC0] =	vst v30  }
0x2ec: {  	v40 =	vor.u32 v4, v16;
	v43 =	vadd.f32 v43, v9;
	[tilespmem:s6+$0xFFFFFF10] =	vst v59;
	v45 =	vld.idx.msk [tilespmem:v62+s24+$0x0], $0xffff  }
0x2ed: {  	v38 =	vor.u32 v4, v18;
	v32 =	vor.u32 v5, v18;
	v48 =	vld.idx.msk [tilespmem:v47+s24+$0x0], $0xffff;
	v62 =	vadd.f32 v54, v19  }
0x2ee: {  	[tilespmem:s0+$0xFFFFFE60] =	vst v43;
	v43 =	vor.u32 v2, v22;
	v63 =	vadd.f32 v63, v17;
	v47 =	vld.idx.msk [tilespmem:v55+s24+$0x0], $0xffff  }
0x2ef: {  	v30 =	vor.u32 v6, v10;
	v50 =	vadd.f32 v46, v26;
	v46 =	vld.idx.msk [tilespmem:v61+s24+$0x0], $0xffff;
	[tilespmem:s6+$0xFFFFFF90] =	vst v62  }
0x2f0: {  	s5 =	simm.s32 $0x189F0;
	s17 =	simm.s32 $0xC;
	v31 =	vadd.f32 v56, v31;
	[tilespmem:s1+$0xFFFFFE40] =	vst v63;
	v41 =	vld.idx.msk [tilespmem:v49+s24+$0x0], $0xffff;
	v49 =	vadd.f32 v60, v8  }
.LBB2_9:
0x2f1: {  	s2 =	sadd.s32 s17, s29  }
0x2f2: {  	s7 =	sadd.s32 $0x1, s17;
	v36 =	vadd.f32 v36, v28;
	[tilespmem:s6+$0xFFFFFE90] =	vst v50;
	v50 =	vor.u32 v2, v23;
	v44 =	vld.idx.msk [tilespmem:v44+s24+$0x0], $0xffff;
	s8 =	smov.u32 s17;
	s15 =	sadd.s32 $0x4, s17  }
0x2f3: {  	v45 =	vadd.f32 v45, v11;
	s18 =	sadd.s32 $0xC0, s2;
	v51 =	vmov s8;
	s21 =	sadd.s32 $0xC1, s2;
	v52 =	vmov s7;
	s7 =	sadd.s32 $0xC3, s2;
	[tilespmem:s1+$0xFFFFFFC0] =	vst v49;
	v49 =	vld.idx.msk [tilespmem:v42+s24+$0x0], $0xffff  }
0x2f4: {  	p0 =	slt.u32 s17, $0x3C;
	s2 =	sadd.s32 $0xC2, s2;
	v48 =	vadd.f32 v48, v24;
	v42 =	vand.u32 $0x7D, v52;
	v52 =	vmov s7;
	v34 =	vld.idx.msk [tilespmem:v34+s24+$0x0], $0xffff  }
0x2f5: {  	v53 =	vmov s18;
	v42 =	vbroadcast v42, $0x0;
	[tilespmem:s6+$0xFFFFFE10] =	vst v36;
	v36 =	vadd.f32 v47, v15;
	v47 =	vld.idx.msk [tilespmem:v40+s24+$0x0], $0xffff  }
0x2f6: {  	v54 =	vmov s2;
	s2 =	sadd.s32 $0x2, s8;
	v40 =	vmov s21;
	v37 =	vld.idx.msk [tilespmem:v37+s24+$0x0], $0xffff;
	[tilespmem:s1+$0xFFFFFED0] =	vst v45;
	v45 =	vadd.f32 v46, v9  }
0x2f7: {  	s7 =	sadd.s32 $0x3, s8;
	v54 =	vand.u32 $0xFFFFFFFE, v54;
	v46 =	vand.u32 $0x7C, v51;
	v51 =	vand.u32 $0xFFFFFFFD, v40;
	v55 =	vld.idx.msk [tilespmem:v25+s24+$0x0], $0xffff;
	[tilespmem:s1+$0xFFFFFF40] =	vst v36;
	v25 =	vmovc v27  }
0x2f8: {  	v36 =	vmov s2;
	v27 =	vmov s7;
	v40 =	vadd.f32 v44, v12;
	[tilespmem:s6+$0xFFFFFF20] =	vst v48;
	v38 =	vld.idx.msk [tilespmem:v38+s24+$0x0], $0xffff  }
0x2f9: {  	v44 =	vor.u32 v0, v42;
	v27 =	vand.u32 $0x7F, v27;
	v48 =	vld.idx.msk [tilespmem:v50+s24+$0x0], $0xffff;
	[tilespmem:s0+$0xFFFFFE70] =	vst v45;
	v45 =	vadd.f32 v49, v13  }
0x2fa: {  	v49 =	vand.u32 $0xFFFFFFFC, v53;
	v34 =	vadd.f32 v34, v26;
	v50 =	vld.idx.msk [tilespmem:v52+s16+$0x0], $0xffff;
	v52 =	vbroadcast v27, $0x0;
	[tilespmem:s0+$0xFFFFFF70] =	vst v40  }
0x2fb: {  	v40 =	vbroadcast v46, $0x0;
	v46 =	vadd.f32 v41, v19;
	v47 =	vadd.f32 v47, v8;
	v35 =	vld.idx.msk [tilespmem:v35+s24+$0x0], $0xffff;
	[tilespmem:s0+$0xFFFFFFF0] =	vst v45  }
0x2fc: {  	v36 =	vand.u32 $0x7E, v36;
	v27 =	vor.u32 v5, v42;
	v45 =	vor.u32 v0, v52;
	[tilespmem:s6+$0xFFFFFEA0] =	vst v34;
	v33 =	vld.idx.msk [tilespmem:v33+s24+$0x0], $0xffff  }
0x2fd: {  	v41 =	vbroadcast v36, $0x0;
	v34 =	vadd.f32 v55, v11;
	v36 =	vld.idx.msk [tilespmem:v39+s24+$0x0], $0xffff;
	[tilespmem:s6+$0xFFFFFFA0] =	vst v46;
	v39 =	vor.u32 v4, v14  }
0x2fe: {  	v46 =	vor.u32 v2, v21;
	v38 =	vadd.f32 v38, v15;
	v43 =	vld.idx.msk [tilespmem:v43+s24+$0x0], $0xffff;
	[tilespmem:s1+$0xFFFFFFD0] =	vst v47  }
0x2ff: {  	v47 =	vadd.f32 v48, v24;
	v48 =	vor.u32 v5, v16;
	[tilespmem:s1+$0xFFFFFEE0] =	vst v34;
	v29 =	vld.idx.msk [tilespmem:v29+s24+$0x0], $0xffff  }
0x300: {  	v49 =	vbroadcast v49, $0x0;
	v37 =	vadd.f32 v37, v28;
	v53 =	vor.u32 v0, v40;
	v55 =	vld.idx.msk [tilespmem:v44+s24+$0x0], $0xffff;
	[tilespmem:s1+$0xFFFFFF50] =	vst v38  }
0x301: {  	v38 =	vbroadcast v54, $0x0;
	v44 =	vor.u32 v3, v20;
	v35 =	vadd.f32 v35, v12;
	v12 =	vmovc v15;
	v32 =	vld.idx.msk [tilespmem:v32+s24+$0x0], $0xffff  }
0x302: {  	v34 =	vor.u32 v1, v42;
	v54 =	vadd.f32 v33, v13;
	v13 =	vmov v8;
	[tilespmem:s6+$0xFFFFFE20] =	vst v37;
	v37 =	vld.idx.msk [tilespmem:v39+s24+$0x0], $0xffff  }
0x303: {  	v33 =	vor.u32 v0, v41;
	v8 =	vmov v19;
	v36 =	vadd.f32 v36, v26;
	s6 =	sadd.s32 $0x200, s6;
	v39 =	vld.idx.msk [tilespmem:v46+s24+$0x0], $0xffff;
	[tilespmem:s0+$0xFFFFFF80] =	vst v35  }
0x304: {  	v15 =	vmov v24;
	v19 =	vmov v50;
	v35 =	vadd.f32 v43, v8;
	v30 =	vld.idx.msk [tilespmem:v30+s24+$0x0], $0xffff;
	[tilespmem:s0+$0x0] =	vst v54  }
0x305: {  	v43 =	vor.u32 v1, v52;
	[tilespmem:s5+$0xFFFFFEB0] =	vst v36;
	v46 =	vld.idx.msk [tilespmem:v48+s24+$0x0], $0xffff;
	v48 =	vadd.f32 v29, v9;
	v9 =	vmov v17  }
0x306: {  	v50 =	vbroadcast v51, $0x0;
	v51 =	vor.u32 v5, v14;
	v17 =	vmov v28;
	v36 =	vld.idx.msk [tilespmem:v53+s24+$0x0], $0xffff;
	[tilespmem:s0+$0xFFFFFF00] =	vst v31  }
0x307: {  	v29 =	vor.u32 v7, v14;
	v28 =	vadd.f32 v32, v12;
	v24 =	vld.idx.msk [tilespmem:v38+s16+$0x0], $0xffff;
	[tilespmem:s0+$0xFFFFFE80] =	vst v48;
	s0 =	smov.u32 s1;
	s1 =	smov.u32 s5;
	s5 =	smov.u32 s6  }
0x308: {  	v31 =	vor.u32 v3, v21;
	v38 =	vadd.f32 v37, v9;
	v32 =	vld.idx.msk [tilespmem:v44+s24+$0x0], $0xffff;
	v44 =	vor.u32 v7, v10  }
0x309: {  	v53 =	vor.u32 v3, v22;
	v39 =	vadd.f32 v39, v17;
	v10 =	vmov v20;
	v48 =	vld.idx.msk [tilespmem:v33+s24+$0x0], $0xffff;
	[tilespmem:s0+$0xFFFFFF60] =	vst v28  }
0x30a: {  	v37 =	vor.u32 v1, v40;
	v20 =	vmov v42;
	v28 =	vadd.f32 v30, v11;
	v54 =	vld.idx.msk [tilespmem:v45+s24+$0x0], $0xffff;
	[tilespmem:s0+$0xFFFFFE50] =	vst v38  }
0x30b: {  	v33 =	vor.u32 v7, v16;
	v30 =	vadd.f32 v46, v13;
	[tilespmem:s1+$0xFFFFFFB0] =	vst v35;
	v51 =	vld.idx.msk [tilespmem:v51+s24+$0x0], $0xffff  }
0x30c: {  	v46 =	vor.u32 v1, v41;
	v38 =	vor.u32 v4, v10;
	v56 =	vld.idx.msk [tilespmem:v50+s16+$0x0], $0xffff;
	[tilespmem:s1+$0xFFFFFE30] =	vst v39  }
0x30d: {  	v42 =	vor.u32 v6, v16;
	v16 =	vmov v22;
	v35 =	vor.u32 v7, v18;
	v31 =	vld.idx.msk [tilespmem:v31+s24+$0x0], $0xffff;
	[tilespmem:s0+$0xFFFFFEF0] =	vst v28  }
0x30e: {  	v22 =	vmov v52;
	v50 =	vor.u32 v3, v23;
	v32 =	vadd.f32 v32, v26;
	v57 =	vld.idx.msk [tilespmem:v44+s24+$0x0], $0xffff;
	[tilespmem:s0+$0xFFFFFFE0] =	vst v30  }
0x30f: {  	v39 =	vadd.f32 v48, v24;
	v44 =	vor.u32 v6, v18;
	v52 =	vld.idx.msk [tilespmem:v53+s24+$0x0], $0xffff;
	v53 =	vor.u32 v6, v14  }
0x310: {  	v30 =	vor.u32 v6, v10;
	v14 =	vmov v21;
	v28 =	vld.idx.msk [tilespmem:v49+s16+$0x0], $0xffff;
	[tilespmem:s1+$0xFFFFFEC0] =	vst v32;
	v32 =	vor.u32 v5, v23  }
.Ltmp3:
0x311: {  	v21 =	vmov v40;
	v49 =	vadd.f32 v51, v9;
	[tilespmem:s6+$0xFFFFFF10] =	vst v39;
	v45 =	vld.idx.msk [tilespmem:v38+s24+$0x0], $0xffff;
	v38 =	vor.u32 v4, v23;
	(pc) =	sbr.rel @p0 .LBB2_9-.Ltmp3, $4  }
0x312: {  	v18 =	vmov v23;
	v40 =	vor.u32 v4, v16;
	v48 =	vld.idx.msk [tilespmem:v46+s24+$0x0], $0xffff;
	v46 =	vadd.f32 v54, v19;
	[tilespmem:s1+$0xFFFFFF30] =	vst v47  }
0x313: {  	v39 =	vor.u32 v2, v20;
	v23 =	vmov v41;
	v51 =	vadd.f32 v31, v17;
	v47 =	vld.idx.msk [tilespmem:v50+s24+$0x0], $0xffff;
	[tilespmem:s0+$0xFFFFFE60] =	vst v49  }
0x314: {  	v50 =	vadd.f32 v55, v56;
	v31 =	vadd.f32 v57, v11;
	v11 =	vmov v26;
	[tilespmem:s6+$0xFFFFFF90] =	vst v46;
	v46 =	vld.idx.msk [tilespmem:v53+s24+$0x0], $0xffff  }
0x315: {  	s17 =	smov.u32 s15;
	v26 =	vmov v56;
	v49 =	vadd.f32 v52, v8;
	v41 =	vld.idx.msk [tilespmem:v43+s24+$0x0], $0xffff;
	v43 =	vor.u32 v2, v22;
	[tilespmem:s1+$0xFFFFFE40] =	vst v51  }
0x316: {  	_ =	sdelay $0x1  }
0x317: {  	v36 =	vadd.f32 v36, v28  }
0x318: {  	[tilespmem:s6+$0xFFFFFE90] =	vst v50;
	v58 =	vor.u32 v2, v23  }
0x319: {  	v34 =	vld.idx.msk [tilespmem:v34+s24+$0x0], $0xffff;
	[tilespmem:s6+$0xFFFFFE10] =	vst v36  }
0x31a: {  	v48 =	vadd.f32 v48, v24;
	v37 =	vld.idx.msk [tilespmem:v37+s24+$0x0], $0xffff  }
0x31b: {  	[tilespmem:s0+$0xFFFFFF00] =	vst v31  }
0x31c: {  	v60 =	vadd.f32 v45, v11;
	[tilespmem:s6+$0xFFFFFF20] =	vst v48  }
0x31d: {  	v59 =	vor.u32 v2, v21;
	[tilespmem:s1+$0xFFFFFFC0] =	vst v49;
	v41 =	vadd.f32 v41, v19;
	v36 =	vld.idx.msk [tilespmem:v58+s24+$0x0], $0xffff  }
0x31e: {  	v44 =	vld.idx.msk [tilespmem:v44+s24+$0x0], $0xffff;
	[tilespmem:s1+$0xFFFFFED0] =	vst v60;
	v34 =	vadd.f32 v34, v26  }
0x31f: {  	v42 =	vld.idx.msk [tilespmem:v42+s24+$0x0], $0xffff;
	[tilespmem:s6+$0xFFFFFFA0] =	vst v41;
	v37 =	vadd.f32 v37, v28  }
0x320: {  	v49 =	vor.u32 v3, v23;
	v62 =	vadd.f32 v47, v15;
	v61 =	vld.idx.msk [tilespmem:v43+s24+$0x0], $0xffff;
	[tilespmem:s6+$0xFFFFFEA0] =	vst v34  }
0x321: {  	v63 =	vadd.f32 v46, v9;
	v39 =	vld.idx.msk [tilespmem:v39+s24+$0x0], $0xffff;
	[tilespmem:s6+$0xFFFFFE20] =	vst v37  }
0x322: {  	[tilespmem:s1+$0xFFFFFF40] =	vst v62;
	v36 =	vadd.f32 v36, v24;
	v48 =	vld.idx.msk [tilespmem:v59+s24+$0x0], $0xffff  }
0x323: {  	v51 =	vor.u32 v3, v22;
	v40 =	vld.idx.msk [tilespmem:v40+s24+$0x0], $0xffff;
	v50 =	vadd.f32 v44, v12;
	[tilespmem:s0+$0xFFFFFE70] =	vst v63  }
0x324: {  	v52 =	vor.u32 v3, v20;
	v25 =	vld.idx.msk [tilespmem:v25+s24+$0x0], $0xffff;
	v56 =	vadd.f32 v42, v13;
	[tilespmem:s5+$0xFFFFFF30] =	vst v36  }
0x325: {  	v53 =	vor.u32 v3, v21;
	[tilespmem:s0+$0xFFFFFF70] =	vst v50;
	v34 =	vadd.f32 v61, v19;
	v55 =	vld.idx.msk [tilespmem:v49+s24+$0x0], $0xffff  }
0x326: {  	v38 =	vld.idx.msk [tilespmem:v38+s24+$0x0], $0xffff;
	v58 =	vor.u32 v4, v14;
	[tilespmem:s0+$0xFFFFFFF0] =	vst v56;
	v39 =	vadd.f32 v39, v26  }
0x327: {  	v35 =	vld.idx.msk [tilespmem:v35+s24+$0x0], $0xffff;
	[tilespmem:s5+$0xFFFFFFB0] =	vst v34;
	v54 =	vadd.f32 v48, v28  }
0x328: {  	v40 =	vadd.f32 v40, v8;
	v59 =	vor.u32 v4, v23;
	v57 =	vld.idx.msk [tilespmem:v51+s24+$0x0], $0xffff;
	[tilespmem:s5+$0xFFFFFEB0] =	vst v39  }
0x329: {  	v25 =	vadd.f32 v25, v11;
	v37 =	vld.idx.msk [tilespmem:v52+s24+$0x0], $0xffff;
	[tilespmem:s5+$0xFFFFFE30] =	vst v54  }
0x32a: {  	v44 =	vor.u32 v5, v16;
	[tilespmem:s1+$0xFFFFFFD0] =	vst v40;
	v34 =	vadd.f32 v55, v24;
	v36 =	vld.idx.msk [tilespmem:v53+s24+$0x0], $0xffff  }
0x32b: {  	v60 =	vor.u32 v4, v22;
	v38 =	vadd.f32 v38, v15;
	[tilespmem:s1+$0xFFFFFEE0] =	vst v25;
	v42 =	vld.idx.msk [tilespmem:v58+s24+$0x0], $0xffff  }
0x32c: {  	v33 =	vld.idx.msk [tilespmem:v33+s24+$0x0], $0xffff;
	v61 =	vor.u32 v4, v20;
	v46 =	vadd.f32 v35, v12;
	[tilespmem:s5+$0xFFFFFF40] =	vst v34  }
0x32d: {  	v63 =	vor.u32 v4, v21;
	[tilespmem:s1+$0xFFFFFF50] =	vst v38;
	v62 =	vadd.f32 v57, v19;
	v45 =	vld.idx.msk [tilespmem:v59+s24+$0x0], $0xffff  }
0x32e: {  	v32 =	vld.idx.msk [tilespmem:v32+s24+$0x0], $0xffff;
	[tilespmem:s0+$0xFFFFFF80] =	vst v46;
	v37 =	vadd.f32 v37, v26  }
0x32f: {  	v49 =	vor.u32 v5, v14;
	v34 =	vld.idx.msk [tilespmem:v44+s24+$0x0], $0xffff;
	[tilespmem:s5+$0xFFFFFFC0] =	vst v62;
	v36 =	vadd.f32 v36, v28  }
0x330: {  	v50 =	vor.u32 v5, v23;
	v51 =	vadd.f32 v42, v17;
	v47 =	vld.idx.msk [tilespmem:v60+s24+$0x0], $0xffff;
	[tilespmem:s5+$0xFFFFFEC0] =	vst v37  }
0x331: {  	v48 =	vadd.f32 v33, v13;
	v25 =	vld.idx.msk [tilespmem:v61+s24+$0x0], $0xffff;
	[tilespmem:s5+$0xFFFFFE40] =	vst v36  }
0x332: {  	[tilespmem:s1+$0xFFFFFE50] =	vst v51;
	v57 =	vor.u32 v6, v16;
	v53 =	vadd.f32 v45, v24;
	v36 =	vld.idx.msk [tilespmem:v63+s24+$0x0], $0xffff  }
0x333: {  	v30 =	vld.idx.msk [tilespmem:v30+s24+$0x0], $0xffff;
	v52 =	vor.u32 v5, v22;
	[tilespmem:s0+$0x0] =	vst v48;
	v32 =	vadd.f32 v32, v15  }
0x334: {  	v33 =	vld.idx.msk [tilespmem:v49+s24+$0x0], $0xffff;
	v34 =	vadd.f32 v34, v8;
	[tilespmem:s5+$0xFFFFFF50] =	vst v53  }
0x335: {  	v55 =	vor.u32 v5, v21;
	[tilespmem:s1+$0xFFFFFF60] =	vst v32;
	v54 =	vadd.f32 v47, v19;
	v12 =	vld.idx.msk [tilespmem:v50+s24+$0x0], $0xffff  }
0x336: {  	v29 =	vld.idx.msk [tilespmem:v29+s24+$0x0], $0xffff;
	v56 =	vor.u32 v6, v18;
	[tilespmem:s1+$0xFFFFFFE0] =	vst v34;
	v25 =	vadd.f32 v25, v26  }
0x337: {  	v60 =	vor.u32 v6, v14;
	v31 =	vld.idx.msk [tilespmem:v57+s24+$0x0], $0xffff;
	[tilespmem:s5+$0xFFFFFFD0] =	vst v54;
	v58 =	vadd.f32 v36, v28  }
0x338: {  	v49 =	vadd.f32 v30, v11;
	v62 =	vor.u32 v6, v23;
	v59 =	vld.idx.msk [tilespmem:v52+s24+$0x0], $0xffff;
	[tilespmem:s5+$0xFFFFFED0] =	vst v25  }
0x339: {  	v10 =	vor.u32 v7, v10;
	v63 =	vadd.f32 v33, v17;
	v27 =	vld.idx.msk [tilespmem:v27+s24+$0x0], $0xffff;
	[tilespmem:s5+$0xFFFFFE50] =	vst v58  }
0x33a: {  	v43 =	vor.u32 v7, v16;
	[tilespmem:s1+$0xFFFFFEF0] =	vst v49;
	v12 =	vadd.f32 v12, v24;
	v13 =	vld.idx.msk [tilespmem:v55+s24+$0x0], $0xffff  }
0x33b: {  	v38 =	vor.u32 v6, v22;
	v37 =	vld.idx.msk [tilespmem:v56+s24+$0x0], $0xffff;
	v61 =	vadd.f32 v29, v9;
	[tilespmem:s1+$0xFFFFFE60] =	vst v63  }
0x33c: {  	v39 =	vor.u32 v6, v20;
	v42 =	vld.idx.msk [tilespmem:v60+s24+$0x0], $0xffff;
	v48 =	vadd.f32 v31, v8;
	[tilespmem:s5+$0xFFFFFF60] =	vst v12  }
0x33d: {  	v40 =	vor.u32 v6, v21;
	[tilespmem:s0+$0xFFFFFE80] =	vst v61;
	v25 =	vadd.f32 v59, v19;
	v44 =	vld.idx.msk [tilespmem:v62+s24+$0x0], $0xffff  }
0x33e: {  	v41 =	vor.u32 v7, v18;
	v10 =	vld.idx.msk [tilespmem:v10+s24+$0x0], $0xffff;
	[tilespmem:s1+$0xFFFFFFF0] =	vst v48;
	v27 =	vadd.f32 v27, v26  }
0x33f: {  	v47 =	vor.u32 v7, v14;
	v12 =	vld.idx.msk [tilespmem:v43+s24+$0x0], $0xffff;
	[tilespmem:s5+$0xFFFFFFE0] =	vst v25;
	v13 =	vadd.f32 v13, v28  }
0x340: {  	v45 =	vadd.f32 v37, v15;
	v50 =	vor.u32 v7, v23;
	v46 =	vld.idx.msk [tilespmem:v38+s24+$0x0], $0xffff;
	[tilespmem:s5+$0xFFFFFEE0] =	vst v27  }
0x341: {  	v52 =	vadd.f32 v42, v17;
	v9 =	vld.idx.msk [tilespmem:v39+s24+$0x0], $0xffff;
	[tilespmem:s5+$0xFFFFFE60] =	vst v13  }
0x342: {  	[tilespmem:s1+$0xFFFFFF70] =	vst v45;
	v16 =	vadd.f32 v44, v24;
	v51 =	vld.idx.msk [tilespmem:v40+s24+$0x0], $0xffff  }
0x343: {  	v10 =	vadd.f32 v10, v11;
	v53 =	vor.u32 v7, v22;
	v18 =	vld.idx.msk [tilespmem:v41+s24+$0x0], $0xffff;
	[tilespmem:s1+$0xFFFFFE70] =	vst v52  }
0x344: {  	v54 =	vor.u32 v7, v20;
	v14 =	vld.idx.msk [tilespmem:v47+s24+$0x0], $0xffff;
	v8 =	vadd.f32 v12, v8;
	[tilespmem:s5+$0xFFFFFF70] =	vst v16  }
0x345: {  	[tilespmem:s1+$0xFFFFFF00] =	vst v10;
	v55 =	vor.u32 v7, v21;
	v56 =	vadd.f32 v46, v19;
	v23 =	vld.idx.msk [tilespmem:v50+s24+$0x0], $0xffff  }
0x346: {  	[tilespmem:s1+$0x0] =	vst v8;
	v9 =	vadd.f32 v9, v26  }
0x347: {  	[tilespmem:s5+$0xFFFFFFF0] =	vst v56;
	v57 =	vadd.f32 v51, v28  }
0x348: {  	v58 =	vadd.f32 v18, v15;
	v59 =	vld.idx.msk [tilespmem:v53+s24+$0x0], $0xffff;
	[tilespmem:s5+$0xFFFFFEF0] =	vst v9  }
0x349: {  	v8 =	vadd.f32 v14, v17;
	v60 =	vld.idx.msk [tilespmem:v54+s24+$0x0], $0xffff;
	[tilespmem:s5+$0xFFFFFE70] =	vst v57  }
0x34a: {  	[tilespmem:s1+$0xFFFFFF80] =	vst v58;
	v62 =	vadd.f32 v23, v24;
	v61 =	vld.idx.msk [tilespmem:v55+s24+$0x0], $0xffff  }
0x34b: {  	[tilespmem:s1+$0xFFFFFE80] =	vst v8  }
0x34c: {  	[tilespmem:s5+$0xFFFFFF80] =	vst v62  }
0x34d: {  	v8 =	vadd.f32 v59, v19;
	s0 =	rddreg [dreg:$0xa]  }
0x34e: {  	v63 =	vadd.f32 v60, v26;
	s0 =	sshll.u32 s0, $0x12  }
0x34f: {  	[tilespmem:s5+$0x0] =	vst v8;
	s0 =	sor.u32 s9, s0;
	v8 =	vadd.f32 v61, v28  }
0x350: {  	[tilespmem:s5+$0xFFFFFF00] =	vst v63;
	s0 =	sshrl.u32 s0, $0x3  }
0x351: {  	s2 =	simm.s32 $0x18400;
	s18 =	sadd.s32 s31, s0;
	[tilespmem:s5+$0xFFFFFE80] =	vst v8  }
0x352: {  	[hbm4b:s18+s3] =	stream.linear.scatter [tilespmem:s2], [sflag:$0x2], $0x400, $0x38;
	[tilespmem:$0x1D600] =	vst v63  }
0x353: {  	s25 =	simm.s32 $0x18800;
	s21 =	sadd.s32 s0, s26;
	s5 =	rddreg [dreg:$0x5]  }
0x354: {  	[hbm4b:s21+s3] =	stream.linear.scatter [tilespmem:s25], [sflag:$0x2], $0x400, $0x38;
	[tilespmem:$0x1D600] =	vst v63  }
0x355: {  	s6 =	simm.s32 $0x18C00;
	s7 =	rddreg [dreg:$0x6];
	s1 =	sadd.s32 s0, s5  }
0x356: {  	[hbm4b:s1+s3] =	stream.linear.scatter [tilespmem:s6], [sflag:$0x2], $0x400, $0x38;
	[tilespmem:$0x1D600] =	vst v63  }
0x357: {  	s8 =	simm.s32 $0x19000;
	s10 =	rddreg [dreg:$0x7];
	s1 =	sadd.s32 s0, s7  }
0x358: {  	[hbm4b:s1+s3] =	stream.linear.scatter [tilespmem:s8], [sflag:$0x2], $0x400, $0x38;
	[tilespmem:$0x1D600] =	vst v63  }
0x359: {  	s11 =	simm.s32 $0x19400;
	s30 =	sadd.s32 $0x1, s30;
	s1 =	sadd.s32 s0, s10  }
0x35a: {  	[hbm4b:s1+s3] =	stream.linear.scatter [tilespmem:s11], [sflag:$0x2], $0x400, $0x38;
	[tilespmem:$0x1D600] =	vst v63  }
0x35b: {  	s17 =	simm.s32 $0x19800;
	p0 =	sne.s32 s30, $0x32;
	s15 =	sadd.s32 s0, s12  }
0x35c: {  	[hbm4b:s15+s3] =	stream.linear.scatter [tilespmem:s17], [sflag:$0x2], $0x400, $0x38;
	[tilespmem:$0x1D600] =	vst v63  }
.Ltmp4:
0x35d: {  	_ = 	snop;
	(pc) =	sbr.rel @p0 .LBB2_2-.Ltmp4, $4  }
0x35e: {  	s18 =	sadd.s32 s0, s13;
	s21 =	simm.s32 $0x19C00  }
0x35f: {  	[hbm4b:s18+s3] =	stream.linear.scatter [tilespmem:s21], [sflag:$0x2], $0x400, $0x38;
	[tilespmem:$0x1D600] =	vst v63  }
0x360: {  	s29 =	sadd.s32 $0x100, s29;
	s25 =	simm.s32 $0x1A000;
	s0 =	sadd.s32 s0, s14  }
0x361: {  	[hbm4b:s0+s3] =	stream.linear.scatter [tilespmem:s25], [sflag:$0x2], $0x400, $0x38;
	[tilespmem:$0x1D600] =	vst v63  }
0x362: {  	_ =	swait.ge [sflag:s28], $0x400  }
0x363: {  	[sflag:s28] =	ssyncset.done $0x0  }
0x364: {  	[sflag:s28] =	ssyncadd.s32 $0xFFFFFC00  }
0x365: {  	_ =	swait.ge [sflag:s28], $0x400  }
0x366: {  	[sflag:s28] =	ssyncset.done $0x0  }
0x367: {  	[sflag:s28] =	ssyncadd.s32 $0xFFFFFC00  }
0x368: {  	_ =	swait.ge [sflag:s28], $0x400  }
0x369: {  	[sflag:s28] =	ssyncset.done $0x0  }
0x36a: {  	[sflag:s28] =	ssyncadd.s32 $0xFFFFFC00  }
0x36b: {  	_ =	swait.ge [sflag:s28], $0x400  }
0x36c: {  	[sflag:s28] =	ssyncset.done $0x0  }
0x36d: {  	[sflag:s28] =	ssyncadd.s32 $0xFFFFFC00  }
0x36e: {  	_ =	swait.ge [sflag:s28], $0x400  }
0x36f: {  	[sflag:s28] =	ssyncset.done $0x0  }
0x370: {  	[sflag:s28] =	ssyncadd.s32 $0xFFFFFC00  }
0x371: {  	_ =	swait.ge [sflag:s28], $0x400  }
0x372: {  	[sflag:s28] =	ssyncset.done $0x0  }
0x373: {  	[sflag:s28] =	ssyncadd.s32 $0xFFFFFC00  }
0x374: {  	_ =	swait.ge [sflag:s28], $0x400  }
0x375: {  	[sflag:s28] =	ssyncset.done $0x0  }
0x376: {  	[sflag:s28] =	ssyncadd.s32 $0xFFFFFC00  }
0x377: {  	_ =	swait.ge [sflag:s28], $0x400  }
0x378: {  	[sflag:s28] =	ssyncset.done $0x0  }
0x379: {  	[sflag:s28] =	ssyncadd.s32 $0xFFFFFC00  }
0x37a: {  	_ =	swait.ge [sflag:s28], $0x400  }
0x37b: {  	[sflag:s28] =	ssyncset.done $0x0  }
0x37c: {  	[sflag:s28] =	ssyncadd.s32 $0xFFFFFC00  }
0x37d: {  	_ =	swait.ge [sflag:s28], $0x400  }
0x37e: {  	[sflag:s28] =	ssyncset.done $0x0  }
0x37f: {  	[sflag:s28] =	ssyncadd.s32 $0xFFFFFC00  }
0x380: {  	_ =	swait.ge [sflag:s28], $0x400  }
0x381: {  	[sflag:s28] =	ssyncset.done $0x0  }
0x382: {  	[sflag:s28] =	ssyncadd.s32 $0xFFFFFC00  }
0x383: {  	_ =	swait.ge [sflag:s28], $0x400  }
0x384: {  	[sflag:s28] =	ssyncset.done $0x0  }
0x385: {  	[sflag:s28] =	ssyncadd.s32 $0xFFFFFC00  }
0x386: {  	_ =	swait.ge [sflag:s28], $0x400  }
0x387: {  	[sflag:s28] =	ssyncset.done $0x0  }
0x388: {  	[sflag:s28] =	ssyncadd.s32 $0xFFFFFC00  }
0x389: {  	_ =	swait.ge [sflag:s28], $0x400  }
0x38a: {  	[sflag:s28] =	ssyncset.done $0x0  }
0x38b: {  	[sflag:s28] =	ssyncadd.s32 $0xFFFFFC00  }
0x38c: {  	_ =	swait.ge [sflag:s28], $0x400  }
0x38d: {  	[sflag:s28] =	ssyncset.done $0x0  }
0x38e: {  	[sflag:s28] =	ssyncadd.s32 $0xFFFFFC00  }
0x38f: {  	_ =	swait.ge [sflag:s28], $0x400  }
0x390: {  	s1 =	rddreg [dreg:$0x9]  }
0x391: {  	s0 =	rddreg [dreg:$0x8];
	s1 =	sadd.s32 $0x1, s1  }
0x392: {  	p0 =	sne.s32 s1, s0  }
.Ltmp5:
0x393: {  	_ = 	snop;
	(pc) =	sbr.rel @p0 .LBB2_1-.Ltmp5, $3  }
0x394: {  	_ =	sdelay $0x1  }
0x395: {  	[sflag:s28] =	ssyncset.done $0x0  }
0x396: {  	[sflag:s28] =	ssyncadd.s32 $0xFFFFFC00  }
0x397: {  	_ =	sfence.sel $0x180000  }
0x398: {  	[bflag:$0x0] =	sbarrier.arrive $0xFFFF  }
0x399: {  	_ =	strace $0x90000047  }
0x39a: {  	s0 =	stileid.u32;
	[bflag:$0x2] =	sbarrier.arrive $0xFFFF  }
0x39b: {  	p0 =	sne.s32 s0, $0x0;
	s0 =	rddreg [dreg:$0x2]  }
0x39c: {  	s0 =	sadd.s32 @!p0 $0x100000, s0  }
0x39d: {  	[sflag:s0] =	ssyncadd.tile.s32 @!p0 $0x1;
	_ =	shalt  }
.Lfunc_end2:
_tile_overlayer_lowered:
.L_overlay_start_2:
0x39e: {  	(tag) =	ssettag $0x2  }
0x39f: {  	s0 =	rddreg [dreg:$0x0];
	s2 =	stileid.u32  }
0x3a0: {  	s1 =	rddreg [dreg:$0x1];
	p0 =	sne.s32 s2, $0x0  }
0x3a1: {  	s3 =	rddreg [dreg:$0x2];
	[bflag:$0x3] =	sbarrier.arrive $0xFFFF;
	s2 =	simm.s32 @!p0 $0x1C03  }
0x3a2: {  	[timem:s3], [sflag:s2] =	dma.local @!p0 [hbm:s0], s1  }
0x3a3: {  	s0 =	simm.s32 @!p0 $0x3  }
0x3a4: {  	_ =	swait.ge @!p0 [sflag:s0], s1  }
0x3a5: {  	s1 =	ssub.s32 @!p0 $0x0, s1;
	[sflag:s0] =	ssyncset.done @!p0 $0x0  }
0x3a6: {  	[sflag:s0] =	ssyncadd.s32 @!p0 s1  }
0x3a7: {  	[bflag:$0x3] =	sbarrier.arrive $0xFFFF  }
0x3a8: {  	_ =	shalt  }

</sc_bundles>
